<compile_context>
chip_gen: v7x
topology: tpu7x:2x2x1
jax: 0.10.2.dev20260603
libtpu: 0.0.44.dev20260713+nightly
codegen_flags: <defaults>
</compile_context>

<pallas_src>
import jax
import jax.numpy as jnp
from jax import lax
from jax.experimental import pallas as pl
from jax.experimental.pallas import tpu as pltpu
from jax.experimental.pallas import tpu_sc as plsc

_TEMP = 2.0 / 3.0
_MAGIC = 0.8
_R, _N = 32, 32768
_KZ = _N - 16384
_L = 16
_U = 8
_GW = _L * _U
_GROUPS = _N // _GW


def _row_body(s_hbm, out_hbm, row_v, egrp_v, sem_in0, sem_in1, sem_in2,
              sem_in3, sem_in4, sem_in5, sem_in6, sem_in7, sem_out):
    wid = lax.axis_index("c") * 16 + lax.axis_index("s")
    iota16 = lax.iota(jnp.int32, _L)

    _SE = _N // 8
    _QE = _N // 4
    in_sems = (sem_in0, sem_in1, sem_in2, sem_in3, sem_in4, sem_in5,
               sem_in6, sem_in7)
    in_descs = [
        pltpu.async_copy(s_hbm.at[wid, pl.ds(q * _SE, _SE)],
                         row_v.at[pl.ds(q * _SE, _SE)], in_sems[q])
        for q in range(8)
    ]

    def load_bits(base):
        return lax.bitcast_convert_type(row_v[pl.ds(base, _L)], jnp.int32)

    _sc1 = jax.named_scope("p1_minmax")
    _sc1.__enter__()
    in_descs[0].wait()
    b0 = load_bits(0)
    sk, _ = plsc.sort_key_val(b0, b0)
    piv_a = sk[_L // 2 - 1]

    mn = jnp.full((_L,), jnp.int32(2**31 - 1))
    mx = jnp.full((_L,), jnp.int32(-(2**31)))
    aca = jnp.zeros((_L,), jnp.int32)
    for q in range(8):
        if q > 0:
            in_descs[q].wait()

        @plsc.parallel_loop(q * (_SE // _L), (q + 1) * (_SE // _L),
                            unroll=_U, carry=(mn, mx, aca))
        def mm_carry(i, carry):
            mn_, mx_, aca_ = carry
            b = load_bits(i * _L)
            return (jnp.minimum(mn_, b), jnp.maximum(mx_, b),
                    aca_ + (b <= piv_a).astype(jnp.int32))

        mn, mx, aca = mm_carry

    c_a = aca[0]
    for i in range(1, _L):
        c_a = c_a + aca[i]
    lo0 = mn[0]
    for i in range(1, _L):
        lo0 = jnp.minimum(lo0, mn[i])
    hi0 = mx[0]
    for i in range(1, _L):
        hi0 = jnp.maximum(hi0, mx[i])
    _sc1.__exit__(None, None, None)

    def count_le(t):
        @plsc.parallel_loop(0, _N // _L, unroll=_U,
                            carry=jnp.zeros((_L,), jnp.int32))
        def acc(i, a):
            return a + plsc.all_reduce_population_count(
                load_bits(i * _L) <= t)
        return acc[0]

    def bs_cond(st):
        return st[0] < st[1]

    def bs_body(st):
        lo, hi, c_lo, c_hi, it = st
        span_v = jnp.full((_L,), (hi - lo + 1).astype(jnp.float32))
        num_v = jnp.full((_L,), (_KZ - c_lo).astype(jnp.float32))
        den_v = jnp.full((_L,), (c_hi - c_lo).astype(jnp.float32))
        interp_p = lo - 1 + (num_v / den_v * span_v).astype(jnp.int32)[0]
        bisect_p = (lo + hi) >> 1
        p = jnp.where(lax.rem(it, jnp.int32(6)) == 5, bisect_p, interp_p)
        p = jnp.clip(p, lo, hi - 1)
        c = count_le(p)
        ge = c >= _KZ
        return (jnp.where(ge, lo, p + 1), jnp.where(ge, p, hi),
                jnp.where(ge, c_lo, c), jnp.where(ge, c, c_hi), it + 1)

    ge_a = c_a >= _KZ
    init = (jnp.where(ge_a, lo0, piv_a + 1), jnp.where(ge_a, piv_a, hi0),
            jnp.where(ge_a, jnp.int32(0), c_a),
            jnp.where(ge_a, c_a, jnp.int32(_N)), jnp.int32(0))
    with jax.named_scope("p2_search"):
        T, _, cnt_less, _, _ = lax.while_loop(bs_cond, bs_body, init)
    r = _KZ - cnt_less

    _sc3 = jax.named_scope("p3_eq")
    _sc3.__enter__()

    @plsc.parallel_loop(0, _GROUPS, unroll=2,
                        carry=jnp.zeros((_L,), jnp.int32))
    def eq_last(g, run):
        base = g * _GW
        cnt_eq = jnp.zeros((_L,), jnp.int32)
        for u in range(_U):
            b = load_bits(base + u * _L)
            cnt_eq = cnt_eq + plsc.all_reduce_population_count(b == T)
        run = run + cnt_eq
        egrp_v[pl.ds(g * _L, _L)] = run
        return run

    _sc3.__exit__(None, None, None)
    _sc4 = jax.named_scope("p4_gscan")
    _sc4.__enter__()

    def pre(g):
        return egrp_v[pl.ds(g * _L, _L)][0]

    def gs_cond(st):
        return st[0] < st[1]

    def gs_body(st):
        glo, ghi = st
        gmid = (glo + ghi) >> 1
        ok = pre(gmid) >= r
        return jnp.where(ok, glo, gmid + 1), jnp.where(ok, gmid, ghi)

    G, _ = lax.while_loop(gs_cond, gs_body,
                          (jnp.int32(0), jnp.int32(_GROUPS - 1)))
    pre_before = jnp.where(G > 0, pre(jnp.maximum(G - 1, 0)), jnp.int32(0))
    rp = r - pre_before

    rp_v = jnp.full((_L,), rp, jnp.int32)
    prefix = jnp.zeros((_L,), jnp.int32)
    P_v = jnp.full((_L,), jnp.int32(-1))
    gbase = G * _GW
    for u in range(_U):
        b = load_bits(gbase + u * _L)
        eq = b == T
        cu = plsc.all_reduce_population_count(eq)
        found_here = (P_v < 0) & (prefix + cu >= rp_v)
        rpp = rp_v - prefix
        eq_work = eq
        for t in range(_L - 1):
            more = jnp.full((_L,), jnp.int32(t + 1)) < rpp
            f = plsc.all_reduce_ffs(eq_work)
            eq_work = eq_work & ~(more & (iota16 == f))
        P_here = plsc.all_reduce_ffs(eq_work) + (gbase + u * _L)
        P_v = jnp.where(found_here, P_here, P_v)
        prefix = prefix + cu

    _sc4.__exit__(None, None, None)
    _sc5 = jax.named_scope("p5_mask")
    _sc5.__enter__()
    Pc = lax.shift_right_logical(P_v[0], 4)
    out_descs = []
    for q in range(4):
        qlo, qhi = q * (_QE // _L), (q + 1) * (_QE // _L)
        before = Pc >= qhi
        after = Pc < qlo

        @pl.when(before)
        def _():
            @plsc.parallel_loop(qlo, qhi, unroll=_U)
            def mask_le(i):
                v = row_v[pl.ds(i * _L, _L)]
                b = lax.bitcast_convert_type(v, jnp.int32)
                row_v[pl.ds(i * _L, _L)] = jnp.where(b <= T, 0.0, v)

        @pl.when(after)
        def _():
            @plsc.parallel_loop(qlo, qhi, unroll=_U)
            def mask_lt(i):
                v = row_v[pl.ds(i * _L, _L)]
                b = lax.bitcast_convert_type(v, jnp.int32)
                row_v[pl.ds(i * _L, _L)] = jnp.where(b < T, 0.0, v)

        @pl.when(jnp.logical_not(before | after))
        def _():
            @plsc.parallel_loop(qlo, qhi, unroll=_U)
            def mask_full(i):
                base = i * _L
                v = row_v[pl.ds(base, _L)]
                b = lax.bitcast_convert_type(v, jnp.int32)
                idx = iota16 + base
                zero = (b < T) | ((b == T) & (idx <= P_v))
                row_v[pl.ds(base, _L)] = jnp.where(zero, 0.0, v)

        out_descs.append(
            pltpu.async_copy(row_v.at[pl.ds(q * _QE, _QE)],
                             out_hbm.at[wid, pl.ds(q * _QE, _QE)], sem_out))
    for d in out_descs:
        d.wait()
    _sc5.__exit__(None, None, None)


def _sc_select(s):
    kfn = pl.kernel(
        _row_body,
        out_type=jax.ShapeDtypeStruct((_R, _N), jnp.float32),
        mesh=plsc.VectorSubcoreMesh(
            core_axis_name="c", subcore_axis_name="s",
            num_cores=2, num_subcores=16),
        scratch_types=[
            pltpu.VMEM((_N,), jnp.float32),
            pltpu.VMEM((_GROUPS * _L,), jnp.int32),
            pltpu.SemaphoreType.DMA,
            pltpu.SemaphoreType.DMA,
            pltpu.SemaphoreType.DMA,
            pltpu.SemaphoreType.DMA,
            pltpu.SemaphoreType.DMA,
            pltpu.SemaphoreType.DMA,
            pltpu.SemaphoreType.DMA,
            pltpu.SemaphoreType.DMA,
            pltpu.SemaphoreType.DMA,
        ],
        compiler_params=pltpu.CompilerParams(needs_layout_passes=False),
    )
    return kfn(s)


def kernel(z_loga):
    z2 = z_loga.reshape(-1, z_loga.shape[-1])
    s = jax.nn.sigmoid(z2 / _TEMP * _MAGIC)
    return _sc_select(s).reshape(_R, _N)

# --- scband reference (transcript-rebuilt; emitter-appended) ---
"""Pipeline reference for scband-mask-11587821765165 (READ-ONLY COPY).

The authoritative reference and input builder live on the scoring server;
editing this copy changes nothing except your own understanding.
"""

import jax, jax.numpy as jnp
import numpy as np

# Constants matching the (implicit) module globals and init_kwargs
LIMIT_A = -0.1
LIMIT_B = 1.1
EPSILON = 1e-6
TEMPERATURE = 2.0 / 3.0
MAGICAL_NUMBER = 0.8
MASK_SHAPE = (32, 32768)
MASK_OUTPUT_SHAPE = (32, 32768)
MASK_SIZE = MASK_SHAPE[-1]
TARGET_MASK_SIZE = 16384
NUM_ZEROS = MASK_SIZE - TARGET_MASK_SIZE  # expected_num_zeros per row


def setup_inputs(seed: int = 0) -> dict:
    key = jax.random.key(seed)
    # param_init_fn: normal(mean=5, std=0.01)
    z_loga = 5.0 + 0.01 * jax.random.normal(key, MASK_SHAPE, dtype=jnp.float32)
    return {"z_loga": z_loga}


def _deterministic_z(z2):
    # z2: [R, mask_size] rows processed independently (the torch loop, vectorized)
    soft_mask = jax.nn.sigmoid(z2 / TEMPERATURE * MAGICAL_NUMBER)
    if NUM_ZEROS > 0:
        # torch.topk(soft_mask, k=num_zeros, largest=False) -> indices of smallest
        _, idx = jax.lax.top_k(-soft_mask, NUM_ZEROS)
        rows = jnp.arange(z2.shape[0])[:, None]
        soft_mask = soft_mask.at[rows, idx].set(0.0)
    return soft_mask


def reference(z_loga) -> jnp.ndarray:
    # eval-mode deterministic_z path (forward with self.training=False,
    # eval_target_model=True so expected_num_zeros = mask_size - target_mask_size)
    z2 = z_loga.reshape(-1, z_loga.shape[-1])
    z = _deterministic_z(z2)
    return z.reshape(MASK_OUTPUT_SHAPE)

if __name__ == "__main__":
    import jax
    _d = setup_inputs()
    print(jax.jit(kernel)(*tuple(_d.values())))

</pallas_src>

<mosaic_0001>
#map = affine_map<(d0, d1) -> (0, 0)>
module attributes {stable_mosaic.version = 14 : i64} {
  func.func @_row_body(%arg0: i32, %arg1: i32, %arg2: memref<32x32768xf32, #tpu.memory_space<hbm>>, %arg3: memref<32x32768xf32, #tpu.memory_space<hbm>>, %arg4: memref<32768xf32, #tpu.memory_space<vmem>>, %arg5: memref<4096xi32, #tpu.memory_space<vmem>>, %arg6: memref<!tpu.dma_semaphore, #tpu.memory_space<semaphore_mem>>, %arg7: memref<!tpu.dma_semaphore, #tpu.memory_space<semaphore_mem>>, %arg8: memref<!tpu.dma_semaphore, #tpu.memory_space<semaphore_mem>>, %arg9: memref<!tpu.dma_semaphore, #tpu.memory_space<semaphore_mem>>, %arg10: memref<!tpu.dma_semaphore, #tpu.memory_space<semaphore_mem>>, %arg11: memref<!tpu.dma_semaphore, #tpu.memory_space<semaphore_mem>>, %arg12: memref<!tpu.dma_semaphore, #tpu.memory_space<semaphore_mem>>, %arg13: memref<!tpu.dma_semaphore, #tpu.memory_space<semaphore_mem>>, %arg14: memref<!tpu.dma_semaphore, #tpu.memory_space<semaphore_mem>>) attributes {dimension_semantics = [#tpu.dimension_semantics<core_parallel>, #tpu.dimension_semantics<subcore_parallel>], iteration_bounds = array<i64: 2, 16>, scalar_prefetch = 0 : i64, scratch_operands = 11 : i64, tpu.core_type = #tpu.core_type<sc_vector_subcore>, window_params = [{transform_indices = #map}, {transform_indices = #map}]} {
    %mul3A = arith.constant 16 : i32
    %mul3A_0 = arith.muli %arg0, %mul3A : i32
    %add3A = arith.addi %mul3A_0, %arg1 : i32
    %iota3A = tpu.iota {dimensions = array<i32: 0>} : vector<16xi32>
    %dma_start3A = arith.constant 0 : i32
    %dma_start3A_1 = tpu.memref_slice %arg4[%dma_start3A] : memref<32768xf32, #tpu.memory_space<vmem>> -> memref<4096xf32, #tpu.memory_space<vmem>>
    %dma_start3A_2 = arith.constant 0 : i32
    %dma_start3A_3 = tpu.memref_slice %arg2[%add3A, %dma_start3A_2] : memref<32x32768xf32, #tpu.memory_space<hbm>> -> memref<1x4096xf32, #tpu.memory_space<hbm>>
    %dma_start3A_4 = tpu.memref_squeeze %dma_start3A_3 : memref<1x4096xf32, #tpu.memory_space<hbm>> -> memref<4096xf32, #tpu.memory_space<hbm>>
    %dma_start3A_5 = arith.constant 0 : i32
    %dma_start3A_6 = tpu.memref_slice %arg4[%dma_start3A_5] : memref<32768xf32, #tpu.memory_space<vmem>> -> memref<4096xf32, #tpu.memory_space<vmem>>
    %dma_start3A_7 = arith.constant 0 : i32
    %dma_start3A_8 = tpu.memref_slice %arg2[%add3A, %dma_start3A_7] : memref<32x32768xf32, #tpu.memory_space<hbm>> -> memref<1x4096xf32, #tpu.memory_space<hbm>>
    %dma_start3A_9 = tpu.memref_squeeze %dma_start3A_8 : memref<1x4096xf32, #tpu.memory_space<hbm>> -> memref<4096xf32, #tpu.memory_space<hbm>>
    tpu.enqueue_dma source(%dma_start3A_9 : memref<4096xf32, #tpu.memory_space<hbm>>) target(%dma_start3A_6 : memref<4096xf32, #tpu.memory_space<vmem>>) target_semaphore(%arg6 : memref<!tpu.dma_semaphore, #tpu.memory_space<semaphore_mem>>)
    %dma_start3A_10 = arith.constant 4096 : i32
    %dma_start3A_11 = tpu.memref_slice %arg4[%dma_start3A_10] : memref<32768xf32, #tpu.memory_space<vmem>> -> memref<4096xf32, #tpu.memory_space<vmem>>
    %dma_start3A_12 = arith.constant 4096 : i32
    %dma_start3A_13 = tpu.memref_slice %arg2[%add3A, %dma_start3A_12] : memref<32x32768xf32, #tpu.memory_space<hbm>> -> memref<1x4096xf32, #tpu.memory_space<hbm>>
    %dma_start3A_14 = tpu.memref_squeeze %dma_start3A_13 : memref<1x4096xf32, #tpu.memory_space<hbm>> -> memref<4096xf32, #tpu.memory_space<hbm>>
    %dma_start3A_15 = arith.constant 4096 : i32
    %dma_start3A_16 = tpu.memref_slice %arg4[%dma_start3A_15] : memref<32768xf32, #tpu.memory_space<vmem>> -> memref<4096xf32, #tpu.memory_space<vmem>>
    %dma_start3A_17 = arith.constant 4096 : i32
    %dma_start3A_18 = tpu.memref_slice %arg2[%add3A, %dma_start3A_17] : memref<32x32768xf32, #tpu.memory_space<hbm>> -> memref<1x4096xf32, #tpu.memory_space<hbm>>
    %dma_start3A_19 = tpu.memref_squeeze %dma_start3A_18 : memref<1x4096xf32, #tpu.memory_space<hbm>> -> memref<4096xf32, #tpu.memory_space<hbm>>
    tpu.enqueue_dma source(%dma_start3A_19 : memref<4096xf32, #tpu.memory_space<hbm>>) target(%dma_start3A_16 : memref<4096xf32, #tpu.memory_space<vmem>>) target_semaphore(%arg7 : memref<!tpu.dma_semaphore, #tpu.memory_space<semaphore_mem>>)
    %dma_start3A_20 = arith.constant 8192 : i32
    %dma_start3A_21 = tpu.memref_slice %arg4[%dma_start3A_20] : memref<32768xf32, #tpu.memory_space<vmem>> -> memref<4096xf32, #tpu.memory_space<vmem>>
    %dma_start3A_22 = arith.constant 8192 : i32
    %dma_start3A_23 = tpu.memref_slice %arg2[%add3A, %dma_start3A_22] : memref<32x32768xf32, #tpu.memory_space<hbm>> -> memref<1x4096xf32, #tpu.memory_space<hbm>>
    %dma_start3A_24 = tpu.memref_squeeze %dma_start3A_23 : memref<1x4096xf32, #tpu.memory_space<hbm>> -> memref<4096xf32, #tpu.memory_space<hbm>>
    %dma_start3A_25 = arith.constant 8192 : i32
    %dma_start3A_26 = tpu.memref_slice %arg4[%dma_start3A_25] : memref<32768xf32, #tpu.memory_space<vmem>> -> memref<4096xf32, #tpu.memory_space<vmem>>
    %dma_start3A_27 = arith.constant 8192 : i32
    %dma_start3A_28 = tpu.memref_slice %arg2[%add3A, %dma_start3A_27] : memref<32x32768xf32, #tpu.memory_space<hbm>> -> memref<1x4096xf32, #tpu.memory_space<hbm>>
    %dma_start3A_29 = tpu.memref_squeeze %dma_start3A_28 : memref<1x4096xf32, #tpu.memory_space<hbm>> -> memref<4096xf32, #tpu.memory_space<hbm>>
    tpu.enqueue_dma source(%dma_start3A_29 : memref<4096xf32, #tpu.memory_space<hbm>>) target(%dma_start3A_26 : memref<4096xf32, #tpu.memory_space<vmem>>) target_semaphore(%arg8 : memref<!tpu.dma_semaphore, #tpu.memory_space<semaphore_mem>>)
    %dma_start3A_30 = arith.constant 12288 : i32
    %dma_start3A_31 = tpu.memref_slice %arg4[%dma_start3A_30] : memref<32768xf32, #tpu.memory_space<vmem>> -> memref<4096xf32, #tpu.memory_space<vmem>>
    %dma_start3A_32 = arith.constant 12288 : i32
    %dma_start3A_33 = tpu.memref_slice %arg2[%add3A, %dma_start3A_32] : memref<32x32768xf32, #tpu.memory_space<hbm>> -> memref<1x4096xf32, #tpu.memory_space<hbm>>
    %dma_start3A_34 = tpu.memref_squeeze %dma_start3A_33 : memref<1x4096xf32, #tpu.memory_space<hbm>> -> memref<4096xf32, #tpu.memory_space<hbm>>
    %dma_start3A_35 = arith.constant 12288 : i32
    %dma_start3A_36 = tpu.memref_slice %arg4[%dma_start3A_35] : memref<32768xf32, #tpu.memory_space<vmem>> -> memref<4096xf32, #tpu.memory_space<vmem>>
    %dma_start3A_37 = arith.constant 12288 : i32
    %dma_start3A_38 = tpu.memref_slice %arg2[%add3A, %dma_start3A_37] : memref<32x32768xf32, #tpu.memory_space<hbm>> -> memref<1x4096xf32, #tpu.memory_space<hbm>>
    %dma_start3A_39 = tpu.memref_squeeze %dma_start3A_38 : memref<1x4096xf32, #tpu.memory_space<hbm>> -> memref<4096xf32, #tpu.memory_space<hbm>>
    tpu.enqueue_dma source(%dma_start3A_39 : memref<4096xf32, #tpu.memory_space<hbm>>) target(%dma_start3A_36 : memref<4096xf32, #tpu.memory_space<vmem>>) target_semaphore(%arg9 : memref<!tpu.dma_semaphore, #tpu.memory_space<semaphore_mem>>)
    %dma_start3A_40 = arith.constant 16384 : i32
    %dma_start3A_41 = tpu.memref_slice %arg4[%dma_start3A_40] : memref<32768xf32, #tpu.memory_space<vmem>> -> memref<4096xf32, #tpu.memory_space<vmem>>
    %dma_start3A_42 = arith.constant 16384 : i32
    %dma_start3A_43 = tpu.memref_slice %arg2[%add3A, %dma_start3A_42] : memref<32x32768xf32, #tpu.memory_space<hbm>> -> memref<1x4096xf32, #tpu.memory_space<hbm>>
    %dma_start3A_44 = tpu.memref_squeeze %dma_start3A_43 : memref<1x4096xf32, #tpu.memory_space<hbm>> -> memref<4096xf32, #tpu.memory_space<hbm>>
    %dma_start3A_45 = arith.constant 16384 : i32
    %dma_start3A_46 = tpu.memref_slice %arg4[%dma_start3A_45] : memref<32768xf32, #tpu.memory_space<vmem>> -> memref<4096xf32, #tpu.memory_space<vmem>>
    %dma_start3A_47 = arith.constant 16384 : i32
    %dma_start3A_48 = tpu.memref_slice %arg2[%add3A, %dma_start3A_47] : memref<32x32768xf32, #tpu.memory_space<hbm>> -> memref<1x4096xf32, #tpu.memory_space<hbm>>
    %dma_start3A_49 = tpu.memref_squeeze %dma_start3A_48 : memref<1x4096xf32, #tpu.memory_space<hbm>> -> memref<4096xf32, #tpu.memory_space<hbm>>
    tpu.enqueue_dma source(%dma_start3A_49 : memref<4096xf32, #tpu.memory_space<hbm>>) target(%dma_start3A_46 : memref<4096xf32, #tpu.memory_space<vmem>>) target_semaphore(%arg10 : memref<!tpu.dma_semaphore, #tpu.memory_space<semaphore_mem>>)
    %dma_start3A_50 = arith.constant 20480 : i32
    %dma_start3A_51 = tpu.memref_slice %arg4[%dma_start3A_50] : memref<32768xf32, #tpu.memory_space<vmem>> -> memref<4096xf32, #tpu.memory_space<vmem>>
    %dma_start3A_52 = arith.constant 20480 : i32
    %dma_start3A_53 = tpu.memref_slice %arg2[%add3A, %dma_start3A_52] : memref<32x32768xf32, #tpu.memory_space<hbm>> -> memref<1x4096xf32, #tpu.memory_space<hbm>>
    %dma_start3A_54 = tpu.memref_squeeze %dma_start3A_53 : memref<1x4096xf32, #tpu.memory_space<hbm>> -> memref<4096xf32, #tpu.memory_space<hbm>>
    %dma_start3A_55 = arith.constant 20480 : i32
    %dma_start3A_56 = tpu.memref_slice %arg4[%dma_start3A_55] : memref<32768xf32, #tpu.memory_space<vmem>> -> memref<4096xf32, #tpu.memory_space<vmem>>
    %dma_start3A_57 = arith.constant 20480 : i32
    %dma_start3A_58 = tpu.memref_slice %arg2[%add3A, %dma_start3A_57] : memref<32x32768xf32, #tpu.memory_space<hbm>> -> memref<1x4096xf32, #tpu.memory_space<hbm>>
    %dma_start3A_59 = tpu.memref_squeeze %dma_start3A_58 : memref<1x4096xf32, #tpu.memory_space<hbm>> -> memref<4096xf32, #tpu.memory_space<hbm>>
    tpu.enqueue_dma source(%dma_start3A_59 : memref<4096xf32, #tpu.memory_space<hbm>>) target(%dma_start3A_56 : memref<4096xf32, #tpu.memory_space<vmem>>) target_semaphore(%arg11 : memref<!tpu.dma_semaphore, #tpu.memory_space<semaphore_mem>>)
    %dma_start3A_60 = arith.constant 24576 : i32
    %dma_start3A_61 = tpu.memref_slice %arg4[%dma_start3A_60] : memref<32768xf32, #tpu.memory_space<vmem>> -> memref<4096xf32, #tpu.memory_space<vmem>>
    %dma_start3A_62 = arith.constant 24576 : i32
    %dma_start3A_63 = tpu.memref_slice %arg2[%add3A, %dma_start3A_62] : memref<32x32768xf32, #tpu.memory_space<hbm>> -> memref<1x4096xf32, #tpu.memory_space<hbm>>
    %dma_start3A_64 = tpu.memref_squeeze %dma_start3A_63 : memref<1x4096xf32, #tpu.memory_space<hbm>> -> memref<4096xf32, #tpu.memory_space<hbm>>
    %dma_start3A_65 = arith.constant 24576 : i32
    %dma_start3A_66 = tpu.memref_slice %arg4[%dma_start3A_65] : memref<32768xf32, #tpu.memory_space<vmem>> -> memref<4096xf32, #tpu.memory_space<vmem>>
    %dma_start3A_67 = arith.constant 24576 : i32
    %dma_start3A_68 = tpu.memref_slice %arg2[%add3A, %dma_start3A_67] : memref<32x32768xf32, #tpu.memory_space<hbm>> -> memref<1x4096xf32, #tpu.memory_space<hbm>>
    %dma_start3A_69 = tpu.memref_squeeze %dma_start3A_68 : memref<1x4096xf32, #tpu.memory_space<hbm>> -> memref<4096xf32, #tpu.memory_space<hbm>>
    tpu.enqueue_dma source(%dma_start3A_69 : memref<4096xf32, #tpu.memory_space<hbm>>) target(%dma_start3A_66 : memref<4096xf32, #tpu.memory_space<vmem>>) target_semaphore(%arg12 : memref<!tpu.dma_semaphore, #tpu.memory_space<semaphore_mem>>)
    %dma_start3A_70 = arith.constant 28672 : i32
    %dma_start3A_71 = tpu.memref_slice %arg4[%dma_start3A_70] : memref<32768xf32, #tpu.memory_space<vmem>> -> memref<4096xf32, #tpu.memory_space<vmem>>
    %dma_start3A_72 = arith.constant 28672 : i32
    %dma_start3A_73 = tpu.memref_slice %arg2[%add3A, %dma_start3A_72] : memref<32x32768xf32, #tpu.memory_space<hbm>> -> memref<1x4096xf32, #tpu.memory_space<hbm>>
    %dma_start3A_74 = tpu.memref_squeeze %dma_start3A_73 : memref<1x4096xf32, #tpu.memory_space<hbm>> -> memref<4096xf32, #tpu.memory_space<hbm>>
    %dma_start3A_75 = arith.constant 28672 : i32
    %dma_start3A_76 = tpu.memref_slice %arg4[%dma_start3A_75] : memref<32768xf32, #tpu.memory_space<vmem>> -> memref<4096xf32, #tpu.memory_space<vmem>>
    %dma_start3A_77 = arith.constant 28672 : i32
    %dma_start3A_78 = tpu.memref_slice %arg2[%add3A, %dma_start3A_77] : memref<32x32768xf32, #tpu.memory_space<hbm>> -> memref<1x4096xf32, #tpu.memory_space<hbm>>
    %dma_start3A_79 = tpu.memref_squeeze %dma_start3A_78 : memref<1x4096xf32, #tpu.memory_space<hbm>> -> memref<4096xf32, #tpu.memory_space<hbm>>
    tpu.enqueue_dma source(%dma_start3A_79 : memref<4096xf32, #tpu.memory_space<hbm>>) target(%dma_start3A_76 : memref<4096xf32, #tpu.memory_space<vmem>>) target_semaphore(%arg13 : memref<!tpu.dma_semaphore, #tpu.memory_space<semaphore_mem>>)
    "tpu.trace_start"() <{level = 10 : i32, message = "p1_minmax"}> : () -> ()
    %dma_wait3A = arith.constant 0 : i32
    %dma_wait3A_80 = tpu.memref_slice %arg4[%dma_wait3A] : memref<32768xf32, #tpu.memory_space<vmem>> -> memref<4096xf32, #tpu.memory_space<vmem>>
    %dma_wait3A_81 = arith.constant 0 : i32
    %dma_wait3A_82 = tpu.memref_slice %arg2[%add3A, %dma_wait3A_81] : memref<32x32768xf32, #tpu.memory_space<hbm>> -> memref<1x4096xf32, #tpu.memory_space<hbm>>
    %dma_wait3A_83 = tpu.memref_squeeze %dma_wait3A_82 : memref<1x4096xf32, #tpu.memory_space<hbm>> -> memref<4096xf32, #tpu.memory_space<hbm>>
    %dma_wait3A_84 = arith.constant 0 : i32
    %dma_wait3A_85 = tpu.memref_slice %arg4[%dma_wait3A_84] : memref<32768xf32, #tpu.memory_space<vmem>> -> memref<4096xf32, #tpu.memory_space<vmem>>
    %dma_wait3A_86 = arith.constant 0 : i32
    %dma_wait3A_87 = tpu.memref_slice %arg2[%add3A, %dma_wait3A_86] : memref<32x32768xf32, #tpu.memory_space<hbm>> -> memref<1x4096xf32, #tpu.memory_space<hbm>>
    %dma_wait3A_88 = tpu.memref_squeeze %dma_wait3A_87 : memref<1x4096xf32, #tpu.memory_space<hbm>> -> memref<4096xf32, #tpu.memory_space<hbm>>
    tpu.wait_dma2 semaphore(%arg6 : memref<!tpu.dma_semaphore, #tpu.memory_space<semaphore_mem>>) src(%dma_wait3A_88 : memref<4096xf32, #tpu.memory_space<hbm>>) dst(%dma_wait3A_85 : memref<4096xf32, #tpu.memory_space<vmem>>)
    %get3A = arith.constant 0 : index
    %get3A_89 = tpu.vector_load %arg4[%get3A] {strides = array<i32>} : memref<32768xf32, #tpu.memory_space<vmem>>, vector<16xf32>,
    %bitcast_convert_type3A = tpu.bitcast %get3A_89 : vector<16xf32> -> vector<16xi32>
    %masked_sort3A = arith.constant dense<true> : vector<16xi1>
    %masked_sort3A_90 = arith.constant -2147483648 : i32
    %masked_sort3A_91 = vector.broadcast %masked_sort3A_90 : i32 to vector<16xi32>
    %masked_sort3A_92 = arith.xori %bitcast_convert_type3A, %masked_sort3A_91 : vector<16xi32>
    %masked_sort3A_93, %masked_sort3A_94, %masked_sort3A_95 = tpu.sort %masked_sort3A_92, %bitcast_convert_type3A masked %masked_sort3A : (vector<16xi32>, vector<16xi32>, vector<16xi1>) -> (vector<16xi1>, vector<16xi32>, vector<16xi32>)
    %masked_sort3A_96 = arith.xori %masked_sort3A_94, %masked_sort3A_91 : vector<16xi32>
    %slice3A = vector.extract_strided_slice %masked_sort3A_96 {offsets = [7], sizes = [1], strides = [1]} : vector<16xi32> to vector<1xi32>
    %squeeze3A = vector.extract %slice3A[0] : i32 from vector<1xi32>
    %broadcast_in_dim3A = arith.constant 2147483647 : i32
    %broadcast_in_dim3A_97 = vector.broadcast %broadcast_in_dim3A : i32 to vector<16xi32>
    %broadcast_in_dim3A_98 = arith.constant -2147483648 : i32
    %broadcast_in_dim3A_99 = vector.broadcast %broadcast_in_dim3A_98 : i32 to vector<16xi32>
    %broadcast_in_dim3A_100 = arith.constant 0 : i32
    %broadcast_in_dim3A_101 = vector.broadcast %broadcast_in_dim3A_100 : i32 to vector<16xi32>
    %parallel_loop3A = arith.constant 0 : i32
    %parallel_loop3A_102 = arith.constant 256 : i32
    %parallel_loop3A_103 = arith.constant 1 : i32
    %parallel_loop3A_104:3 = scf.for %parallel_loop3A_1775 = %parallel_loop3A to %parallel_loop3A_102 step %parallel_loop3A_103 iter_args(%parallel_loop3A_1776 = %broadcast_in_dim3A_97, %parallel_loop3A_1777 = %broadcast_in_dim3A_99, %parallel_loop3A_1778 = %broadcast_in_dim3A_101) -> (vector<16xi32>, vector<16xi32>, vector<16xi32>)  : i32 {
      %parallel_loop3A_1779 = arith.constant 16 : i32
      %parallel_loop3A_1780 = arith.muli %parallel_loop3A_1775, %parallel_loop3A_1779 : i32
      %parallel_loop3A_1781 = arith.index_cast %parallel_loop3A_1780 : i32 to index
      %parallel_loop3A_1782 = tpu.vector_load %arg4[%parallel_loop3A_1781] {strides = array<i32>} : memref<32768xf32, #tpu.memory_space<vmem>>, vector<16xf32>,
      %parallel_loop3A_1783 = tpu.bitcast %parallel_loop3A_1782 : vector<16xf32> -> vector<16xi32>
      %parallel_loop3A_1784 = arith.minsi %parallel_loop3A_1776, %parallel_loop3A_1783 : vector<16xi32>
      %parallel_loop3A_1785 = arith.maxsi %parallel_loop3A_1777, %parallel_loop3A_1783 : vector<16xi32>
      %parallel_loop3A_1786 = vector.broadcast %squeeze3A : i32 to vector<16xi32>
      %parallel_loop3A_1787 = arith.cmpi sle, %parallel_loop3A_1783, %parallel_loop3A_1786 : vector<16xi32>
      %parallel_loop3A_1788 = arith.extui %parallel_loop3A_1787 : vector<16xi1> to vector<16xi32>
      %parallel_loop3A_1789 = arith.addi %parallel_loop3A_1778, %parallel_loop3A_1788 : vector<16xi32>
      scf.yield %parallel_loop3A_1784, %parallel_loop3A_1785, %parallel_loop3A_1789 : vector<16xi32>, vector<16xi32>, vector<16xi32>
    } {sc.loop_unroll_factor = 8 : i64, sc.parallel_access}
    %dma_wait3A_105 = arith.constant 4096 : i32
    %dma_wait3A_106 = tpu.memref_slice %arg4[%dma_wait3A_105] : memref<32768xf32, #tpu.memory_space<vmem>> -> memref<4096xf32, #tpu.memory_space<vmem>>
    %dma_wait3A_107 = arith.constant 4096 : i32
    %dma_wait3A_108 = tpu.memref_slice %arg2[%add3A, %dma_wait3A_107] : memref<32x32768xf32, #tpu.memory_space<hbm>> -> memref<1x4096xf32, #tpu.memory_space<hbm>>
    %dma_wait3A_109 = tpu.memref_squeeze %dma_wait3A_108 : memref<1x4096xf32, #tpu.memory_space<hbm>> -> memref<4096xf32, #tpu.memory_space<hbm>>
    %dma_wait3A_110 = arith.constant 4096 : i32
    %dma_wait3A_111 = tpu.memref_slice %arg4[%dma_wait3A_110] : memref<32768xf32, #tpu.memory_space<vmem>> -> memref<4096xf32, #tpu.memory_space<vmem>>
    %dma_wait3A_112 = arith.constant 4096 : i32
    %dma_wait3A_113 = tpu.memref_slice %arg2[%add3A, %dma_wait3A_112] : memref<32x32768xf32, #tpu.memory_space<hbm>> -> memref<1x4096xf32, #tpu.memory_space<hbm>>
    %dma_wait3A_114 = tpu.memref_squeeze %dma_wait3A_113 : memref<1x4096xf32, #tpu.memory_space<hbm>> -> memref<4096xf32, #tpu.memory_space<hbm>>
    tpu.wait_dma2 semaphore(%arg7 : memref<!tpu.dma_semaphore, #tpu.memory_space<semaphore_mem>>) src(%dma_wait3A_114 : memref<4096xf32, #tpu.memory_space<hbm>>) dst(%dma_wait3A_111 : memref<4096xf32, #tpu.memory_space<vmem>>)
    %parallel_loop3A_115 = arith.constant 256 : i32
    %parallel_loop3A_116 = arith.constant 512 : i32
    %parallel_loop3A_117 = arith.constant 1 : i32
    %parallel_loop3A_118:3 = scf.for %parallel_loop3A_1775 = %parallel_loop3A_115 to %parallel_loop3A_116 step %parallel_loop3A_117 iter_args(%parallel_loop3A_1776 = %parallel_loop3A_104#0, %parallel_loop3A_1777 = %parallel_loop3A_104#1, %parallel_loop3A_1778 = %parallel_loop3A_104#2) -> (vector<16xi32>, vector<16xi32>, vector<16xi32>)  : i32 {
      %parallel_loop3A_1779 = arith.constant 16 : i32
      %parallel_loop3A_1780 = arith.muli %parallel_loop3A_1775, %parallel_loop3A_1779 : i32
      %parallel_loop3A_1781 = arith.index_cast %parallel_loop3A_1780 : i32 to index
      %parallel_loop3A_1782 = tpu.vector_load %arg4[%parallel_loop3A_1781] {strides = array<i32>} : memref<32768xf32, #tpu.memory_space<vmem>>, vector<16xf32>,
      %parallel_loop3A_1783 = tpu.bitcast %parallel_loop3A_1782 : vector<16xf32> -> vector<16xi32>
      %parallel_loop3A_1784 = arith.minsi %parallel_loop3A_1776, %parallel_loop3A_1783 : vector<16xi32>
      %parallel_loop3A_1785 = arith.maxsi %parallel_loop3A_1777, %parallel_loop3A_1783 : vector<16xi32>
      %parallel_loop3A_1786 = vector.broadcast %squeeze3A : i32 to vector<16xi32>
      %parallel_loop3A_1787 = arith.cmpi sle, %parallel_loop3A_1783, %parallel_loop3A_1786 : vector<16xi32>
      %parallel_loop3A_1788 = arith.extui %parallel_loop3A_1787 : vector<16xi1> to vector<16xi32>
      %parallel_loop3A_1789 = arith.addi %parallel_loop3A_1778, %parallel_loop3A_1788 : vector<16xi32>
      scf.yield %parallel_loop3A_1784, %parallel_loop3A_1785, %parallel_loop3A_1789 : vector<16xi32>, vector<16xi32>, vector<16xi32>
    } {sc.loop_unroll_factor = 8 : i64, sc.parallel_access}
    %dma_wait3A_119 = arith.constant 8192 : i32
    %dma_wait3A_120 = tpu.memref_slice %arg4[%dma_wait3A_119] : memref<32768xf32, #tpu.memory_space<vmem>> -> memref<4096xf32, #tpu.memory_space<vmem>>
    %dma_wait3A_121 = arith.constant 8192 : i32
    %dma_wait3A_122 = tpu.memref_slice %arg2[%add3A, %dma_wait3A_121] : memref<32x32768xf32, #tpu.memory_space<hbm>> -> memref<1x4096xf32, #tpu.memory_space<hbm>>
    %dma_wait3A_123 = tpu.memref_squeeze %dma_wait3A_122 : memref<1x4096xf32, #tpu.memory_space<hbm>> -> memref<4096xf32, #tpu.memory_space<hbm>>
    %dma_wait3A_124 = arith.constant 8192 : i32
    %dma_wait3A_125 = tpu.memref_slice %arg4[%dma_wait3A_124] : memref<32768xf32, #tpu.memory_space<vmem>> -> memref<4096xf32, #tpu.memory_space<vmem>>
    %dma_wait3A_126 = arith.constant 8192 : i32
    %dma_wait3A_127 = tpu.memref_slice %arg2[%add3A, %dma_wait3A_126] : memref<32x32768xf32, #tpu.memory_space<hbm>> -> memref<1x4096xf32, #tpu.memory_space<hbm>>
    %dma_wait3A_128 = tpu.memref_squeeze %dma_wait3A_127 : memref<1x4096xf32, #tpu.memory_space<hbm>> -> memref<4096xf32, #tpu.memory_space<hbm>>
    tpu.wait_dma2 semaphore(%arg8 : memref<!tpu.dma_semaphore, #tpu.memory_space<semaphore_mem>>) src(%dma_wait3A_128 : memref<4096xf32, #tpu.memory_space<hbm>>) dst(%dma_wait3A_125 : memref<4096xf32, #tpu.memory_space<vmem>>)
    %parallel_loop3A_129 = arith.constant 512 : i32
    %parallel_loop3A_130 = arith.constant 768 : i32
    %parallel_loop3A_131 = arith.constant 1 : i32
    %parallel_loop3A_132:3 = scf.for %parallel_loop3A_1775 = %parallel_loop3A_129 to %parallel_loop3A_130 step %parallel_loop3A_131 iter_args(%parallel_loop3A_1776 = %parallel_loop3A_118#0, %parallel_loop3A_1777 = %parallel_loop3A_118#1, %parallel_loop3A_1778 = %parallel_loop3A_118#2) -> (vector<16xi32>, vector<16xi32>, vector<16xi32>)  : i32 {
      %parallel_loop3A_1779 = arith.constant 16 : i32
      %parallel_loop3A_1780 = arith.muli %parallel_loop3A_1775, %parallel_loop3A_1779 : i32
      %parallel_loop3A_1781 = arith.index_cast %parallel_loop3A_1780 : i32 to index
      %parallel_loop3A_1782 = tpu.vector_load %arg4[%parallel_loop3A_1781] {strides = array<i32>} : memref<32768xf32, #tpu.memory_space<vmem>>, vector<16xf32>,
      %parallel_loop3A_1783 = tpu.bitcast %parallel_loop3A_1782 : vector<16xf32> -> vector<16xi32>
      %parallel_loop3A_1784 = arith.minsi %parallel_loop3A_1776, %parallel_loop3A_1783 : vector<16xi32>
      %parallel_loop3A_1785 = arith.maxsi %parallel_loop3A_1777, %parallel_loop3A_1783 : vector<16xi32>
      %parallel_loop3A_1786 = vector.broadcast %squeeze3A : i32 to vector<16xi32>
      %parallel_loop3A_1787 = arith.cmpi sle, %parallel_loop3A_1783, %parallel_loop3A_1786 : vector<16xi32>
      %parallel_loop3A_1788 = arith.extui %parallel_loop3A_1787 : vector<16xi1> to vector<16xi32>
      %parallel_loop3A_1789 = arith.addi %parallel_loop3A_1778, %parallel_loop3A_1788 : vector<16xi32>
      scf.yield %parallel_loop3A_1784, %parallel_loop3A_1785, %parallel_loop3A_1789 : vector<16xi32>, vector<16xi32>, vector<16xi32>
    } {sc.loop_unroll_factor = 8 : i64, sc.parallel_access}
    %dma_wait3A_133 = arith.constant 12288 : i32
    %dma_wait3A_134 = tpu.memref_slice %arg4[%dma_wait3A_133] : memref<32768xf32, #tpu.memory_space<vmem>> -> memref<4096xf32, #tpu.memory_space<vmem>>
    %dma_wait3A_135 = arith.constant 12288 : i32
    %dma_wait3A_136 = tpu.memref_slice %arg2[%add3A, %dma_wait3A_135] : memref<32x32768xf32, #tpu.memory_space<hbm>> -> memref<1x4096xf32, #tpu.memory_space<hbm>>
    %dma_wait3A_137 = tpu.memref_squeeze %dma_wait3A_136 : memref<1x4096xf32, #tpu.memory_space<hbm>> -> memref<4096xf32, #tpu.memory_space<hbm>>
    %dma_wait3A_138 = arith.constant 12288 : i32
    %dma_wait3A_139 = tpu.memref_slice %arg4[%dma_wait3A_138] : memref<32768xf32, #tpu.memory_space<vmem>> -> memref<4096xf32, #tpu.memory_space<vmem>>
    %dma_wait3A_140 = arith.constant 12288 : i32
    %dma_wait3A_141 = tpu.memref_slice %arg2[%add3A, %dma_wait3A_140] : memref<32x32768xf32, #tpu.memory_space<hbm>> -> memref<1x4096xf32, #tpu.memory_space<hbm>>
    %dma_wait3A_142 = tpu.memref_squeeze %dma_wait3A_141 : memref<1x4096xf32, #tpu.memory_space<hbm>> -> memref<4096xf32, #tpu.memory_space<hbm>>
    tpu.wait_dma2 semaphore(%arg9 : memref<!tpu.dma_semaphore, #tpu.memory_space<semaphore_mem>>) src(%dma_wait3A_142 : memref<4096xf32, #tpu.memory_space<hbm>>) dst(%dma_wait3A_139 : memref<4096xf32, #tpu.memory_space<vmem>>)
    %parallel_loop3A_143 = arith.constant 768 : i32
    %parallel_loop3A_144 = arith.constant 1024 : i32
    %parallel_loop3A_145 = arith.constant 1 : i32
    %parallel_loop3A_146:3 = scf.for %parallel_loop3A_1775 = %parallel_loop3A_143 to %parallel_loop3A_144 step %parallel_loop3A_145 iter_args(%parallel_loop3A_1776 = %parallel_loop3A_132#0, %parallel_loop3A_1777 = %parallel_loop3A_132#1, %parallel_loop3A_1778 = %parallel_loop3A_132#2) -> (vector<16xi32>, vector<16xi32>, vector<16xi32>)  : i32 {
      %parallel_loop3A_1779 = arith.constant 16 : i32
      %parallel_loop3A_1780 = arith.muli %parallel_loop3A_1775, %parallel_loop3A_1779 : i32
      %parallel_loop3A_1781 = arith.index_cast %parallel_loop3A_1780 : i32 to index
      %parallel_loop3A_1782 = tpu.vector_load %arg4[%parallel_loop3A_1781] {strides = array<i32>} : memref<32768xf32, #tpu.memory_space<vmem>>, vector<16xf32>,
      %parallel_loop3A_1783 = tpu.bitcast %parallel_loop3A_1782 : vector<16xf32> -> vector<16xi32>
      %parallel_loop3A_1784 = arith.minsi %parallel_loop3A_1776, %parallel_loop3A_1783 : vector<16xi32>
      %parallel_loop3A_1785 = arith.maxsi %parallel_loop3A_1777, %parallel_loop3A_1783 : vector<16xi32>
      %parallel_loop3A_1786 = vector.broadcast %squeeze3A : i32 to vector<16xi32>
      %parallel_loop3A_1787 = arith.cmpi sle, %parallel_loop3A_1783, %parallel_loop3A_1786 : vector<16xi32>
      %parallel_loop3A_1788 = arith.extui %parallel_loop3A_1787 : vector<16xi1> to vector<16xi32>
      %parallel_loop3A_1789 = arith.addi %parallel_loop3A_1778, %parallel_loop3A_1788 : vector<16xi32>
      scf.yield %parallel_loop3A_1784, %parallel_loop3A_1785, %parallel_loop3A_1789 : vector<16xi32>, vector<16xi32>, vector<16xi32>
    } {sc.loop_unroll_factor = 8 : i64, sc.parallel_access}
    %dma_wait3A_147 = arith.constant 16384 : i32
    %dma_wait3A_148 = tpu.memref_slice %arg4[%dma_wait3A_147] : memref<32768xf32, #tpu.memory_space<vmem>> -> memref<4096xf32, #tpu.memory_space<vmem>>
    %dma_wait3A_149 = arith.constant 16384 : i32
    %dma_wait3A_150 = tpu.memref_slice %arg2[%add3A, %dma_wait3A_149] : memref<32x32768xf32, #tpu.memory_space<hbm>> -> memref<1x4096xf32, #tpu.memory_space<hbm>>
    %dma_wait3A_151 = tpu.memref_squeeze %dma_wait3A_150 : memref<1x4096xf32, #tpu.memory_space<hbm>> -> memref<4096xf32, #tpu.memory_space<hbm>>
    %dma_wait3A_152 = arith.constant 16384 : i32
    %dma_wait3A_153 = tpu.memref_slice %arg4[%dma_wait3A_152] : memref<32768xf32, #tpu.memory_space<vmem>> -> memref<4096xf32, #tpu.memory_space<vmem>>
    %dma_wait3A_154 = arith.constant 16384 : i32
    %dma_wait3A_155 = tpu.memref_slice %arg2[%add3A, %dma_wait3A_154] : memref<32x32768xf32, #tpu.memory_space<hbm>> -> memref<1x4096xf32, #tpu.memory_space<hbm>>
    %dma_wait3A_156 = tpu.memref_squeeze %dma_wait3A_155 : memref<1x4096xf32, #tpu.memory_space<hbm>> -> memref<4096xf32, #tpu.memory_space<hbm>>
    tpu.wait_dma2 semaphore(%arg10 : memref<!tpu.dma_semaphore, #tpu.memory_space<semaphore_mem>>) src(%dma_wait3A_156 : memref<4096xf32, #tpu.memory_space<hbm>>) dst(%dma_wait3A_153 : memref<4096xf32, #tpu.memory_space<vmem>>)
    %parallel_loop3A_157 = arith.constant 1024 : i32
    %parallel_loop3A_158 = arith.constant 1280 : i32
    %parallel_loop3A_159 = arith.constant 1 : i32
    %parallel_loop3A_160:3 = scf.for %parallel_loop3A_1775 = %parallel_loop3A_157 to %parallel_loop3A_158 step %parallel_loop3A_159 iter_args(%parallel_loop3A_1776 = %parallel_loop3A_146#0, %parallel_loop3A_1777 = %parallel_loop3A_146#1, %parallel_loop3A_1778 = %parallel_loop3A_146#2) -> (vector<16xi32>, vector<16xi32>, vector<16xi32>)  : i32 {
      %parallel_loop3A_1779 = arith.constant 16 : i32
      %parallel_loop3A_1780 = arith.muli %parallel_loop3A_1775, %parallel_loop3A_1779 : i32
      %parallel_loop3A_1781 = arith.index_cast %parallel_loop3A_1780 : i32 to index
      %parallel_loop3A_1782 = tpu.vector_load %arg4[%parallel_loop3A_1781] {strides = array<i32>} : memref<32768xf32, #tpu.memory_space<vmem>>, vector<16xf32>,
      %parallel_loop3A_1783 = tpu.bitcast %parallel_loop3A_1782 : vector<16xf32> -> vector<16xi32>
      %parallel_loop3A_1784 = arith.minsi %parallel_loop3A_1776, %parallel_loop3A_1783 : vector<16xi32>
      %parallel_loop3A_1785 = arith.maxsi %parallel_loop3A_1777, %parallel_loop3A_1783 : vector<16xi32>
      %parallel_loop3A_1786 = vector.broadcast %squeeze3A : i32 to vector<16xi32>
      %parallel_loop3A_1787 = arith.cmpi sle, %parallel_loop3A_1783, %parallel_loop3A_1786 : vector<16xi32>
      %parallel_loop3A_1788 = arith.extui %parallel_loop3A_1787 : vector<16xi1> to vector<16xi32>
      %parallel_loop3A_1789 = arith.addi %parallel_loop3A_1778, %parallel_loop3A_1788 : vector<16xi32>
      scf.yield %parallel_loop3A_1784, %parallel_loop3A_1785, %parallel_loop3A_1789 : vector<16xi32>, vector<16xi32>, vector<16xi32>
    } {sc.loop_unroll_factor = 8 : i64, sc.parallel_access}
    %dma_wait3A_161 = arith.constant 20480 : i32
    %dma_wait3A_162 = tpu.memref_slice %arg4[%dma_wait3A_161] : memref<32768xf32, #tpu.memory_space<vmem>> -> memref<4096xf32, #tpu.memory_space<vmem>>
    %dma_wait3A_163 = arith.constant 20480 : i32
    %dma_wait3A_164 = tpu.memref_slice %arg2[%add3A, %dma_wait3A_163] : memref<32x32768xf32, #tpu.memory_space<hbm>> -> memref<1x4096xf32, #tpu.memory_space<hbm>>
    %dma_wait3A_165 = tpu.memref_squeeze %dma_wait3A_164 : memref<1x4096xf32, #tpu.memory_space<hbm>> -> memref<4096xf32, #tpu.memory_space<hbm>>
    %dma_wait3A_166 = arith.constant 20480 : i32
    %dma_wait3A_167 = tpu.memref_slice %arg4[%dma_wait3A_166] : memref<32768xf32, #tpu.memory_space<vmem>> -> memref<4096xf32, #tpu.memory_space<vmem>>
    %dma_wait3A_168 = arith.constant 20480 : i32
    %dma_wait3A_169 = tpu.memref_slice %arg2[%add3A, %dma_wait3A_168] : memref<32x32768xf32, #tpu.memory_space<hbm>> -> memref<1x4096xf32, #tpu.memory_space<hbm>>
    %dma_wait3A_170 = tpu.memref_squeeze %dma_wait3A_169 : memref<1x4096xf32, #tpu.memory_space<hbm>> -> memref<4096xf32, #tpu.memory_space<hbm>>
    tpu.wait_dma2 semaphore(%arg11 : memref<!tpu.dma_semaphore, #tpu.memory_space<semaphore_mem>>) src(%dma_wait3A_170 : memref<4096xf32, #tpu.memory_space<hbm>>) dst(%dma_wait3A_167 : memref<4096xf32, #tpu.memory_space<vmem>>)
    %parallel_loop3A_171 = arith.constant 1280 : i32
    %parallel_loop3A_172 = arith.constant 1536 : i32
    %parallel_loop3A_173 = arith.constant 1 : i32
    %parallel_loop3A_174:3 = scf.for %parallel_loop3A_1775 = %parallel_loop3A_171 to %parallel_loop3A_172 step %parallel_loop3A_173 iter_args(%parallel_loop3A_1776 = %parallel_loop3A_160#0, %parallel_loop3A_1777 = %parallel_loop3A_160#1, %parallel_loop3A_1778 = %parallel_loop3A_160#2) -> (vector<16xi32>, vector<16xi32>, vector<16xi32>)  : i32 {
      %parallel_loop3A_1779 = arith.constant 16 : i32
      %parallel_loop3A_1780 = arith.muli %parallel_loop3A_1775, %parallel_loop3A_1779 : i32
      %parallel_loop3A_1781 = arith.index_cast %parallel_loop3A_1780 : i32 to index
      %parallel_loop3A_1782 = tpu.vector_load %arg4[%parallel_loop3A_1781] {strides = array<i32>} : memref<32768xf32, #tpu.memory_space<vmem>>, vector<16xf32>,
      %parallel_loop3A_1783 = tpu.bitcast %parallel_loop3A_1782 : vector<16xf32> -> vector<16xi32>
      %parallel_loop3A_1784 = arith.minsi %parallel_loop3A_1776, %parallel_loop3A_1783 : vector<16xi32>
      %parallel_loop3A_1785 = arith.maxsi %parallel_loop3A_1777, %parallel_loop3A_1783 : vector<16xi32>
      %parallel_loop3A_1786 = vector.broadcast %squeeze3A : i32 to vector<16xi32>
      %parallel_loop3A_1787 = arith.cmpi sle, %parallel_loop3A_1783, %parallel_loop3A_1786 : vector<16xi32>
      %parallel_loop3A_1788 = arith.extui %parallel_loop3A_1787 : vector<16xi1> to vector<16xi32>
      %parallel_loop3A_1789 = arith.addi %parallel_loop3A_1778, %parallel_loop3A_1788 : vector<16xi32>
      scf.yield %parallel_loop3A_1784, %parallel_loop3A_1785, %parallel_loop3A_1789 : vector<16xi32>, vector<16xi32>, vector<16xi32>
    } {sc.loop_unroll_factor = 8 : i64, sc.parallel_access}
    %dma_wait3A_175 = arith.constant 24576 : i32
    %dma_wait3A_176 = tpu.memref_slice %arg4[%dma_wait3A_175] : memref<32768xf32, #tpu.memory_space<vmem>> -> memref<4096xf32, #tpu.memory_space<vmem>>
    %dma_wait3A_177 = arith.constant 24576 : i32
    %dma_wait3A_178 = tpu.memref_slice %arg2[%add3A, %dma_wait3A_177] : memref<32x32768xf32, #tpu.memory_space<hbm>> -> memref<1x4096xf32, #tpu.memory_space<hbm>>
    %dma_wait3A_179 = tpu.memref_squeeze %dma_wait3A_178 : memref<1x4096xf32, #tpu.memory_space<hbm>> -> memref<4096xf32, #tpu.memory_space<hbm>>
    %dma_wait3A_180 = arith.constant 24576 : i32
    %dma_wait3A_181 = tpu.memref_slice %arg4[%dma_wait3A_180] : memref<32768xf32, #tpu.memory_space<vmem>> -> memref<4096xf32, #tpu.memory_space<vmem>>
    %dma_wait3A_182 = arith.constant 24576 : i32
    %dma_wait3A_183 = tpu.memref_slice %arg2[%add3A, %dma_wait3A_182] : memref<32x32768xf32, #tpu.memory_space<hbm>> -> memref<1x4096xf32, #tpu.memory_space<hbm>>
    %dma_wait3A_184 = tpu.memref_squeeze %dma_wait3A_183 : memref<1x4096xf32, #tpu.memory_space<hbm>> -> memref<4096xf32, #tpu.memory_space<hbm>>
    tpu.wait_dma2 semaphore(%arg12 : memref<!tpu.dma_semaphore, #tpu.memory_space<semaphore_mem>>) src(%dma_wait3A_184 : memref<4096xf32, #tpu.memory_space<hbm>>) dst(%dma_wait3A_181 : memref<4096xf32, #tpu.memory_space<vmem>>)
    %parallel_loop3A_185 = arith.constant 1536 : i32
    %parallel_loop3A_186 = arith.constant 1792 : i32
    %parallel_loop3A_187 = arith.constant 1 : i32
    %parallel_loop3A_188:3 = scf.for %parallel_loop3A_1775 = %parallel_loop3A_185 to %parallel_loop3A_186 step %parallel_loop3A_187 iter_args(%parallel_loop3A_1776 = %parallel_loop3A_174#0, %parallel_loop3A_1777 = %parallel_loop3A_174#1, %parallel_loop3A_1778 = %parallel_loop3A_174#2) -> (vector<16xi32>, vector<16xi32>, vector<16xi32>)  : i32 {
      %parallel_loop3A_1779 = arith.constant 16 : i32
      %parallel_loop3A_1780 = arith.muli %parallel_loop3A_1775, %parallel_loop3A_1779 : i32
      %parallel_loop3A_1781 = arith.index_cast %parallel_loop3A_1780 : i32 to index
      %parallel_loop3A_1782 = tpu.vector_load %arg4[%parallel_loop3A_1781] {strides = array<i32>} : memref<32768xf32, #tpu.memory_space<vmem>>, vector<16xf32>,
      %parallel_loop3A_1783 = tpu.bitcast %parallel_loop3A_1782 : vector<16xf32> -> vector<16xi32>
      %parallel_loop3A_1784 = arith.minsi %parallel_loop3A_1776, %parallel_loop3A_1783 : vector<16xi32>
      %parallel_loop3A_1785 = arith.maxsi %parallel_loop3A_1777, %parallel_loop3A_1783 : vector<16xi32>
      %parallel_loop3A_1786 = vector.broadcast %squeeze3A : i32 to vector<16xi32>
      %parallel_loop3A_1787 = arith.cmpi sle, %parallel_loop3A_1783, %parallel_loop3A_1786 : vector<16xi32>
      %parallel_loop3A_1788 = arith.extui %parallel_loop3A_1787 : vector<16xi1> to vector<16xi32>
      %parallel_loop3A_1789 = arith.addi %parallel_loop3A_1778, %parallel_loop3A_1788 : vector<16xi32>
      scf.yield %parallel_loop3A_1784, %parallel_loop3A_1785, %parallel_loop3A_1789 : vector<16xi32>, vector<16xi32>, vector<16xi32>
    } {sc.loop_unroll_factor = 8 : i64, sc.parallel_access}
    %dma_wait3A_189 = arith.constant 28672 : i32
    %dma_wait3A_190 = tpu.memref_slice %arg4[%dma_wait3A_189] : memref<32768xf32, #tpu.memory_space<vmem>> -> memref<4096xf32, #tpu.memory_space<vmem>>
    %dma_wait3A_191 = arith.constant 28672 : i32
    %dma_wait3A_192 = tpu.memref_slice %arg2[%add3A, %dma_wait3A_191] : memref<32x32768xf32, #tpu.memory_space<hbm>> -> memref<1x4096xf32, #tpu.memory_space<hbm>>
    %dma_wait3A_193 = tpu.memref_squeeze %dma_wait3A_192 : memref<1x4096xf32, #tpu.memory_space<hbm>> -> memref<4096xf32, #tpu.memory_space<hbm>>
    %dma_wait3A_194 = arith.constant 28672 : i32
    %dma_wait3A_195 = tpu.memref_slice %arg4[%dma_wait3A_194] : memref<32768xf32, #tpu.memory_space<vmem>> -> memref<4096xf32, #tpu.memory_space<vmem>>
    %dma_wait3A_196 = arith.constant 28672 : i32
    %dma_wait3A_197 = tpu.memref_slice %arg2[%add3A, %dma_wait3A_196] : memref<32x32768xf32, #tpu.memory_space<hbm>> -> memref<1x4096xf32, #tpu.memory_space<hbm>>
    %dma_wait3A_198 = tpu.memref_squeeze %dma_wait3A_197 : memref<1x4096xf32, #tpu.memory_space<hbm>> -> memref<4096xf32, #tpu.memory_space<hbm>>
    tpu.wait_dma2 semaphore(%arg13 : memref<!tpu.dma_semaphore, #tpu.memory_space<semaphore_mem>>) src(%dma_wait3A_198 : memref<4096xf32, #tpu.memory_space<hbm>>) dst(%dma_wait3A_195 : memref<4096xf32, #tpu.memory_space<vmem>>)
    %parallel_loop3A_199 = arith.constant 1792 : i32
    %parallel_loop3A_200 = arith.constant 2048 : i32
    %parallel_loop3A_201 = arith.constant 1 : i32
    %parallel_loop3A_202:3 = scf.for %parallel_loop3A_1775 = %parallel_loop3A_199 to %parallel_loop3A_200 step %parallel_loop3A_201 iter_args(%parallel_loop3A_1776 = %parallel_loop3A_188#0, %parallel_loop3A_1777 = %parallel_loop3A_188#1, %parallel_loop3A_1778 = %parallel_loop3A_188#2) -> (vector<16xi32>, vector<16xi32>, vector<16xi32>)  : i32 {
      %parallel_loop3A_1779 = arith.constant 16 : i32
      %parallel_loop3A_1780 = arith.muli %parallel_loop3A_1775, %parallel_loop3A_1779 : i32
      %parallel_loop3A_1781 = arith.index_cast %parallel_loop3A_1780 : i32 to index
      %parallel_loop3A_1782 = tpu.vector_load %arg4[%parallel_loop3A_1781] {strides = array<i32>} : memref<32768xf32, #tpu.memory_space<vmem>>, vector<16xf32>,
      %parallel_loop3A_1783 = tpu.bitcast %parallel_loop3A_1782 : vector<16xf32> -> vector<16xi32>
      %parallel_loop3A_1784 = arith.minsi %parallel_loop3A_1776, %parallel_loop3A_1783 : vector<16xi32>
      %parallel_loop3A_1785 = arith.maxsi %parallel_loop3A_1777, %parallel_loop3A_1783 : vector<16xi32>
      %parallel_loop3A_1786 = vector.broadcast %squeeze3A : i32 to vector<16xi32>
      %parallel_loop3A_1787 = arith.cmpi sle, %parallel_loop3A_1783, %parallel_loop3A_1786 : vector<16xi32>
      %parallel_loop3A_1788 = arith.extui %parallel_loop3A_1787 : vector<16xi1> to vector<16xi32>
      %parallel_loop3A_1789 = arith.addi %parallel_loop3A_1778, %parallel_loop3A_1788 : vector<16xi32>
      scf.yield %parallel_loop3A_1784, %parallel_loop3A_1785, %parallel_loop3A_1789 : vector<16xi32>, vector<16xi32>, vector<16xi32>
    } {sc.loop_unroll_factor = 8 : i64, sc.parallel_access}
    %slice3A_203 = vector.extract_strided_slice %parallel_loop3A_202#2 {offsets = [0], sizes = [1], strides = [1]} : vector<16xi32> to vector<1xi32>
    %squeeze3A_204 = vector.extract %slice3A_203[0] : i32 from vector<1xi32>
    %slice3A_205 = vector.extract_strided_slice %parallel_loop3A_202#2 {offsets = [1], sizes = [1], strides = [1]} : vector<16xi32> to vector<1xi32>
    %squeeze3A_206 = vector.extract %slice3A_205[0] : i32 from vector<1xi32>
    %add3A_207 = arith.addi %squeeze3A_204, %squeeze3A_206 : i32
    %slice3A_208 = vector.extract_strided_slice %parallel_loop3A_202#2 {offsets = [2], sizes = [1], strides = [1]} : vector<16xi32> to vector<1xi32>
    %squeeze3A_209 = vector.extract %slice3A_208[0] : i32 from vector<1xi32>
    %add3A_210 = arith.addi %add3A_207, %squeeze3A_209 : i32
    %slice3A_211 = vector.extract_strided_slice %parallel_loop3A_202#2 {offsets = [3], sizes = [1], strides = [1]} : vector<16xi32> to vector<1xi32>
    %squeeze3A_212 = vector.extract %slice3A_211[0] : i32 from vector<1xi32>
    %add3A_213 = arith.addi %add3A_210, %squeeze3A_212 : i32
    %slice3A_214 = vector.extract_strided_slice %parallel_loop3A_202#2 {offsets = [4], sizes = [1], strides = [1]} : vector<16xi32> to vector<1xi32>
    %squeeze3A_215 = vector.extract %slice3A_214[0] : i32 from vector<1xi32>
    %add3A_216 = arith.addi %add3A_213, %squeeze3A_215 : i32
    %slice3A_217 = vector.extract_strided_slice %parallel_loop3A_202#2 {offsets = [5], sizes = [1], strides = [1]} : vector<16xi32> to vector<1xi32>
    %squeeze3A_218 = vector.extract %slice3A_217[0] : i32 from vector<1xi32>
    %add3A_219 = arith.addi %add3A_216, %squeeze3A_218 : i32
    %slice3A_220 = vector.extract_strided_slice %parallel_loop3A_202#2 {offsets = [6], sizes = [1], strides = [1]} : vector<16xi32> to vector<1xi32>
    %squeeze3A_221 = vector.extract %slice3A_220[0] : i32 from vector<1xi32>
    %add3A_222 = arith.addi %add3A_219, %squeeze3A_221 : i32
    %slice3A_223 = vector.extract_strided_slice %parallel_loop3A_202#2 {offsets = [7], sizes = [1], strides = [1]} : vector<16xi32> to vector<1xi32>
    %squeeze3A_224 = vector.extract %slice3A_223[0] : i32 from vector<1xi32>
    %add3A_225 = arith.addi %add3A_222, %squeeze3A_224 : i32
    %slice3A_226 = vector.extract_strided_slice %parallel_loop3A_202#2 {offsets = [8], sizes = [1], strides = [1]} : vector<16xi32> to vector<1xi32>
    %squeeze3A_227 = vector.extract %slice3A_226[0] : i32 from vector<1xi32>
    %add3A_228 = arith.addi %add3A_225, %squeeze3A_227 : i32
    %slice3A_229 = vector.extract_strided_slice %parallel_loop3A_202#2 {offsets = [9], sizes = [1], strides = [1]} : vector<16xi32> to vector<1xi32>
    %squeeze3A_230 = vector.extract %slice3A_229[0] : i32 from vector<1xi32>
    %add3A_231 = arith.addi %add3A_228, %squeeze3A_230 : i32
    %slice3A_232 = vector.extract_strided_slice %parallel_loop3A_202#2 {offsets = [10], sizes = [1], strides = [1]} : vector<16xi32> to vector<1xi32>
    %squeeze3A_233 = vector.extract %slice3A_232[0] : i32 from vector<1xi32>
    %add3A_234 = arith.addi %add3A_231, %squeeze3A_233 : i32
    %slice3A_235 = vector.extract_strided_slice %parallel_loop3A_202#2 {offsets = [11], sizes = [1], strides = [1]} : vector<16xi32> to vector<1xi32>
    %squeeze3A_236 = vector.extract %slice3A_235[0] : i32 from vector<1xi32>
    %add3A_237 = arith.addi %add3A_234, %squeeze3A_236 : i32
    %slice3A_238 = vector.extract_strided_slice %parallel_loop3A_202#2 {offsets = [12], sizes = [1], strides = [1]} : vector<16xi32> to vector<1xi32>
    %squeeze3A_239 = vector.extract %slice3A_238[0] : i32 from vector<1xi32>
    %add3A_240 = arith.addi %add3A_237, %squeeze3A_239 : i32
    %slice3A_241 = vector.extract_strided_slice %parallel_loop3A_202#2 {offsets = [13], sizes = [1], strides = [1]} : vector<16xi32> to vector<1xi32>
    %squeeze3A_242 = vector.extract %slice3A_241[0] : i32 from vector<1xi32>
    %add3A_243 = arith.addi %add3A_240, %squeeze3A_242 : i32
    %slice3A_244 = vector.extract_strided_slice %parallel_loop3A_202#2 {offsets = [14], sizes = [1], strides = [1]} : vector<16xi32> to vector<1xi32>
    %squeeze3A_245 = vector.extract %slice3A_244[0] : i32 from vector<1xi32>
    %add3A_246 = arith.addi %add3A_243, %squeeze3A_245 : i32
    %slice3A_247 = vector.extract_strided_slice %parallel_loop3A_202#2 {offsets = [15], sizes = [1], strides = [1]} : vector<16xi32> to vector<1xi32>
    %squeeze3A_248 = vector.extract %slice3A_247[0] : i32 from vector<1xi32>
    %add3A_249 = arith.addi %add3A_246, %squeeze3A_248 : i32
    %slice3A_250 = vector.extract_strided_slice %parallel_loop3A_202#0 {offsets = [0], sizes = [1], strides = [1]} : vector<16xi32> to vector<1xi32>
    %squeeze3A_251 = vector.extract %slice3A_250[0] : i32 from vector<1xi32>
    %slice3A_252 = vector.extract_strided_slice %parallel_loop3A_202#0 {offsets = [1], sizes = [1], strides = [1]} : vector<16xi32> to vector<1xi32>
    %squeeze3A_253 = vector.extract %slice3A_252[0] : i32 from vector<1xi32>
    %min3A = arith.minsi %squeeze3A_251, %squeeze3A_253 : i32
    %slice3A_254 = vector.extract_strided_slice %parallel_loop3A_202#0 {offsets = [2], sizes = [1], strides = [1]} : vector<16xi32> to vector<1xi32>
    %squeeze3A_255 = vector.extract %slice3A_254[0] : i32 from vector<1xi32>
    %min3A_256 = arith.minsi %min3A, %squeeze3A_255 : i32
    %slice3A_257 = vector.extract_strided_slice %parallel_loop3A_202#0 {offsets = [3], sizes = [1], strides = [1]} : vector<16xi32> to vector<1xi32>
    %squeeze3A_258 = vector.extract %slice3A_257[0] : i32 from vector<1xi32>
    %min3A_259 = arith.minsi %min3A_256, %squeeze3A_258 : i32
    %slice3A_260 = vector.extract_strided_slice %parallel_loop3A_202#0 {offsets = [4], sizes = [1], strides = [1]} : vector<16xi32> to vector<1xi32>
    %squeeze3A_261 = vector.extract %slice3A_260[0] : i32 from vector<1xi32>
    %min3A_262 = arith.minsi %min3A_259, %squeeze3A_261 : i32
    %slice3A_263 = vector.extract_strided_slice %parallel_loop3A_202#0 {offsets = [5], sizes = [1], strides = [1]} : vector<16xi32> to vector<1xi32>
    %squeeze3A_264 = vector.extract %slice3A_263[0] : i32 from vector<1xi32>
    %min3A_265 = arith.minsi %min3A_262, %squeeze3A_264 : i32
    %slice3A_266 = vector.extract_strided_slice %parallel_loop3A_202#0 {offsets = [6], sizes = [1], strides = [1]} : vector<16xi32> to vector<1xi32>
    %squeeze3A_267 = vector.extract %slice3A_266[0] : i32 from vector<1xi32>
    %min3A_268 = arith.minsi %min3A_265, %squeeze3A_267 : i32
    %slice3A_269 = vector.extract_strided_slice %parallel_loop3A_202#0 {offsets = [7], sizes = [1], strides = [1]} : vector<16xi32> to vector<1xi32>
    %squeeze3A_270 = vector.extract %slice3A_269[0] : i32 from vector<1xi32>
    %min3A_271 = arith.minsi %min3A_268, %squeeze3A_270 : i32
    %slice3A_272 = vector.extract_strided_slice %parallel_loop3A_202#0 {offsets = [8], sizes = [1], strides = [1]} : vector<16xi32> to vector<1xi32>
    %squeeze3A_273 = vector.extract %slice3A_272[0] : i32 from vector<1xi32>
    %min3A_274 = arith.minsi %min3A_271, %squeeze3A_273 : i32
    %slice3A_275 = vector.extract_strided_slice %parallel_loop3A_202#0 {offsets = [9], sizes = [1], strides = [1]} : vector<16xi32> to vector<1xi32>
    %squeeze3A_276 = vector.extract %slice3A_275[0] : i32 from vector<1xi32>
    %min3A_277 = arith.minsi %min3A_274, %squeeze3A_276 : i32
    %slice3A_278 = vector.extract_strided_slice %parallel_loop3A_202#0 {offsets = [10], sizes = [1], strides = [1]} : vector<16xi32> to vector<1xi32>
    %squeeze3A_279 = vector.extract %slice3A_278[0] : i32 from vector<1xi32>
    %min3A_280 = arith.minsi %min3A_277, %squeeze3A_279 : i32
    %slice3A_281 = vector.extract_strided_slice %parallel_loop3A_202#0 {offsets = [11], sizes = [1], strides = [1]} : vector<16xi32> to vector<1xi32>
    %squeeze3A_282 = vector.extract %slice3A_281[0] : i32 from vector<1xi32>
    %min3A_283 = arith.minsi %min3A_280, %squeeze3A_282 : i32
    %slice3A_284 = vector.extract_strided_slice %parallel_loop3A_202#0 {offsets = [12], sizes = [1], strides = [1]} : vector<16xi32> to vector<1xi32>
    %squeeze3A_285 = vector.extract %slice3A_284[0] : i32 from vector<1xi32>
    %min3A_286 = arith.minsi %min3A_283, %squeeze3A_285 : i32
    %slice3A_287 = vector.extract_strided_slice %parallel_loop3A_202#0 {offsets = [13], sizes = [1], strides = [1]} : vector<16xi32> to vector<1xi32>
    %squeeze3A_288 = vector.extract %slice3A_287[0] : i32 from vector<1xi32>
    %min3A_289 = arith.minsi %min3A_286, %squeeze3A_288 : i32
    %slice3A_290 = vector.extract_strided_slice %parallel_loop3A_202#0 {offsets = [14], sizes = [1], strides = [1]} : vector<16xi32> to vector<1xi32>
    %squeeze3A_291 = vector.extract %slice3A_290[0] : i32 from vector<1xi32>
    %min3A_292 = arith.minsi %min3A_289, %squeeze3A_291 : i32
    %slice3A_293 = vector.extract_strided_slice %parallel_loop3A_202#0 {offsets = [15], sizes = [1], strides = [1]} : vector<16xi32> to vector<1xi32>
    %squeeze3A_294 = vector.extract %slice3A_293[0] : i32 from vector<1xi32>
    %min3A_295 = arith.minsi %min3A_292, %squeeze3A_294 : i32
    %slice3A_296 = vector.extract_strided_slice %parallel_loop3A_202#1 {offsets = [0], sizes = [1], strides = [1]} : vector<16xi32> to vector<1xi32>
    %squeeze3A_297 = vector.extract %slice3A_296[0] : i32 from vector<1xi32>
    %slice3A_298 = vector.extract_strided_slice %parallel_loop3A_202#1 {offsets = [1], sizes = [1], strides = [1]} : vector<16xi32> to vector<1xi32>
    %squeeze3A_299 = vector.extract %slice3A_298[0] : i32 from vector<1xi32>
    %max3A = arith.maxsi %squeeze3A_297, %squeeze3A_299 : i32
    %slice3A_300 = vector.extract_strided_slice %parallel_loop3A_202#1 {offsets = [2], sizes = [1], strides = [1]} : vector<16xi32> to vector<1xi32>
    %squeeze3A_301 = vector.extract %slice3A_300[0] : i32 from vector<1xi32>
    %max3A_302 = arith.maxsi %max3A, %squeeze3A_301 : i32
    %slice3A_303 = vector.extract_strided_slice %parallel_loop3A_202#1 {offsets = [3], sizes = [1], strides = [1]} : vector<16xi32> to vector<1xi32>
    %squeeze3A_304 = vector.extract %slice3A_303[0] : i32 from vector<1xi32>
    %max3A_305 = arith.maxsi %max3A_302, %squeeze3A_304 : i32
    %slice3A_306 = vector.extract_strided_slice %parallel_loop3A_202#1 {offsets = [4], sizes = [1], strides = [1]} : vector<16xi32> to vector<1xi32>
    %squeeze3A_307 = vector.extract %slice3A_306[0] : i32 from vector<1xi32>
    %max3A_308 = arith.maxsi %max3A_305, %squeeze3A_307 : i32
    %slice3A_309 = vector.extract_strided_slice %parallel_loop3A_202#1 {offsets = [5], sizes = [1], strides = [1]} : vector<16xi32> to vector<1xi32>
    %squeeze3A_310 = vector.extract %slice3A_309[0] : i32 from vector<1xi32>
    %max3A_311 = arith.maxsi %max3A_308, %squeeze3A_310 : i32
    %slice3A_312 = vector.extract_strided_slice %parallel_loop3A_202#1 {offsets = [6], sizes = [1], strides = [1]} : vector<16xi32> to vector<1xi32>
    %squeeze3A_313 = vector.extract %slice3A_312[0] : i32 from vector<1xi32>
    %max3A_314 = arith.maxsi %max3A_311, %squeeze3A_313 : i32
    %slice3A_315 = vector.extract_strided_slice %parallel_loop3A_202#1 {offsets = [7], sizes = [1], strides = [1]} : vector<16xi32> to vector<1xi32>
    %squeeze3A_316 = vector.extract %slice3A_315[0] : i32 from vector<1xi32>
    %max3A_317 = arith.maxsi %max3A_314, %squeeze3A_316 : i32
    %slice3A_318 = vector.extract_strided_slice %parallel_loop3A_202#1 {offsets = [8], sizes = [1], strides = [1]} : vector<16xi32> to vector<1xi32>
    %squeeze3A_319 = vector.extract %slice3A_318[0] : i32 from vector<1xi32>
    %max3A_320 = arith.maxsi %max3A_317, %squeeze3A_319 : i32
    %slice3A_321 = vector.extract_strided_slice %parallel_loop3A_202#1 {offsets = [9], sizes = [1], strides = [1]} : vector<16xi32> to vector<1xi32>
    %squeeze3A_322 = vector.extract %slice3A_321[0] : i32 from vector<1xi32>
    %max3A_323 = arith.maxsi %max3A_320, %squeeze3A_322 : i32
    %slice3A_324 = vector.extract_strided_slice %parallel_loop3A_202#1 {offsets = [10], sizes = [1], strides = [1]} : vector<16xi32> to vector<1xi32>
    %squeeze3A_325 = vector.extract %slice3A_324[0] : i32 from vector<1xi32>
    %max3A_326 = arith.maxsi %max3A_323, %squeeze3A_325 : i32
    %slice3A_327 = vector.extract_strided_slice %parallel_loop3A_202#1 {offsets = [11], sizes = [1], strides = [1]} : vector<16xi32> to vector<1xi32>
    %squeeze3A_328 = vector.extract %slice3A_327[0] : i32 from vector<1xi32>
    %max3A_329 = arith.maxsi %max3A_326, %squeeze3A_328 : i32
    %slice3A_330 = vector.extract_strided_slice %parallel_loop3A_202#1 {offsets = [12], sizes = [1], strides = [1]} : vector<16xi32> to vector<1xi32>
    %squeeze3A_331 = vector.extract %slice3A_330[0] : i32 from vector<1xi32>
    %max3A_332 = arith.maxsi %max3A_329, %squeeze3A_331 : i32
    %slice3A_333 = vector.extract_strided_slice %parallel_loop3A_202#1 {offsets = [13], sizes = [1], strides = [1]} : vector<16xi32> to vector<1xi32>
    %squeeze3A_334 = vector.extract %slice3A_333[0] : i32 from vector<1xi32>
    %max3A_335 = arith.maxsi %max3A_332, %squeeze3A_334 : i32
    %slice3A_336 = vector.extract_strided_slice %parallel_loop3A_202#1 {offsets = [14], sizes = [1], strides = [1]} : vector<16xi32> to vector<1xi32>
    %squeeze3A_337 = vector.extract %slice3A_336[0] : i32 from vector<1xi32>
    %max3A_338 = arith.maxsi %max3A_335, %squeeze3A_337 : i32
    %slice3A_339 = vector.extract_strided_slice %parallel_loop3A_202#1 {offsets = [15], sizes = [1], strides = [1]} : vector<16xi32> to vector<1xi32>
    %squeeze3A_340 = vector.extract %slice3A_339[0] : i32 from vector<1xi32>
    %max3A_341 = arith.maxsi %max3A_338, %squeeze3A_340 : i32
    %ge3A = arith.constant 16384 : i32
    "tpu.trace_stop"() : () -> ()
    %ge3A_342 = arith.cmpi sge, %add3A_249, %ge3A : i32
    %add3A_343 = arith.constant 1 : i32
    %add3A_344 = arith.addi %squeeze3A, %add3A_343 : i32
    %select_n3A = arith.select %ge3A_342, %min3A_295, %add3A_344 : i32
    %select_n3A_345 = arith.select %ge3A_342, %squeeze3A, %max3A_341 : i32
    %jit3A = arith.constant 0 : i32
    %select_n3A_346 = arith.select %ge3A_342, %jit3A, %add3A_249 : i32
    %jit3A_347 = arith.constant 32768 : i32
    %select_n3A_348 = arith.select %ge3A_342, %add3A_249, %jit3A_347 : i32
    %while3A = arith.constant 0 : i32
    "tpu.trace_start"() <{level = 10 : i32, message = "p2_search"}> : () -> ()
    %while3A_349:5 = scf.while (%while3A_1775 = %select_n3A, %while3A_1776 = %select_n3A_345, %while3A_1777 = %select_n3A_346, %while3A_1778 = %select_n3A_348, %while3A_1779 = %while3A) : (i32, i32, i32, i32, i32) -> (i32, i32, i32, i32, i32) {
      %lt3A_1780 = arith.cmpi slt, %while3A_1775, %while3A_1776 : i32
      scf.condition(%lt3A_1780) %while3A_1775, %while3A_1776, %while3A_1777, %while3A_1778, %while3A_1779 : i32, i32, i32, i32, i32
    } do {
    ^bb0(%while3A_1775: i32, %while3A_1776: i32, %while3A_1777: i32, %while3A_1778: i32, %while3A_1779: i32):
      %sub3A_1780 = arith.subi %while3A_1776, %while3A_1775 : i32
      %add3A_1781 = arith.constant 1 : i32
      %add3A_1782 = arith.addi %sub3A_1780, %add3A_1781 : i32
      %convert_element_type3A_1783 = arith.sitofp %add3A_1782 : i32 to f32
      %broadcast_in_dim3A_1784 = vector.broadcast %convert_element_type3A_1783 : f32 to vector<16xf32>
      %sub3A_1785 = arith.constant 16384 : i32
      %sub3A_1786 = arith.subi %sub3A_1785, %while3A_1777 : i32
      %convert_element_type3A_1787 = arith.sitofp %sub3A_1786 : i32 to f32
      %broadcast_in_dim3A_1788 = vector.broadcast %convert_element_type3A_1787 : f32 to vector<16xf32>
      %sub3A_1789 = arith.subi %while3A_1778, %while3A_1777 : i32
      %convert_element_type3A_1790 = arith.sitofp %sub3A_1789 : i32 to f32
      %broadcast_in_dim3A_1791 = vector.broadcast %convert_element_type3A_1790 : f32 to vector<16xf32>
      %sub3A_1792 = arith.constant 1 : i32
      %sub3A_1793 = arith.subi %while3A_1775, %sub3A_1792 : i32
      %div3A = arith.divf %broadcast_in_dim3A_1788, %broadcast_in_dim3A_1791 : vector<16xf32>
      %mul3A_1794 = arith.mulf %div3A, %broadcast_in_dim3A_1784 : vector<16xf32>
      %convert_element_type3A_1795 = arith.fptosi %mul3A_1794 : vector<16xf32> to vector<16xi32>
      %slice3A_1796 = vector.extract_strided_slice %convert_element_type3A_1795 {offsets = [0], sizes = [1], strides = [1]} : vector<16xi32> to vector<1xi32>
      %squeeze3A_1797 = vector.extract %slice3A_1796[0] : i32 from vector<1xi32>
      %add3A_1798 = arith.addi %sub3A_1793, %squeeze3A_1797 : i32
      %add3A_1799 = arith.addi %while3A_1775, %while3A_1776 : i32
      %shift_right_arithmetic3A = arith.constant 1 : i32
      %shift_right_arithmetic3A_1800 = arith.shrsi %add3A_1799, %shift_right_arithmetic3A : i32
      %rem3A = arith.constant 6 : i32
      %rem3A_1801 = arith.remsi %while3A_1779, %rem3A : i32
      %eq3A_1802 = arith.constant 5 : i32
      %eq3A_1803 = arith.cmpi eq, %rem3A_1801, %eq3A_1802 : i32
      %select_n3A_1804 = arith.select %eq3A_1803, %shift_right_arithmetic3A_1800, %add3A_1798 : i32
      %sub3A_1805 = arith.constant 1 : i32
      %sub3A_1806 = arith.subi %while3A_1776, %sub3A_1805 : i32
      %max3A_1807 = arith.maxsi %while3A_1775, %select_n3A_1804 : i32
      %min3A_1808 = arith.minsi %sub3A_1806, %max3A_1807 : i32
      %broadcast_in_dim3A_1809 = arith.constant 0 : i32
      %broadcast_in_dim3A_1810 = vector.broadcast %broadcast_in_dim3A_1809 : i32 to vector<16xi32>
      %parallel_loop3A_1811 = arith.constant 0 : i32
      %parallel_loop3A_1812 = arith.constant 2048 : i32
      %parallel_loop3A_1813 = arith.constant 1 : i32
      %parallel_loop3A_1814 = scf.for %parallel_loop3A_1827 = %parallel_loop3A_1811 to %parallel_loop3A_1812 step %parallel_loop3A_1813 iter_args(%parallel_loop3A_1828 = %broadcast_in_dim3A_1810) -> (vector<16xi32>)  : i32 {
        %parallel_loop3A_1829 = arith.constant 16 : i32
        %parallel_loop3A_1830 = arith.muli %parallel_loop3A_1827, %parallel_loop3A_1829 : i32
        %parallel_loop3A_1831 = arith.index_cast %parallel_loop3A_1830 : i32 to index
        %parallel_loop3A_1832 = tpu.vector_load %arg4[%parallel_loop3A_1831] {strides = array<i32>} : memref<32768xf32, #tpu.memory_space<vmem>>, vector<16xf32>,
        %parallel_loop3A_1833 = tpu.bitcast %parallel_loop3A_1832 : vector<16xf32> -> vector<16xi32>
        %parallel_loop3A_1834 = vector.broadcast %min3A_1808 : i32 to vector<16xi32>
        %parallel_loop3A_1835 = arith.cmpi sle, %parallel_loop3A_1833, %parallel_loop3A_1834 : vector<16xi32>
        %parallel_loop3A_1836 = tpu.all_reduce %parallel_loop3A_1835 {dim = 0 : i64, kind = #tpu.reduction_kind<sum>} : vector<16xi1> -> vector<16xi32>
        %parallel_loop3A_1837 = arith.addi %parallel_loop3A_1828, %parallel_loop3A_1836 : vector<16xi32>
        scf.yield %parallel_loop3A_1837 : vector<16xi32>
      } {sc.loop_unroll_factor = 8 : i64, sc.parallel_access}
      %slice3A_1815 = vector.extract_strided_slice %parallel_loop3A_1814 {offsets = [0], sizes = [1], strides = [1]} : vector<16xi32> to vector<1xi32>
      %squeeze3A_1816 = vector.extract %slice3A_1815[0] : i32 from vector<1xi32>
      %ge3A_1817 = arith.constant 16384 : i32
      %ge3A_1818 = arith.cmpi sge, %squeeze3A_1816, %ge3A_1817 : i32
      %add3A_1819 = arith.constant 1 : i32
      %add3A_1820 = arith.addi %min3A_1808, %add3A_1819 : i32
      %select_n3A_1821 = arith.select %ge3A_1818, %while3A_1775, %add3A_1820 : i32
      %select_n3A_1822 = arith.select %ge3A_1818, %min3A_1808, %while3A_1776 : i32
      %select_n3A_1823 = arith.select %ge3A_1818, %while3A_1777, %squeeze3A_1816 : i32
      %select_n3A_1824 = arith.select %ge3A_1818, %squeeze3A_1816, %while3A_1778 : i32
      %add3A_1825 = arith.constant 1 : i32
      %add3A_1826 = arith.addi %while3A_1779, %add3A_1825 : i32
      scf.yield %select_n3A_1821, %select_n3A_1822, %select_n3A_1823, %select_n3A_1824, %add3A_1826 : i32, i32, i32, i32, i32
    }
    "tpu.trace_stop"() : () -> ()
    %sub3A = arith.constant 16384 : i32
    %sub3A_350 = arith.subi %sub3A, %while3A_349#2 : i32
    %broadcast_in_dim3A_351 = arith.constant 0 : i32
    "tpu.trace_start"() <{level = 10 : i32, message = "p3_eq"}> : () -> ()
    %broadcast_in_dim3A_352 = vector.broadcast %broadcast_in_dim3A_351 : i32 to vector<16xi32>
    %parallel_loop3A_353 = arith.constant 0 : i32
    %parallel_loop3A_354 = arith.constant 256 : i32
    %parallel_loop3A_355 = arith.constant 1 : i32
    %parallel_loop3A_356 = scf.for %parallel_loop3A_1775 = %parallel_loop3A_353 to %parallel_loop3A_354 step %parallel_loop3A_355 iter_args(%parallel_loop3A_1776 = %broadcast_in_dim3A_352) -> (vector<16xi32>)  : i32 {
      %parallel_loop3A_1777 = arith.constant 128 : i32
      %parallel_loop3A_1778 = arith.muli %parallel_loop3A_1775, %parallel_loop3A_1777 : i32
      %parallel_loop3A_1779 = arith.constant 0 : i32
      %parallel_loop3A_1780 = vector.broadcast %parallel_loop3A_1779 : i32 to vector<16xi32>
      %parallel_loop3A_1781 = arith.constant 0 : i32
      %parallel_loop3A_1782 = arith.addi %parallel_loop3A_1778, %parallel_loop3A_1781 : i32
      %parallel_loop3A_1783 = arith.index_cast %parallel_loop3A_1782 : i32 to index
      %parallel_loop3A_1784 = tpu.vector_load %arg4[%parallel_loop3A_1783] {strides = array<i32>} : memref<32768xf32, #tpu.memory_space<vmem>>, vector<16xf32>,
      %parallel_loop3A_1785 = tpu.bitcast %parallel_loop3A_1784 : vector<16xf32> -> vector<16xi32>
      %parallel_loop3A_1786 = vector.broadcast %while3A_349#0 : i32 to vector<16xi32>
      %parallel_loop3A_1787 = arith.cmpi eq, %parallel_loop3A_1785, %parallel_loop3A_1786 : vector<16xi32>
      %parallel_loop3A_1788 = tpu.all_reduce %parallel_loop3A_1787 {dim = 0 : i64, kind = #tpu.reduction_kind<sum>} : vector<16xi1> -> vector<16xi32>
      %parallel_loop3A_1789 = arith.addi %parallel_loop3A_1780, %parallel_loop3A_1788 : vector<16xi32>
      %parallel_loop3A_1790 = arith.constant 16 : i32
      %parallel_loop3A_1791 = arith.addi %parallel_loop3A_1778, %parallel_loop3A_1790 : i32
      %parallel_loop3A_1792 = arith.index_cast %parallel_loop3A_1791 : i32 to index
      %parallel_loop3A_1793 = tpu.vector_load %arg4[%parallel_loop3A_1792] {strides = array<i32>} : memref<32768xf32, #tpu.memory_space<vmem>>, vector<16xf32>,
      %parallel_loop3A_1794 = tpu.bitcast %parallel_loop3A_1793 : vector<16xf32> -> vector<16xi32>
      %parallel_loop3A_1795 = vector.broadcast %while3A_349#0 : i32 to vector<16xi32>
      %parallel_loop3A_1796 = arith.cmpi eq, %parallel_loop3A_1794, %parallel_loop3A_1795 : vector<16xi32>
      %parallel_loop3A_1797 = tpu.all_reduce %parallel_loop3A_1796 {dim = 0 : i64, kind = #tpu.reduction_kind<sum>} : vector<16xi1> -> vector<16xi32>
      %parallel_loop3A_1798 = arith.addi %parallel_loop3A_1789, %parallel_loop3A_1797 : vector<16xi32>
      %parallel_loop3A_1799 = arith.constant 32 : i32
      %parallel_loop3A_1800 = arith.addi %parallel_loop3A_1778, %parallel_loop3A_1799 : i32
      %parallel_loop3A_1801 = arith.index_cast %parallel_loop3A_1800 : i32 to index
      %parallel_loop3A_1802 = tpu.vector_load %arg4[%parallel_loop3A_1801] {strides = array<i32>} : memref<32768xf32, #tpu.memory_space<vmem>>, vector<16xf32>,
      %parallel_loop3A_1803 = tpu.bitcast %parallel_loop3A_1802 : vector<16xf32> -> vector<16xi32>
      %parallel_loop3A_1804 = vector.broadcast %while3A_349#0 : i32 to vector<16xi32>
      %parallel_loop3A_1805 = arith.cmpi eq, %parallel_loop3A_1803, %parallel_loop3A_1804 : vector<16xi32>
      %parallel_loop3A_1806 = tpu.all_reduce %parallel_loop3A_1805 {dim = 0 : i64, kind = #tpu.reduction_kind<sum>} : vector<16xi1> -> vector<16xi32>
      %parallel_loop3A_1807 = arith.addi %parallel_loop3A_1798, %parallel_loop3A_1806 : vector<16xi32>
      %parallel_loop3A_1808 = arith.constant 48 : i32
      %parallel_loop3A_1809 = arith.addi %parallel_loop3A_1778, %parallel_loop3A_1808 : i32
      %parallel_loop3A_1810 = arith.index_cast %parallel_loop3A_1809 : i32 to index
      %parallel_loop3A_1811 = tpu.vector_load %arg4[%parallel_loop3A_1810] {strides = array<i32>} : memref<32768xf32, #tpu.memory_space<vmem>>, vector<16xf32>,
      %parallel_loop3A_1812 = tpu.bitcast %parallel_loop3A_1811 : vector<16xf32> -> vector<16xi32>
      %parallel_loop3A_1813 = vector.broadcast %while3A_349#0 : i32 to vector<16xi32>
      %parallel_loop3A_1814 = arith.cmpi eq, %parallel_loop3A_1812, %parallel_loop3A_1813 : vector<16xi32>
      %parallel_loop3A_1815 = tpu.all_reduce %parallel_loop3A_1814 {dim = 0 : i64, kind = #tpu.reduction_kind<sum>} : vector<16xi1> -> vector<16xi32>
      %parallel_loop3A_1816 = arith.addi %parallel_loop3A_1807, %parallel_loop3A_1815 : vector<16xi32>
      %parallel_loop3A_1817 = arith.constant 64 : i32
      %parallel_loop3A_1818 = arith.addi %parallel_loop3A_1778, %parallel_loop3A_1817 : i32
      %parallel_loop3A_1819 = arith.index_cast %parallel_loop3A_1818 : i32 to index
      %parallel_loop3A_1820 = tpu.vector_load %arg4[%parallel_loop3A_1819] {strides = array<i32>} : memref<32768xf32, #tpu.memory_space<vmem>>, vector<16xf32>,
      %parallel_loop3A_1821 = tpu.bitcast %parallel_loop3A_1820 : vector<16xf32> -> vector<16xi32>
      %parallel_loop3A_1822 = vector.broadcast %while3A_349#0 : i32 to vector<16xi32>
      %parallel_loop3A_1823 = arith.cmpi eq, %parallel_loop3A_1821, %parallel_loop3A_1822 : vector<16xi32>
      %parallel_loop3A_1824 = tpu.all_reduce %parallel_loop3A_1823 {dim = 0 : i64, kind = #tpu.reduction_kind<sum>} : vector<16xi1> -> vector<16xi32>
      %parallel_loop3A_1825 = arith.addi %parallel_loop3A_1816, %parallel_loop3A_1824 : vector<16xi32>
      %parallel_loop3A_1826 = arith.constant 80 : i32
      %parallel_loop3A_1827 = arith.addi %parallel_loop3A_1778, %parallel_loop3A_1826 : i32
      %parallel_loop3A_1828 = arith.index_cast %parallel_loop3A_1827 : i32 to index
      %parallel_loop3A_1829 = tpu.vector_load %arg4[%parallel_loop3A_1828] {strides = array<i32>} : memref<32768xf32, #tpu.memory_space<vmem>>, vector<16xf32>,
      %parallel_loop3A_1830 = tpu.bitcast %parallel_loop3A_1829 : vector<16xf32> -> vector<16xi32>
      %parallel_loop3A_1831 = vector.broadcast %while3A_349#0 : i32 to vector<16xi32>
      %parallel_loop3A_1832 = arith.cmpi eq, %parallel_loop3A_1830, %parallel_loop3A_1831 : vector<16xi32>
      %parallel_loop3A_1833 = tpu.all_reduce %parallel_loop3A_1832 {dim = 0 : i64, kind = #tpu.reduction_kind<sum>} : vector<16xi1> -> vector<16xi32>
      %parallel_loop3A_1834 = arith.addi %parallel_loop3A_1825, %parallel_loop3A_1833 : vector<16xi32>
      %parallel_loop3A_1835 = arith.constant 96 : i32
      %parallel_loop3A_1836 = arith.addi %parallel_loop3A_1778, %parallel_loop3A_1835 : i32
      %parallel_loop3A_1837 = arith.index_cast %parallel_loop3A_1836 : i32 to index
      %parallel_loop3A_1838 = tpu.vector_load %arg4[%parallel_loop3A_1837] {strides = array<i32>} : memref<32768xf32, #tpu.memory_space<vmem>>, vector<16xf32>,
      %parallel_loop3A_1839 = tpu.bitcast %parallel_loop3A_1838 : vector<16xf32> -> vector<16xi32>
      %parallel_loop3A_1840 = vector.broadcast %while3A_349#0 : i32 to vector<16xi32>
      %parallel_loop3A_1841 = arith.cmpi eq, %parallel_loop3A_1839, %parallel_loop3A_1840 : vector<16xi32>
      %parallel_loop3A_1842 = tpu.all_reduce %parallel_loop3A_1841 {dim = 0 : i64, kind = #tpu.reduction_kind<sum>} : vector<16xi1> -> vector<16xi32>
      %parallel_loop3A_1843 = arith.addi %parallel_loop3A_1834, %parallel_loop3A_1842 : vector<16xi32>
      %parallel_loop3A_1844 = arith.constant 112 : i32
      %parallel_loop3A_1845 = arith.addi %parallel_loop3A_1778, %parallel_loop3A_1844 : i32
      %parallel_loop3A_1846 = arith.index_cast %parallel_loop3A_1845 : i32 to index
      %parallel_loop3A_1847 = tpu.vector_load %arg4[%parallel_loop3A_1846] {strides = array<i32>} : memref<32768xf32, #tpu.memory_space<vmem>>, vector<16xf32>,
      %parallel_loop3A_1848 = tpu.bitcast %parallel_loop3A_1847 : vector<16xf32> -> vector<16xi32>
      %parallel_loop3A_1849 = vector.broadcast %while3A_349#0 : i32 to vector<16xi32>
      %parallel_loop3A_1850 = arith.cmpi eq, %parallel_loop3A_1848, %parallel_loop3A_1849 : vector<16xi32>
      %parallel_loop3A_1851 = tpu.all_reduce %parallel_loop3A_1850 {dim = 0 : i64, kind = #tpu.reduction_kind<sum>} : vector<16xi1> -> vector<16xi32>
      %parallel_loop3A_1852 = arith.addi %parallel_loop3A_1843, %parallel_loop3A_1851 : vector<16xi32>
      %parallel_loop3A_1853 = arith.addi %parallel_loop3A_1776, %parallel_loop3A_1852 : vector<16xi32>
      %parallel_loop3A_1854 = arith.constant 16 : i32
      %parallel_loop3A_1855 = arith.muli %parallel_loop3A_1775, %parallel_loop3A_1854 : i32
      %parallel_loop3A_1856 = arith.index_cast %parallel_loop3A_1855 : i32 to index
      %parallel_loop3A_1857 = tpu.vector_load %arg5[%parallel_loop3A_1856] {strides = array<i32>} : memref<4096xi32, #tpu.memory_space<vmem>>, vector<16xi32>,
      tpu.vector_store %arg5[%parallel_loop3A_1856], %parallel_loop3A_1853 {strides = array<i32>} : memref<4096xi32, #tpu.memory_space<vmem>>, vector<16xi32>,
      scf.yield %parallel_loop3A_1853 : vector<16xi32>
    } {sc.loop_unroll_factor = 2 : i64, sc.parallel_access}
    %while3A_357 = arith.constant 0 : i32
    %while3A_358 = arith.constant 255 : i32
    "tpu.trace_stop"() : () -> ()
    "tpu.trace_start"() <{level = 10 : i32, message = "p4_gscan"}> : () -> ()
    %while3A_359:2 = scf.while (%while3A_1775 = %while3A_357, %while3A_1776 = %while3A_358) : (i32, i32) -> (i32, i32) {
      %lt3A_1777 = arith.cmpi slt, %while3A_1775, %while3A_1776 : i32
      scf.condition(%lt3A_1777) %while3A_1775, %while3A_1776 : i32, i32
    } do {
    ^bb0(%while3A_1775: i32, %while3A_1776: i32):
      %add3A_1777 = arith.addi %while3A_1775, %while3A_1776 : i32
      %shift_right_arithmetic3A = arith.constant 1 : i32
      %shift_right_arithmetic3A_1778 = arith.shrsi %add3A_1777, %shift_right_arithmetic3A : i32
      %mul3A_1779 = arith.constant 16 : i32
      %mul3A_1780 = arith.muli %shift_right_arithmetic3A_1778, %mul3A_1779 : i32
      %get3A_1781 = arith.index_cast %mul3A_1780 : i32 to index
      %get3A_1782 = tpu.vector_load %arg5[%get3A_1781] {strides = array<i32>} : memref<4096xi32, #tpu.memory_space<vmem>>, vector<16xi32>,
      %slice3A_1783 = vector.extract_strided_slice %get3A_1782 {offsets = [0], sizes = [1], strides = [1]} : vector<16xi32> to vector<1xi32>
      %squeeze3A_1784 = vector.extract %slice3A_1783[0] : i32 from vector<1xi32>
      %ge3A_1785 = arith.cmpi sge, %squeeze3A_1784, %sub3A_350 : i32
      %add3A_1786 = arith.constant 1 : i32
      %add3A_1787 = arith.addi %shift_right_arithmetic3A_1778, %add3A_1786 : i32
      %select_n3A_1788 = arith.select %ge3A_1785, %while3A_1775, %add3A_1787 : i32
      %select_n3A_1789 = arith.select %ge3A_1785, %shift_right_arithmetic3A_1778, %while3A_1776 : i32
      scf.yield %select_n3A_1788, %select_n3A_1789 : i32, i32
    }
    %gt3A = arith.constant 0 : i32
    %gt3A_360 = arith.cmpi sgt, %while3A_359#0, %gt3A : i32
    %sub3A_361 = arith.constant 1 : i32
    %sub3A_362 = arith.subi %while3A_359#0, %sub3A_361 : i32
    %max3A_363 = arith.constant 0 : i32
    %max3A_364 = arith.maxsi %sub3A_362, %max3A_363 : i32
    %mul3A_365 = arith.constant 16 : i32
    %mul3A_366 = arith.muli %max3A_364, %mul3A_365 : i32
    %get3A_367 = arith.index_cast %mul3A_366 : i32 to index
    %get3A_368 = tpu.vector_load %arg5[%get3A_367] {strides = array<i32>} : memref<4096xi32, #tpu.memory_space<vmem>>, vector<16xi32>,
    %slice3A_369 = vector.extract_strided_slice %get3A_368 {offsets = [0], sizes = [1], strides = [1]} : vector<16xi32> to vector<1xi32>
    %squeeze3A_370 = vector.extract %slice3A_369[0] : i32 from vector<1xi32>
    %jit3A_371 = arith.constant 0 : i32
    %select_n3A_372 = arith.select %gt3A_360, %squeeze3A_370, %jit3A_371 : i32
    %sub3A_373 = arith.subi %sub3A_350, %select_n3A_372 : i32
    %broadcast_in_dim3A_374 = vector.broadcast %sub3A_373 : i32 to vector<16xi32>
    %broadcast_in_dim3A_375 = arith.constant 0 : i32
    %broadcast_in_dim3A_376 = vector.broadcast %broadcast_in_dim3A_375 : i32 to vector<16xi32>
    %broadcast_in_dim3A_377 = arith.constant -1 : i32
    %broadcast_in_dim3A_378 = vector.broadcast %broadcast_in_dim3A_377 : i32 to vector<16xi32>
    %mul3A_379 = arith.constant 128 : i32
    %mul3A_380 = arith.muli %while3A_359#0, %mul3A_379 : i32
    %add3A_381 = arith.constant 0 : i32
    %add3A_382 = arith.addi %mul3A_380, %add3A_381 : i32
    %get3A_383 = arith.index_cast %add3A_382 : i32 to index
    %get3A_384 = tpu.vector_load %arg4[%get3A_383] {strides = array<i32>} : memref<32768xf32, #tpu.memory_space<vmem>>, vector<16xf32>,
    %bitcast_convert_type3A_385 = tpu.bitcast %get3A_384 : vector<16xf32> -> vector<16xi32>
    %eq3A = vector.broadcast %while3A_349#0 : i32 to vector<16xi32>
    %eq3A_386 = arith.cmpi eq, %bitcast_convert_type3A_385, %eq3A : vector<16xi32>
    %all_reduce_population_count3A = tpu.all_reduce %eq3A_386 {dim = 0 : i64, kind = #tpu.reduction_kind<sum>} : vector<16xi1> -> vector<16xi32>
    %lt3A = arith.constant 0 : i32
    %lt3A_387 = vector.broadcast %lt3A : i32 to vector<16xi32>
    %lt3A_388 = arith.cmpi slt, %broadcast_in_dim3A_378, %lt3A_387 : vector<16xi32>
    %add3A_389 = arith.addi %broadcast_in_dim3A_376, %all_reduce_population_count3A : vector<16xi32>
    %ge3A_390 = arith.cmpi sge, %add3A_389, %broadcast_in_dim3A_374 : vector<16xi32>
    %and3A = arith.andi %lt3A_388, %ge3A_390 : vector<16xi1>
    %sub3A_391 = arith.subi %broadcast_in_dim3A_374, %broadcast_in_dim3A_376 : vector<16xi32>
    %broadcast_in_dim3A_392 = arith.constant 1 : i32
    %broadcast_in_dim3A_393 = vector.broadcast %broadcast_in_dim3A_392 : i32 to vector<16xi32>
    %lt3A_394 = arith.cmpi slt, %broadcast_in_dim3A_393, %sub3A_391 : vector<16xi32>
    %all_reduce_ffs3A = tpu.all_reduce %eq3A_386 {dim = 0 : i64, kind = #tpu.reduction_kind<find_first_set>} : vector<16xi1> -> vector<16xi32>
    %eq3A_395 = arith.cmpi eq, %iota3A, %all_reduce_ffs3A : vector<16xi32>
    %and3A_396 = arith.andi %lt3A_394, %eq3A_395 : vector<16xi1>
    %not3A = arith.constant dense<true> : vector<16xi1>
    %not3A_397 = arith.xori %and3A_396, %not3A : vector<16xi1>
    %and3A_398 = arith.andi %eq3A_386, %not3A_397 : vector<16xi1>
    %broadcast_in_dim3A_399 = arith.constant 2 : i32
    %broadcast_in_dim3A_400 = vector.broadcast %broadcast_in_dim3A_399 : i32 to vector<16xi32>
    %lt3A_401 = arith.cmpi slt, %broadcast_in_dim3A_400, %sub3A_391 : vector<16xi32>
    %all_reduce_ffs3A_402 = tpu.all_reduce %and3A_398 {dim = 0 : i64, kind = #tpu.reduction_kind<find_first_set>} : vector<16xi1> -> vector<16xi32>
    %eq3A_403 = arith.cmpi eq, %iota3A, %all_reduce_ffs3A_402 : vector<16xi32>
    %and3A_404 = arith.andi %lt3A_401, %eq3A_403 : vector<16xi1>
    %not3A_405 = arith.constant dense<true> : vector<16xi1>
    %not3A_406 = arith.xori %and3A_404, %not3A_405 : vector<16xi1>
    %and3A_407 = arith.andi %and3A_398, %not3A_406 : vector<16xi1>
    %broadcast_in_dim3A_408 = arith.constant 3 : i32
    %broadcast_in_dim3A_409 = vector.broadcast %broadcast_in_dim3A_408 : i32 to vector<16xi32>
    %lt3A_410 = arith.cmpi slt, %broadcast_in_dim3A_409, %sub3A_391 : vector<16xi32>
    %all_reduce_ffs3A_411 = tpu.all_reduce %and3A_407 {dim = 0 : i64, kind = #tpu.reduction_kind<find_first_set>} : vector<16xi1> -> vector<16xi32>
    %eq3A_412 = arith.cmpi eq, %iota3A, %all_reduce_ffs3A_411 : vector<16xi32>
    %and3A_413 = arith.andi %lt3A_410, %eq3A_412 : vector<16xi1>
    %not3A_414 = arith.constant dense<true> : vector<16xi1>
    %not3A_415 = arith.xori %and3A_413, %not3A_414 : vector<16xi1>
    %and3A_416 = arith.andi %and3A_407, %not3A_415 : vector<16xi1>
    %broadcast_in_dim3A_417 = arith.constant 4 : i32
    %broadcast_in_dim3A_418 = vector.broadcast %broadcast_in_dim3A_417 : i32 to vector<16xi32>
    %lt3A_419 = arith.cmpi slt, %broadcast_in_dim3A_418, %sub3A_391 : vector<16xi32>
    %all_reduce_ffs3A_420 = tpu.all_reduce %and3A_416 {dim = 0 : i64, kind = #tpu.reduction_kind<find_first_set>} : vector<16xi1> -> vector<16xi32>
    %eq3A_421 = arith.cmpi eq, %iota3A, %all_reduce_ffs3A_420 : vector<16xi32>
    %and3A_422 = arith.andi %lt3A_419, %eq3A_421 : vector<16xi1>
    %not3A_423 = arith.constant dense<true> : vector<16xi1>
    %not3A_424 = arith.xori %and3A_422, %not3A_423 : vector<16xi1>
    %and3A_425 = arith.andi %and3A_416, %not3A_424 : vector<16xi1>
    %broadcast_in_dim3A_426 = arith.constant 5 : i32
    %broadcast_in_dim3A_427 = vector.broadcast %broadcast_in_dim3A_426 : i32 to vector<16xi32>
    %lt3A_428 = arith.cmpi slt, %broadcast_in_dim3A_427, %sub3A_391 : vector<16xi32>
    %all_reduce_ffs3A_429 = tpu.all_reduce %and3A_425 {dim = 0 : i64, kind = #tpu.reduction_kind<find_first_set>} : vector<16xi1> -> vector<16xi32>
    %eq3A_430 = arith.cmpi eq, %iota3A, %all_reduce_ffs3A_429 : vector<16xi32>
    %and3A_431 = arith.andi %lt3A_428, %eq3A_430 : vector<16xi1>
    %not3A_432 = arith.constant dense<true> : vector<16xi1>
    %not3A_433 = arith.xori %and3A_431, %not3A_432 : vector<16xi1>
    %and3A_434 = arith.andi %and3A_425, %not3A_433 : vector<16xi1>
    %broadcast_in_dim3A_435 = arith.constant 6 : i32
    %broadcast_in_dim3A_436 = vector.broadcast %broadcast_in_dim3A_435 : i32 to vector<16xi32>
    %lt3A_437 = arith.cmpi slt, %broadcast_in_dim3A_436, %sub3A_391 : vector<16xi32>
    %all_reduce_ffs3A_438 = tpu.all_reduce %and3A_434 {dim = 0 : i64, kind = #tpu.reduction_kind<find_first_set>} : vector<16xi1> -> vector<16xi32>
    %eq3A_439 = arith.cmpi eq, %iota3A, %all_reduce_ffs3A_438 : vector<16xi32>
    %and3A_440 = arith.andi %lt3A_437, %eq3A_439 : vector<16xi1>
    %not3A_441 = arith.constant dense<true> : vector<16xi1>
    %not3A_442 = arith.xori %and3A_440, %not3A_441 : vector<16xi1>
    %and3A_443 = arith.andi %and3A_434, %not3A_442 : vector<16xi1>
    %broadcast_in_dim3A_444 = arith.constant 7 : i32
    %broadcast_in_dim3A_445 = vector.broadcast %broadcast_in_dim3A_444 : i32 to vector<16xi32>
    %lt3A_446 = arith.cmpi slt, %broadcast_in_dim3A_445, %sub3A_391 : vector<16xi32>
    %all_reduce_ffs3A_447 = tpu.all_reduce %and3A_443 {dim = 0 : i64, kind = #tpu.reduction_kind<find_first_set>} : vector<16xi1> -> vector<16xi32>
    %eq3A_448 = arith.cmpi eq, %iota3A, %all_reduce_ffs3A_447 : vector<16xi32>
    %and3A_449 = arith.andi %lt3A_446, %eq3A_448 : vector<16xi1>
    %not3A_450 = arith.constant dense<true> : vector<16xi1>
    %not3A_451 = arith.xori %and3A_449, %not3A_450 : vector<16xi1>
    %and3A_452 = arith.andi %and3A_443, %not3A_451 : vector<16xi1>
    %broadcast_in_dim3A_453 = arith.constant 8 : i32
    %broadcast_in_dim3A_454 = vector.broadcast %broadcast_in_dim3A_453 : i32 to vector<16xi32>
    %lt3A_455 = arith.cmpi slt, %broadcast_in_dim3A_454, %sub3A_391 : vector<16xi32>
    %all_reduce_ffs3A_456 = tpu.all_reduce %and3A_452 {dim = 0 : i64, kind = #tpu.reduction_kind<find_first_set>} : vector<16xi1> -> vector<16xi32>
    %eq3A_457 = arith.cmpi eq, %iota3A, %all_reduce_ffs3A_456 : vector<16xi32>
    %and3A_458 = arith.andi %lt3A_455, %eq3A_457 : vector<16xi1>
    %not3A_459 = arith.constant dense<true> : vector<16xi1>
    %not3A_460 = arith.xori %and3A_458, %not3A_459 : vector<16xi1>
    %and3A_461 = arith.andi %and3A_452, %not3A_460 : vector<16xi1>
    %broadcast_in_dim3A_462 = arith.constant 9 : i32
    %broadcast_in_dim3A_463 = vector.broadcast %broadcast_in_dim3A_462 : i32 to vector<16xi32>
    %lt3A_464 = arith.cmpi slt, %broadcast_in_dim3A_463, %sub3A_391 : vector<16xi32>
    %all_reduce_ffs3A_465 = tpu.all_reduce %and3A_461 {dim = 0 : i64, kind = #tpu.reduction_kind<find_first_set>} : vector<16xi1> -> vector<16xi32>
    %eq3A_466 = arith.cmpi eq, %iota3A, %all_reduce_ffs3A_465 : vector<16xi32>
    %and3A_467 = arith.andi %lt3A_464, %eq3A_466 : vector<16xi1>
    %not3A_468 = arith.constant dense<true> : vector<16xi1>
    %not3A_469 = arith.xori %and3A_467, %not3A_468 : vector<16xi1>
    %and3A_470 = arith.andi %and3A_461, %not3A_469 : vector<16xi1>
    %broadcast_in_dim3A_471 = arith.constant 10 : i32
    %broadcast_in_dim3A_472 = vector.broadcast %broadcast_in_dim3A_471 : i32 to vector<16xi32>
    %lt3A_473 = arith.cmpi slt, %broadcast_in_dim3A_472, %sub3A_391 : vector<16xi32>
    %all_reduce_ffs3A_474 = tpu.all_reduce %and3A_470 {dim = 0 : i64, kind = #tpu.reduction_kind<find_first_set>} : vector<16xi1> -> vector<16xi32>
    %eq3A_475 = arith.cmpi eq, %iota3A, %all_reduce_ffs3A_474 : vector<16xi32>
    %and3A_476 = arith.andi %lt3A_473, %eq3A_475 : vector<16xi1>
    %not3A_477 = arith.constant dense<true> : vector<16xi1>
    %not3A_478 = arith.xori %and3A_476, %not3A_477 : vector<16xi1>
    %and3A_479 = arith.andi %and3A_470, %not3A_478 : vector<16xi1>
    %broadcast_in_dim3A_480 = arith.constant 11 : i32
    %broadcast_in_dim3A_481 = vector.broadcast %broadcast_in_dim3A_480 : i32 to vector<16xi32>
    %lt3A_482 = arith.cmpi slt, %broadcast_in_dim3A_481, %sub3A_391 : vector<16xi32>
    %all_reduce_ffs3A_483 = tpu.all_reduce %and3A_479 {dim = 0 : i64, kind = #tpu.reduction_kind<find_first_set>} : vector<16xi1> -> vector<16xi32>
    %eq3A_484 = arith.cmpi eq, %iota3A, %all_reduce_ffs3A_483 : vector<16xi32>
    %and3A_485 = arith.andi %lt3A_482, %eq3A_484 : vector<16xi1>
    %not3A_486 = arith.constant dense<true> : vector<16xi1>
    %not3A_487 = arith.xori %and3A_485, %not3A_486 : vector<16xi1>
    %and3A_488 = arith.andi %and3A_479, %not3A_487 : vector<16xi1>
    %broadcast_in_dim3A_489 = arith.constant 12 : i32
    %broadcast_in_dim3A_490 = vector.broadcast %broadcast_in_dim3A_489 : i32 to vector<16xi32>
    %lt3A_491 = arith.cmpi slt, %broadcast_in_dim3A_490, %sub3A_391 : vector<16xi32>
    %all_reduce_ffs3A_492 = tpu.all_reduce %and3A_488 {dim = 0 : i64, kind = #tpu.reduction_kind<find_first_set>} : vector<16xi1> -> vector<16xi32>
    %eq3A_493 = arith.cmpi eq, %iota3A, %all_reduce_ffs3A_492 : vector<16xi32>
    %and3A_494 = arith.andi %lt3A_491, %eq3A_493 : vector<16xi1>
    %not3A_495 = arith.constant dense<true> : vector<16xi1>
    %not3A_496 = arith.xori %and3A_494, %not3A_495 : vector<16xi1>
    %and3A_497 = arith.andi %and3A_488, %not3A_496 : vector<16xi1>
    %broadcast_in_dim3A_498 = arith.constant 13 : i32
    %broadcast_in_dim3A_499 = vector.broadcast %broadcast_in_dim3A_498 : i32 to vector<16xi32>
    %lt3A_500 = arith.cmpi slt, %broadcast_in_dim3A_499, %sub3A_391 : vector<16xi32>
    %all_reduce_ffs3A_501 = tpu.all_reduce %and3A_497 {dim = 0 : i64, kind = #tpu.reduction_kind<find_first_set>} : vector<16xi1> -> vector<16xi32>
    %eq3A_502 = arith.cmpi eq, %iota3A, %all_reduce_ffs3A_501 : vector<16xi32>
    %and3A_503 = arith.andi %lt3A_500, %eq3A_502 : vector<16xi1>
    %not3A_504 = arith.constant dense<true> : vector<16xi1>
    %not3A_505 = arith.xori %and3A_503, %not3A_504 : vector<16xi1>
    %and3A_506 = arith.andi %and3A_497, %not3A_505 : vector<16xi1>
    %broadcast_in_dim3A_507 = arith.constant 14 : i32
    %broadcast_in_dim3A_508 = vector.broadcast %broadcast_in_dim3A_507 : i32 to vector<16xi32>
    %lt3A_509 = arith.cmpi slt, %broadcast_in_dim3A_508, %sub3A_391 : vector<16xi32>
    %all_reduce_ffs3A_510 = tpu.all_reduce %and3A_506 {dim = 0 : i64, kind = #tpu.reduction_kind<find_first_set>} : vector<16xi1> -> vector<16xi32>
    %eq3A_511 = arith.cmpi eq, %iota3A, %all_reduce_ffs3A_510 : vector<16xi32>
    %and3A_512 = arith.andi %lt3A_509, %eq3A_511 : vector<16xi1>
    %not3A_513 = arith.constant dense<true> : vector<16xi1>
    %not3A_514 = arith.xori %and3A_512, %not3A_513 : vector<16xi1>
    %and3A_515 = arith.andi %and3A_506, %not3A_514 : vector<16xi1>
    %broadcast_in_dim3A_516 = arith.constant 15 : i32
    %broadcast_in_dim3A_517 = vector.broadcast %broadcast_in_dim3A_516 : i32 to vector<16xi32>
    %lt3A_518 = arith.cmpi slt, %broadcast_in_dim3A_517, %sub3A_391 : vector<16xi32>
    %all_reduce_ffs3A_519 = tpu.all_reduce %and3A_515 {dim = 0 : i64, kind = #tpu.reduction_kind<find_first_set>} : vector<16xi1> -> vector<16xi32>
    %eq3A_520 = arith.cmpi eq, %iota3A, %all_reduce_ffs3A_519 : vector<16xi32>
    %and3A_521 = arith.andi %lt3A_518, %eq3A_520 : vector<16xi1>
    %not3A_522 = arith.constant dense<true> : vector<16xi1>
    %not3A_523 = arith.xori %and3A_521, %not3A_522 : vector<16xi1>
    %and3A_524 = arith.andi %and3A_515, %not3A_523 : vector<16xi1>
    %all_reduce_ffs3A_525 = tpu.all_reduce %and3A_524 {dim = 0 : i64, kind = #tpu.reduction_kind<find_first_set>} : vector<16xi1> -> vector<16xi32>
    %add3A_526 = arith.constant 0 : i32
    %add3A_527 = arith.addi %mul3A_380, %add3A_526 : i32
    %add3A_528 = vector.broadcast %add3A_527 : i32 to vector<16xi32>
    %add3A_529 = arith.addi %all_reduce_ffs3A_525, %add3A_528 : vector<16xi32>
    %select_n3A_530 = arith.select %and3A, %add3A_529, %broadcast_in_dim3A_378 : vector<16xi1>, vector<16xi32>
    %add3A_531 = arith.addi %broadcast_in_dim3A_376, %all_reduce_population_count3A : vector<16xi32>
    %add3A_532 = arith.constant 16 : i32
    %add3A_533 = arith.addi %mul3A_380, %add3A_532 : i32
    %get3A_534 = arith.index_cast %add3A_533 : i32 to index
    %get3A_535 = tpu.vector_load %arg4[%get3A_534] {strides = array<i32>} : memref<32768xf32, #tpu.memory_space<vmem>>, vector<16xf32>,
    %bitcast_convert_type3A_536 = tpu.bitcast %get3A_535 : vector<16xf32> -> vector<16xi32>
    %eq3A_537 = vector.broadcast %while3A_349#0 : i32 to vector<16xi32>
    %eq3A_538 = arith.cmpi eq, %bitcast_convert_type3A_536, %eq3A_537 : vector<16xi32>
    %all_reduce_population_count3A_539 = tpu.all_reduce %eq3A_538 {dim = 0 : i64, kind = #tpu.reduction_kind<sum>} : vector<16xi1> -> vector<16xi32>
    %lt3A_540 = arith.constant 0 : i32
    %lt3A_541 = vector.broadcast %lt3A_540 : i32 to vector<16xi32>
    %lt3A_542 = arith.cmpi slt, %select_n3A_530, %lt3A_541 : vector<16xi32>
    %add3A_543 = arith.addi %add3A_531, %all_reduce_population_count3A_539 : vector<16xi32>
    %ge3A_544 = arith.cmpi sge, %add3A_543, %broadcast_in_dim3A_374 : vector<16xi32>
    %and3A_545 = arith.andi %lt3A_542, %ge3A_544 : vector<16xi1>
    %sub3A_546 = arith.subi %broadcast_in_dim3A_374, %add3A_531 : vector<16xi32>
    %broadcast_in_dim3A_547 = arith.constant 1 : i32
    %broadcast_in_dim3A_548 = vector.broadcast %broadcast_in_dim3A_547 : i32 to vector<16xi32>
    %lt3A_549 = arith.cmpi slt, %broadcast_in_dim3A_548, %sub3A_546 : vector<16xi32>
    %all_reduce_ffs3A_550 = tpu.all_reduce %eq3A_538 {dim = 0 : i64, kind = #tpu.reduction_kind<find_first_set>} : vector<16xi1> -> vector<16xi32>
    %eq3A_551 = arith.cmpi eq, %iota3A, %all_reduce_ffs3A_550 : vector<16xi32>
    %and3A_552 = arith.andi %lt3A_549, %eq3A_551 : vector<16xi1>
    %not3A_553 = arith.constant dense<true> : vector<16xi1>
    %not3A_554 = arith.xori %and3A_552, %not3A_553 : vector<16xi1>
    %and3A_555 = arith.andi %eq3A_538, %not3A_554 : vector<16xi1>
    %broadcast_in_dim3A_556 = arith.constant 2 : i32
    %broadcast_in_dim3A_557 = vector.broadcast %broadcast_in_dim3A_556 : i32 to vector<16xi32>
    %lt3A_558 = arith.cmpi slt, %broadcast_in_dim3A_557, %sub3A_546 : vector<16xi32>
    %all_reduce_ffs3A_559 = tpu.all_reduce %and3A_555 {dim = 0 : i64, kind = #tpu.reduction_kind<find_first_set>} : vector<16xi1> -> vector<16xi32>
    %eq3A_560 = arith.cmpi eq, %iota3A, %all_reduce_ffs3A_559 : vector<16xi32>
    %and3A_561 = arith.andi %lt3A_558, %eq3A_560 : vector<16xi1>
    %not3A_562 = arith.constant dense<true> : vector<16xi1>
    %not3A_563 = arith.xori %and3A_561, %not3A_562 : vector<16xi1>
    %and3A_564 = arith.andi %and3A_555, %not3A_563 : vector<16xi1>
    %broadcast_in_dim3A_565 = arith.constant 3 : i32
    %broadcast_in_dim3A_566 = vector.broadcast %broadcast_in_dim3A_565 : i32 to vector<16xi32>
    %lt3A_567 = arith.cmpi slt, %broadcast_in_dim3A_566, %sub3A_546 : vector<16xi32>
    %all_reduce_ffs3A_568 = tpu.all_reduce %and3A_564 {dim = 0 : i64, kind = #tpu.reduction_kind<find_first_set>} : vector<16xi1> -> vector<16xi32>
    %eq3A_569 = arith.cmpi eq, %iota3A, %all_reduce_ffs3A_568 : vector<16xi32>
    %and3A_570 = arith.andi %lt3A_567, %eq3A_569 : vector<16xi1>
    %not3A_571 = arith.constant dense<true> : vector<16xi1>
    %not3A_572 = arith.xori %and3A_570, %not3A_571 : vector<16xi1>
    %and3A_573 = arith.andi %and3A_564, %not3A_572 : vector<16xi1>
    %broadcast_in_dim3A_574 = arith.constant 4 : i32
    %broadcast_in_dim3A_575 = vector.broadcast %broadcast_in_dim3A_574 : i32 to vector<16xi32>
    %lt3A_576 = arith.cmpi slt, %broadcast_in_dim3A_575, %sub3A_546 : vector<16xi32>
    %all_reduce_ffs3A_577 = tpu.all_reduce %and3A_573 {dim = 0 : i64, kind = #tpu.reduction_kind<find_first_set>} : vector<16xi1> -> vector<16xi32>
    %eq3A_578 = arith.cmpi eq, %iota3A, %all_reduce_ffs3A_577 : vector<16xi32>
    %and3A_579 = arith.andi %lt3A_576, %eq3A_578 : vector<16xi1>
    %not3A_580 = arith.constant dense<true> : vector<16xi1>
    %not3A_581 = arith.xori %and3A_579, %not3A_580 : vector<16xi1>
    %and3A_582 = arith.andi %and3A_573, %not3A_581 : vector<16xi1>
    %broadcast_in_dim3A_583 = arith.constant 5 : i32
    %broadcast_in_dim3A_584 = vector.broadcast %broadcast_in_dim3A_583 : i32 to vector<16xi32>
    %lt3A_585 = arith.cmpi slt, %broadcast_in_dim3A_584, %sub3A_546 : vector<16xi32>
    %all_reduce_ffs3A_586 = tpu.all_reduce %and3A_582 {dim = 0 : i64, kind = #tpu.reduction_kind<find_first_set>} : vector<16xi1> -> vector<16xi32>
    %eq3A_587 = arith.cmpi eq, %iota3A, %all_reduce_ffs3A_586 : vector<16xi32>
    %and3A_588 = arith.andi %lt3A_585, %eq3A_587 : vector<16xi1>
    %not3A_589 = arith.constant dense<true> : vector<16xi1>
    %not3A_590 = arith.xori %and3A_588, %not3A_589 : vector<16xi1>
    %and3A_591 = arith.andi %and3A_582, %not3A_590 : vector<16xi1>
    %broadcast_in_dim3A_592 = arith.constant 6 : i32
    %broadcast_in_dim3A_593 = vector.broadcast %broadcast_in_dim3A_592 : i32 to vector<16xi32>
    %lt3A_594 = arith.cmpi slt, %broadcast_in_dim3A_593, %sub3A_546 : vector<16xi32>
    %all_reduce_ffs3A_595 = tpu.all_reduce %and3A_591 {dim = 0 : i64, kind = #tpu.reduction_kind<find_first_set>} : vector<16xi1> -> vector<16xi32>
    %eq3A_596 = arith.cmpi eq, %iota3A, %all_reduce_ffs3A_595 : vector<16xi32>
    %and3A_597 = arith.andi %lt3A_594, %eq3A_596 : vector<16xi1>
    %not3A_598 = arith.constant dense<true> : vector<16xi1>
    %not3A_599 = arith.xori %and3A_597, %not3A_598 : vector<16xi1>
    %and3A_600 = arith.andi %and3A_591, %not3A_599 : vector<16xi1>
    %broadcast_in_dim3A_601 = arith.constant 7 : i32
    %broadcast_in_dim3A_602 = vector.broadcast %broadcast_in_dim3A_601 : i32 to vector<16xi32>
    %lt3A_603 = arith.cmpi slt, %broadcast_in_dim3A_602, %sub3A_546 : vector<16xi32>
    %all_reduce_ffs3A_604 = tpu.all_reduce %and3A_600 {dim = 0 : i64, kind = #tpu.reduction_kind<find_first_set>} : vector<16xi1> -> vector<16xi32>
    %eq3A_605 = arith.cmpi eq, %iota3A, %all_reduce_ffs3A_604 : vector<16xi32>
    %and3A_606 = arith.andi %lt3A_603, %eq3A_605 : vector<16xi1>
    %not3A_607 = arith.constant dense<true> : vector<16xi1>
    %not3A_608 = arith.xori %and3A_606, %not3A_607 : vector<16xi1>
    %and3A_609 = arith.andi %and3A_600, %not3A_608 : vector<16xi1>
    %broadcast_in_dim3A_610 = arith.constant 8 : i32
    %broadcast_in_dim3A_611 = vector.broadcast %broadcast_in_dim3A_610 : i32 to vector<16xi32>
    %lt3A_612 = arith.cmpi slt, %broadcast_in_dim3A_611, %sub3A_546 : vector<16xi32>
    %all_reduce_ffs3A_613 = tpu.all_reduce %and3A_609 {dim = 0 : i64, kind = #tpu.reduction_kind<find_first_set>} : vector<16xi1> -> vector<16xi32>
    %eq3A_614 = arith.cmpi eq, %iota3A, %all_reduce_ffs3A_613 : vector<16xi32>
    %and3A_615 = arith.andi %lt3A_612, %eq3A_614 : vector<16xi1>
    %not3A_616 = arith.constant dense<true> : vector<16xi1>
    %not3A_617 = arith.xori %and3A_615, %not3A_616 : vector<16xi1>
    %and3A_618 = arith.andi %and3A_609, %not3A_617 : vector<16xi1>
    %broadcast_in_dim3A_619 = arith.constant 9 : i32
    %broadcast_in_dim3A_620 = vector.broadcast %broadcast_in_dim3A_619 : i32 to vector<16xi32>
    %lt3A_621 = arith.cmpi slt, %broadcast_in_dim3A_620, %sub3A_546 : vector<16xi32>
    %all_reduce_ffs3A_622 = tpu.all_reduce %and3A_618 {dim = 0 : i64, kind = #tpu.reduction_kind<find_first_set>} : vector<16xi1> -> vector<16xi32>
    %eq3A_623 = arith.cmpi eq, %iota3A, %all_reduce_ffs3A_622 : vector<16xi32>
    %and3A_624 = arith.andi %lt3A_621, %eq3A_623 : vector<16xi1>
    %not3A_625 = arith.constant dense<true> : vector<16xi1>
    %not3A_626 = arith.xori %and3A_624, %not3A_625 : vector<16xi1>
    %and3A_627 = arith.andi %and3A_618, %not3A_626 : vector<16xi1>
    %broadcast_in_dim3A_628 = arith.constant 10 : i32
    %broadcast_in_dim3A_629 = vector.broadcast %broadcast_in_dim3A_628 : i32 to vector<16xi32>
    %lt3A_630 = arith.cmpi slt, %broadcast_in_dim3A_629, %sub3A_546 : vector<16xi32>
    %all_reduce_ffs3A_631 = tpu.all_reduce %and3A_627 {dim = 0 : i64, kind = #tpu.reduction_kind<find_first_set>} : vector<16xi1> -> vector<16xi32>
    %eq3A_632 = arith.cmpi eq, %iota3A, %all_reduce_ffs3A_631 : vector<16xi32>
    %and3A_633 = arith.andi %lt3A_630, %eq3A_632 : vector<16xi1>
    %not3A_634 = arith.constant dense<true> : vector<16xi1>
    %not3A_635 = arith.xori %and3A_633, %not3A_634 : vector<16xi1>
    %and3A_636 = arith.andi %and3A_627, %not3A_635 : vector<16xi1>
    %broadcast_in_dim3A_637 = arith.constant 11 : i32
    %broadcast_in_dim3A_638 = vector.broadcast %broadcast_in_dim3A_637 : i32 to vector<16xi32>
    %lt3A_639 = arith.cmpi slt, %broadcast_in_dim3A_638, %sub3A_546 : vector<16xi32>
    %all_reduce_ffs3A_640 = tpu.all_reduce %and3A_636 {dim = 0 : i64, kind = #tpu.reduction_kind<find_first_set>} : vector<16xi1> -> vector<16xi32>
    %eq3A_641 = arith.cmpi eq, %iota3A, %all_reduce_ffs3A_640 : vector<16xi32>
    %and3A_642 = arith.andi %lt3A_639, %eq3A_641 : vector<16xi1>
    %not3A_643 = arith.constant dense<true> : vector<16xi1>
    %not3A_644 = arith.xori %and3A_642, %not3A_643 : vector<16xi1>
    %and3A_645 = arith.andi %and3A_636, %not3A_644 : vector<16xi1>
    %broadcast_in_dim3A_646 = arith.constant 12 : i32
    %broadcast_in_dim3A_647 = vector.broadcast %broadcast_in_dim3A_646 : i32 to vector<16xi32>
    %lt3A_648 = arith.cmpi slt, %broadcast_in_dim3A_647, %sub3A_546 : vector<16xi32>
    %all_reduce_ffs3A_649 = tpu.all_reduce %and3A_645 {dim = 0 : i64, kind = #tpu.reduction_kind<find_first_set>} : vector<16xi1> -> vector<16xi32>
    %eq3A_650 = arith.cmpi eq, %iota3A, %all_reduce_ffs3A_649 : vector<16xi32>
    %and3A_651 = arith.andi %lt3A_648, %eq3A_650 : vector<16xi1>
    %not3A_652 = arith.constant dense<true> : vector<16xi1>
    %not3A_653 = arith.xori %and3A_651, %not3A_652 : vector<16xi1>
    %and3A_654 = arith.andi %and3A_645, %not3A_653 : vector<16xi1>
    %broadcast_in_dim3A_655 = arith.constant 13 : i32
    %broadcast_in_dim3A_656 = vector.broadcast %broadcast_in_dim3A_655 : i32 to vector<16xi32>
    %lt3A_657 = arith.cmpi slt, %broadcast_in_dim3A_656, %sub3A_546 : vector<16xi32>
    %all_reduce_ffs3A_658 = tpu.all_reduce %and3A_654 {dim = 0 : i64, kind = #tpu.reduction_kind<find_first_set>} : vector<16xi1> -> vector<16xi32>
    %eq3A_659 = arith.cmpi eq, %iota3A, %all_reduce_ffs3A_658 : vector<16xi32>
    %and3A_660 = arith.andi %lt3A_657, %eq3A_659 : vector<16xi1>
    %not3A_661 = arith.constant dense<true> : vector<16xi1>
    %not3A_662 = arith.xori %and3A_660, %not3A_661 : vector<16xi1>
    %and3A_663 = arith.andi %and3A_654, %not3A_662 : vector<16xi1>
    %broadcast_in_dim3A_664 = arith.constant 14 : i32
    %broadcast_in_dim3A_665 = vector.broadcast %broadcast_in_dim3A_664 : i32 to vector<16xi32>
    %lt3A_666 = arith.cmpi slt, %broadcast_in_dim3A_665, %sub3A_546 : vector<16xi32>
    %all_reduce_ffs3A_667 = tpu.all_reduce %and3A_663 {dim = 0 : i64, kind = #tpu.reduction_kind<find_first_set>} : vector<16xi1> -> vector<16xi32>
    %eq3A_668 = arith.cmpi eq, %iota3A, %all_reduce_ffs3A_667 : vector<16xi32>
    %and3A_669 = arith.andi %lt3A_666, %eq3A_668 : vector<16xi1>
    %not3A_670 = arith.constant dense<true> : vector<16xi1>
    %not3A_671 = arith.xori %and3A_669, %not3A_670 : vector<16xi1>
    %and3A_672 = arith.andi %and3A_663, %not3A_671 : vector<16xi1>
    %broadcast_in_dim3A_673 = arith.constant 15 : i32
    %broadcast_in_dim3A_674 = vector.broadcast %broadcast_in_dim3A_673 : i32 to vector<16xi32>
    %lt3A_675 = arith.cmpi slt, %broadcast_in_dim3A_674, %sub3A_546 : vector<16xi32>
    %all_reduce_ffs3A_676 = tpu.all_reduce %and3A_672 {dim = 0 : i64, kind = #tpu.reduction_kind<find_first_set>} : vector<16xi1> -> vector<16xi32>
    %eq3A_677 = arith.cmpi eq, %iota3A, %all_reduce_ffs3A_676 : vector<16xi32>
    %and3A_678 = arith.andi %lt3A_675, %eq3A_677 : vector<16xi1>
    %not3A_679 = arith.constant dense<true> : vector<16xi1>
    %not3A_680 = arith.xori %and3A_678, %not3A_679 : vector<16xi1>
    %and3A_681 = arith.andi %and3A_672, %not3A_680 : vector<16xi1>
    %all_reduce_ffs3A_682 = tpu.all_reduce %and3A_681 {dim = 0 : i64, kind = #tpu.reduction_kind<find_first_set>} : vector<16xi1> -> vector<16xi32>
    %add3A_683 = arith.constant 16 : i32
    %add3A_684 = arith.addi %mul3A_380, %add3A_683 : i32
    %add3A_685 = vector.broadcast %add3A_684 : i32 to vector<16xi32>
    %add3A_686 = arith.addi %all_reduce_ffs3A_682, %add3A_685 : vector<16xi32>
    %select_n3A_687 = arith.select %and3A_545, %add3A_686, %select_n3A_530 : vector<16xi1>, vector<16xi32>
    %add3A_688 = arith.addi %add3A_531, %all_reduce_population_count3A_539 : vector<16xi32>
    %add3A_689 = arith.constant 32 : i32
    %add3A_690 = arith.addi %mul3A_380, %add3A_689 : i32
    %get3A_691 = arith.index_cast %add3A_690 : i32 to index
    %get3A_692 = tpu.vector_load %arg4[%get3A_691] {strides = array<i32>} : memref<32768xf32, #tpu.memory_space<vmem>>, vector<16xf32>,
    %bitcast_convert_type3A_693 = tpu.bitcast %get3A_692 : vector<16xf32> -> vector<16xi32>
    %eq3A_694 = vector.broadcast %while3A_349#0 : i32 to vector<16xi32>
    %eq3A_695 = arith.cmpi eq, %bitcast_convert_type3A_693, %eq3A_694 : vector<16xi32>
    %all_reduce_population_count3A_696 = tpu.all_reduce %eq3A_695 {dim = 0 : i64, kind = #tpu.reduction_kind<sum>} : vector<16xi1> -> vector<16xi32>
    %lt3A_697 = arith.constant 0 : i32
    %lt3A_698 = vector.broadcast %lt3A_697 : i32 to vector<16xi32>
    %lt3A_699 = arith.cmpi slt, %select_n3A_687, %lt3A_698 : vector<16xi32>
    %add3A_700 = arith.addi %add3A_688, %all_reduce_population_count3A_696 : vector<16xi32>
    %ge3A_701 = arith.cmpi sge, %add3A_700, %broadcast_in_dim3A_374 : vector<16xi32>
    %and3A_702 = arith.andi %lt3A_699, %ge3A_701 : vector<16xi1>
    %sub3A_703 = arith.subi %broadcast_in_dim3A_374, %add3A_688 : vector<16xi32>
    %broadcast_in_dim3A_704 = arith.constant 1 : i32
    %broadcast_in_dim3A_705 = vector.broadcast %broadcast_in_dim3A_704 : i32 to vector<16xi32>
    %lt3A_706 = arith.cmpi slt, %broadcast_in_dim3A_705, %sub3A_703 : vector<16xi32>
    %all_reduce_ffs3A_707 = tpu.all_reduce %eq3A_695 {dim = 0 : i64, kind = #tpu.reduction_kind<find_first_set>} : vector<16xi1> -> vector<16xi32>
    %eq3A_708 = arith.cmpi eq, %iota3A, %all_reduce_ffs3A_707 : vector<16xi32>
    %and3A_709 = arith.andi %lt3A_706, %eq3A_708 : vector<16xi1>
    %not3A_710 = arith.constant dense<true> : vector<16xi1>
    %not3A_711 = arith.xori %and3A_709, %not3A_710 : vector<16xi1>
    %and3A_712 = arith.andi %eq3A_695, %not3A_711 : vector<16xi1>
    %broadcast_in_dim3A_713 = arith.constant 2 : i32
    %broadcast_in_dim3A_714 = vector.broadcast %broadcast_in_dim3A_713 : i32 to vector<16xi32>
    %lt3A_715 = arith.cmpi slt, %broadcast_in_dim3A_714, %sub3A_703 : vector<16xi32>
    %all_reduce_ffs3A_716 = tpu.all_reduce %and3A_712 {dim = 0 : i64, kind = #tpu.reduction_kind<find_first_set>} : vector<16xi1> -> vector<16xi32>
    %eq3A_717 = arith.cmpi eq, %iota3A, %all_reduce_ffs3A_716 : vector<16xi32>
    %and3A_718 = arith.andi %lt3A_715, %eq3A_717 : vector<16xi1>
    %not3A_719 = arith.constant dense<true> : vector<16xi1>
    %not3A_720 = arith.xori %and3A_718, %not3A_719 : vector<16xi1>
    %and3A_721 = arith.andi %and3A_712, %not3A_720 : vector<16xi1>
    %broadcast_in_dim3A_722 = arith.constant 3 : i32
    %broadcast_in_dim3A_723 = vector.broadcast %broadcast_in_dim3A_722 : i32 to vector<16xi32>
    %lt3A_724 = arith.cmpi slt, %broadcast_in_dim3A_723, %sub3A_703 : vector<16xi32>
    %all_reduce_ffs3A_725 = tpu.all_reduce %and3A_721 {dim = 0 : i64, kind = #tpu.reduction_kind<find_first_set>} : vector<16xi1> -> vector<16xi32>
    %eq3A_726 = arith.cmpi eq, %iota3A, %all_reduce_ffs3A_725 : vector<16xi32>
    %and3A_727 = arith.andi %lt3A_724, %eq3A_726 : vector<16xi1>
    %not3A_728 = arith.constant dense<true> : vector<16xi1>
    %not3A_729 = arith.xori %and3A_727, %not3A_728 : vector<16xi1>
    %and3A_730 = arith.andi %and3A_721, %not3A_729 : vector<16xi1>
    %broadcast_in_dim3A_731 = arith.constant 4 : i32
    %broadcast_in_dim3A_732 = vector.broadcast %broadcast_in_dim3A_731 : i32 to vector<16xi32>
    %lt3A_733 = arith.cmpi slt, %broadcast_in_dim3A_732, %sub3A_703 : vector<16xi32>
    %all_reduce_ffs3A_734 = tpu.all_reduce %and3A_730 {dim = 0 : i64, kind = #tpu.reduction_kind<find_first_set>} : vector<16xi1> -> vector<16xi32>
    %eq3A_735 = arith.cmpi eq, %iota3A, %all_reduce_ffs3A_734 : vector<16xi32>
    %and3A_736 = arith.andi %lt3A_733, %eq3A_735 : vector<16xi1>
    %not3A_737 = arith.constant dense<true> : vector<16xi1>
    %not3A_738 = arith.xori %and3A_736, %not3A_737 : vector<16xi1>
    %and3A_739 = arith.andi %and3A_730, %not3A_738 : vector<16xi1>
    %broadcast_in_dim3A_740 = arith.constant 5 : i32
    %broadcast_in_dim3A_741 = vector.broadcast %broadcast_in_dim3A_740 : i32 to vector<16xi32>
    %lt3A_742 = arith.cmpi slt, %broadcast_in_dim3A_741, %sub3A_703 : vector<16xi32>
    %all_reduce_ffs3A_743 = tpu.all_reduce %and3A_739 {dim = 0 : i64, kind = #tpu.reduction_kind<find_first_set>} : vector<16xi1> -> vector<16xi32>
    %eq3A_744 = arith.cmpi eq, %iota3A, %all_reduce_ffs3A_743 : vector<16xi32>
    %and3A_745 = arith.andi %lt3A_742, %eq3A_744 : vector<16xi1>
    %not3A_746 = arith.constant dense<true> : vector<16xi1>
    %not3A_747 = arith.xori %and3A_745, %not3A_746 : vector<16xi1>
    %and3A_748 = arith.andi %and3A_739, %not3A_747 : vector<16xi1>
    %broadcast_in_dim3A_749 = arith.constant 6 : i32
    %broadcast_in_dim3A_750 = vector.broadcast %broadcast_in_dim3A_749 : i32 to vector<16xi32>
    %lt3A_751 = arith.cmpi slt, %broadcast_in_dim3A_750, %sub3A_703 : vector<16xi32>
    %all_reduce_ffs3A_752 = tpu.all_reduce %and3A_748 {dim = 0 : i64, kind = #tpu.reduction_kind<find_first_set>} : vector<16xi1> -> vector<16xi32>
    %eq3A_753 = arith.cmpi eq, %iota3A, %all_reduce_ffs3A_752 : vector<16xi32>
    %and3A_754 = arith.andi %lt3A_751, %eq3A_753 : vector<16xi1>
    %not3A_755 = arith.constant dense<true> : vector<16xi1>
    %not3A_756 = arith.xori %and3A_754, %not3A_755 : vector<16xi1>
    %and3A_757 = arith.andi %and3A_748, %not3A_756 : vector<16xi1>
    %broadcast_in_dim3A_758 = arith.constant 7 : i32
    %broadcast_in_dim3A_759 = vector.broadcast %broadcast_in_dim3A_758 : i32 to vector<16xi32>
    %lt3A_760 = arith.cmpi slt, %broadcast_in_dim3A_759, %sub3A_703 : vector<16xi32>
    %all_reduce_ffs3A_761 = tpu.all_reduce %and3A_757 {dim = 0 : i64, kind = #tpu.reduction_kind<find_first_set>} : vector<16xi1> -> vector<16xi32>
    %eq3A_762 = arith.cmpi eq, %iota3A, %all_reduce_ffs3A_761 : vector<16xi32>
    %and3A_763 = arith.andi %lt3A_760, %eq3A_762 : vector<16xi1>
    %not3A_764 = arith.constant dense<true> : vector<16xi1>
    %not3A_765 = arith.xori %and3A_763, %not3A_764 : vector<16xi1>
    %and3A_766 = arith.andi %and3A_757, %not3A_765 : vector<16xi1>
    %broadcast_in_dim3A_767 = arith.constant 8 : i32
    %broadcast_in_dim3A_768 = vector.broadcast %broadcast_in_dim3A_767 : i32 to vector<16xi32>
    %lt3A_769 = arith.cmpi slt, %broadcast_in_dim3A_768, %sub3A_703 : vector<16xi32>
    %all_reduce_ffs3A_770 = tpu.all_reduce %and3A_766 {dim = 0 : i64, kind = #tpu.reduction_kind<find_first_set>} : vector<16xi1> -> vector<16xi32>
    %eq3A_771 = arith.cmpi eq, %iota3A, %all_reduce_ffs3A_770 : vector<16xi32>
    %and3A_772 = arith.andi %lt3A_769, %eq3A_771 : vector<16xi1>
    %not3A_773 = arith.constant dense<true> : vector<16xi1>
    %not3A_774 = arith.xori %and3A_772, %not3A_773 : vector<16xi1>
    %and3A_775 = arith.andi %and3A_766, %not3A_774 : vector<16xi1>
    %broadcast_in_dim3A_776 = arith.constant 9 : i32
    %broadcast_in_dim3A_777 = vector.broadcast %broadcast_in_dim3A_776 : i32 to vector<16xi32>
    %lt3A_778 = arith.cmpi slt, %broadcast_in_dim3A_777, %sub3A_703 : vector<16xi32>
    %all_reduce_ffs3A_779 = tpu.all_reduce %and3A_775 {dim = 0 : i64, kind = #tpu.reduction_kind<find_first_set>} : vector<16xi1> -> vector<16xi32>
    %eq3A_780 = arith.cmpi eq, %iota3A, %all_reduce_ffs3A_779 : vector<16xi32>
    %and3A_781 = arith.andi %lt3A_778, %eq3A_780 : vector<16xi1>
    %not3A_782 = arith.constant dense<true> : vector<16xi1>
    %not3A_783 = arith.xori %and3A_781, %not3A_782 : vector<16xi1>
    %and3A_784 = arith.andi %and3A_775, %not3A_783 : vector<16xi1>
    %broadcast_in_dim3A_785 = arith.constant 10 : i32
    %broadcast_in_dim3A_786 = vector.broadcast %broadcast_in_dim3A_785 : i32 to vector<16xi32>
    %lt3A_787 = arith.cmpi slt, %broadcast_in_dim3A_786, %sub3A_703 : vector<16xi32>
    %all_reduce_ffs3A_788 = tpu.all_reduce %and3A_784 {dim = 0 : i64, kind = #tpu.reduction_kind<find_first_set>} : vector<16xi1> -> vector<16xi32>
    %eq3A_789 = arith.cmpi eq, %iota3A, %all_reduce_ffs3A_788 : vector<16xi32>
    %and3A_790 = arith.andi %lt3A_787, %eq3A_789 : vector<16xi1>
    %not3A_791 = arith.constant dense<true> : vector<16xi1>
    %not3A_792 = arith.xori %and3A_790, %not3A_791 : vector<16xi1>
    %and3A_793 = arith.andi %and3A_784, %not3A_792 : vector<16xi1>
    %broadcast_in_dim3A_794 = arith.constant 11 : i32
    %broadcast_in_dim3A_795 = vector.broadcast %broadcast_in_dim3A_794 : i32 to vector<16xi32>
    %lt3A_796 = arith.cmpi slt, %broadcast_in_dim3A_795, %sub3A_703 : vector<16xi32>
    %all_reduce_ffs3A_797 = tpu.all_reduce %and3A_793 {dim = 0 : i64, kind = #tpu.reduction_kind<find_first_set>} : vector<16xi1> -> vector<16xi32>
    %eq3A_798 = arith.cmpi eq, %iota3A, %all_reduce_ffs3A_797 : vector<16xi32>
    %and3A_799 = arith.andi %lt3A_796, %eq3A_798 : vector<16xi1>
    %not3A_800 = arith.constant dense<true> : vector<16xi1>
    %not3A_801 = arith.xori %and3A_799, %not3A_800 : vector<16xi1>
    %and3A_802 = arith.andi %and3A_793, %not3A_801 : vector<16xi1>
    %broadcast_in_dim3A_803 = arith.constant 12 : i32
    %broadcast_in_dim3A_804 = vector.broadcast %broadcast_in_dim3A_803 : i32 to vector<16xi32>
    %lt3A_805 = arith.cmpi slt, %broadcast_in_dim3A_804, %sub3A_703 : vector<16xi32>
    %all_reduce_ffs3A_806 = tpu.all_reduce %and3A_802 {dim = 0 : i64, kind = #tpu.reduction_kind<find_first_set>} : vector<16xi1> -> vector<16xi32>
    %eq3A_807 = arith.cmpi eq, %iota3A, %all_reduce_ffs3A_806 : vector<16xi32>
    %and3A_808 = arith.andi %lt3A_805, %eq3A_807 : vector<16xi1>
    %not3A_809 = arith.constant dense<true> : vector<16xi1>
    %not3A_810 = arith.xori %and3A_808, %not3A_809 : vector<16xi1>
    %and3A_811 = arith.andi %and3A_802, %not3A_810 : vector<16xi1>
    %broadcast_in_dim3A_812 = arith.constant 13 : i32
    %broadcast_in_dim3A_813 = vector.broadcast %broadcast_in_dim3A_812 : i32 to vector<16xi32>
    %lt3A_814 = arith.cmpi slt, %broadcast_in_dim3A_813, %sub3A_703 : vector<16xi32>
    %all_reduce_ffs3A_815 = tpu.all_reduce %and3A_811 {dim = 0 : i64, kind = #tpu.reduction_kind<find_first_set>} : vector<16xi1> -> vector<16xi32>
    %eq3A_816 = arith.cmpi eq, %iota3A, %all_reduce_ffs3A_815 : vector<16xi32>
    %and3A_817 = arith.andi %lt3A_814, %eq3A_816 : vector<16xi1>
    %not3A_818 = arith.constant dense<true> : vector<16xi1>
    %not3A_819 = arith.xori %and3A_817, %not3A_818 : vector<16xi1>
    %and3A_820 = arith.andi %and3A_811, %not3A_819 : vector<16xi1>
    %broadcast_in_dim3A_821 = arith.constant 14 : i32
    %broadcast_in_dim3A_822 = vector.broadcast %broadcast_in_dim3A_821 : i32 to vector<16xi32>
    %lt3A_823 = arith.cmpi slt, %broadcast_in_dim3A_822, %sub3A_703 : vector<16xi32>
    %all_reduce_ffs3A_824 = tpu.all_reduce %and3A_820 {dim = 0 : i64, kind = #tpu.reduction_kind<find_first_set>} : vector<16xi1> -> vector<16xi32>
    %eq3A_825 = arith.cmpi eq, %iota3A, %all_reduce_ffs3A_824 : vector<16xi32>
    %and3A_826 = arith.andi %lt3A_823, %eq3A_825 : vector<16xi1>
    %not3A_827 = arith.constant dense<true> : vector<16xi1>
    %not3A_828 = arith.xori %and3A_826, %not3A_827 : vector<16xi1>
    %and3A_829 = arith.andi %and3A_820, %not3A_828 : vector<16xi1>
    %broadcast_in_dim3A_830 = arith.constant 15 : i32
    %broadcast_in_dim3A_831 = vector.broadcast %broadcast_in_dim3A_830 : i32 to vector<16xi32>
    %lt3A_832 = arith.cmpi slt, %broadcast_in_dim3A_831, %sub3A_703 : vector<16xi32>
    %all_reduce_ffs3A_833 = tpu.all_reduce %and3A_829 {dim = 0 : i64, kind = #tpu.reduction_kind<find_first_set>} : vector<16xi1> -> vector<16xi32>
    %eq3A_834 = arith.cmpi eq, %iota3A, %all_reduce_ffs3A_833 : vector<16xi32>
    %and3A_835 = arith.andi %lt3A_832, %eq3A_834 : vector<16xi1>
    %not3A_836 = arith.constant dense<true> : vector<16xi1>
    %not3A_837 = arith.xori %and3A_835, %not3A_836 : vector<16xi1>
    %and3A_838 = arith.andi %and3A_829, %not3A_837 : vector<16xi1>
    %all_reduce_ffs3A_839 = tpu.all_reduce %and3A_838 {dim = 0 : i64, kind = #tpu.reduction_kind<find_first_set>} : vector<16xi1> -> vector<16xi32>
    %add3A_840 = arith.constant 32 : i32
    %add3A_841 = arith.addi %mul3A_380, %add3A_840 : i32
    %add3A_842 = vector.broadcast %add3A_841 : i32 to vector<16xi32>
    %add3A_843 = arith.addi %all_reduce_ffs3A_839, %add3A_842 : vector<16xi32>
    %select_n3A_844 = arith.select %and3A_702, %add3A_843, %select_n3A_687 : vector<16xi1>, vector<16xi32>
    %add3A_845 = arith.addi %add3A_688, %all_reduce_population_count3A_696 : vector<16xi32>
    %add3A_846 = arith.constant 48 : i32
    %add3A_847 = arith.addi %mul3A_380, %add3A_846 : i32
    %get3A_848 = arith.index_cast %add3A_847 : i32 to index
    %get3A_849 = tpu.vector_load %arg4[%get3A_848] {strides = array<i32>} : memref<32768xf32, #tpu.memory_space<vmem>>, vector<16xf32>,
    %bitcast_convert_type3A_850 = tpu.bitcast %get3A_849 : vector<16xf32> -> vector<16xi32>
    %eq3A_851 = vector.broadcast %while3A_349#0 : i32 to vector<16xi32>
    %eq3A_852 = arith.cmpi eq, %bitcast_convert_type3A_850, %eq3A_851 : vector<16xi32>
    %all_reduce_population_count3A_853 = tpu.all_reduce %eq3A_852 {dim = 0 : i64, kind = #tpu.reduction_kind<sum>} : vector<16xi1> -> vector<16xi32>
    %lt3A_854 = arith.constant 0 : i32
    %lt3A_855 = vector.broadcast %lt3A_854 : i32 to vector<16xi32>
    %lt3A_856 = arith.cmpi slt, %select_n3A_844, %lt3A_855 : vector<16xi32>
    %add3A_857 = arith.addi %add3A_845, %all_reduce_population_count3A_853 : vector<16xi32>
    %ge3A_858 = arith.cmpi sge, %add3A_857, %broadcast_in_dim3A_374 : vector<16xi32>
    %and3A_859 = arith.andi %lt3A_856, %ge3A_858 : vector<16xi1>
    %sub3A_860 = arith.subi %broadcast_in_dim3A_374, %add3A_845 : vector<16xi32>
    %broadcast_in_dim3A_861 = arith.constant 1 : i32
    %broadcast_in_dim3A_862 = vector.broadcast %broadcast_in_dim3A_861 : i32 to vector<16xi32>
    %lt3A_863 = arith.cmpi slt, %broadcast_in_dim3A_862, %sub3A_860 : vector<16xi32>
    %all_reduce_ffs3A_864 = tpu.all_reduce %eq3A_852 {dim = 0 : i64, kind = #tpu.reduction_kind<find_first_set>} : vector<16xi1> -> vector<16xi32>
    %eq3A_865 = arith.cmpi eq, %iota3A, %all_reduce_ffs3A_864 : vector<16xi32>
    %and3A_866 = arith.andi %lt3A_863, %eq3A_865 : vector<16xi1>
    %not3A_867 = arith.constant dense<true> : vector<16xi1>
    %not3A_868 = arith.xori %and3A_866, %not3A_867 : vector<16xi1>
    %and3A_869 = arith.andi %eq3A_852, %not3A_868 : vector<16xi1>
    %broadcast_in_dim3A_870 = arith.constant 2 : i32
    %broadcast_in_dim3A_871 = vector.broadcast %broadcast_in_dim3A_870 : i32 to vector<16xi32>
    %lt3A_872 = arith.cmpi slt, %broadcast_in_dim3A_871, %sub3A_860 : vector<16xi32>
    %all_reduce_ffs3A_873 = tpu.all_reduce %and3A_869 {dim = 0 : i64, kind = #tpu.reduction_kind<find_first_set>} : vector<16xi1> -> vector<16xi32>
    %eq3A_874 = arith.cmpi eq, %iota3A, %all_reduce_ffs3A_873 : vector<16xi32>
    %and3A_875 = arith.andi %lt3A_872, %eq3A_874 : vector<16xi1>
    %not3A_876 = arith.constant dense<true> : vector<16xi1>
    %not3A_877 = arith.xori %and3A_875, %not3A_876 : vector<16xi1>
    %and3A_878 = arith.andi %and3A_869, %not3A_877 : vector<16xi1>
    %broadcast_in_dim3A_879 = arith.constant 3 : i32
    %broadcast_in_dim3A_880 = vector.broadcast %broadcast_in_dim3A_879 : i32 to vector<16xi32>
    %lt3A_881 = arith.cmpi slt, %broadcast_in_dim3A_880, %sub3A_860 : vector<16xi32>
    %all_reduce_ffs3A_882 = tpu.all_reduce %and3A_878 {dim = 0 : i64, kind = #tpu.reduction_kind<find_first_set>} : vector<16xi1> -> vector<16xi32>
    %eq3A_883 = arith.cmpi eq, %iota3A, %all_reduce_ffs3A_882 : vector<16xi32>
    %and3A_884 = arith.andi %lt3A_881, %eq3A_883 : vector<16xi1>
    %not3A_885 = arith.constant dense<true> : vector<16xi1>
    %not3A_886 = arith.xori %and3A_884, %not3A_885 : vector<16xi1>
    %and3A_887 = arith.andi %and3A_878, %not3A_886 : vector<16xi1>
    %broadcast_in_dim3A_888 = arith.constant 4 : i32
    %broadcast_in_dim3A_889 = vector.broadcast %broadcast_in_dim3A_888 : i32 to vector<16xi32>
    %lt3A_890 = arith.cmpi slt, %broadcast_in_dim3A_889, %sub3A_860 : vector<16xi32>
    %all_reduce_ffs3A_891 = tpu.all_reduce %and3A_887 {dim = 0 : i64, kind = #tpu.reduction_kind<find_first_set>} : vector<16xi1> -> vector<16xi32>
    %eq3A_892 = arith.cmpi eq, %iota3A, %all_reduce_ffs3A_891 : vector<16xi32>
    %and3A_893 = arith.andi %lt3A_890, %eq3A_892 : vector<16xi1>
    %not3A_894 = arith.constant dense<true> : vector<16xi1>
    %not3A_895 = arith.xori %and3A_893, %not3A_894 : vector<16xi1>
    %and3A_896 = arith.andi %and3A_887, %not3A_895 : vector<16xi1>
    %broadcast_in_dim3A_897 = arith.constant 5 : i32
    %broadcast_in_dim3A_898 = vector.broadcast %broadcast_in_dim3A_897 : i32 to vector<16xi32>
    %lt3A_899 = arith.cmpi slt, %broadcast_in_dim3A_898, %sub3A_860 : vector<16xi32>
    %all_reduce_ffs3A_900 = tpu.all_reduce %and3A_896 {dim = 0 : i64, kind = #tpu.reduction_kind<find_first_set>} : vector<16xi1> -> vector<16xi32>
    %eq3A_901 = arith.cmpi eq, %iota3A, %all_reduce_ffs3A_900 : vector<16xi32>
    %and3A_902 = arith.andi %lt3A_899, %eq3A_901 : vector<16xi1>
    %not3A_903 = arith.constant dense<true> : vector<16xi1>
    %not3A_904 = arith.xori %and3A_902, %not3A_903 : vector<16xi1>
    %and3A_905 = arith.andi %and3A_896, %not3A_904 : vector<16xi1>
    %broadcast_in_dim3A_906 = arith.constant 6 : i32
    %broadcast_in_dim3A_907 = vector.broadcast %broadcast_in_dim3A_906 : i32 to vector<16xi32>
    %lt3A_908 = arith.cmpi slt, %broadcast_in_dim3A_907, %sub3A_860 : vector<16xi32>
    %all_reduce_ffs3A_909 = tpu.all_reduce %and3A_905 {dim = 0 : i64, kind = #tpu.reduction_kind<find_first_set>} : vector<16xi1> -> vector<16xi32>
    %eq3A_910 = arith.cmpi eq, %iota3A, %all_reduce_ffs3A_909 : vector<16xi32>
    %and3A_911 = arith.andi %lt3A_908, %eq3A_910 : vector<16xi1>
    %not3A_912 = arith.constant dense<true> : vector<16xi1>
    %not3A_913 = arith.xori %and3A_911, %not3A_912 : vector<16xi1>
    %and3A_914 = arith.andi %and3A_905, %not3A_913 : vector<16xi1>
    %broadcast_in_dim3A_915 = arith.constant 7 : i32
    %broadcast_in_dim3A_916 = vector.broadcast %broadcast_in_dim3A_915 : i32 to vector<16xi32>
    %lt3A_917 = arith.cmpi slt, %broadcast_in_dim3A_916, %sub3A_860 : vector<16xi32>
    %all_reduce_ffs3A_918 = tpu.all_reduce %and3A_914 {dim = 0 : i64, kind = #tpu.reduction_kind<find_first_set>} : vector<16xi1> -> vector<16xi32>
    %eq3A_919 = arith.cmpi eq, %iota3A, %all_reduce_ffs3A_918 : vector<16xi32>
    %and3A_920 = arith.andi %lt3A_917, %eq3A_919 : vector<16xi1>
    %not3A_921 = arith.constant dense<true> : vector<16xi1>
    %not3A_922 = arith.xori %and3A_920, %not3A_921 : vector<16xi1>
    %and3A_923 = arith.andi %and3A_914, %not3A_922 : vector<16xi1>
    %broadcast_in_dim3A_924 = arith.constant 8 : i32
    %broadcast_in_dim3A_925 = vector.broadcast %broadcast_in_dim3A_924 : i32 to vector<16xi32>
    %lt3A_926 = arith.cmpi slt, %broadcast_in_dim3A_925, %sub3A_860 : vector<16xi32>
    %all_reduce_ffs3A_927 = tpu.all_reduce %and3A_923 {dim = 0 : i64, kind = #tpu.reduction_kind<find_first_set>} : vector<16xi1> -> vector<16xi32>
    %eq3A_928 = arith.cmpi eq, %iota3A, %all_reduce_ffs3A_927 : vector<16xi32>
    %and3A_929 = arith.andi %lt3A_926, %eq3A_928 : vector<16xi1>
    %not3A_930 = arith.constant dense<true> : vector<16xi1>
    %not3A_931 = arith.xori %and3A_929, %not3A_930 : vector<16xi1>
    %and3A_932 = arith.andi %and3A_923, %not3A_931 : vector<16xi1>
    %broadcast_in_dim3A_933 = arith.constant 9 : i32
    %broadcast_in_dim3A_934 = vector.broadcast %broadcast_in_dim3A_933 : i32 to vector<16xi32>
    %lt3A_935 = arith.cmpi slt, %broadcast_in_dim3A_934, %sub3A_860 : vector<16xi32>
    %all_reduce_ffs3A_936 = tpu.all_reduce %and3A_932 {dim = 0 : i64, kind = #tpu.reduction_kind<find_first_set>} : vector<16xi1> -> vector<16xi32>
    %eq3A_937 = arith.cmpi eq, %iota3A, %all_reduce_ffs3A_936 : vector<16xi32>
    %and3A_938 = arith.andi %lt3A_935, %eq3A_937 : vector<16xi1>
    %not3A_939 = arith.constant dense<true> : vector<16xi1>
    %not3A_940 = arith.xori %and3A_938, %not3A_939 : vector<16xi1>
    %and3A_941 = arith.andi %and3A_932, %not3A_940 : vector<16xi1>
    %broadcast_in_dim3A_942 = arith.constant 10 : i32
    %broadcast_in_dim3A_943 = vector.broadcast %broadcast_in_dim3A_942 : i32 to vector<16xi32>
    %lt3A_944 = arith.cmpi slt, %broadcast_in_dim3A_943, %sub3A_860 : vector<16xi32>
    %all_reduce_ffs3A_945 = tpu.all_reduce %and3A_941 {dim = 0 : i64, kind = #tpu.reduction_kind<find_first_set>} : vector<16xi1> -> vector<16xi32>
    %eq3A_946 = arith.cmpi eq, %iota3A, %all_reduce_ffs3A_945 : vector<16xi32>
    %and3A_947 = arith.andi %lt3A_944, %eq3A_946 : vector<16xi1>
    %not3A_948 = arith.constant dense<true> : vector<16xi1>
    %not3A_949 = arith.xori %and3A_947, %not3A_948 : vector<16xi1>
    %and3A_950 = arith.andi %and3A_941, %not3A_949 : vector<16xi1>
    %broadcast_in_dim3A_951 = arith.constant 11 : i32
    %broadcast_in_dim3A_952 = vector.broadcast %broadcast_in_dim3A_951 : i32 to vector<16xi32>
    %lt3A_953 = arith.cmpi slt, %broadcast_in_dim3A_952, %sub3A_860 : vector<16xi32>
    %all_reduce_ffs3A_954 = tpu.all_reduce %and3A_950 {dim = 0 : i64, kind = #tpu.reduction_kind<find_first_set>} : vector<16xi1> -> vector<16xi32>
    %eq3A_955 = arith.cmpi eq, %iota3A, %all_reduce_ffs3A_954 : vector<16xi32>
    %and3A_956 = arith.andi %lt3A_953, %eq3A_955 : vector<16xi1>
    %not3A_957 = arith.constant dense<true> : vector<16xi1>
    %not3A_958 = arith.xori %and3A_956, %not3A_957 : vector<16xi1>
    %and3A_959 = arith.andi %and3A_950, %not3A_958 : vector<16xi1>
    %broadcast_in_dim3A_960 = arith.constant 12 : i32
    %broadcast_in_dim3A_961 = vector.broadcast %broadcast_in_dim3A_960 : i32 to vector<16xi32>
    %lt3A_962 = arith.cmpi slt, %broadcast_in_dim3A_961, %sub3A_860 : vector<16xi32>
    %all_reduce_ffs3A_963 = tpu.all_reduce %and3A_959 {dim = 0 : i64, kind = #tpu.reduction_kind<find_first_set>} : vector<16xi1> -> vector<16xi32>
    %eq3A_964 = arith.cmpi eq, %iota3A, %all_reduce_ffs3A_963 : vector<16xi32>
    %and3A_965 = arith.andi %lt3A_962, %eq3A_964 : vector<16xi1>
    %not3A_966 = arith.constant dense<true> : vector<16xi1>
    %not3A_967 = arith.xori %and3A_965, %not3A_966 : vector<16xi1>
    %and3A_968 = arith.andi %and3A_959, %not3A_967 : vector<16xi1>
    %broadcast_in_dim3A_969 = arith.constant 13 : i32
    %broadcast_in_dim3A_970 = vector.broadcast %broadcast_in_dim3A_969 : i32 to vector<16xi32>
    %lt3A_971 = arith.cmpi slt, %broadcast_in_dim3A_970, %sub3A_860 : vector<16xi32>
    %all_reduce_ffs3A_972 = tpu.all_reduce %and3A_968 {dim = 0 : i64, kind = #tpu.reduction_kind<find_first_set>} : vector<16xi1> -> vector<16xi32>
    %eq3A_973 = arith.cmpi eq, %iota3A, %all_reduce_ffs3A_972 : vector<16xi32>
    %and3A_974 = arith.andi %lt3A_971, %eq3A_973 : vector<16xi1>
    %not3A_975 = arith.constant dense<true> : vector<16xi1>
    %not3A_976 = arith.xori %and3A_974, %not3A_975 : vector<16xi1>
    %and3A_977 = arith.andi %and3A_968, %not3A_976 : vector<16xi1>
    %broadcast_in_dim3A_978 = arith.constant 14 : i32
    %broadcast_in_dim3A_979 = vector.broadcast %broadcast_in_dim3A_978 : i32 to vector<16xi32>
    %lt3A_980 = arith.cmpi slt, %broadcast_in_dim3A_979, %sub3A_860 : vector<16xi32>
    %all_reduce_ffs3A_981 = tpu.all_reduce %and3A_977 {dim = 0 : i64, kind = #tpu.reduction_kind<find_first_set>} : vector<16xi1> -> vector<16xi32>
    %eq3A_982 = arith.cmpi eq, %iota3A, %all_reduce_ffs3A_981 : vector<16xi32>
    %and3A_983 = arith.andi %lt3A_980, %eq3A_982 : vector<16xi1>
    %not3A_984 = arith.constant dense<true> : vector<16xi1>
    %not3A_985 = arith.xori %and3A_983, %not3A_984 : vector<16xi1>
    %and3A_986 = arith.andi %and3A_977, %not3A_985 : vector<16xi1>
    %broadcast_in_dim3A_987 = arith.constant 15 : i32
    %broadcast_in_dim3A_988 = vector.broadcast %broadcast_in_dim3A_987 : i32 to vector<16xi32>
    %lt3A_989 = arith.cmpi slt, %broadcast_in_dim3A_988, %sub3A_860 : vector<16xi32>
    %all_reduce_ffs3A_990 = tpu.all_reduce %and3A_986 {dim = 0 : i64, kind = #tpu.reduction_kind<find_first_set>} : vector<16xi1> -> vector<16xi32>
    %eq3A_991 = arith.cmpi eq, %iota3A, %all_reduce_ffs3A_990 : vector<16xi32>
    %and3A_992 = arith.andi %lt3A_989, %eq3A_991 : vector<16xi1>
    %not3A_993 = arith.constant dense<true> : vector<16xi1>
    %not3A_994 = arith.xori %and3A_992, %not3A_993 : vector<16xi1>
    %and3A_995 = arith.andi %and3A_986, %not3A_994 : vector<16xi1>
    %all_reduce_ffs3A_996 = tpu.all_reduce %and3A_995 {dim = 0 : i64, kind = #tpu.reduction_kind<find_first_set>} : vector<16xi1> -> vector<16xi32>
    %add3A_997 = arith.constant 48 : i32
    %add3A_998 = arith.addi %mul3A_380, %add3A_997 : i32
    %add3A_999 = vector.broadcast %add3A_998 : i32 to vector<16xi32>
    %add3A_1000 = arith.addi %all_reduce_ffs3A_996, %add3A_999 : vector<16xi32>
    %select_n3A_1001 = arith.select %and3A_859, %add3A_1000, %select_n3A_844 : vector<16xi1>, vector<16xi32>
    %add3A_1002 = arith.addi %add3A_845, %all_reduce_population_count3A_853 : vector<16xi32>
    %add3A_1003 = arith.constant 64 : i32
    %add3A_1004 = arith.addi %mul3A_380, %add3A_1003 : i32
    %get3A_1005 = arith.index_cast %add3A_1004 : i32 to index
    %get3A_1006 = tpu.vector_load %arg4[%get3A_1005] {strides = array<i32>} : memref<32768xf32, #tpu.memory_space<vmem>>, vector<16xf32>,
    %bitcast_convert_type3A_1007 = tpu.bitcast %get3A_1006 : vector<16xf32> -> vector<16xi32>
    %eq3A_1008 = vector.broadcast %while3A_349#0 : i32 to vector<16xi32>
    %eq3A_1009 = arith.cmpi eq, %bitcast_convert_type3A_1007, %eq3A_1008 : vector<16xi32>
    %all_reduce_population_count3A_1010 = tpu.all_reduce %eq3A_1009 {dim = 0 : i64, kind = #tpu.reduction_kind<sum>} : vector<16xi1> -> vector<16xi32>
    %lt3A_1011 = arith.constant 0 : i32
    %lt3A_1012 = vector.broadcast %lt3A_1011 : i32 to vector<16xi32>
    %lt3A_1013 = arith.cmpi slt, %select_n3A_1001, %lt3A_1012 : vector<16xi32>
    %add3A_1014 = arith.addi %add3A_1002, %all_reduce_population_count3A_1010 : vector<16xi32>
    %ge3A_1015 = arith.cmpi sge, %add3A_1014, %broadcast_in_dim3A_374 : vector<16xi32>
    %and3A_1016 = arith.andi %lt3A_1013, %ge3A_1015 : vector<16xi1>
    %sub3A_1017 = arith.subi %broadcast_in_dim3A_374, %add3A_1002 : vector<16xi32>
    %broadcast_in_dim3A_1018 = arith.constant 1 : i32
    %broadcast_in_dim3A_1019 = vector.broadcast %broadcast_in_dim3A_1018 : i32 to vector<16xi32>
    %lt3A_1020 = arith.cmpi slt, %broadcast_in_dim3A_1019, %sub3A_1017 : vector<16xi32>
    %all_reduce_ffs3A_1021 = tpu.all_reduce %eq3A_1009 {dim = 0 : i64, kind = #tpu.reduction_kind<find_first_set>} : vector<16xi1> -> vector<16xi32>
    %eq3A_1022 = arith.cmpi eq, %iota3A, %all_reduce_ffs3A_1021 : vector<16xi32>
    %and3A_1023 = arith.andi %lt3A_1020, %eq3A_1022 : vector<16xi1>
    %not3A_1024 = arith.constant dense<true> : vector<16xi1>
    %not3A_1025 = arith.xori %and3A_1023, %not3A_1024 : vector<16xi1>
    %and3A_1026 = arith.andi %eq3A_1009, %not3A_1025 : vector<16xi1>
    %broadcast_in_dim3A_1027 = arith.constant 2 : i32
    %broadcast_in_dim3A_1028 = vector.broadcast %broadcast_in_dim3A_1027 : i32 to vector<16xi32>
    %lt3A_1029 = arith.cmpi slt, %broadcast_in_dim3A_1028, %sub3A_1017 : vector<16xi32>
    %all_reduce_ffs3A_1030 = tpu.all_reduce %and3A_1026 {dim = 0 : i64, kind = #tpu.reduction_kind<find_first_set>} : vector<16xi1> -> vector<16xi32>
    %eq3A_1031 = arith.cmpi eq, %iota3A, %all_reduce_ffs3A_1030 : vector<16xi32>
    %and3A_1032 = arith.andi %lt3A_1029, %eq3A_1031 : vector<16xi1>
    %not3A_1033 = arith.constant dense<true> : vector<16xi1>
    %not3A_1034 = arith.xori %and3A_1032, %not3A_1033 : vector<16xi1>
    %and3A_1035 = arith.andi %and3A_1026, %not3A_1034 : vector<16xi1>
    %broadcast_in_dim3A_1036 = arith.constant 3 : i32
    %broadcast_in_dim3A_1037 = vector.broadcast %broadcast_in_dim3A_1036 : i32 to vector<16xi32>
    %lt3A_1038 = arith.cmpi slt, %broadcast_in_dim3A_1037, %sub3A_1017 : vector<16xi32>
    %all_reduce_ffs3A_1039 = tpu.all_reduce %and3A_1035 {dim = 0 : i64, kind = #tpu.reduction_kind<find_first_set>} : vector<16xi1> -> vector<16xi32>
    %eq3A_1040 = arith.cmpi eq, %iota3A, %all_reduce_ffs3A_1039 : vector<16xi32>
    %and3A_1041 = arith.andi %lt3A_1038, %eq3A_1040 : vector<16xi1>
    %not3A_1042 = arith.constant dense<true> : vector<16xi1>
    %not3A_1043 = arith.xori %and3A_1041, %not3A_1042 : vector<16xi1>
    %and3A_1044 = arith.andi %and3A_1035, %not3A_1043 : vector<16xi1>
    %broadcast_in_dim3A_1045 = arith.constant 4 : i32
    %broadcast_in_dim3A_1046 = vector.broadcast %broadcast_in_dim3A_1045 : i32 to vector<16xi32>
    %lt3A_1047 = arith.cmpi slt, %broadcast_in_dim3A_1046, %sub3A_1017 : vector<16xi32>
    %all_reduce_ffs3A_1048 = tpu.all_reduce %and3A_1044 {dim = 0 : i64, kind = #tpu.reduction_kind<find_first_set>} : vector<16xi1> -> vector<16xi32>
    %eq3A_1049 = arith.cmpi eq, %iota3A, %all_reduce_ffs3A_1048 : vector<16xi32>
    %and3A_1050 = arith.andi %lt3A_1047, %eq3A_1049 : vector<16xi1>
    %not3A_1051 = arith.constant dense<true> : vector<16xi1>
    %not3A_1052 = arith.xori %and3A_1050, %not3A_1051 : vector<16xi1>
    %and3A_1053 = arith.andi %and3A_1044, %not3A_1052 : vector<16xi1>
    %broadcast_in_dim3A_1054 = arith.constant 5 : i32
    %broadcast_in_dim3A_1055 = vector.broadcast %broadcast_in_dim3A_1054 : i32 to vector<16xi32>
    %lt3A_1056 = arith.cmpi slt, %broadcast_in_dim3A_1055, %sub3A_1017 : vector<16xi32>
    %all_reduce_ffs3A_1057 = tpu.all_reduce %and3A_1053 {dim = 0 : i64, kind = #tpu.reduction_kind<find_first_set>} : vector<16xi1> -> vector<16xi32>
    %eq3A_1058 = arith.cmpi eq, %iota3A, %all_reduce_ffs3A_1057 : vector<16xi32>
    %and3A_1059 = arith.andi %lt3A_1056, %eq3A_1058 : vector<16xi1>
    %not3A_1060 = arith.constant dense<true> : vector<16xi1>
    %not3A_1061 = arith.xori %and3A_1059, %not3A_1060 : vector<16xi1>
    %and3A_1062 = arith.andi %and3A_1053, %not3A_1061 : vector<16xi1>
    %broadcast_in_dim3A_1063 = arith.constant 6 : i32
    %broadcast_in_dim3A_1064 = vector.broadcast %broadcast_in_dim3A_1063 : i32 to vector<16xi32>
    %lt3A_1065 = arith.cmpi slt, %broadcast_in_dim3A_1064, %sub3A_1017 : vector<16xi32>
    %all_reduce_ffs3A_1066 = tpu.all_reduce %and3A_1062 {dim = 0 : i64, kind = #tpu.reduction_kind<find_first_set>} : vector<16xi1> -> vector<16xi32>
    %eq3A_1067 = arith.cmpi eq, %iota3A, %all_reduce_ffs3A_1066 : vector<16xi32>
    %and3A_1068 = arith.andi %lt3A_1065, %eq3A_1067 : vector<16xi1>
    %not3A_1069 = arith.constant dense<true> : vector<16xi1>
    %not3A_1070 = arith.xori %and3A_1068, %not3A_1069 : vector<16xi1>
    %and3A_1071 = arith.andi %and3A_1062, %not3A_1070 : vector<16xi1>
    %broadcast_in_dim3A_1072 = arith.constant 7 : i32
    %broadcast_in_dim3A_1073 = vector.broadcast %broadcast_in_dim3A_1072 : i32 to vector<16xi32>
    %lt3A_1074 = arith.cmpi slt, %broadcast_in_dim3A_1073, %sub3A_1017 : vector<16xi32>
    %all_reduce_ffs3A_1075 = tpu.all_reduce %and3A_1071 {dim = 0 : i64, kind = #tpu.reduction_kind<find_first_set>} : vector<16xi1> -> vector<16xi32>
    %eq3A_1076 = arith.cmpi eq, %iota3A, %all_reduce_ffs3A_1075 : vector<16xi32>
    %and3A_1077 = arith.andi %lt3A_1074, %eq3A_1076 : vector<16xi1>
    %not3A_1078 = arith.constant dense<true> : vector<16xi1>
    %not3A_1079 = arith.xori %and3A_1077, %not3A_1078 : vector<16xi1>
    %and3A_1080 = arith.andi %and3A_1071, %not3A_1079 : vector<16xi1>
    %broadcast_in_dim3A_1081 = arith.constant 8 : i32
    %broadcast_in_dim3A_1082 = vector.broadcast %broadcast_in_dim3A_1081 : i32 to vector<16xi32>
    %lt3A_1083 = arith.cmpi slt, %broadcast_in_dim3A_1082, %sub3A_1017 : vector<16xi32>
    %all_reduce_ffs3A_1084 = tpu.all_reduce %and3A_1080 {dim = 0 : i64, kind = #tpu.reduction_kind<find_first_set>} : vector<16xi1> -> vector<16xi32>
    %eq3A_1085 = arith.cmpi eq, %iota3A, %all_reduce_ffs3A_1084 : vector<16xi32>
    %and3A_1086 = arith.andi %lt3A_1083, %eq3A_1085 : vector<16xi1>
    %not3A_1087 = arith.constant dense<true> : vector<16xi1>
    %not3A_1088 = arith.xori %and3A_1086, %not3A_1087 : vector<16xi1>
    %and3A_1089 = arith.andi %and3A_1080, %not3A_1088 : vector<16xi1>
    %broadcast_in_dim3A_1090 = arith.constant 9 : i32
    %broadcast_in_dim3A_1091 = vector.broadcast %broadcast_in_dim3A_1090 : i32 to vector<16xi32>
    %lt3A_1092 = arith.cmpi slt, %broadcast_in_dim3A_1091, %sub3A_1017 : vector<16xi32>
    %all_reduce_ffs3A_1093 = tpu.all_reduce %and3A_1089 {dim = 0 : i64, kind = #tpu.reduction_kind<find_first_set>} : vector<16xi1> -> vector<16xi32>
    %eq3A_1094 = arith.cmpi eq, %iota3A, %all_reduce_ffs3A_1093 : vector<16xi32>
    %and3A_1095 = arith.andi %lt3A_1092, %eq3A_1094 : vector<16xi1>
    %not3A_1096 = arith.constant dense<true> : vector<16xi1>
    %not3A_1097 = arith.xori %and3A_1095, %not3A_1096 : vector<16xi1>
    %and3A_1098 = arith.andi %and3A_1089, %not3A_1097 : vector<16xi1>
    %broadcast_in_dim3A_1099 = arith.constant 10 : i32
    %broadcast_in_dim3A_1100 = vector.broadcast %broadcast_in_dim3A_1099 : i32 to vector<16xi32>
    %lt3A_1101 = arith.cmpi slt, %broadcast_in_dim3A_1100, %sub3A_1017 : vector<16xi32>
    %all_reduce_ffs3A_1102 = tpu.all_reduce %and3A_1098 {dim = 0 : i64, kind = #tpu.reduction_kind<find_first_set>} : vector<16xi1> -> vector<16xi32>
    %eq3A_1103 = arith.cmpi eq, %iota3A, %all_reduce_ffs3A_1102 : vector<16xi32>
    %and3A_1104 = arith.andi %lt3A_1101, %eq3A_1103 : vector<16xi1>
    %not3A_1105 = arith.constant dense<true> : vector<16xi1>
    %not3A_1106 = arith.xori %and3A_1104, %not3A_1105 : vector<16xi1>
    %and3A_1107 = arith.andi %and3A_1098, %not3A_1106 : vector<16xi1>
    %broadcast_in_dim3A_1108 = arith.constant 11 : i32
    %broadcast_in_dim3A_1109 = vector.broadcast %broadcast_in_dim3A_1108 : i32 to vector<16xi32>
    %lt3A_1110 = arith.cmpi slt, %broadcast_in_dim3A_1109, %sub3A_1017 : vector<16xi32>
    %all_reduce_ffs3A_1111 = tpu.all_reduce %and3A_1107 {dim = 0 : i64, kind = #tpu.reduction_kind<find_first_set>} : vector<16xi1> -> vector<16xi32>
    %eq3A_1112 = arith.cmpi eq, %iota3A, %all_reduce_ffs3A_1111 : vector<16xi32>
    %and3A_1113 = arith.andi %lt3A_1110, %eq3A_1112 : vector<16xi1>
    %not3A_1114 = arith.constant dense<true> : vector<16xi1>
    %not3A_1115 = arith.xori %and3A_1113, %not3A_1114 : vector<16xi1>
    %and3A_1116 = arith.andi %and3A_1107, %not3A_1115 : vector<16xi1>
    %broadcast_in_dim3A_1117 = arith.constant 12 : i32
    %broadcast_in_dim3A_1118 = vector.broadcast %broadcast_in_dim3A_1117 : i32 to vector<16xi32>
    %lt3A_1119 = arith.cmpi slt, %broadcast_in_dim3A_1118, %sub3A_1017 : vector<16xi32>
    %all_reduce_ffs3A_1120 = tpu.all_reduce %and3A_1116 {dim = 0 : i64, kind = #tpu.reduction_kind<find_first_set>} : vector<16xi1> -> vector<16xi32>
    %eq3A_1121 = arith.cmpi eq, %iota3A, %all_reduce_ffs3A_1120 : vector<16xi32>
    %and3A_1122 = arith.andi %lt3A_1119, %eq3A_1121 : vector<16xi1>
    %not3A_1123 = arith.constant dense<true> : vector<16xi1>
    %not3A_1124 = arith.xori %and3A_1122, %not3A_1123 : vector<16xi1>
    %and3A_1125 = arith.andi %and3A_1116, %not3A_1124 : vector<16xi1>
    %broadcast_in_dim3A_1126 = arith.constant 13 : i32
    %broadcast_in_dim3A_1127 = vector.broadcast %broadcast_in_dim3A_1126 : i32 to vector<16xi32>
    %lt3A_1128 = arith.cmpi slt, %broadcast_in_dim3A_1127, %sub3A_1017 : vector<16xi32>
    %all_reduce_ffs3A_1129 = tpu.all_reduce %and3A_1125 {dim = 0 : i64, kind = #tpu.reduction_kind<find_first_set>} : vector<16xi1> -> vector<16xi32>
    %eq3A_1130 = arith.cmpi eq, %iota3A, %all_reduce_ffs3A_1129 : vector<16xi32>
    %and3A_1131 = arith.andi %lt3A_1128, %eq3A_1130 : vector<16xi1>
    %not3A_1132 = arith.constant dense<true> : vector<16xi1>
    %not3A_1133 = arith.xori %and3A_1131, %not3A_1132 : vector<16xi1>
    %and3A_1134 = arith.andi %and3A_1125, %not3A_1133 : vector<16xi1>
    %broadcast_in_dim3A_1135 = arith.constant 14 : i32
    %broadcast_in_dim3A_1136 = vector.broadcast %broadcast_in_dim3A_1135 : i32 to vector<16xi32>
    %lt3A_1137 = arith.cmpi slt, %broadcast_in_dim3A_1136, %sub3A_1017 : vector<16xi32>
    %all_reduce_ffs3A_1138 = tpu.all_reduce %and3A_1134 {dim = 0 : i64, kind = #tpu.reduction_kind<find_first_set>} : vector<16xi1> -> vector<16xi32>
    %eq3A_1139 = arith.cmpi eq, %iota3A, %all_reduce_ffs3A_1138 : vector<16xi32>
    %and3A_1140 = arith.andi %lt3A_1137, %eq3A_1139 : vector<16xi1>
    %not3A_1141 = arith.constant dense<true> : vector<16xi1>
    %not3A_1142 = arith.xori %and3A_1140, %not3A_1141 : vector<16xi1>
    %and3A_1143 = arith.andi %and3A_1134, %not3A_1142 : vector<16xi1>
    %broadcast_in_dim3A_1144 = arith.constant 15 : i32
    %broadcast_in_dim3A_1145 = vector.broadcast %broadcast_in_dim3A_1144 : i32 to vector<16xi32>
    %lt3A_1146 = arith.cmpi slt, %broadcast_in_dim3A_1145, %sub3A_1017 : vector<16xi32>
    %all_reduce_ffs3A_1147 = tpu.all_reduce %and3A_1143 {dim = 0 : i64, kind = #tpu.reduction_kind<find_first_set>} : vector<16xi1> -> vector<16xi32>
    %eq3A_1148 = arith.cmpi eq, %iota3A, %all_reduce_ffs3A_1147 : vector<16xi32>
    %and3A_1149 = arith.andi %lt3A_1146, %eq3A_1148 : vector<16xi1>
    %not3A_1150 = arith.constant dense<true> : vector<16xi1>
    %not3A_1151 = arith.xori %and3A_1149, %not3A_1150 : vector<16xi1>
    %and3A_1152 = arith.andi %and3A_1143, %not3A_1151 : vector<16xi1>
    %all_reduce_ffs3A_1153 = tpu.all_reduce %and3A_1152 {dim = 0 : i64, kind = #tpu.reduction_kind<find_first_set>} : vector<16xi1> -> vector<16xi32>
    %add3A_1154 = arith.constant 64 : i32
    %add3A_1155 = arith.addi %mul3A_380, %add3A_1154 : i32
    %add3A_1156 = vector.broadcast %add3A_1155 : i32 to vector<16xi32>
    %add3A_1157 = arith.addi %all_reduce_ffs3A_1153, %add3A_1156 : vector<16xi32>
    %select_n3A_1158 = arith.select %and3A_1016, %add3A_1157, %select_n3A_1001 : vector<16xi1>, vector<16xi32>
    %add3A_1159 = arith.addi %add3A_1002, %all_reduce_population_count3A_1010 : vector<16xi32>
    %add3A_1160 = arith.constant 80 : i32
    %add3A_1161 = arith.addi %mul3A_380, %add3A_1160 : i32
    %get3A_1162 = arith.index_cast %add3A_1161 : i32 to index
    %get3A_1163 = tpu.vector_load %arg4[%get3A_1162] {strides = array<i32>} : memref<32768xf32, #tpu.memory_space<vmem>>, vector<16xf32>,
    %bitcast_convert_type3A_1164 = tpu.bitcast %get3A_1163 : vector<16xf32> -> vector<16xi32>
    %eq3A_1165 = vector.broadcast %while3A_349#0 : i32 to vector<16xi32>
    %eq3A_1166 = arith.cmpi eq, %bitcast_convert_type3A_1164, %eq3A_1165 : vector<16xi32>
    %all_reduce_population_count3A_1167 = tpu.all_reduce %eq3A_1166 {dim = 0 : i64, kind = #tpu.reduction_kind<sum>} : vector<16xi1> -> vector<16xi32>
    %lt3A_1168 = arith.constant 0 : i32
    %lt3A_1169 = vector.broadcast %lt3A_1168 : i32 to vector<16xi32>
    %lt3A_1170 = arith.cmpi slt, %select_n3A_1158, %lt3A_1169 : vector<16xi32>
    %add3A_1171 = arith.addi %add3A_1159, %all_reduce_population_count3A_1167 : vector<16xi32>
    %ge3A_1172 = arith.cmpi sge, %add3A_1171, %broadcast_in_dim3A_374 : vector<16xi32>
    %and3A_1173 = arith.andi %lt3A_1170, %ge3A_1172 : vector<16xi1>
    %sub3A_1174 = arith.subi %broadcast_in_dim3A_374, %add3A_1159 : vector<16xi32>
    %broadcast_in_dim3A_1175 = arith.constant 1 : i32
    %broadcast_in_dim3A_1176 = vector.broadcast %broadcast_in_dim3A_1175 : i32 to vector<16xi32>
    %lt3A_1177 = arith.cmpi slt, %broadcast_in_dim3A_1176, %sub3A_1174 : vector<16xi32>
    %all_reduce_ffs3A_1178 = tpu.all_reduce %eq3A_1166 {dim = 0 : i64, kind = #tpu.reduction_kind<find_first_set>} : vector<16xi1> -> vector<16xi32>
    %eq3A_1179 = arith.cmpi eq, %iota3A, %all_reduce_ffs3A_1178 : vector<16xi32>
    %and3A_1180 = arith.andi %lt3A_1177, %eq3A_1179 : vector<16xi1>
    %not3A_1181 = arith.constant dense<true> : vector<16xi1>
    %not3A_1182 = arith.xori %and3A_1180, %not3A_1181 : vector<16xi1>
    %and3A_1183 = arith.andi %eq3A_1166, %not3A_1182 : vector<16xi1>
    %broadcast_in_dim3A_1184 = arith.constant 2 : i32
    %broadcast_in_dim3A_1185 = vector.broadcast %broadcast_in_dim3A_1184 : i32 to vector<16xi32>
    %lt3A_1186 = arith.cmpi slt, %broadcast_in_dim3A_1185, %sub3A_1174 : vector<16xi32>
    %all_reduce_ffs3A_1187 = tpu.all_reduce %and3A_1183 {dim = 0 : i64, kind = #tpu.reduction_kind<find_first_set>} : vector<16xi1> -> vector<16xi32>
    %eq3A_1188 = arith.cmpi eq, %iota3A, %all_reduce_ffs3A_1187 : vector<16xi32>
    %and3A_1189 = arith.andi %lt3A_1186, %eq3A_1188 : vector<16xi1>
    %not3A_1190 = arith.constant dense<true> : vector<16xi1>
    %not3A_1191 = arith.xori %and3A_1189, %not3A_1190 : vector<16xi1>
    %and3A_1192 = arith.andi %and3A_1183, %not3A_1191 : vector<16xi1>
    %broadcast_in_dim3A_1193 = arith.constant 3 : i32
    %broadcast_in_dim3A_1194 = vector.broadcast %broadcast_in_dim3A_1193 : i32 to vector<16xi32>
    %lt3A_1195 = arith.cmpi slt, %broadcast_in_dim3A_1194, %sub3A_1174 : vector<16xi32>
    %all_reduce_ffs3A_1196 = tpu.all_reduce %and3A_1192 {dim = 0 : i64, kind = #tpu.reduction_kind<find_first_set>} : vector<16xi1> -> vector<16xi32>
    %eq3A_1197 = arith.cmpi eq, %iota3A, %all_reduce_ffs3A_1196 : vector<16xi32>
    %and3A_1198 = arith.andi %lt3A_1195, %eq3A_1197 : vector<16xi1>
    %not3A_1199 = arith.constant dense<true> : vector<16xi1>
    %not3A_1200 = arith.xori %and3A_1198, %not3A_1199 : vector<16xi1>
    %and3A_1201 = arith.andi %and3A_1192, %not3A_1200 : vector<16xi1>
    %broadcast_in_dim3A_1202 = arith.constant 4 : i32
    %broadcast_in_dim3A_1203 = vector.broadcast %broadcast_in_dim3A_1202 : i32 to vector<16xi32>
    %lt3A_1204 = arith.cmpi slt, %broadcast_in_dim3A_1203, %sub3A_1174 : vector<16xi32>
    %all_reduce_ffs3A_1205 = tpu.all_reduce %and3A_1201 {dim = 0 : i64, kind = #tpu.reduction_kind<find_first_set>} : vector<16xi1> -> vector<16xi32>
    %eq3A_1206 = arith.cmpi eq, %iota3A, %all_reduce_ffs3A_1205 : vector<16xi32>
    %and3A_1207 = arith.andi %lt3A_1204, %eq3A_1206 : vector<16xi1>
    %not3A_1208 = arith.constant dense<true> : vector<16xi1>
    %not3A_1209 = arith.xori %and3A_1207, %not3A_1208 : vector<16xi1>
    %and3A_1210 = arith.andi %and3A_1201, %not3A_1209 : vector<16xi1>
    %broadcast_in_dim3A_1211 = arith.constant 5 : i32
    %broadcast_in_dim3A_1212 = vector.broadcast %broadcast_in_dim3A_1211 : i32 to vector<16xi32>
    %lt3A_1213 = arith.cmpi slt, %broadcast_in_dim3A_1212, %sub3A_1174 : vector<16xi32>
    %all_reduce_ffs3A_1214 = tpu.all_reduce %and3A_1210 {dim = 0 : i64, kind = #tpu.reduction_kind<find_first_set>} : vector<16xi1> -> vector<16xi32>
    %eq3A_1215 = arith.cmpi eq, %iota3A, %all_reduce_ffs3A_1214 : vector<16xi32>
    %and3A_1216 = arith.andi %lt3A_1213, %eq3A_1215 : vector<16xi1>
    %not3A_1217 = arith.constant dense<true> : vector<16xi1>
    %not3A_1218 = arith.xori %and3A_1216, %not3A_1217 : vector<16xi1>
    %and3A_1219 = arith.andi %and3A_1210, %not3A_1218 : vector<16xi1>
    %broadcast_in_dim3A_1220 = arith.constant 6 : i32
    %broadcast_in_dim3A_1221 = vector.broadcast %broadcast_in_dim3A_1220 : i32 to vector<16xi32>
    %lt3A_1222 = arith.cmpi slt, %broadcast_in_dim3A_1221, %sub3A_1174 : vector<16xi32>
    %all_reduce_ffs3A_1223 = tpu.all_reduce %and3A_1219 {dim = 0 : i64, kind = #tpu.reduction_kind<find_first_set>} : vector<16xi1> -> vector<16xi32>
    %eq3A_1224 = arith.cmpi eq, %iota3A, %all_reduce_ffs3A_1223 : vector<16xi32>
    %and3A_1225 = arith.andi %lt3A_1222, %eq3A_1224 : vector<16xi1>
    %not3A_1226 = arith.constant dense<true> : vector<16xi1>
    %not3A_1227 = arith.xori %and3A_1225, %not3A_1226 : vector<16xi1>
    %and3A_1228 = arith.andi %and3A_1219, %not3A_1227 : vector<16xi1>
    %broadcast_in_dim3A_1229 = arith.constant 7 : i32
    %broadcast_in_dim3A_1230 = vector.broadcast %broadcast_in_dim3A_1229 : i32 to vector<16xi32>
    %lt3A_1231 = arith.cmpi slt, %broadcast_in_dim3A_1230, %sub3A_1174 : vector<16xi32>
    %all_reduce_ffs3A_1232 = tpu.all_reduce %and3A_1228 {dim = 0 : i64, kind = #tpu.reduction_kind<find_first_set>} : vector<16xi1> -> vector<16xi32>
    %eq3A_1233 = arith.cmpi eq, %iota3A, %all_reduce_ffs3A_1232 : vector<16xi32>
    %and3A_1234 = arith.andi %lt3A_1231, %eq3A_1233 : vector<16xi1>
    %not3A_1235 = arith.constant dense<true> : vector<16xi1>
    %not3A_1236 = arith.xori %and3A_1234, %not3A_1235 : vector<16xi1>
    %and3A_1237 = arith.andi %and3A_1228, %not3A_1236 : vector<16xi1>
    %broadcast_in_dim3A_1238 = arith.constant 8 : i32
    %broadcast_in_dim3A_1239 = vector.broadcast %broadcast_in_dim3A_1238 : i32 to vector<16xi32>
    %lt3A_1240 = arith.cmpi slt, %broadcast_in_dim3A_1239, %sub3A_1174 : vector<16xi32>
    %all_reduce_ffs3A_1241 = tpu.all_reduce %and3A_1237 {dim = 0 : i64, kind = #tpu.reduction_kind<find_first_set>} : vector<16xi1> -> vector<16xi32>
    %eq3A_1242 = arith.cmpi eq, %iota3A, %all_reduce_ffs3A_1241 : vector<16xi32>
    %and3A_1243 = arith.andi %lt3A_1240, %eq3A_1242 : vector<16xi1>
    %not3A_1244 = arith.constant dense<true> : vector<16xi1>
    %not3A_1245 = arith.xori %and3A_1243, %not3A_1244 : vector<16xi1>
    %and3A_1246 = arith.andi %and3A_1237, %not3A_1245 : vector<16xi1>
    %broadcast_in_dim3A_1247 = arith.constant 9 : i32
    %broadcast_in_dim3A_1248 = vector.broadcast %broadcast_in_dim3A_1247 : i32 to vector<16xi32>
    %lt3A_1249 = arith.cmpi slt, %broadcast_in_dim3A_1248, %sub3A_1174 : vector<16xi32>
    %all_reduce_ffs3A_1250 = tpu.all_reduce %and3A_1246 {dim = 0 : i64, kind = #tpu.reduction_kind<find_first_set>} : vector<16xi1> -> vector<16xi32>
    %eq3A_1251 = arith.cmpi eq, %iota3A, %all_reduce_ffs3A_1250 : vector<16xi32>
    %and3A_1252 = arith.andi %lt3A_1249, %eq3A_1251 : vector<16xi1>
    %not3A_1253 = arith.constant dense<true> : vector<16xi1>
    %not3A_1254 = arith.xori %and3A_1252, %not3A_1253 : vector<16xi1>
    %and3A_1255 = arith.andi %and3A_1246, %not3A_1254 : vector<16xi1>
    %broadcast_in_dim3A_1256 = arith.constant 10 : i32
    %broadcast_in_dim3A_1257 = vector.broadcast %broadcast_in_dim3A_1256 : i32 to vector<16xi32>
    %lt3A_1258 = arith.cmpi slt, %broadcast_in_dim3A_1257, %sub3A_1174 : vector<16xi32>
    %all_reduce_ffs3A_1259 = tpu.all_reduce %and3A_1255 {dim = 0 : i64, kind = #tpu.reduction_kind<find_first_set>} : vector<16xi1> -> vector<16xi32>
    %eq3A_1260 = arith.cmpi eq, %iota3A, %all_reduce_ffs3A_1259 : vector<16xi32>
    %and3A_1261 = arith.andi %lt3A_1258, %eq3A_1260 : vector<16xi1>
    %not3A_1262 = arith.constant dense<true> : vector<16xi1>
    %not3A_1263 = arith.xori %and3A_1261, %not3A_1262 : vector<16xi1>
    %and3A_1264 = arith.andi %and3A_1255, %not3A_1263 : vector<16xi1>
    %broadcast_in_dim3A_1265 = arith.constant 11 : i32
    %broadcast_in_dim3A_1266 = vector.broadcast %broadcast_in_dim3A_1265 : i32 to vector<16xi32>
    %lt3A_1267 = arith.cmpi slt, %broadcast_in_dim3A_1266, %sub3A_1174 : vector<16xi32>
    %all_reduce_ffs3A_1268 = tpu.all_reduce %and3A_1264 {dim = 0 : i64, kind = #tpu.reduction_kind<find_first_set>} : vector<16xi1> -> vector<16xi32>
    %eq3A_1269 = arith.cmpi eq, %iota3A, %all_reduce_ffs3A_1268 : vector<16xi32>
    %and3A_1270 = arith.andi %lt3A_1267, %eq3A_1269 : vector<16xi1>
    %not3A_1271 = arith.constant dense<true> : vector<16xi1>
    %not3A_1272 = arith.xori %and3A_1270, %not3A_1271 : vector<16xi1>
    %and3A_1273 = arith.andi %and3A_1264, %not3A_1272 : vector<16xi1>
    %broadcast_in_dim3A_1274 = arith.constant 12 : i32
    %broadcast_in_dim3A_1275 = vector.broadcast %broadcast_in_dim3A_1274 : i32 to vector<16xi32>
    %lt3A_1276 = arith.cmpi slt, %broadcast_in_dim3A_1275, %sub3A_1174 : vector<16xi32>
    %all_reduce_ffs3A_1277 = tpu.all_reduce %and3A_1273 {dim = 0 : i64, kind = #tpu.reduction_kind<find_first_set>} : vector<16xi1> -> vector<16xi32>
    %eq3A_1278 = arith.cmpi eq, %iota3A, %all_reduce_ffs3A_1277 : vector<16xi32>
    %and3A_1279 = arith.andi %lt3A_1276, %eq3A_1278 : vector<16xi1>
    %not3A_1280 = arith.constant dense<true> : vector<16xi1>
    %not3A_1281 = arith.xori %and3A_1279, %not3A_1280 : vector<16xi1>
    %and3A_1282 = arith.andi %and3A_1273, %not3A_1281 : vector<16xi1>
    %broadcast_in_dim3A_1283 = arith.constant 13 : i32
    %broadcast_in_dim3A_1284 = vector.broadcast %broadcast_in_dim3A_1283 : i32 to vector<16xi32>
    %lt3A_1285 = arith.cmpi slt, %broadcast_in_dim3A_1284, %sub3A_1174 : vector<16xi32>
    %all_reduce_ffs3A_1286 = tpu.all_reduce %and3A_1282 {dim = 0 : i64, kind = #tpu.reduction_kind<find_first_set>} : vector<16xi1> -> vector<16xi32>
    %eq3A_1287 = arith.cmpi eq, %iota3A, %all_reduce_ffs3A_1286 : vector<16xi32>
    %and3A_1288 = arith.andi %lt3A_1285, %eq3A_1287 : vector<16xi1>
    %not3A_1289 = arith.constant dense<true> : vector<16xi1>
    %not3A_1290 = arith.xori %and3A_1288, %not3A_1289 : vector<16xi1>
    %and3A_1291 = arith.andi %and3A_1282, %not3A_1290 : vector<16xi1>
    %broadcast_in_dim3A_1292 = arith.constant 14 : i32
    %broadcast_in_dim3A_1293 = vector.broadcast %broadcast_in_dim3A_1292 : i32 to vector<16xi32>
    %lt3A_1294 = arith.cmpi slt, %broadcast_in_dim3A_1293, %sub3A_1174 : vector<16xi32>
    %all_reduce_ffs3A_1295 = tpu.all_reduce %and3A_1291 {dim = 0 : i64, kind = #tpu.reduction_kind<find_first_set>} : vector<16xi1> -> vector<16xi32>
    %eq3A_1296 = arith.cmpi eq, %iota3A, %all_reduce_ffs3A_1295 : vector<16xi32>
    %and3A_1297 = arith.andi %lt3A_1294, %eq3A_1296 : vector<16xi1>
    %not3A_1298 = arith.constant dense<true> : vector<16xi1>
    %not3A_1299 = arith.xori %and3A_1297, %not3A_1298 : vector<16xi1>
    %and3A_1300 = arith.andi %and3A_1291, %not3A_1299 : vector<16xi1>
    %broadcast_in_dim3A_1301 = arith.constant 15 : i32
    %broadcast_in_dim3A_1302 = vector.broadcast %broadcast_in_dim3A_1301 : i32 to vector<16xi32>
    %lt3A_1303 = arith.cmpi slt, %broadcast_in_dim3A_1302, %sub3A_1174 : vector<16xi32>
    %all_reduce_ffs3A_1304 = tpu.all_reduce %and3A_1300 {dim = 0 : i64, kind = #tpu.reduction_kind<find_first_set>} : vector<16xi1> -> vector<16xi32>
    %eq3A_1305 = arith.cmpi eq, %iota3A, %all_reduce_ffs3A_1304 : vector<16xi32>
    %and3A_1306 = arith.andi %lt3A_1303, %eq3A_1305 : vector<16xi1>
    %not3A_1307 = arith.constant dense<true> : vector<16xi1>
    %not3A_1308 = arith.xori %and3A_1306, %not3A_1307 : vector<16xi1>
    %and3A_1309 = arith.andi %and3A_1300, %not3A_1308 : vector<16xi1>
    %all_reduce_ffs3A_1310 = tpu.all_reduce %and3A_1309 {dim = 0 : i64, kind = #tpu.reduction_kind<find_first_set>} : vector<16xi1> -> vector<16xi32>
    %add3A_1311 = arith.constant 80 : i32
    %add3A_1312 = arith.addi %mul3A_380, %add3A_1311 : i32
    %add3A_1313 = vector.broadcast %add3A_1312 : i32 to vector<16xi32>
    %add3A_1314 = arith.addi %all_reduce_ffs3A_1310, %add3A_1313 : vector<16xi32>
    %select_n3A_1315 = arith.select %and3A_1173, %add3A_1314, %select_n3A_1158 : vector<16xi1>, vector<16xi32>
    %add3A_1316 = arith.addi %add3A_1159, %all_reduce_population_count3A_1167 : vector<16xi32>
    %add3A_1317 = arith.constant 96 : i32
    %add3A_1318 = arith.addi %mul3A_380, %add3A_1317 : i32
    %get3A_1319 = arith.index_cast %add3A_1318 : i32 to index
    %get3A_1320 = tpu.vector_load %arg4[%get3A_1319] {strides = array<i32>} : memref<32768xf32, #tpu.memory_space<vmem>>, vector<16xf32>,
    %bitcast_convert_type3A_1321 = tpu.bitcast %get3A_1320 : vector<16xf32> -> vector<16xi32>
    %eq3A_1322 = vector.broadcast %while3A_349#0 : i32 to vector<16xi32>
    %eq3A_1323 = arith.cmpi eq, %bitcast_convert_type3A_1321, %eq3A_1322 : vector<16xi32>
    %all_reduce_population_count3A_1324 = tpu.all_reduce %eq3A_1323 {dim = 0 : i64, kind = #tpu.reduction_kind<sum>} : vector<16xi1> -> vector<16xi32>
    %lt3A_1325 = arith.constant 0 : i32
    %lt3A_1326 = vector.broadcast %lt3A_1325 : i32 to vector<16xi32>
    %lt3A_1327 = arith.cmpi slt, %select_n3A_1315, %lt3A_1326 : vector<16xi32>
    %add3A_1328 = arith.addi %add3A_1316, %all_reduce_population_count3A_1324 : vector<16xi32>
    %ge3A_1329 = arith.cmpi sge, %add3A_1328, %broadcast_in_dim3A_374 : vector<16xi32>
    %and3A_1330 = arith.andi %lt3A_1327, %ge3A_1329 : vector<16xi1>
    %sub3A_1331 = arith.subi %broadcast_in_dim3A_374, %add3A_1316 : vector<16xi32>
    %broadcast_in_dim3A_1332 = arith.constant 1 : i32
    %broadcast_in_dim3A_1333 = vector.broadcast %broadcast_in_dim3A_1332 : i32 to vector<16xi32>
    %lt3A_1334 = arith.cmpi slt, %broadcast_in_dim3A_1333, %sub3A_1331 : vector<16xi32>
    %all_reduce_ffs3A_1335 = tpu.all_reduce %eq3A_1323 {dim = 0 : i64, kind = #tpu.reduction_kind<find_first_set>} : vector<16xi1> -> vector<16xi32>
    %eq3A_1336 = arith.cmpi eq, %iota3A, %all_reduce_ffs3A_1335 : vector<16xi32>
    %and3A_1337 = arith.andi %lt3A_1334, %eq3A_1336 : vector<16xi1>
    %not3A_1338 = arith.constant dense<true> : vector<16xi1>
    %not3A_1339 = arith.xori %and3A_1337, %not3A_1338 : vector<16xi1>
    %and3A_1340 = arith.andi %eq3A_1323, %not3A_1339 : vector<16xi1>
    %broadcast_in_dim3A_1341 = arith.constant 2 : i32
    %broadcast_in_dim3A_1342 = vector.broadcast %broadcast_in_dim3A_1341 : i32 to vector<16xi32>
    %lt3A_1343 = arith.cmpi slt, %broadcast_in_dim3A_1342, %sub3A_1331 : vector<16xi32>
    %all_reduce_ffs3A_1344 = tpu.all_reduce %and3A_1340 {dim = 0 : i64, kind = #tpu.reduction_kind<find_first_set>} : vector<16xi1> -> vector<16xi32>
    %eq3A_1345 = arith.cmpi eq, %iota3A, %all_reduce_ffs3A_1344 : vector<16xi32>
    %and3A_1346 = arith.andi %lt3A_1343, %eq3A_1345 : vector<16xi1>
    %not3A_1347 = arith.constant dense<true> : vector<16xi1>
    %not3A_1348 = arith.xori %and3A_1346, %not3A_1347 : vector<16xi1>
    %and3A_1349 = arith.andi %and3A_1340, %not3A_1348 : vector<16xi1>
    %broadcast_in_dim3A_1350 = arith.constant 3 : i32
    %broadcast_in_dim3A_1351 = vector.broadcast %broadcast_in_dim3A_1350 : i32 to vector<16xi32>
    %lt3A_1352 = arith.cmpi slt, %broadcast_in_dim3A_1351, %sub3A_1331 : vector<16xi32>
    %all_reduce_ffs3A_1353 = tpu.all_reduce %and3A_1349 {dim = 0 : i64, kind = #tpu.reduction_kind<find_first_set>} : vector<16xi1> -> vector<16xi32>
    %eq3A_1354 = arith.cmpi eq, %iota3A, %all_reduce_ffs3A_1353 : vector<16xi32>
    %and3A_1355 = arith.andi %lt3A_1352, %eq3A_1354 : vector<16xi1>
    %not3A_1356 = arith.constant dense<true> : vector<16xi1>
    %not3A_1357 = arith.xori %and3A_1355, %not3A_1356 : vector<16xi1>
    %and3A_1358 = arith.andi %and3A_1349, %not3A_1357 : vector<16xi1>
    %broadcast_in_dim3A_1359 = arith.constant 4 : i32
    %broadcast_in_dim3A_1360 = vector.broadcast %broadcast_in_dim3A_1359 : i32 to vector<16xi32>
    %lt3A_1361 = arith.cmpi slt, %broadcast_in_dim3A_1360, %sub3A_1331 : vector<16xi32>
    %all_reduce_ffs3A_1362 = tpu.all_reduce %and3A_1358 {dim = 0 : i64, kind = #tpu.reduction_kind<find_first_set>} : vector<16xi1> -> vector<16xi32>
    %eq3A_1363 = arith.cmpi eq, %iota3A, %all_reduce_ffs3A_1362 : vector<16xi32>
    %and3A_1364 = arith.andi %lt3A_1361, %eq3A_1363 : vector<16xi1>
    %not3A_1365 = arith.constant dense<true> : vector<16xi1>
    %not3A_1366 = arith.xori %and3A_1364, %not3A_1365 : vector<16xi1>
    %and3A_1367 = arith.andi %and3A_1358, %not3A_1366 : vector<16xi1>
    %broadcast_in_dim3A_1368 = arith.constant 5 : i32
    %broadcast_in_dim3A_1369 = vector.broadcast %broadcast_in_dim3A_1368 : i32 to vector<16xi32>
    %lt3A_1370 = arith.cmpi slt, %broadcast_in_dim3A_1369, %sub3A_1331 : vector<16xi32>
    %all_reduce_ffs3A_1371 = tpu.all_reduce %and3A_1367 {dim = 0 : i64, kind = #tpu.reduction_kind<find_first_set>} : vector<16xi1> -> vector<16xi32>
    %eq3A_1372 = arith.cmpi eq, %iota3A, %all_reduce_ffs3A_1371 : vector<16xi32>
    %and3A_1373 = arith.andi %lt3A_1370, %eq3A_1372 : vector<16xi1>
    %not3A_1374 = arith.constant dense<true> : vector<16xi1>
    %not3A_1375 = arith.xori %and3A_1373, %not3A_1374 : vector<16xi1>
    %and3A_1376 = arith.andi %and3A_1367, %not3A_1375 : vector<16xi1>
    %broadcast_in_dim3A_1377 = arith.constant 6 : i32
    %broadcast_in_dim3A_1378 = vector.broadcast %broadcast_in_dim3A_1377 : i32 to vector<16xi32>
    %lt3A_1379 = arith.cmpi slt, %broadcast_in_dim3A_1378, %sub3A_1331 : vector<16xi32>
    %all_reduce_ffs3A_1380 = tpu.all_reduce %and3A_1376 {dim = 0 : i64, kind = #tpu.reduction_kind<find_first_set>} : vector<16xi1> -> vector<16xi32>
    %eq3A_1381 = arith.cmpi eq, %iota3A, %all_reduce_ffs3A_1380 : vector<16xi32>
    %and3A_1382 = arith.andi %lt3A_1379, %eq3A_1381 : vector<16xi1>
    %not3A_1383 = arith.constant dense<true> : vector<16xi1>
    %not3A_1384 = arith.xori %and3A_1382, %not3A_1383 : vector<16xi1>
    %and3A_1385 = arith.andi %and3A_1376, %not3A_1384 : vector<16xi1>
    %broadcast_in_dim3A_1386 = arith.constant 7 : i32
    %broadcast_in_dim3A_1387 = vector.broadcast %broadcast_in_dim3A_1386 : i32 to vector<16xi32>
    %lt3A_1388 = arith.cmpi slt, %broadcast_in_dim3A_1387, %sub3A_1331 : vector<16xi32>
    %all_reduce_ffs3A_1389 = tpu.all_reduce %and3A_1385 {dim = 0 : i64, kind = #tpu.reduction_kind<find_first_set>} : vector<16xi1> -> vector<16xi32>
    %eq3A_1390 = arith.cmpi eq, %iota3A, %all_reduce_ffs3A_1389 : vector<16xi32>
    %and3A_1391 = arith.andi %lt3A_1388, %eq3A_1390 : vector<16xi1>
    %not3A_1392 = arith.constant dense<true> : vector<16xi1>
    %not3A_1393 = arith.xori %and3A_1391, %not3A_1392 : vector<16xi1>
    %and3A_1394 = arith.andi %and3A_1385, %not3A_1393 : vector<16xi1>
    %broadcast_in_dim3A_1395 = arith.constant 8 : i32
    %broadcast_in_dim3A_1396 = vector.broadcast %broadcast_in_dim3A_1395 : i32 to vector<16xi32>
    %lt3A_1397 = arith.cmpi slt, %broadcast_in_dim3A_1396, %sub3A_1331 : vector<16xi32>
    %all_reduce_ffs3A_1398 = tpu.all_reduce %and3A_1394 {dim = 0 : i64, kind = #tpu.reduction_kind<find_first_set>} : vector<16xi1> -> vector<16xi32>
    %eq3A_1399 = arith.cmpi eq, %iota3A, %all_reduce_ffs3A_1398 : vector<16xi32>
    %and3A_1400 = arith.andi %lt3A_1397, %eq3A_1399 : vector<16xi1>
    %not3A_1401 = arith.constant dense<true> : vector<16xi1>
    %not3A_1402 = arith.xori %and3A_1400, %not3A_1401 : vector<16xi1>
    %and3A_1403 = arith.andi %and3A_1394, %not3A_1402 : vector<16xi1>
    %broadcast_in_dim3A_1404 = arith.constant 9 : i32
    %broadcast_in_dim3A_1405 = vector.broadcast %broadcast_in_dim3A_1404 : i32 to vector<16xi32>
    %lt3A_1406 = arith.cmpi slt, %broadcast_in_dim3A_1405, %sub3A_1331 : vector<16xi32>
    %all_reduce_ffs3A_1407 = tpu.all_reduce %and3A_1403 {dim = 0 : i64, kind = #tpu.reduction_kind<find_first_set>} : vector<16xi1> -> vector<16xi32>
    %eq3A_1408 = arith.cmpi eq, %iota3A, %all_reduce_ffs3A_1407 : vector<16xi32>
    %and3A_1409 = arith.andi %lt3A_1406, %eq3A_1408 : vector<16xi1>
    %not3A_1410 = arith.constant dense<true> : vector<16xi1>
    %not3A_1411 = arith.xori %and3A_1409, %not3A_1410 : vector<16xi1>
    %and3A_1412 = arith.andi %and3A_1403, %not3A_1411 : vector<16xi1>
    %broadcast_in_dim3A_1413 = arith.constant 10 : i32
    %broadcast_in_dim3A_1414 = vector.broadcast %broadcast_in_dim3A_1413 : i32 to vector<16xi32>
    %lt3A_1415 = arith.cmpi slt, %broadcast_in_dim3A_1414, %sub3A_1331 : vector<16xi32>
    %all_reduce_ffs3A_1416 = tpu.all_reduce %and3A_1412 {dim = 0 : i64, kind = #tpu.reduction_kind<find_first_set>} : vector<16xi1> -> vector<16xi32>
    %eq3A_1417 = arith.cmpi eq, %iota3A, %all_reduce_ffs3A_1416 : vector<16xi32>
    %and3A_1418 = arith.andi %lt3A_1415, %eq3A_1417 : vector<16xi1>
    %not3A_1419 = arith.constant dense<true> : vector<16xi1>
    %not3A_1420 = arith.xori %and3A_1418, %not3A_1419 : vector<16xi1>
    %and3A_1421 = arith.andi %and3A_1412, %not3A_1420 : vector<16xi1>
    %broadcast_in_dim3A_1422 = arith.constant 11 : i32
    %broadcast_in_dim3A_1423 = vector.broadcast %broadcast_in_dim3A_1422 : i32 to vector<16xi32>
    %lt3A_1424 = arith.cmpi slt, %broadcast_in_dim3A_1423, %sub3A_1331 : vector<16xi32>
    %all_reduce_ffs3A_1425 = tpu.all_reduce %and3A_1421 {dim = 0 : i64, kind = #tpu.reduction_kind<find_first_set>} : vector<16xi1> -> vector<16xi32>
    %eq3A_1426 = arith.cmpi eq, %iota3A, %all_reduce_ffs3A_1425 : vector<16xi32>
    %and3A_1427 = arith.andi %lt3A_1424, %eq3A_1426 : vector<16xi1>
    %not3A_1428 = arith.constant dense<true> : vector<16xi1>
    %not3A_1429 = arith.xori %and3A_1427, %not3A_1428 : vector<16xi1>
    %and3A_1430 = arith.andi %and3A_1421, %not3A_1429 : vector<16xi1>
    %broadcast_in_dim3A_1431 = arith.constant 12 : i32
    %broadcast_in_dim3A_1432 = vector.broadcast %broadcast_in_dim3A_1431 : i32 to vector<16xi32>
    %lt3A_1433 = arith.cmpi slt, %broadcast_in_dim3A_1432, %sub3A_1331 : vector<16xi32>
    %all_reduce_ffs3A_1434 = tpu.all_reduce %and3A_1430 {dim = 0 : i64, kind = #tpu.reduction_kind<find_first_set>} : vector<16xi1> -> vector<16xi32>
    %eq3A_1435 = arith.cmpi eq, %iota3A, %all_reduce_ffs3A_1434 : vector<16xi32>
    %and3A_1436 = arith.andi %lt3A_1433, %eq3A_1435 : vector<16xi1>
    %not3A_1437 = arith.constant dense<true> : vector<16xi1>
    %not3A_1438 = arith.xori %and3A_1436, %not3A_1437 : vector<16xi1>
    %and3A_1439 = arith.andi %and3A_1430, %not3A_1438 : vector<16xi1>
    %broadcast_in_dim3A_1440 = arith.constant 13 : i32
    %broadcast_in_dim3A_1441 = vector.broadcast %broadcast_in_dim3A_1440 : i32 to vector<16xi32>
    %lt3A_1442 = arith.cmpi slt, %broadcast_in_dim3A_1441, %sub3A_1331 : vector<16xi32>
    %all_reduce_ffs3A_1443 = tpu.all_reduce %and3A_1439 {dim = 0 : i64, kind = #tpu.reduction_kind<find_first_set>} : vector<16xi1> -> vector<16xi32>
    %eq3A_1444 = arith.cmpi eq, %iota3A, %all_reduce_ffs3A_1443 : vector<16xi32>
    %and3A_1445 = arith.andi %lt3A_1442, %eq3A_1444 : vector<16xi1>
    %not3A_1446 = arith.constant dense<true> : vector<16xi1>
    %not3A_1447 = arith.xori %and3A_1445, %not3A_1446 : vector<16xi1>
    %and3A_1448 = arith.andi %and3A_1439, %not3A_1447 : vector<16xi1>
    %broadcast_in_dim3A_1449 = arith.constant 14 : i32
    %broadcast_in_dim3A_1450 = vector.broadcast %broadcast_in_dim3A_1449 : i32 to vector<16xi32>
    %lt3A_1451 = arith.cmpi slt, %broadcast_in_dim3A_1450, %sub3A_1331 : vector<16xi32>
    %all_reduce_ffs3A_1452 = tpu.all_reduce %and3A_1448 {dim = 0 : i64, kind = #tpu.reduction_kind<find_first_set>} : vector<16xi1> -> vector<16xi32>
    %eq3A_1453 = arith.cmpi eq, %iota3A, %all_reduce_ffs3A_1452 : vector<16xi32>
    %and3A_1454 = arith.andi %lt3A_1451, %eq3A_1453 : vector<16xi1>
    %not3A_1455 = arith.constant dense<true> : vector<16xi1>
    %not3A_1456 = arith.xori %and3A_1454, %not3A_1455 : vector<16xi1>
    %and3A_1457 = arith.andi %and3A_1448, %not3A_1456 : vector<16xi1>
    %broadcast_in_dim3A_1458 = arith.constant 15 : i32
    %broadcast_in_dim3A_1459 = vector.broadcast %broadcast_in_dim3A_1458 : i32 to vector<16xi32>
    %lt3A_1460 = arith.cmpi slt, %broadcast_in_dim3A_1459, %sub3A_1331 : vector<16xi32>
    %all_reduce_ffs3A_1461 = tpu.all_reduce %and3A_1457 {dim = 0 : i64, kind = #tpu.reduction_kind<find_first_set>} : vector<16xi1> -> vector<16xi32>
    %eq3A_1462 = arith.cmpi eq, %iota3A, %all_reduce_ffs3A_1461 : vector<16xi32>
    %and3A_1463 = arith.andi %lt3A_1460, %eq3A_1462 : vector<16xi1>
    %not3A_1464 = arith.constant dense<true> : vector<16xi1>
    %not3A_1465 = arith.xori %and3A_1463, %not3A_1464 : vector<16xi1>
    %and3A_1466 = arith.andi %and3A_1457, %not3A_1465 : vector<16xi1>
    %all_reduce_ffs3A_1467 = tpu.all_reduce %and3A_1466 {dim = 0 : i64, kind = #tpu.reduction_kind<find_first_set>} : vector<16xi1> -> vector<16xi32>
    %add3A_1468 = arith.constant 96 : i32
    %add3A_1469 = arith.addi %mul3A_380, %add3A_1468 : i32
    %add3A_1470 = vector.broadcast %add3A_1469 : i32 to vector<16xi32>
    %add3A_1471 = arith.addi %all_reduce_ffs3A_1467, %add3A_1470 : vector<16xi32>
    %select_n3A_1472 = arith.select %and3A_1330, %add3A_1471, %select_n3A_1315 : vector<16xi1>, vector<16xi32>
    %add3A_1473 = arith.addi %add3A_1316, %all_reduce_population_count3A_1324 : vector<16xi32>
    %add3A_1474 = arith.constant 112 : i32
    %add3A_1475 = arith.addi %mul3A_380, %add3A_1474 : i32
    %get3A_1476 = arith.index_cast %add3A_1475 : i32 to index
    %get3A_1477 = tpu.vector_load %arg4[%get3A_1476] {strides = array<i32>} : memref<32768xf32, #tpu.memory_space<vmem>>, vector<16xf32>,
    %bitcast_convert_type3A_1478 = tpu.bitcast %get3A_1477 : vector<16xf32> -> vector<16xi32>
    %eq3A_1479 = vector.broadcast %while3A_349#0 : i32 to vector<16xi32>
    %eq3A_1480 = arith.cmpi eq, %bitcast_convert_type3A_1478, %eq3A_1479 : vector<16xi32>
    %all_reduce_population_count3A_1481 = tpu.all_reduce %eq3A_1480 {dim = 0 : i64, kind = #tpu.reduction_kind<sum>} : vector<16xi1> -> vector<16xi32>
    %lt3A_1482 = arith.constant 0 : i32
    %lt3A_1483 = vector.broadcast %lt3A_1482 : i32 to vector<16xi32>
    %lt3A_1484 = arith.cmpi slt, %select_n3A_1472, %lt3A_1483 : vector<16xi32>
    %add3A_1485 = arith.addi %add3A_1473, %all_reduce_population_count3A_1481 : vector<16xi32>
    %ge3A_1486 = arith.cmpi sge, %add3A_1485, %broadcast_in_dim3A_374 : vector<16xi32>
    %and3A_1487 = arith.andi %lt3A_1484, %ge3A_1486 : vector<16xi1>
    %sub3A_1488 = arith.subi %broadcast_in_dim3A_374, %add3A_1473 : vector<16xi32>
    %broadcast_in_dim3A_1489 = arith.constant 1 : i32
    %broadcast_in_dim3A_1490 = vector.broadcast %broadcast_in_dim3A_1489 : i32 to vector<16xi32>
    %lt3A_1491 = arith.cmpi slt, %broadcast_in_dim3A_1490, %sub3A_1488 : vector<16xi32>
    %all_reduce_ffs3A_1492 = tpu.all_reduce %eq3A_1480 {dim = 0 : i64, kind = #tpu.reduction_kind<find_first_set>} : vector<16xi1> -> vector<16xi32>
    %eq3A_1493 = arith.cmpi eq, %iota3A, %all_reduce_ffs3A_1492 : vector<16xi32>
    %and3A_1494 = arith.andi %lt3A_1491, %eq3A_1493 : vector<16xi1>
    %not3A_1495 = arith.constant dense<true> : vector<16xi1>
    %not3A_1496 = arith.xori %and3A_1494, %not3A_1495 : vector<16xi1>
    %and3A_1497 = arith.andi %eq3A_1480, %not3A_1496 : vector<16xi1>
    %broadcast_in_dim3A_1498 = arith.constant 2 : i32
    %broadcast_in_dim3A_1499 = vector.broadcast %broadcast_in_dim3A_1498 : i32 to vector<16xi32>
    %lt3A_1500 = arith.cmpi slt, %broadcast_in_dim3A_1499, %sub3A_1488 : vector<16xi32>
    %all_reduce_ffs3A_1501 = tpu.all_reduce %and3A_1497 {dim = 0 : i64, kind = #tpu.reduction_kind<find_first_set>} : vector<16xi1> -> vector<16xi32>
    %eq3A_1502 = arith.cmpi eq, %iota3A, %all_reduce_ffs3A_1501 : vector<16xi32>
    %and3A_1503 = arith.andi %lt3A_1500, %eq3A_1502 : vector<16xi1>
    %not3A_1504 = arith.constant dense<true> : vector<16xi1>
    %not3A_1505 = arith.xori %and3A_1503, %not3A_1504 : vector<16xi1>
    %and3A_1506 = arith.andi %and3A_1497, %not3A_1505 : vector<16xi1>
    %broadcast_in_dim3A_1507 = arith.constant 3 : i32
    %broadcast_in_dim3A_1508 = vector.broadcast %broadcast_in_dim3A_1507 : i32 to vector<16xi32>
    %lt3A_1509 = arith.cmpi slt, %broadcast_in_dim3A_1508, %sub3A_1488 : vector<16xi32>
    %all_reduce_ffs3A_1510 = tpu.all_reduce %and3A_1506 {dim = 0 : i64, kind = #tpu.reduction_kind<find_first_set>} : vector<16xi1> -> vector<16xi32>
    %eq3A_1511 = arith.cmpi eq, %iota3A, %all_reduce_ffs3A_1510 : vector<16xi32>
    %and3A_1512 = arith.andi %lt3A_1509, %eq3A_1511 : vector<16xi1>
    %not3A_1513 = arith.constant dense<true> : vector<16xi1>
    %not3A_1514 = arith.xori %and3A_1512, %not3A_1513 : vector<16xi1>
    %and3A_1515 = arith.andi %and3A_1506, %not3A_1514 : vector<16xi1>
    %broadcast_in_dim3A_1516 = arith.constant 4 : i32
    %broadcast_in_dim3A_1517 = vector.broadcast %broadcast_in_dim3A_1516 : i32 to vector<16xi32>
    %lt3A_1518 = arith.cmpi slt, %broadcast_in_dim3A_1517, %sub3A_1488 : vector<16xi32>
    %all_reduce_ffs3A_1519 = tpu.all_reduce %and3A_1515 {dim = 0 : i64, kind = #tpu.reduction_kind<find_first_set>} : vector<16xi1> -> vector<16xi32>
    %eq3A_1520 = arith.cmpi eq, %iota3A, %all_reduce_ffs3A_1519 : vector<16xi32>
    %and3A_1521 = arith.andi %lt3A_1518, %eq3A_1520 : vector<16xi1>
    %not3A_1522 = arith.constant dense<true> : vector<16xi1>
    %not3A_1523 = arith.xori %and3A_1521, %not3A_1522 : vector<16xi1>
    %and3A_1524 = arith.andi %and3A_1515, %not3A_1523 : vector<16xi1>
    %broadcast_in_dim3A_1525 = arith.constant 5 : i32
    %broadcast_in_dim3A_1526 = vector.broadcast %broadcast_in_dim3A_1525 : i32 to vector<16xi32>
    %lt3A_1527 = arith.cmpi slt, %broadcast_in_dim3A_1526, %sub3A_1488 : vector<16xi32>
    %all_reduce_ffs3A_1528 = tpu.all_reduce %and3A_1524 {dim = 0 : i64, kind = #tpu.reduction_kind<find_first_set>} : vector<16xi1> -> vector<16xi32>
    %eq3A_1529 = arith.cmpi eq, %iota3A, %all_reduce_ffs3A_1528 : vector<16xi32>
    %and3A_1530 = arith.andi %lt3A_1527, %eq3A_1529 : vector<16xi1>
    %not3A_1531 = arith.constant dense<true> : vector<16xi1>
    %not3A_1532 = arith.xori %and3A_1530, %not3A_1531 : vector<16xi1>
    %and3A_1533 = arith.andi %and3A_1524, %not3A_1532 : vector<16xi1>
    %broadcast_in_dim3A_1534 = arith.constant 6 : i32
    %broadcast_in_dim3A_1535 = vector.broadcast %broadcast_in_dim3A_1534 : i32 to vector<16xi32>
    %lt3A_1536 = arith.cmpi slt, %broadcast_in_dim3A_1535, %sub3A_1488 : vector<16xi32>
    %all_reduce_ffs3A_1537 = tpu.all_reduce %and3A_1533 {dim = 0 : i64, kind = #tpu.reduction_kind<find_first_set>} : vector<16xi1> -> vector<16xi32>
    %eq3A_1538 = arith.cmpi eq, %iota3A, %all_reduce_ffs3A_1537 : vector<16xi32>
    %and3A_1539 = arith.andi %lt3A_1536, %eq3A_1538 : vector<16xi1>
    %not3A_1540 = arith.constant dense<true> : vector<16xi1>
    %not3A_1541 = arith.xori %and3A_1539, %not3A_1540 : vector<16xi1>
    %and3A_1542 = arith.andi %and3A_1533, %not3A_1541 : vector<16xi1>
    %broadcast_in_dim3A_1543 = arith.constant 7 : i32
    %broadcast_in_dim3A_1544 = vector.broadcast %broadcast_in_dim3A_1543 : i32 to vector<16xi32>
    %lt3A_1545 = arith.cmpi slt, %broadcast_in_dim3A_1544, %sub3A_1488 : vector<16xi32>
    %all_reduce_ffs3A_1546 = tpu.all_reduce %and3A_1542 {dim = 0 : i64, kind = #tpu.reduction_kind<find_first_set>} : vector<16xi1> -> vector<16xi32>
    %eq3A_1547 = arith.cmpi eq, %iota3A, %all_reduce_ffs3A_1546 : vector<16xi32>
    %and3A_1548 = arith.andi %lt3A_1545, %eq3A_1547 : vector<16xi1>
    %not3A_1549 = arith.constant dense<true> : vector<16xi1>
    %not3A_1550 = arith.xori %and3A_1548, %not3A_1549 : vector<16xi1>
    %and3A_1551 = arith.andi %and3A_1542, %not3A_1550 : vector<16xi1>
    %broadcast_in_dim3A_1552 = arith.constant 8 : i32
    %broadcast_in_dim3A_1553 = vector.broadcast %broadcast_in_dim3A_1552 : i32 to vector<16xi32>
    %lt3A_1554 = arith.cmpi slt, %broadcast_in_dim3A_1553, %sub3A_1488 : vector<16xi32>
    %all_reduce_ffs3A_1555 = tpu.all_reduce %and3A_1551 {dim = 0 : i64, kind = #tpu.reduction_kind<find_first_set>} : vector<16xi1> -> vector<16xi32>
    %eq3A_1556 = arith.cmpi eq, %iota3A, %all_reduce_ffs3A_1555 : vector<16xi32>
    %and3A_1557 = arith.andi %lt3A_1554, %eq3A_1556 : vector<16xi1>
    %not3A_1558 = arith.constant dense<true> : vector<16xi1>
    %not3A_1559 = arith.xori %and3A_1557, %not3A_1558 : vector<16xi1>
    %and3A_1560 = arith.andi %and3A_1551, %not3A_1559 : vector<16xi1>
    %broadcast_in_dim3A_1561 = arith.constant 9 : i32
    %broadcast_in_dim3A_1562 = vector.broadcast %broadcast_in_dim3A_1561 : i32 to vector<16xi32>
    %lt3A_1563 = arith.cmpi slt, %broadcast_in_dim3A_1562, %sub3A_1488 : vector<16xi32>
    %all_reduce_ffs3A_1564 = tpu.all_reduce %and3A_1560 {dim = 0 : i64, kind = #tpu.reduction_kind<find_first_set>} : vector<16xi1> -> vector<16xi32>
    %eq3A_1565 = arith.cmpi eq, %iota3A, %all_reduce_ffs3A_1564 : vector<16xi32>
    %and3A_1566 = arith.andi %lt3A_1563, %eq3A_1565 : vector<16xi1>
    %not3A_1567 = arith.constant dense<true> : vector<16xi1>
    %not3A_1568 = arith.xori %and3A_1566, %not3A_1567 : vector<16xi1>
    %and3A_1569 = arith.andi %and3A_1560, %not3A_1568 : vector<16xi1>
    %broadcast_in_dim3A_1570 = arith.constant 10 : i32
    %broadcast_in_dim3A_1571 = vector.broadcast %broadcast_in_dim3A_1570 : i32 to vector<16xi32>
    %lt3A_1572 = arith.cmpi slt, %broadcast_in_dim3A_1571, %sub3A_1488 : vector<16xi32>
    %all_reduce_ffs3A_1573 = tpu.all_reduce %and3A_1569 {dim = 0 : i64, kind = #tpu.reduction_kind<find_first_set>} : vector<16xi1> -> vector<16xi32>
    %eq3A_1574 = arith.cmpi eq, %iota3A, %all_reduce_ffs3A_1573 : vector<16xi32>
    %and3A_1575 = arith.andi %lt3A_1572, %eq3A_1574 : vector<16xi1>
    %not3A_1576 = arith.constant dense<true> : vector<16xi1>
    %not3A_1577 = arith.xori %and3A_1575, %not3A_1576 : vector<16xi1>
    %and3A_1578 = arith.andi %and3A_1569, %not3A_1577 : vector<16xi1>
    %broadcast_in_dim3A_1579 = arith.constant 11 : i32
    %broadcast_in_dim3A_1580 = vector.broadcast %broadcast_in_dim3A_1579 : i32 to vector<16xi32>
    %lt3A_1581 = arith.cmpi slt, %broadcast_in_dim3A_1580, %sub3A_1488 : vector<16xi32>
    %all_reduce_ffs3A_1582 = tpu.all_reduce %and3A_1578 {dim = 0 : i64, kind = #tpu.reduction_kind<find_first_set>} : vector<16xi1> -> vector<16xi32>
    %eq3A_1583 = arith.cmpi eq, %iota3A, %all_reduce_ffs3A_1582 : vector<16xi32>
    %and3A_1584 = arith.andi %lt3A_1581, %eq3A_1583 : vector<16xi1>
    %not3A_1585 = arith.constant dense<true> : vector<16xi1>
    %not3A_1586 = arith.xori %and3A_1584, %not3A_1585 : vector<16xi1>
    %and3A_1587 = arith.andi %and3A_1578, %not3A_1586 : vector<16xi1>
    %broadcast_in_dim3A_1588 = arith.constant 12 : i32
    %broadcast_in_dim3A_1589 = vector.broadcast %broadcast_in_dim3A_1588 : i32 to vector<16xi32>
    %lt3A_1590 = arith.cmpi slt, %broadcast_in_dim3A_1589, %sub3A_1488 : vector<16xi32>
    %all_reduce_ffs3A_1591 = tpu.all_reduce %and3A_1587 {dim = 0 : i64, kind = #tpu.reduction_kind<find_first_set>} : vector<16xi1> -> vector<16xi32>
    %eq3A_1592 = arith.cmpi eq, %iota3A, %all_reduce_ffs3A_1591 : vector<16xi32>
    %and3A_1593 = arith.andi %lt3A_1590, %eq3A_1592 : vector<16xi1>
    %not3A_1594 = arith.constant dense<true> : vector<16xi1>
    %not3A_1595 = arith.xori %and3A_1593, %not3A_1594 : vector<16xi1>
    %and3A_1596 = arith.andi %and3A_1587, %not3A_1595 : vector<16xi1>
    %broadcast_in_dim3A_1597 = arith.constant 13 : i32
    %broadcast_in_dim3A_1598 = vector.broadcast %broadcast_in_dim3A_1597 : i32 to vector<16xi32>
    %lt3A_1599 = arith.cmpi slt, %broadcast_in_dim3A_1598, %sub3A_1488 : vector<16xi32>
    %all_reduce_ffs3A_1600 = tpu.all_reduce %and3A_1596 {dim = 0 : i64, kind = #tpu.reduction_kind<find_first_set>} : vector<16xi1> -> vector<16xi32>
    %eq3A_1601 = arith.cmpi eq, %iota3A, %all_reduce_ffs3A_1600 : vector<16xi32>
    %and3A_1602 = arith.andi %lt3A_1599, %eq3A_1601 : vector<16xi1>
    %not3A_1603 = arith.constant dense<true> : vector<16xi1>
    %not3A_1604 = arith.xori %and3A_1602, %not3A_1603 : vector<16xi1>
    %and3A_1605 = arith.andi %and3A_1596, %not3A_1604 : vector<16xi1>
    %broadcast_in_dim3A_1606 = arith.constant 14 : i32
    %broadcast_in_dim3A_1607 = vector.broadcast %broadcast_in_dim3A_1606 : i32 to vector<16xi32>
    %lt3A_1608 = arith.cmpi slt, %broadcast_in_dim3A_1607, %sub3A_1488 : vector<16xi32>
    %all_reduce_ffs3A_1609 = tpu.all_reduce %and3A_1605 {dim = 0 : i64, kind = #tpu.reduction_kind<find_first_set>} : vector<16xi1> -> vector<16xi32>
    %eq3A_1610 = arith.cmpi eq, %iota3A, %all_reduce_ffs3A_1609 : vector<16xi32>
    %and3A_1611 = arith.andi %lt3A_1608, %eq3A_1610 : vector<16xi1>
    %not3A_1612 = arith.constant dense<true> : vector<16xi1>
    %not3A_1613 = arith.xori %and3A_1611, %not3A_1612 : vector<16xi1>
    %and3A_1614 = arith.andi %and3A_1605, %not3A_1613 : vector<16xi1>
    %broadcast_in_dim3A_1615 = arith.constant 15 : i32
    %broadcast_in_dim3A_1616 = vector.broadcast %broadcast_in_dim3A_1615 : i32 to vector<16xi32>
    %lt3A_1617 = arith.cmpi slt, %broadcast_in_dim3A_1616, %sub3A_1488 : vector<16xi32>
    %all_reduce_ffs3A_1618 = tpu.all_reduce %and3A_1614 {dim = 0 : i64, kind = #tpu.reduction_kind<find_first_set>} : vector<16xi1> -> vector<16xi32>
    %eq3A_1619 = arith.cmpi eq, %iota3A, %all_reduce_ffs3A_1618 : vector<16xi32>
    %and3A_1620 = arith.andi %lt3A_1617, %eq3A_1619 : vector<16xi1>
    %not3A_1621 = arith.constant dense<true> : vector<16xi1>
    %not3A_1622 = arith.xori %and3A_1620, %not3A_1621 : vector<16xi1>
    %and3A_1623 = arith.andi %and3A_1614, %not3A_1622 : vector<16xi1>
    %all_reduce_ffs3A_1624 = tpu.all_reduce %and3A_1623 {dim = 0 : i64, kind = #tpu.reduction_kind<find_first_set>} : vector<16xi1> -> vector<16xi32>
    %add3A_1625 = arith.constant 112 : i32
    %add3A_1626 = arith.addi %mul3A_380, %add3A_1625 : i32
    %add3A_1627 = vector.broadcast %add3A_1626 : i32 to vector<16xi32>
    %add3A_1628 = arith.addi %all_reduce_ffs3A_1624, %add3A_1627 : vector<16xi32>
    %select_n3A_1629 = arith.select %and3A_1487, %add3A_1628, %select_n3A_1472 : vector<16xi1>, vector<16xi32>
    %add3A_1630 = arith.addi %add3A_1473, %all_reduce_population_count3A_1481 : vector<16xi32>
    "tpu.trace_stop"() : () -> ()
    "tpu.trace_start"() <{level = 10 : i32, message = "p5_mask"}> : () -> ()
    %slice3A_1631 = vector.extract_strided_slice %select_n3A_1629 {offsets = [0], sizes = [1], strides = [1]} : vector<16xi32> to vector<1xi32>
    %squeeze3A_1632 = vector.extract %slice3A_1631[0] : i32 from vector<1xi32>
    %shift_right_logical3A = arith.constant 4 : i32
    %shift_right_logical3A_1633 = arith.shrui %squeeze3A_1632, %shift_right_logical3A : i32
    %ge3A_1634 = arith.constant 512 : i32
    %ge3A_1635 = arith.cmpi sge, %shift_right_logical3A_1633, %ge3A_1634 : i32
    %lt3A_1636 = arith.constant 0 : i32
    %lt3A_1637 = arith.cmpi slt, %shift_right_logical3A_1633, %lt3A_1636 : i32
    %convert_element_type3A = arith.extui %ge3A_1635 : i1 to i32
    %cond3A = arith.constant 0 : i32
    %cond3A_1638 = arith.cmpi ne, %convert_element_type3A, %cond3A : i32
    scf.if %cond3A_1638 {
      %parallel_loop3A_1775 = arith.constant 0 : i32
      %parallel_loop3A_1776 = arith.constant 512 : i32
      %parallel_loop3A_1777 = arith.constant 1 : i32
      scf.for %parallel_loop3A_1778 = %parallel_loop3A_1775 to %parallel_loop3A_1776 step %parallel_loop3A_1777  : i32 {
        %parallel_loop3A_1779 = arith.constant 16 : i32
        %parallel_loop3A_1780 = arith.muli %parallel_loop3A_1778, %parallel_loop3A_1779 : i32
        %parallel_loop3A_1781 = arith.index_cast %parallel_loop3A_1780 : i32 to index
        %parallel_loop3A_1782 = tpu.vector_load %arg4[%parallel_loop3A_1781] {strides = array<i32>} : memref<32768xf32, #tpu.memory_space<vmem>>, vector<16xf32>,
        %parallel_loop3A_1783 = tpu.bitcast %parallel_loop3A_1782 : vector<16xf32> -> vector<16xi32>
        %parallel_loop3A_1784 = vector.broadcast %while3A_349#0 : i32 to vector<16xi32>
        %parallel_loop3A_1785 = arith.cmpi sle, %parallel_loop3A_1783, %parallel_loop3A_1784 : vector<16xi32>
        %parallel_loop3A_1786 = arith.constant 0.000000e+00 : f32
        %parallel_loop3A_1787 = vector.broadcast %parallel_loop3A_1786 : f32 to vector<16xf32>
        %parallel_loop3A_1788 = arith.select %parallel_loop3A_1785, %parallel_loop3A_1787, %parallel_loop3A_1782 : vector<16xi1>, vector<16xf32>
        %parallel_loop3A_1789 = arith.constant 16 : i32
        %parallel_loop3A_1790 = arith.muli %parallel_loop3A_1778, %parallel_loop3A_1789 : i32
        %parallel_loop3A_1791 = arith.index_cast %parallel_loop3A_1790 : i32 to index
        %parallel_loop3A_1792 = tpu.vector_load %arg4[%parallel_loop3A_1791] {strides = array<i32>} : memref<32768xf32, #tpu.memory_space<vmem>>, vector<16xf32>,
        tpu.vector_store %arg4[%parallel_loop3A_1791], %parallel_loop3A_1788 {strides = array<i32>} : memref<32768xf32, #tpu.memory_space<vmem>>, vector<16xf32>,
      } {sc.loop_unroll_factor = 8 : i64, sc.parallel_access}
    } else {
    }
    %convert_element_type3A_1639 = arith.extui %lt3A_1637 : i1 to i32
    %cond3A_1640 = arith.constant 0 : i32
    %cond3A_1641 = arith.cmpi ne, %convert_element_type3A_1639, %cond3A_1640 : i32
    scf.if %cond3A_1641 {
      %parallel_loop3A_1775 = arith.constant 0 : i32
      %parallel_loop3A_1776 = arith.constant 512 : i32
      %parallel_loop3A_1777 = arith.constant 1 : i32
      scf.for %parallel_loop3A_1778 = %parallel_loop3A_1775 to %parallel_loop3A_1776 step %parallel_loop3A_1777  : i32 {
        %parallel_loop3A_1779 = arith.constant 16 : i32
        %parallel_loop3A_1780 = arith.muli %parallel_loop3A_1778, %parallel_loop3A_1779 : i32
        %parallel_loop3A_1781 = arith.index_cast %parallel_loop3A_1780 : i32 to index
        %parallel_loop3A_1782 = tpu.vector_load %arg4[%parallel_loop3A_1781] {strides = array<i32>} : memref<32768xf32, #tpu.memory_space<vmem>>, vector<16xf32>,
        %parallel_loop3A_1783 = tpu.bitcast %parallel_loop3A_1782 : vector<16xf32> -> vector<16xi32>
        %parallel_loop3A_1784 = vector.broadcast %while3A_349#0 : i32 to vector<16xi32>
        %parallel_loop3A_1785 = arith.cmpi slt, %parallel_loop3A_1783, %parallel_loop3A_1784 : vector<16xi32>
        %parallel_loop3A_1786 = arith.constant 0.000000e+00 : f32
        %parallel_loop3A_1787 = vector.broadcast %parallel_loop3A_1786 : f32 to vector<16xf32>
        %parallel_loop3A_1788 = arith.select %parallel_loop3A_1785, %parallel_loop3A_1787, %parallel_loop3A_1782 : vector<16xi1>, vector<16xf32>
        %parallel_loop3A_1789 = arith.constant 16 : i32
        %parallel_loop3A_1790 = arith.muli %parallel_loop3A_1778, %parallel_loop3A_1789 : i32
        %parallel_loop3A_1791 = arith.index_cast %parallel_loop3A_1790 : i32 to index
        %parallel_loop3A_1792 = tpu.vector_load %arg4[%parallel_loop3A_1791] {strides = array<i32>} : memref<32768xf32, #tpu.memory_space<vmem>>, vector<16xf32>,
        tpu.vector_store %arg4[%parallel_loop3A_1791], %parallel_loop3A_1788 {strides = array<i32>} : memref<32768xf32, #tpu.memory_space<vmem>>, vector<16xf32>,
      } {sc.loop_unroll_factor = 8 : i64, sc.parallel_access}
    } else {
    }
    %or3A = arith.ori %ge3A_1635, %lt3A_1637 : i1
    %not3A_1642 = arith.constant true
    %not3A_1643 = arith.xori %or3A, %not3A_1642 : i1
    %convert_element_type3A_1644 = arith.extui %not3A_1643 : i1 to i32
    %cond3A_1645 = arith.constant 0 : i32
    %cond3A_1646 = arith.cmpi ne, %convert_element_type3A_1644, %cond3A_1645 : i32
    scf.if %cond3A_1646 {
      %parallel_loop3A_1775 = arith.constant 0 : i32
      %parallel_loop3A_1776 = arith.constant 512 : i32
      %parallel_loop3A_1777 = arith.constant 1 : i32
      scf.for %parallel_loop3A_1778 = %parallel_loop3A_1775 to %parallel_loop3A_1776 step %parallel_loop3A_1777  : i32 {
        %parallel_loop3A_1779 = arith.constant 16 : i32
        %parallel_loop3A_1780 = arith.muli %parallel_loop3A_1778, %parallel_loop3A_1779 : i32
        %parallel_loop3A_1781 = arith.index_cast %parallel_loop3A_1780 : i32 to index
        %parallel_loop3A_1782 = tpu.vector_load %arg4[%parallel_loop3A_1781] {strides = array<i32>} : memref<32768xf32, #tpu.memory_space<vmem>>, vector<16xf32>,
        %parallel_loop3A_1783 = tpu.bitcast %parallel_loop3A_1782 : vector<16xf32> -> vector<16xi32>
        %parallel_loop3A_1784 = vector.broadcast %parallel_loop3A_1780 : i32 to vector<16xi32>
        %parallel_loop3A_1785 = arith.addi %iota3A, %parallel_loop3A_1784 : vector<16xi32>
        %parallel_loop3A_1786 = vector.broadcast %while3A_349#0 : i32 to vector<16xi32>
        %parallel_loop3A_1787 = arith.cmpi slt, %parallel_loop3A_1783, %parallel_loop3A_1786 : vector<16xi32>
        %parallel_loop3A_1788 = vector.broadcast %while3A_349#0 : i32 to vector<16xi32>
        %parallel_loop3A_1789 = arith.cmpi eq, %parallel_loop3A_1783, %parallel_loop3A_1788 : vector<16xi32>
        %parallel_loop3A_1790 = arith.cmpi sle, %parallel_loop3A_1785, %select_n3A_1629 : vector<16xi32>
        %parallel_loop3A_1791 = arith.andi %parallel_loop3A_1789, %parallel_loop3A_1790 : vector<16xi1>
        %parallel_loop3A_1792 = arith.ori %parallel_loop3A_1787, %parallel_loop3A_1791 : vector<16xi1>
        %parallel_loop3A_1793 = arith.constant 0.000000e+00 : f32
        %parallel_loop3A_1794 = vector.broadcast %parallel_loop3A_1793 : f32 to vector<16xf32>
        %parallel_loop3A_1795 = arith.select %parallel_loop3A_1792, %parallel_loop3A_1794, %parallel_loop3A_1782 : vector<16xi1>, vector<16xf32>
        %parallel_loop3A_1796 = arith.index_cast %parallel_loop3A_1780 : i32 to index
        %parallel_loop3A_1797 = tpu.vector_load %arg4[%parallel_loop3A_1796] {strides = array<i32>} : memref<32768xf32, #tpu.memory_space<vmem>>, vector<16xf32>,
        tpu.vector_store %arg4[%parallel_loop3A_1796], %parallel_loop3A_1795 {strides = array<i32>} : memref<32768xf32, #tpu.memory_space<vmem>>, vector<16xf32>,
      } {sc.loop_unroll_factor = 8 : i64, sc.parallel_access}
    } else {
    }
    %dma_start3A_1647 = arith.constant 0 : i32
    %dma_start3A_1648 = tpu.memref_slice %arg4[%dma_start3A_1647] : memref<32768xf32, #tpu.memory_space<vmem>> -> memref<8192xf32, #tpu.memory_space<vmem>>
    %dma_start3A_1649 = arith.constant 0 : i32
    %dma_start3A_1650 = tpu.memref_slice %arg3[%add3A, %dma_start3A_1649] : memref<32x32768xf32, #tpu.memory_space<hbm>> -> memref<1x8192xf32, #tpu.memory_space<hbm>>
    %dma_start3A_1651 = tpu.memref_squeeze %dma_start3A_1650 : memref<1x8192xf32, #tpu.memory_space<hbm>> -> memref<8192xf32, #tpu.memory_space<hbm>>
    %dma_start3A_1652 = arith.constant 0 : i32
    %dma_start3A_1653 = tpu.memref_slice %arg3[%add3A, %dma_start3A_1652] : memref<32x32768xf32, #tpu.memory_space<hbm>> -> memref<1x8192xf32, #tpu.memory_space<hbm>>
    %dma_start3A_1654 = tpu.memref_squeeze %dma_start3A_1653 : memref<1x8192xf32, #tpu.memory_space<hbm>> -> memref<8192xf32, #tpu.memory_space<hbm>>
    %dma_start3A_1655 = arith.constant 0 : i32
    %dma_start3A_1656 = tpu.memref_slice %arg4[%dma_start3A_1655] : memref<32768xf32, #tpu.memory_space<vmem>> -> memref<8192xf32, #tpu.memory_space<vmem>>
    tpu.enqueue_dma source(%dma_start3A_1656 : memref<8192xf32, #tpu.memory_space<vmem>>) target(%dma_start3A_1654 : memref<8192xf32, #tpu.memory_space<hbm>>) target_semaphore(%arg14 : memref<!tpu.dma_semaphore, #tpu.memory_space<semaphore_mem>>)
    %ge3A_1657 = arith.constant 1024 : i32
    %ge3A_1658 = arith.cmpi sge, %shift_right_logical3A_1633, %ge3A_1657 : i32
    %lt3A_1659 = arith.constant 512 : i32
    %lt3A_1660 = arith.cmpi slt, %shift_right_logical3A_1633, %lt3A_1659 : i32
    %convert_element_type3A_1661 = arith.extui %ge3A_1658 : i1 to i32
    %cond3A_1662 = arith.constant 0 : i32
    %cond3A_1663 = arith.cmpi ne, %convert_element_type3A_1661, %cond3A_1662 : i32
    scf.if %cond3A_1663 {
      %parallel_loop3A_1775 = arith.constant 512 : i32
      %parallel_loop3A_1776 = arith.constant 1024 : i32
      %parallel_loop3A_1777 = arith.constant 1 : i32
      scf.for %parallel_loop3A_1778 = %parallel_loop3A_1775 to %parallel_loop3A_1776 step %parallel_loop3A_1777  : i32 {
        %parallel_loop3A_1779 = arith.constant 16 : i32
        %parallel_loop3A_1780 = arith.muli %parallel_loop3A_1778, %parallel_loop3A_1779 : i32
        %parallel_loop3A_1781 = arith.index_cast %parallel_loop3A_1780 : i32 to index
        %parallel_loop3A_1782 = tpu.vector_load %arg4[%parallel_loop3A_1781] {strides = array<i32>} : memref<32768xf32, #tpu.memory_space<vmem>>, vector<16xf32>,
        %parallel_loop3A_1783 = tpu.bitcast %parallel_loop3A_1782 : vector<16xf32> -> vector<16xi32>
        %parallel_loop3A_1784 = vector.broadcast %while3A_349#0 : i32 to vector<16xi32>
        %parallel_loop3A_1785 = arith.cmpi sle, %parallel_loop3A_1783, %parallel_loop3A_1784 : vector<16xi32>
        %parallel_loop3A_1786 = arith.constant 0.000000e+00 : f32
        %parallel_loop3A_1787 = vector.broadcast %parallel_loop3A_1786 : f32 to vector<16xf32>
        %parallel_loop3A_1788 = arith.select %parallel_loop3A_1785, %parallel_loop3A_1787, %parallel_loop3A_1782 : vector<16xi1>, vector<16xf32>
        %parallel_loop3A_1789 = arith.constant 16 : i32
        %parallel_loop3A_1790 = arith.muli %parallel_loop3A_1778, %parallel_loop3A_1789 : i32
        %parallel_loop3A_1791 = arith.index_cast %parallel_loop3A_1790 : i32 to index
        %parallel_loop3A_1792 = tpu.vector_load %arg4[%parallel_loop3A_1791] {strides = array<i32>} : memref<32768xf32, #tpu.memory_space<vmem>>, vector<16xf32>,
        tpu.vector_store %arg4[%parallel_loop3A_1791], %parallel_loop3A_1788 {strides = array<i32>} : memref<32768xf32, #tpu.memory_space<vmem>>, vector<16xf32>,
      } {sc.loop_unroll_factor = 8 : i64, sc.parallel_access}
    } else {
    }
    %convert_element_type3A_1664 = arith.extui %lt3A_1660 : i1 to i32
    %cond3A_1665 = arith.constant 0 : i32
    %cond3A_1666 = arith.cmpi ne, %convert_element_type3A_1664, %cond3A_1665 : i32
    scf.if %cond3A_1666 {
      %parallel_loop3A_1775 = arith.constant 512 : i32
      %parallel_loop3A_1776 = arith.constant 1024 : i32
      %parallel_loop3A_1777 = arith.constant 1 : i32
      scf.for %parallel_loop3A_1778 = %parallel_loop3A_1775 to %parallel_loop3A_1776 step %parallel_loop3A_1777  : i32 {
        %parallel_loop3A_1779 = arith.constant 16 : i32
        %parallel_loop3A_1780 = arith.muli %parallel_loop3A_1778, %parallel_loop3A_1779 : i32
        %parallel_loop3A_1781 = arith.index_cast %parallel_loop3A_1780 : i32 to index
        %parallel_loop3A_1782 = tpu.vector_load %arg4[%parallel_loop3A_1781] {strides = array<i32>} : memref<32768xf32, #tpu.memory_space<vmem>>, vector<16xf32>,
        %parallel_loop3A_1783 = tpu.bitcast %parallel_loop3A_1782 : vector<16xf32> -> vector<16xi32>
        %parallel_loop3A_1784 = vector.broadcast %while3A_349#0 : i32 to vector<16xi32>
        %parallel_loop3A_1785 = arith.cmpi slt, %parallel_loop3A_1783, %parallel_loop3A_1784 : vector<16xi32>
        %parallel_loop3A_1786 = arith.constant 0.000000e+00 : f32
        %parallel_loop3A_1787 = vector.broadcast %parallel_loop3A_1786 : f32 to vector<16xf32>
        %parallel_loop3A_1788 = arith.select %parallel_loop3A_1785, %parallel_loop3A_1787, %parallel_loop3A_1782 : vector<16xi1>, vector<16xf32>
        %parallel_loop3A_1789 = arith.constant 16 : i32
        %parallel_loop3A_1790 = arith.muli %parallel_loop3A_1778, %parallel_loop3A_1789 : i32
        %parallel_loop3A_1791 = arith.index_cast %parallel_loop3A_1790 : i32 to index
        %parallel_loop3A_1792 = tpu.vector_load %arg4[%parallel_loop3A_1791] {strides = array<i32>} : memref<32768xf32, #tpu.memory_space<vmem>>, vector<16xf32>,
        tpu.vector_store %arg4[%parallel_loop3A_1791], %parallel_loop3A_1788 {strides = array<i32>} : memref<32768xf32, #tpu.memory_space<vmem>>, vector<16xf32>,
      } {sc.loop_unroll_factor = 8 : i64, sc.parallel_access}
    } else {
    }
    %or3A_1667 = arith.ori %ge3A_1658, %lt3A_1660 : i1
    %not3A_1668 = arith.constant true
    %not3A_1669 = arith.xori %or3A_1667, %not3A_1668 : i1
    %convert_element_type3A_1670 = arith.extui %not3A_1669 : i1 to i32
    %cond3A_1671 = arith.constant 0 : i32
    %cond3A_1672 = arith.cmpi ne, %convert_element_type3A_1670, %cond3A_1671 : i32
    scf.if %cond3A_1672 {
      %parallel_loop3A_1775 = arith.constant 512 : i32
      %parallel_loop3A_1776 = arith.constant 1024 : i32
      %parallel_loop3A_1777 = arith.constant 1 : i32
      scf.for %parallel_loop3A_1778 = %parallel_loop3A_1775 to %parallel_loop3A_1776 step %parallel_loop3A_1777  : i32 {
        %parallel_loop3A_1779 = arith.constant 16 : i32
        %parallel_loop3A_1780 = arith.muli %parallel_loop3A_1778, %parallel_loop3A_1779 : i32
        %parallel_loop3A_1781 = arith.index_cast %parallel_loop3A_1780 : i32 to index
        %parallel_loop3A_1782 = tpu.vector_load %arg4[%parallel_loop3A_1781] {strides = array<i32>} : memref<32768xf32, #tpu.memory_space<vmem>>, vector<16xf32>,
        %parallel_loop3A_1783 = tpu.bitcast %parallel_loop3A_1782 : vector<16xf32> -> vector<16xi32>
        %parallel_loop3A_1784 = vector.broadcast %parallel_loop3A_1780 : i32 to vector<16xi32>
        %parallel_loop3A_1785 = arith.addi %iota3A, %parallel_loop3A_1784 : vector<16xi32>
        %parallel_loop3A_1786 = vector.broadcast %while3A_349#0 : i32 to vector<16xi32>
        %parallel_loop3A_1787 = arith.cmpi slt, %parallel_loop3A_1783, %parallel_loop3A_1786 : vector<16xi32>
        %parallel_loop3A_1788 = vector.broadcast %while3A_349#0 : i32 to vector<16xi32>
        %parallel_loop3A_1789 = arith.cmpi eq, %parallel_loop3A_1783, %parallel_loop3A_1788 : vector<16xi32>
        %parallel_loop3A_1790 = arith.cmpi sle, %parallel_loop3A_1785, %select_n3A_1629 : vector<16xi32>
        %parallel_loop3A_1791 = arith.andi %parallel_loop3A_1789, %parallel_loop3A_1790 : vector<16xi1>
        %parallel_loop3A_1792 = arith.ori %parallel_loop3A_1787, %parallel_loop3A_1791 : vector<16xi1>
        %parallel_loop3A_1793 = arith.constant 0.000000e+00 : f32
        %parallel_loop3A_1794 = vector.broadcast %parallel_loop3A_1793 : f32 to vector<16xf32>
        %parallel_loop3A_1795 = arith.select %parallel_loop3A_1792, %parallel_loop3A_1794, %parallel_loop3A_1782 : vector<16xi1>, vector<16xf32>
        %parallel_loop3A_1796 = arith.index_cast %parallel_loop3A_1780 : i32 to index
        %parallel_loop3A_1797 = tpu.vector_load %arg4[%parallel_loop3A_1796] {strides = array<i32>} : memref<32768xf32, #tpu.memory_space<vmem>>, vector<16xf32>,
        tpu.vector_store %arg4[%parallel_loop3A_1796], %parallel_loop3A_1795 {strides = array<i32>} : memref<32768xf32, #tpu.memory_space<vmem>>, vector<16xf32>,
      } {sc.loop_unroll_factor = 8 : i64, sc.parallel_access}
    } else {
    }
    %dma_start3A_1673 = arith.constant 8192 : i32
    %dma_start3A_1674 = tpu.memref_slice %arg4[%dma_start3A_1673] : memref<32768xf32, #tpu.memory_space<vmem>> -> memref<8192xf32, #tpu.memory_space<vmem>>
    %dma_start3A_1675 = arith.constant 8192 : i32
    %dma_start3A_1676 = tpu.memref_slice %arg3[%add3A, %dma_start3A_1675] : memref<32x32768xf32, #tpu.memory_space<hbm>> -> memref<1x8192xf32, #tpu.memory_space<hbm>>
    %dma_start3A_1677 = tpu.memref_squeeze %dma_start3A_1676 : memref<1x8192xf32, #tpu.memory_space<hbm>> -> memref<8192xf32, #tpu.memory_space<hbm>>
    %dma_start3A_1678 = arith.constant 8192 : i32
    %dma_start3A_1679 = tpu.memref_slice %arg3[%add3A, %dma_start3A_1678] : memref<32x32768xf32, #tpu.memory_space<hbm>> -> memref<1x8192xf32, #tpu.memory_space<hbm>>
    %dma_start3A_1680 = tpu.memref_squeeze %dma_start3A_1679 : memref<1x8192xf32, #tpu.memory_space<hbm>> -> memref<8192xf32, #tpu.memory_space<hbm>>
    %dma_start3A_1681 = arith.constant 8192 : i32
    %dma_start3A_1682 = tpu.memref_slice %arg4[%dma_start3A_1681] : memref<32768xf32, #tpu.memory_space<vmem>> -> memref<8192xf32, #tpu.memory_space<vmem>>
    tpu.enqueue_dma source(%dma_start3A_1682 : memref<8192xf32, #tpu.memory_space<vmem>>) target(%dma_start3A_1680 : memref<8192xf32, #tpu.memory_space<hbm>>) target_semaphore(%arg14 : memref<!tpu.dma_semaphore, #tpu.memory_space<semaphore_mem>>)
    %ge3A_1683 = arith.constant 1536 : i32
    %ge3A_1684 = arith.cmpi sge, %shift_right_logical3A_1633, %ge3A_1683 : i32
    %lt3A_1685 = arith.constant 1024 : i32
    %lt3A_1686 = arith.cmpi slt, %shift_right_logical3A_1633, %lt3A_1685 : i32
    %convert_element_type3A_1687 = arith.extui %ge3A_1684 : i1 to i32
    %cond3A_1688 = arith.constant 0 : i32
    %cond3A_1689 = arith.cmpi ne, %convert_element_type3A_1687, %cond3A_1688 : i32
    scf.if %cond3A_1689 {
      %parallel_loop3A_1775 = arith.constant 1024 : i32
      %parallel_loop3A_1776 = arith.constant 1536 : i32
      %parallel_loop3A_1777 = arith.constant 1 : i32
      scf.for %parallel_loop3A_1778 = %parallel_loop3A_1775 to %parallel_loop3A_1776 step %parallel_loop3A_1777  : i32 {
        %parallel_loop3A_1779 = arith.constant 16 : i32
        %parallel_loop3A_1780 = arith.muli %parallel_loop3A_1778, %parallel_loop3A_1779 : i32
        %parallel_loop3A_1781 = arith.index_cast %parallel_loop3A_1780 : i32 to index
        %parallel_loop3A_1782 = tpu.vector_load %arg4[%parallel_loop3A_1781] {strides = array<i32>} : memref<32768xf32, #tpu.memory_space<vmem>>, vector<16xf32>,
        %parallel_loop3A_1783 = tpu.bitcast %parallel_loop3A_1782 : vector<16xf32> -> vector<16xi32>
        %parallel_loop3A_1784 = vector.broadcast %while3A_349#0 : i32 to vector<16xi32>
        %parallel_loop3A_1785 = arith.cmpi sle, %parallel_loop3A_1783, %parallel_loop3A_1784 : vector<16xi32>
        %parallel_loop3A_1786 = arith.constant 0.000000e+00 : f32
        %parallel_loop3A_1787 = vector.broadcast %parallel_loop3A_1786 : f32 to vector<16xf32>
        %parallel_loop3A_1788 = arith.select %parallel_loop3A_1785, %parallel_loop3A_1787, %parallel_loop3A_1782 : vector<16xi1>, vector<16xf32>
        %parallel_loop3A_1789 = arith.constant 16 : i32
        %parallel_loop3A_1790 = arith.muli %parallel_loop3A_1778, %parallel_loop3A_1789 : i32
        %parallel_loop3A_1791 = arith.index_cast %parallel_loop3A_1790 : i32 to index
        %parallel_loop3A_1792 = tpu.vector_load %arg4[%parallel_loop3A_1791] {strides = array<i32>} : memref<32768xf32, #tpu.memory_space<vmem>>, vector<16xf32>,
        tpu.vector_store %arg4[%parallel_loop3A_1791], %parallel_loop3A_1788 {strides = array<i32>} : memref<32768xf32, #tpu.memory_space<vmem>>, vector<16xf32>,
      } {sc.loop_unroll_factor = 8 : i64, sc.parallel_access}
    } else {
    }
    %convert_element_type3A_1690 = arith.extui %lt3A_1686 : i1 to i32
    %cond3A_1691 = arith.constant 0 : i32
    %cond3A_1692 = arith.cmpi ne, %convert_element_type3A_1690, %cond3A_1691 : i32
    scf.if %cond3A_1692 {
      %parallel_loop3A_1775 = arith.constant 1024 : i32
      %parallel_loop3A_1776 = arith.constant 1536 : i32
      %parallel_loop3A_1777 = arith.constant 1 : i32
      scf.for %parallel_loop3A_1778 = %parallel_loop3A_1775 to %parallel_loop3A_1776 step %parallel_loop3A_1777  : i32 {
        %parallel_loop3A_1779 = arith.constant 16 : i32
        %parallel_loop3A_1780 = arith.muli %parallel_loop3A_1778, %parallel_loop3A_1779 : i32
        %parallel_loop3A_1781 = arith.index_cast %parallel_loop3A_1780 : i32 to index
        %parallel_loop3A_1782 = tpu.vector_load %arg4[%parallel_loop3A_1781] {strides = array<i32>} : memref<32768xf32, #tpu.memory_space<vmem>>, vector<16xf32>,
        %parallel_loop3A_1783 = tpu.bitcast %parallel_loop3A_1782 : vector<16xf32> -> vector<16xi32>
        %parallel_loop3A_1784 = vector.broadcast %while3A_349#0 : i32 to vector<16xi32>
        %parallel_loop3A_1785 = arith.cmpi slt, %parallel_loop3A_1783, %parallel_loop3A_1784 : vector<16xi32>
        %parallel_loop3A_1786 = arith.constant 0.000000e+00 : f32
        %parallel_loop3A_1787 = vector.broadcast %parallel_loop3A_1786 : f32 to vector<16xf32>
        %parallel_loop3A_1788 = arith.select %parallel_loop3A_1785, %parallel_loop3A_1787, %parallel_loop3A_1782 : vector<16xi1>, vector<16xf32>
        %parallel_loop3A_1789 = arith.constant 16 : i32
        %parallel_loop3A_1790 = arith.muli %parallel_loop3A_1778, %parallel_loop3A_1789 : i32
        %parallel_loop3A_1791 = arith.index_cast %parallel_loop3A_1790 : i32 to index
        %parallel_loop3A_1792 = tpu.vector_load %arg4[%parallel_loop3A_1791] {strides = array<i32>} : memref<32768xf32, #tpu.memory_space<vmem>>, vector<16xf32>,
        tpu.vector_store %arg4[%parallel_loop3A_1791], %parallel_loop3A_1788 {strides = array<i32>} : memref<32768xf32, #tpu.memory_space<vmem>>, vector<16xf32>,
      } {sc.loop_unroll_factor = 8 : i64, sc.parallel_access}
    } else {
    }
    %or3A_1693 = arith.ori %ge3A_1684, %lt3A_1686 : i1
    %not3A_1694 = arith.constant true
    %not3A_1695 = arith.xori %or3A_1693, %not3A_1694 : i1
    %convert_element_type3A_1696 = arith.extui %not3A_1695 : i1 to i32
    %cond3A_1697 = arith.constant 0 : i32
    %cond3A_1698 = arith.cmpi ne, %convert_element_type3A_1696, %cond3A_1697 : i32
    scf.if %cond3A_1698 {
      %parallel_loop3A_1775 = arith.constant 1024 : i32
      %parallel_loop3A_1776 = arith.constant 1536 : i32
      %parallel_loop3A_1777 = arith.constant 1 : i32
      scf.for %parallel_loop3A_1778 = %parallel_loop3A_1775 to %parallel_loop3A_1776 step %parallel_loop3A_1777  : i32 {
        %parallel_loop3A_1779 = arith.constant 16 : i32
        %parallel_loop3A_1780 = arith.muli %parallel_loop3A_1778, %parallel_loop3A_1779 : i32
        %parallel_loop3A_1781 = arith.index_cast %parallel_loop3A_1780 : i32 to index
        %parallel_loop3A_1782 = tpu.vector_load %arg4[%parallel_loop3A_1781] {strides = array<i32>} : memref<32768xf32, #tpu.memory_space<vmem>>, vector<16xf32>,
        %parallel_loop3A_1783 = tpu.bitcast %parallel_loop3A_1782 : vector<16xf32> -> vector<16xi32>
        %parallel_loop3A_1784 = vector.broadcast %parallel_loop3A_1780 : i32 to vector<16xi32>
        %parallel_loop3A_1785 = arith.addi %iota3A, %parallel_loop3A_1784 : vector<16xi32>
        %parallel_loop3A_1786 = vector.broadcast %while3A_349#0 : i32 to vector<16xi32>
        %parallel_loop3A_1787 = arith.cmpi slt, %parallel_loop3A_1783, %parallel_loop3A_1786 : vector<16xi32>
        %parallel_loop3A_1788 = vector.broadcast %while3A_349#0 : i32 to vector<16xi32>
        %parallel_loop3A_1789 = arith.cmpi eq, %parallel_loop3A_1783, %parallel_loop3A_1788 : vector<16xi32>
        %parallel_loop3A_1790 = arith.cmpi sle, %parallel_loop3A_1785, %select_n3A_1629 : vector<16xi32>
        %parallel_loop3A_1791 = arith.andi %parallel_loop3A_1789, %parallel_loop3A_1790 : vector<16xi1>
        %parallel_loop3A_1792 = arith.ori %parallel_loop3A_1787, %parallel_loop3A_1791 : vector<16xi1>
        %parallel_loop3A_1793 = arith.constant 0.000000e+00 : f32
        %parallel_loop3A_1794 = vector.broadcast %parallel_loop3A_1793 : f32 to vector<16xf32>
        %parallel_loop3A_1795 = arith.select %parallel_loop3A_1792, %parallel_loop3A_1794, %parallel_loop3A_1782 : vector<16xi1>, vector<16xf32>
        %parallel_loop3A_1796 = arith.index_cast %parallel_loop3A_1780 : i32 to index
        %parallel_loop3A_1797 = tpu.vector_load %arg4[%parallel_loop3A_1796] {strides = array<i32>} : memref<32768xf32, #tpu.memory_space<vmem>>, vector<16xf32>,
        tpu.vector_store %arg4[%parallel_loop3A_1796], %parallel_loop3A_1795 {strides = array<i32>} : memref<32768xf32, #tpu.memory_space<vmem>>, vector<16xf32>,
      } {sc.loop_unroll_factor = 8 : i64, sc.parallel_access}
    } else {
    }
    %dma_start3A_1699 = arith.constant 16384 : i32
    %dma_start3A_1700 = tpu.memref_slice %arg4[%dma_start3A_1699] : memref<32768xf32, #tpu.memory_space<vmem>> -> memref<8192xf32, #tpu.memory_space<vmem>>
    %dma_start3A_1701 = arith.constant 16384 : i32
    %dma_start3A_1702 = tpu.memref_slice %arg3[%add3A, %dma_start3A_1701] : memref<32x32768xf32, #tpu.memory_space<hbm>> -> memref<1x8192xf32, #tpu.memory_space<hbm>>
    %dma_start3A_1703 = tpu.memref_squeeze %dma_start3A_1702 : memref<1x8192xf32, #tpu.memory_space<hbm>> -> memref<8192xf32, #tpu.memory_space<hbm>>
    %dma_start3A_1704 = arith.constant 16384 : i32
    %dma_start3A_1705 = tpu.memref_slice %arg3[%add3A, %dma_start3A_1704] : memref<32x32768xf32, #tpu.memory_space<hbm>> -> memref<1x8192xf32, #tpu.memory_space<hbm>>
    %dma_start3A_1706 = tpu.memref_squeeze %dma_start3A_1705 : memref<1x8192xf32, #tpu.memory_space<hbm>> -> memref<8192xf32, #tpu.memory_space<hbm>>
    %dma_start3A_1707 = arith.constant 16384 : i32
    %dma_start3A_1708 = tpu.memref_slice %arg4[%dma_start3A_1707] : memref<32768xf32, #tpu.memory_space<vmem>> -> memref<8192xf32, #tpu.memory_space<vmem>>
    tpu.enqueue_dma source(%dma_start3A_1708 : memref<8192xf32, #tpu.memory_space<vmem>>) target(%dma_start3A_1706 : memref<8192xf32, #tpu.memory_space<hbm>>) target_semaphore(%arg14 : memref<!tpu.dma_semaphore, #tpu.memory_space<semaphore_mem>>)
    %ge3A_1709 = arith.constant 2048 : i32
    %ge3A_1710 = arith.cmpi sge, %shift_right_logical3A_1633, %ge3A_1709 : i32
    %lt3A_1711 = arith.constant 1536 : i32
    %lt3A_1712 = arith.cmpi slt, %shift_right_logical3A_1633, %lt3A_1711 : i32
    %convert_element_type3A_1713 = arith.extui %ge3A_1710 : i1 to i32
    %cond3A_1714 = arith.constant 0 : i32
    %cond3A_1715 = arith.cmpi ne, %convert_element_type3A_1713, %cond3A_1714 : i32
    scf.if %cond3A_1715 {
      %parallel_loop3A_1775 = arith.constant 1536 : i32
      %parallel_loop3A_1776 = arith.constant 2048 : i32
      %parallel_loop3A_1777 = arith.constant 1 : i32
      scf.for %parallel_loop3A_1778 = %parallel_loop3A_1775 to %parallel_loop3A_1776 step %parallel_loop3A_1777  : i32 {
        %parallel_loop3A_1779 = arith.constant 16 : i32
        %parallel_loop3A_1780 = arith.muli %parallel_loop3A_1778, %parallel_loop3A_1779 : i32
        %parallel_loop3A_1781 = arith.index_cast %parallel_loop3A_1780 : i32 to index
        %parallel_loop3A_1782 = tpu.vector_load %arg4[%parallel_loop3A_1781] {strides = array<i32>} : memref<32768xf32, #tpu.memory_space<vmem>>, vector<16xf32>,
        %parallel_loop3A_1783 = tpu.bitcast %parallel_loop3A_1782 : vector<16xf32> -> vector<16xi32>
        %parallel_loop3A_1784 = vector.broadcast %while3A_349#0 : i32 to vector<16xi32>
        %parallel_loop3A_1785 = arith.cmpi sle, %parallel_loop3A_1783, %parallel_loop3A_1784 : vector<16xi32>
        %parallel_loop3A_1786 = arith.constant 0.000000e+00 : f32
        %parallel_loop3A_1787 = vector.broadcast %parallel_loop3A_1786 : f32 to vector<16xf32>
        %parallel_loop3A_1788 = arith.select %parallel_loop3A_1785, %parallel_loop3A_1787, %parallel_loop3A_1782 : vector<16xi1>, vector<16xf32>
        %parallel_loop3A_1789 = arith.constant 16 : i32
        %parallel_loop3A_1790 = arith.muli %parallel_loop3A_1778, %parallel_loop3A_1789 : i32
        %parallel_loop3A_1791 = arith.index_cast %parallel_loop3A_1790 : i32 to index
        %parallel_loop3A_1792 = tpu.vector_load %arg4[%parallel_loop3A_1791] {strides = array<i32>} : memref<32768xf32, #tpu.memory_space<vmem>>, vector<16xf32>,
        tpu.vector_store %arg4[%parallel_loop3A_1791], %parallel_loop3A_1788 {strides = array<i32>} : memref<32768xf32, #tpu.memory_space<vmem>>, vector<16xf32>,
      } {sc.loop_unroll_factor = 8 : i64, sc.parallel_access}
    } else {
    }
    %convert_element_type3A_1716 = arith.extui %lt3A_1712 : i1 to i32
    %cond3A_1717 = arith.constant 0 : i32
    %cond3A_1718 = arith.cmpi ne, %convert_element_type3A_1716, %cond3A_1717 : i32
    scf.if %cond3A_1718 {
      %parallel_loop3A_1775 = arith.constant 1536 : i32
      %parallel_loop3A_1776 = arith.constant 2048 : i32
      %parallel_loop3A_1777 = arith.constant 1 : i32
      scf.for %parallel_loop3A_1778 = %parallel_loop3A_1775 to %parallel_loop3A_1776 step %parallel_loop3A_1777  : i32 {
        %parallel_loop3A_1779 = arith.constant 16 : i32
        %parallel_loop3A_1780 = arith.muli %parallel_loop3A_1778, %parallel_loop3A_1779 : i32
        %parallel_loop3A_1781 = arith.index_cast %parallel_loop3A_1780 : i32 to index
        %parallel_loop3A_1782 = tpu.vector_load %arg4[%parallel_loop3A_1781] {strides = array<i32>} : memref<32768xf32, #tpu.memory_space<vmem>>, vector<16xf32>,
        %parallel_loop3A_1783 = tpu.bitcast %parallel_loop3A_1782 : vector<16xf32> -> vector<16xi32>
        %parallel_loop3A_1784 = vector.broadcast %while3A_349#0 : i32 to vector<16xi32>
        %parallel_loop3A_1785 = arith.cmpi slt, %parallel_loop3A_1783, %parallel_loop3A_1784 : vector<16xi32>
        %parallel_loop3A_1786 = arith.constant 0.000000e+00 : f32
        %parallel_loop3A_1787 = vector.broadcast %parallel_loop3A_1786 : f32 to vector<16xf32>
        %parallel_loop3A_1788 = arith.select %parallel_loop3A_1785, %parallel_loop3A_1787, %parallel_loop3A_1782 : vector<16xi1>, vector<16xf32>
        %parallel_loop3A_1789 = arith.constant 16 : i32
        %parallel_loop3A_1790 = arith.muli %parallel_loop3A_1778, %parallel_loop3A_1789 : i32
        %parallel_loop3A_1791 = arith.index_cast %parallel_loop3A_1790 : i32 to index
        %parallel_loop3A_1792 = tpu.vector_load %arg4[%parallel_loop3A_1791] {strides = array<i32>} : memref<32768xf32, #tpu.memory_space<vmem>>, vector<16xf32>,
        tpu.vector_store %arg4[%parallel_loop3A_1791], %parallel_loop3A_1788 {strides = array<i32>} : memref<32768xf32, #tpu.memory_space<vmem>>, vector<16xf32>,
      } {sc.loop_unroll_factor = 8 : i64, sc.parallel_access}
    } else {
    }
    %or3A_1719 = arith.ori %ge3A_1710, %lt3A_1712 : i1
    %not3A_1720 = arith.constant true
    %not3A_1721 = arith.xori %or3A_1719, %not3A_1720 : i1
    %convert_element_type3A_1722 = arith.extui %not3A_1721 : i1 to i32
    %cond3A_1723 = arith.constant 0 : i32
    %cond3A_1724 = arith.cmpi ne, %convert_element_type3A_1722, %cond3A_1723 : i32
    scf.if %cond3A_1724 {
      %parallel_loop3A_1775 = arith.constant 1536 : i32
      %parallel_loop3A_1776 = arith.constant 2048 : i32
      %parallel_loop3A_1777 = arith.constant 1 : i32
      scf.for %parallel_loop3A_1778 = %parallel_loop3A_1775 to %parallel_loop3A_1776 step %parallel_loop3A_1777  : i32 {
        %parallel_loop3A_1779 = arith.constant 16 : i32
        %parallel_loop3A_1780 = arith.muli %parallel_loop3A_1778, %parallel_loop3A_1779 : i32
        %parallel_loop3A_1781 = arith.index_cast %parallel_loop3A_1780 : i32 to index
        %parallel_loop3A_1782 = tpu.vector_load %arg4[%parallel_loop3A_1781] {strides = array<i32>} : memref<32768xf32, #tpu.memory_space<vmem>>, vector<16xf32>,
        %parallel_loop3A_1783 = tpu.bitcast %parallel_loop3A_1782 : vector<16xf32> -> vector<16xi32>
        %parallel_loop3A_1784 = vector.broadcast %parallel_loop3A_1780 : i32 to vector<16xi32>
        %parallel_loop3A_1785 = arith.addi %iota3A, %parallel_loop3A_1784 : vector<16xi32>
        %parallel_loop3A_1786 = vector.broadcast %while3A_349#0 : i32 to vector<16xi32>
        %parallel_loop3A_1787 = arith.cmpi slt, %parallel_loop3A_1783, %parallel_loop3A_1786 : vector<16xi32>
        %parallel_loop3A_1788 = vector.broadcast %while3A_349#0 : i32 to vector<16xi32>
        %parallel_loop3A_1789 = arith.cmpi eq, %parallel_loop3A_1783, %parallel_loop3A_1788 : vector<16xi32>
        %parallel_loop3A_1790 = arith.cmpi sle, %parallel_loop3A_1785, %select_n3A_1629 : vector<16xi32>
        %parallel_loop3A_1791 = arith.andi %parallel_loop3A_1789, %parallel_loop3A_1790 : vector<16xi1>
        %parallel_loop3A_1792 = arith.ori %parallel_loop3A_1787, %parallel_loop3A_1791 : vector<16xi1>
        %parallel_loop3A_1793 = arith.constant 0.000000e+00 : f32
        %parallel_loop3A_1794 = vector.broadcast %parallel_loop3A_1793 : f32 to vector<16xf32>
        %parallel_loop3A_1795 = arith.select %parallel_loop3A_1792, %parallel_loop3A_1794, %parallel_loop3A_1782 : vector<16xi1>, vector<16xf32>
        %parallel_loop3A_1796 = arith.index_cast %parallel_loop3A_1780 : i32 to index
        %parallel_loop3A_1797 = tpu.vector_load %arg4[%parallel_loop3A_1796] {strides = array<i32>} : memref<32768xf32, #tpu.memory_space<vmem>>, vector<16xf32>,
        tpu.vector_store %arg4[%parallel_loop3A_1796], %parallel_loop3A_1795 {strides = array<i32>} : memref<32768xf32, #tpu.memory_space<vmem>>, vector<16xf32>,
      } {sc.loop_unroll_factor = 8 : i64, sc.parallel_access}
    } else {
    }
    %dma_start3A_1725 = arith.constant 24576 : i32
    %dma_start3A_1726 = tpu.memref_slice %arg4[%dma_start3A_1725] : memref<32768xf32, #tpu.memory_space<vmem>> -> memref<8192xf32, #tpu.memory_space<vmem>>
    %dma_start3A_1727 = arith.constant 24576 : i32
    %dma_start3A_1728 = tpu.memref_slice %arg3[%add3A, %dma_start3A_1727] : memref<32x32768xf32, #tpu.memory_space<hbm>> -> memref<1x8192xf32, #tpu.memory_space<hbm>>
    %dma_start3A_1729 = tpu.memref_squeeze %dma_start3A_1728 : memref<1x8192xf32, #tpu.memory_space<hbm>> -> memref<8192xf32, #tpu.memory_space<hbm>>
    %dma_start3A_1730 = arith.constant 24576 : i32
    %dma_start3A_1731 = tpu.memref_slice %arg3[%add3A, %dma_start3A_1730] : memref<32x32768xf32, #tpu.memory_space<hbm>> -> memref<1x8192xf32, #tpu.memory_space<hbm>>
    %dma_start3A_1732 = tpu.memref_squeeze %dma_start3A_1731 : memref<1x8192xf32, #tpu.memory_space<hbm>> -> memref<8192xf32, #tpu.memory_space<hbm>>
    %dma_start3A_1733 = arith.constant 24576 : i32
    %dma_start3A_1734 = tpu.memref_slice %arg4[%dma_start3A_1733] : memref<32768xf32, #tpu.memory_space<vmem>> -> memref<8192xf32, #tpu.memory_space<vmem>>
    tpu.enqueue_dma source(%dma_start3A_1734 : memref<8192xf32, #tpu.memory_space<vmem>>) target(%dma_start3A_1732 : memref<8192xf32, #tpu.memory_space<hbm>>) target_semaphore(%arg14 : memref<!tpu.dma_semaphore, #tpu.memory_space<semaphore_mem>>)
    %dma_wait3A_1735 = arith.constant 0 : i32
    %dma_wait3A_1736 = tpu.memref_slice %arg4[%dma_wait3A_1735] : memref<32768xf32, #tpu.memory_space<vmem>> -> memref<8192xf32, #tpu.memory_space<vmem>>
    %dma_wait3A_1737 = arith.constant 0 : i32
    %dma_wait3A_1738 = tpu.memref_slice %arg3[%add3A, %dma_wait3A_1737] : memref<32x32768xf32, #tpu.memory_space<hbm>> -> memref<1x8192xf32, #tpu.memory_space<hbm>>
    %dma_wait3A_1739 = tpu.memref_squeeze %dma_wait3A_1738 : memref<1x8192xf32, #tpu.memory_space<hbm>> -> memref<8192xf32, #tpu.memory_space<hbm>>
    %dma_wait3A_1740 = arith.constant 0 : i32
    %dma_wait3A_1741 = tpu.memref_slice %arg3[%add3A, %dma_wait3A_1740] : memref<32x32768xf32, #tpu.memory_space<hbm>> -> memref<1x8192xf32, #tpu.memory_space<hbm>>
    %dma_wait3A_1742 = tpu.memref_squeeze %dma_wait3A_1741 : memref<1x8192xf32, #tpu.memory_space<hbm>> -> memref<8192xf32, #tpu.memory_space<hbm>>
    %dma_wait3A_1743 = arith.constant 0 : i32
    %dma_wait3A_1744 = tpu.memref_slice %arg4[%dma_wait3A_1743] : memref<32768xf32, #tpu.memory_space<vmem>> -> memref<8192xf32, #tpu.memory_space<vmem>>
    tpu.wait_dma2 semaphore(%arg14 : memref<!tpu.dma_semaphore, #tpu.memory_space<semaphore_mem>>) src(%dma_wait3A_1744 : memref<8192xf32, #tpu.memory_space<vmem>>) dst(%dma_wait3A_1742 : memref<8192xf32, #tpu.memory_space<hbm>>)
    %dma_wait3A_1745 = arith.constant 8192 : i32
    %dma_wait3A_1746 = tpu.memref_slice %arg4[%dma_wait3A_1745] : memref<32768xf32, #tpu.memory_space<vmem>> -> memref<8192xf32, #tpu.memory_space<vmem>>
    %dma_wait3A_1747 = arith.constant 8192 : i32
    %dma_wait3A_1748 = tpu.memref_slice %arg3[%add3A, %dma_wait3A_1747] : memref<32x32768xf32, #tpu.memory_space<hbm>> -> memref<1x8192xf32, #tpu.memory_space<hbm>>
    %dma_wait3A_1749 = tpu.memref_squeeze %dma_wait3A_1748 : memref<1x8192xf32, #tpu.memory_space<hbm>> -> memref<8192xf32, #tpu.memory_space<hbm>>
    %dma_wait3A_1750 = arith.constant 8192 : i32
    %dma_wait3A_1751 = tpu.memref_slice %arg3[%add3A, %dma_wait3A_1750] : memref<32x32768xf32, #tpu.memory_space<hbm>> -> memref<1x8192xf32, #tpu.memory_space<hbm>>
    %dma_wait3A_1752 = tpu.memref_squeeze %dma_wait3A_1751 : memref<1x8192xf32, #tpu.memory_space<hbm>> -> memref<8192xf32, #tpu.memory_space<hbm>>
    %dma_wait3A_1753 = arith.constant 8192 : i32
    %dma_wait3A_1754 = tpu.memref_slice %arg4[%dma_wait3A_1753] : memref<32768xf32, #tpu.memory_space<vmem>> -> memref<8192xf32, #tpu.memory_space<vmem>>
    tpu.wait_dma2 semaphore(%arg14 : memref<!tpu.dma_semaphore, #tpu.memory_space<semaphore_mem>>) src(%dma_wait3A_1754 : memref<8192xf32, #tpu.memory_space<vmem>>) dst(%dma_wait3A_1752 : memref<8192xf32, #tpu.memory_space<hbm>>)
    %dma_wait3A_1755 = arith.constant 16384 : i32
    %dma_wait3A_1756 = tpu.memref_slice %arg4[%dma_wait3A_1755] : memref<32768xf32, #tpu.memory_space<vmem>> -> memref<8192xf32, #tpu.memory_space<vmem>>
    %dma_wait3A_1757 = arith.constant 16384 : i32
    %dma_wait3A_1758 = tpu.memref_slice %arg3[%add3A, %dma_wait3A_1757] : memref<32x32768xf32, #tpu.memory_space<hbm>> -> memref<1x8192xf32, #tpu.memory_space<hbm>>
    %dma_wait3A_1759 = tpu.memref_squeeze %dma_wait3A_1758 : memref<1x8192xf32, #tpu.memory_space<hbm>> -> memref<8192xf32, #tpu.memory_space<hbm>>
    %dma_wait3A_1760 = arith.constant 16384 : i32
    %dma_wait3A_1761 = tpu.memref_slice %arg3[%add3A, %dma_wait3A_1760] : memref<32x32768xf32, #tpu.memory_space<hbm>> -> memref<1x8192xf32, #tpu.memory_space<hbm>>
    %dma_wait3A_1762 = tpu.memref_squeeze %dma_wait3A_1761 : memref<1x8192xf32, #tpu.memory_space<hbm>> -> memref<8192xf32, #tpu.memory_space<hbm>>
    %dma_wait3A_1763 = arith.constant 16384 : i32
    %dma_wait3A_1764 = tpu.memref_slice %arg4[%dma_wait3A_1763] : memref<32768xf32, #tpu.memory_space<vmem>> -> memref<8192xf32, #tpu.memory_space<vmem>>
    tpu.wait_dma2 semaphore(%arg14 : memref<!tpu.dma_semaphore, #tpu.memory_space<semaphore_mem>>) src(%dma_wait3A_1764 : memref<8192xf32, #tpu.memory_space<vmem>>) dst(%dma_wait3A_1762 : memref<8192xf32, #tpu.memory_space<hbm>>)
    %dma_wait3A_1765 = arith.constant 24576 : i32
    %dma_wait3A_1766 = tpu.memref_slice %arg4[%dma_wait3A_1765] : memref<32768xf32, #tpu.memory_space<vmem>> -> memref<8192xf32, #tpu.memory_space<vmem>>
    %dma_wait3A_1767 = arith.constant 24576 : i32
    %dma_wait3A_1768 = tpu.memref_slice %arg3[%add3A, %dma_wait3A_1767] : memref<32x32768xf32, #tpu.memory_space<hbm>> -> memref<1x8192xf32, #tpu.memory_space<hbm>>
    %dma_wait3A_1769 = tpu.memref_squeeze %dma_wait3A_1768 : memref<1x8192xf32, #tpu.memory_space<hbm>> -> memref<8192xf32, #tpu.memory_space<hbm>>
    %dma_wait3A_1770 = arith.constant 24576 : i32
    %dma_wait3A_1771 = tpu.memref_slice %arg3[%add3A, %dma_wait3A_1770] : memref<32x32768xf32, #tpu.memory_space<hbm>> -> memref<1x8192xf32, #tpu.memory_space<hbm>>
    %dma_wait3A_1772 = tpu.memref_squeeze %dma_wait3A_1771 : memref<1x8192xf32, #tpu.memory_space<hbm>> -> memref<8192xf32, #tpu.memory_space<hbm>>
    %dma_wait3A_1773 = arith.constant 24576 : i32
    %dma_wait3A_1774 = tpu.memref_slice %arg4[%dma_wait3A_1773] : memref<32768xf32, #tpu.memory_space<vmem>> -> memref<8192xf32, #tpu.memory_space<vmem>>
    tpu.wait_dma2 semaphore(%arg14 : memref<!tpu.dma_semaphore, #tpu.memory_space<semaphore_mem>>) src(%dma_wait3A_1774 : memref<8192xf32, #tpu.memory_space<vmem>>) dst(%dma_wait3A_1772 : memref<8192xf32, #tpu.memory_space<hbm>>)
    "tpu.trace_stop"() : () -> ()
    return
  }
}

</mosaic_0001>

<sc_bundles>
// kernel: kernel.3.cloned.1.call-start
scs
__scs_entry_jumppad:
0x0: {  	(pc) =	sbr.rel $0x88, $3  }
0x1: {  	(tag) =	ssettag $0x0;
	lr =	simm.s32 $0x1  }
0x2: {  	[smem:$0x3FA0] =	sst lr;
	_ =	strace $0xD0000000  }
0x3: {  	_ = 	snop  }
0x4: {  	_ = 	snop  }
0x5: {  	_ = 	snop  }
0x6: {  	_ = 	snop  }
0x7: {  	_ = 	snop  }
__scs_overlays_trampoline_lowered:
0x8: {  	[smem:$0x3FAF] =	sst s0  }
0x9: {  	[smem:$0x3FB0] =	sst s1  }
0xa: {  	[smem:$0x3FB1] =	sst s2  }
0xb: {  	[smem:$0x3FB2] =	sst s3  }
0xc: {  	[smem:$0x3FB3] =	sst s4  }
0xd: {  	[smem:$0x3FB4] =	sst s5  }
0xe: {  	[smem:$0x3FB5] =	sst s6  }
0xf: {  	[smem:$0x3FB6] =	sst s7  }
0x10: {  	[smem:$0x3FB7] =	sst s8  }
0x11: {  	[smem:$0x3FB8] =	sst s9;
	s0 =	simm.s32 @!p0 $0x0  }
0x12: {  	s1 =	sld [smem:$0x3F9E];
	s0 =	simm.s32 @p0 $0x1  }
0x13: {  	[smem:$0x3FB9] =	sst s0;
	s0 =	simm.s32 @!p1 $0x0  }
0x14: {  	s2 =	sld [smem:$0x3F9D];
	s0 =	simm.s32 @p1 $0x1  }
0x15: {  	[smem:$0x3FBA] =	sst s0;
	s0 =	simm.s32 @!p2 $0x0  }
0x16: {  	s3 =	sld [smem:$0x3FDB];
	s0 =	simm.s32 @p2 $0x1  }
0x17: {  	s4 =	simm.s32 $0x1BF5;
	[smem:$0x3FBC] =	sst s0  }
0x18: {  	s0 =	sld [smem:$0x3F9F];
	_ =	swait.ge [sflag:s4], $0x0  }
0x19: {  	s7 =	sld [smem:$0x3FA0]  }
0x1a: {  	s8 =	sadd.s32 $0xFFFFE003, lr  }
0x1b: {  	s9 =	sadd.s32 $0xFFFFFEF7, lr;
	s5 =	simm.s32 $0xFFFFFFFF;
	p2 =	slt.u32 s8, $0xFFFFF086  }
0x1c: {  	p1 =	slt.u32 s9, $0xF7A;
	s5 =	simm.s32 @!p2 $0x0  }
0x1d: {  	s5 =	simm.s32 @p1 $0x1;
	p0 =	seq.s32 s7, s2  }
0x1e: {  	s7 =	smul.u32 @!p0 $0xF7A, s2;
	p2 =	seq.s32 @!p0 s5, $0x0  }
0x1f: {  	s9 =	smul.u32 $0xF7A, s1;
	s8 =	simm.s32 @!p0 $0x1BF5;
	p2 =	por !p2, p0  }
0x20: {  	[sflag:s8] =	ssyncset.s32 @!p0 $0xFFFFF086;
	s6 =	sadd.s32 @!p0 s3, s7;
	s7 =	simm.s32 @!p0 $0x108  }
0x21: {  	s3 =	sadd.s32 s3, s9;
	s6 =	sadd.s32 @!p0 $0x88, s6;
	s7 =	simm.s32 @p2 $0x1082  }
0x22: {  	[simem:s7], [sflag:s8] =	dma.local @!p0 [hbm:s6], $0xF7A  }
0x23: {  	s9 =	sor.u32 $0xD0000000, s2;
	s6 =	simm.s32 $0x108;
	_ =	swait.ge @!p0 [sflag:s8], $0x0  }
0x24: {  	s3 =	sadd.s32 $0x88, s3;
	s6 =	simm.s32 @!p1 $0x1082;
	[sflag:s4] =	ssyncset.s32 $0xFFFFF086  }
0x25: {  	[simem:s6], [sflag:s4] =	dma.local [hbm:s3], $0xF7A  }
0x26: {  	[smem:$0x3FA0] =	sst s1;
	(tag) =	ssettag s2;
	_ =	strace s9  }
0x27: {  	s1 =	sld [smem:$0x3FB0]  }
0x28: {  	s2 =	sld [smem:$0x3FB1]  }
0x29: {  	s4 =	sld [smem:$0x3FB3]  }
0x2a: {  	p0 =	seq.s32 s5, $0x0;
	s5 =	sld [smem:$0x3FB4]  }
0x2b: {  	s6 =	sld [smem:$0x3FB5]  }
0x2c: {  	s7 =	sld [smem:$0x3FB6]  }
0x2d: {  	s3 =	simm.s32 $0x108;
	s8 =	sld [smem:$0x3FB7]  }
0x2e: {  	s3 =	simm.s32 @!p0 $0x1082;
	s9 =	sld [smem:$0x3FB8]  }
0x2f: {  	lr =	sadd.s32 s0, s3;
	s0 =	sld [smem:$0x3FAF]  }
0x30: {  	s3 =	sld [smem:$0x3FB2]  }
0x31: {  	[smem:$0x3FBB] =	sst s10  }
0x32: {  	s10 =	sld [smem:$0x3FB9];
	_ =	sdelay $0x3  }
0x33: {  	p0 =	seq.s32 s10, $0x1;
	s10 =	sld [smem:$0x3FBB];
	_ =	sdelay $0x3  }
0x34: {  	[smem:$0x3FBB] =	sst s10  }
0x35: {  	s10 =	sld [smem:$0x3FBA];
	_ =	sdelay $0x3  }
0x36: {  	p1 =	seq.s32 s10, $0x1;
	s10 =	sld [smem:$0x3FBB];
	_ =	sdelay $0x3  }
0x37: {  	[smem:$0x3FBB] =	sst s10  }
0x38: {  	s10 =	sld [smem:$0x3FBC]  }
0x39: {  	_ = 	snop;
	(pc) =	sbr.ind lr, $3  }
0x3a: {  	_ = 	snop  }
0x3b: {  	_ = 	snop  }
0x3c: {  	p2 =	seq.s32 s10, $0x1;
	s10 =	sld [smem:$0x3FBB]  }
0x3d: {  	_ =	shalt  }
0x3e: {  	_ =	shalt  }
0x3f: {  	_ =	shalt  }
0x40: {  	_ =	shalt  }
0x41: {  	_ =	shalt  }
0x42: {  	_ =	shalt  }
0x43: {  	_ =	shalt  }
0x44: {  	_ =	shalt  }
0x45: {  	_ =	shalt  }
0x46: {  	_ =	shalt  }
0x47: {  	_ =	shalt  }
0x48: {  	_ =	shalt  }
0x49: {  	_ =	shalt  }
0x4a: {  	_ =	shalt  }
0x4b: {  	_ =	shalt  }
0x4c: {  	_ =	shalt  }
0x4d: {  	_ =	shalt  }
0x4e: {  	_ =	shalt  }
0x4f: {  	_ =	shalt  }
0x50: {  	_ =	shalt  }
0x51: {  	_ =	shalt  }
0x52: {  	_ =	shalt  }
0x53: {  	_ =	shalt  }
0x54: {  	_ =	shalt  }
0x55: {  	_ =	shalt  }
0x56: {  	_ =	shalt  }
0x57: {  	_ =	shalt  }
0x58: {  	_ =	shalt  }
0x59: {  	_ =	shalt  }
0x5a: {  	_ =	shalt  }
0x5b: {  	_ =	shalt  }
0x5c: {  	_ =	shalt  }
0x5d: {  	_ =	shalt  }
0x5e: {  	_ =	shalt  }
0x5f: {  	_ =	shalt  }
0x60: {  	_ =	shalt  }
0x61: {  	_ =	shalt  }
0x62: {  	_ =	shalt  }
0x63: {  	_ =	shalt  }
0x64: {  	_ =	shalt  }
0x65: {  	_ =	shalt  }
0x66: {  	_ =	shalt  }
0x67: {  	_ =	shalt  }
0x68: {  	_ =	shalt  }
0x69: {  	_ =	shalt  }
0x6a: {  	_ =	shalt  }
0x6b: {  	_ =	shalt  }
0x6c: {  	_ =	shalt  }
0x6d: {  	_ =	shalt  }
0x6e: {  	_ =	shalt  }
0x6f: {  	_ =	shalt  }
0x70: {  	_ =	shalt  }
0x71: {  	_ =	shalt  }
0x72: {  	_ =	shalt  }
0x73: {  	_ =	shalt  }
0x74: {  	_ =	shalt  }
0x75: {  	_ =	shalt  }
0x76: {  	_ =	shalt  }
0x77: {  	_ =	shalt  }
0x78: {  	_ =	shalt  }
0x79: {  	_ =	shalt  }
0x7a: {  	_ =	shalt  }
0x7b: {  	_ =	shalt  }
0x7c: {  	_ =	shalt  }
0x7d: {  	_ =	shalt  }
0x7e: {  	_ =	shalt  }
0x7f: {  	_ =	shalt  }
0x80: {  	_ =	shalt  }
0x81: {  	_ =	shalt  }
0x82: {  	_ =	shalt  }
0x83: {  	_ =	shalt  }
0x84: {  	_ =	shalt  }
0x85: {  	_ =	shalt  }
0x86: {  	_ =	shalt  }
0x87: {  	_ =	shalt  }
.Lfunc_end0:
.L_simem_size_0:
called_computation_lowered:
.L_overlay_start_0:
0x88: {  	s2 =	sld [smem:$0x3FD9]  }
0x89: {  	s3 =	sld [smem:$0x3FFE];
	_ =	sdelay $0x1  }
0x8a: {  	s1 =	srdreg.scid  }
0x8b: {  	s0 =	sand.u32 $0x1, s1  }
0x8c: {  	s17 =	sshll.u32 s0, $0xA;
	s2 =	sadd.s32 s3, s2  }
0x8d: {  	s2 =	sadd.s32 s2, s17  }
0x8e: {  	[smem:$0x3FC7] =	sst s2  }
0x8f: {  	_ = 	snop  }
0x90: {  	s2 =	sld [smem:$0x3FD0];
	(tm) =	ssettm $0x1  }
0x91: {  	s18 =	sld [smem:$0x3FFB];
	_ =	sdelay $0x3  }
0x92: {  	_ =	strace s18  }
0x93: {  	s3 =	sld [smem:$0x3FFC];
	_ =	sdelay $0x3  }
0x94: {  	_ =	strace s3  }
0x95: {  	s3 =	sld [smem:$0x3FFD];
	_ =	sdelay $0x3  }
0x96: {  	_ =	strace s3  }
0x97: {  	_ =	strace $0x8FFFFFFF  }
0x98: {  	s19 =	sld [smem:$0x3FDB];
	_ =	sdelay $0x1  }
0x99: {  	s4 =	simm.s32 $_scs_section_size  }
0x9a: {  	s5 =	simm.s32 $_size__tile_overlayer_lowered;
	s6 =	simm.s32 $_tile_overlayer_lowered  }
0x9b: {  	s22 =	simm.s32 $0x1BFF;
	s21 =	sshll.u32 s6, $0x1;
	s3 =	sadd.s32 s4, s19  }
0x9c: {  	s7 =	simm.s32 $0x0;
	s20 =	sshll.u32 s5, $0x1;
	s5 =	sadd.s32 s21, s3  }
0x9d: {  	[timem:s7], [sflag:s22] =	dma.local [hbm:s5], s20  }
0x9e: {  	_ =	swait.ge [sflag:s22], s20  }
0x9f: {  	s4 =	ssub.s32 $0x0, s20;
	[sflag:s22] =	ssyncset.done $0x0  }
0xa0: {  	[sflag:s22] =	ssyncadd.s32 s4;
	_ =	sdelay $0x1  }
0xa1: {  	s23 =	simm.s32 $0x1B8B  }
0xa2: {  	_ =	swait.ge [sflag:s23], $0x1  }
0xa3: {  	[sflag:s23] =	ssyncset.done $0x0  }
0xa4: {  	s25 =	simm.s32 $0x1B8E;
	s24 =	sld [smem:$0x3FFE];
	[sflag:s23] =	ssyncadd.s32 $0xFFFFFFFF  }
0xa5: {  	s26 =	simm.s32 $execute0_lowered;
	[smem:$0x3FD2] =	sst s25  }
0xa6: {  	s5 =	sshll.u32 s26, $0x1;
	_ =	strace $0x80000046;
	[dreg:$0x1] =	wrdreg $0xFFFFFFFF  }
0xa7: {  	s28 =	simm.s32 $_size_execute0_lowered;
	s3 =	sadd.s32 s3, s5;
	[dreg:$0x0] =	wrdreg $0x0  }
0xa8: {  	s5 =	sshll.u32 s28, $0x1;
	[dreg:$0x2] =	wrdreg s3  }
0xa9: {  	[dreg:$0x3] =	wrdreg s5  }
0xaa: {  	[dreg:$0x4] =	wrdreg $0xC0  }
0xab: {  	_ =	task [dreg:s7], $0x5FFFF  }
0xac: {  	[dreg:$0x1] =	wrdreg $0xFFFFFFFF  }
0xad: {  	[dreg:$0x0] =	wrdreg $0x60  }
0xae: {  	[dreg:$0x2] =	wrdreg s24  }
0xaf: {  	[dreg:$0x3] =	wrdreg s2  }
0xb0: {  	[dreg:$0x4] =	wrdreg $0x9  }
0xb1: {  	_ =	task.clear_ibuf [dreg:s7], $0x5FFFF;
	_ =	strace $0x90000046  }
0xb2: {  	s29 =	simm.s32 $0x9;
	_ =	strace $0x8000004D  }
0xb3: {  	_ =	swait.ge [sflag:s29], $0x1  }
0xb4: {  	[sflag:s29] =	ssyncadd.s32 $0xFFFFFFFF  }
0xb5: {  	_ =	strace $0x9000004D  }
0xb6: {  	_ =	sfence  }
0xb7: {  	s30 =	sld [smem:$0x0];
	_ =	sdelay $0x2  }
0xb8: {  	s31 =	sshll.u32 s1, $0xD;
	s1 =	sshrl.u32 s1, $0x2  }
0xb9: {  	s3 =	sand.u32 $0x4000, s31;
	s1 =	sadd.s32 s1, s30  }
0xba: {  	s0 =	sor.u32 s3, s0;
	s1 =	sshll.u32 s1, $0x11  }
0xbb: {  	s0 =	sor.u32 s1, s0  }
0xbc: {  	s0 =	sadd.s32 $0x8F2B, s0  }
0xbd: {  	[sflag:s0] =	ssyncadd.remote.s32 $0x1  }
0xbe: {  	_ =	sfence.sel $0xFFFF  }
0xbf: {  	[dreg:$0x0] =	wrdreg $0xFFFFFFFF;
	(pc) =	sbr.abs _section_cstart, $3  }
0xc0: {  	[dreg:$0x1] =	wrdreg $0xFFFFFFFF  }
0xc1: {  	_ =	task.clear_ibuf [dreg:s7], $0x2FFFF;
	_ =	strace $0x9FFFFFFF  }
0xc2: {  	(tm) =	ssettm $0x7FFFFFFF  }
0xc3: {  	_ =	shalt  }
tec
execute0_lowered:
.L_overlay_start_1:
0x0: {  	(tag) =	ssettag $0x1  }
0x1: {  	s0 =	rddreg [dreg:$0x0];
	s1 =	srdreg.scid  }
0x2: {  	s2 =	rddreg [dreg:$0x1];
	s5 =	stileid.u32;
	s1 =	sand.u32 $0x1, s1  }
0x3: {  	s9 =	simm.s32 $0x0;
	s4 =	sshll.u32 s5, $0xF;
	s3 =	sshll.u32 s1, $0x13  }
0x4: {  	s18 =	sshll.u32 s5, $0x7;
	s1 =	ssub.s32 $0x2, s1;
	s3 =	sor.u32 s4, s3  }
0x5: {  	s10 =	simm.s32 $0x80;
	s6 =	sshrl.u32 s1, $0x1;
	s5 =	sor.u32 s18, s3  }
0x6: {  	[smem:$0x7FF] =	sst s9;
	s1 =	ssub.s32 s1, s6;
	s5 =	sand.u32 $0xC0380, s5  }
0x7: {  	s0 =	sadd.s32 $0x400, s0;
	s31 =	smax.u32 s1, $0x1;
	s5 =	sshrl.u32 s5, $0x3  }
0x8: {  	_ =	strace $0x80000047;
	[dreg:$0xf] =	wrdreg s31;
	s8 =	sadd.s32 s0, s5  }
0x9: {  	s4 =	sand.u32 $0x380, s18;
	s26 =	sadd.s32 s2, s5;
	[dreg:$0x3] =	wrdreg s8  }
0xa: {  	s19 =	sor.u32 $0x2000, s5;
	s7 =	sadd.s32 $0x1000, s8;
	[dreg:$0xb] =	wrdreg s26  }
0xb: {  	s3 =	sor.u32 s4, s3;
	s20 =	sadd.s32 s0, s19;
	[dreg:$0x4] =	wrdreg s7  }
0xc: {  	s22 =	sor.u32 $0x4000, s5;
	s21 =	sadd.s32 $0x3000, s8;
	[dreg:$0x5] =	wrdreg s20  }
0xd: {  	s3 =	sshrl.u32 s3, $0x3;
	s23 =	sadd.s32 s0, s22;
	[dreg:$0x6] =	wrdreg s21  }
0xe: {  	s24 =	sor.u32 $0x6000, s5;
	s8 =	sadd.s32 $0x5000, s8;
	[dreg:$0x7] =	wrdreg s23  }
0xf: {  	s3 =	sor.u32 $0x7000, s3;
	s25 =	sadd.s32 s0, s24;
	[dreg:$0x8] =	wrdreg s8  }
.Ltmp0:
0x10: {  	s0 =	sadd.s32 s0, s3;
	[dreg:$0x9] =	wrdreg s25;
	(pc) =	sbr.rel .LBB2_1-.Ltmp0, $4  }
0x11: {  	s11 =	simm.s32 $0x400;
	s28 =	sadd.s32 s2, s19;
	[dreg:$0xa] =	wrdreg s0  }
0x12: {  	s12 =	simm.s32 $0x2000;
	s29 =	sadd.s32 s2, s22;
	[dreg:$0xc] =	wrdreg s28  }
0x13: {  	s13 =	simm.s32 $0x4000;
	s30 =	sadd.s32 s2, s24;
	[dreg:$0xd] =	wrdreg s29  }
0x14: {  	s14 =	simm.s32 $0x6000;
	v0 =	vimm.s32 $0x0;
	v1 =	vlaneseq.u32;
	s15 =	simm.s32 $0x0;
	[dreg:$0xe] =	wrdreg s30  }
.LBB2_70:
0x15: {  	s0 =	rddreg [dreg:$0xe];
	s30 =	simm.s32 $0x9  }
0x16: {  	[hbm4b:s0+s10] =	stream.strided.scatter [tilespmem:s14], [sflag:$0x9], $0x2000, s11, s10, $0x200038;
	[tilespmem:$0x9000] =	vst v63  }
0x17: {  	_ =	swait.ge [sflag:s30], $0x2000  }
0x18: {  	[sflag:s30] =	ssyncset.done $0x0  }
0x19: {  	[sflag:s30] =	ssyncadd.s32 $0xFFFFE000  }
0x1a: {  	_ =	swait.ge [sflag:s30], $0x2000  }
0x1b: {  	[sflag:s30] =	ssyncset.done $0x0  }
0x1c: {  	[sflag:s30] =	ssyncadd.s32 $0xFFFFE000  }
0x1d: {  	_ =	swait.ge [sflag:s30], $0x2000  }
0x1e: {  	[sflag:s30] =	ssyncset.done $0x0  }
0x1f: {  	[sflag:s30] =	ssyncadd.s32 $0xFFFFE000  }
0x20: {  	_ =	swait.ge [sflag:s30], $0x2000  }
0x21: {  	s15 =	sadd.s32 $0x1, s15;
	s31 =	rddreg [dreg:$0xf]  }
0x22: {  	p0 =	sne.s32 s15, s31  }
.Ltmp1:
0x23: {  	_ = 	snop;
	(pc) =	sbr.rel @!p0 .LBB2_71-.Ltmp1, $4  }
0x24: {  	_ = 	snop  }
0x25: {  	[sflag:s30] =	ssyncset.done $0x0  }
0x26: {  	[sflag:s30] =	ssyncadd.s32 $0xFFFFE000  }
0x27: {  	_ =	strace $0x9000004C  }
.LBB2_1:
0x28: {  	s0 =	rddreg [dreg:$0x3]  }
0x29: {  	[tilespmem:s9], [sflag:$0x1] =	stream.strided.gather [hbm4b:s0+s10], $0x1000, s11, s10, $0x38;
	[tilespmem:$0x9000] =	vst v63  }
0x2a: {  	s17 =	rddreg [dreg:$0x4];
	s1 =	simm.s32 $0x1000  }
0x2b: {  	[tilespmem:s1], [sflag:$0x2] =	stream.strided.gather [hbm4b:s17+s10], $0x1000, s11, s10, $0x38;
	[tilespmem:$0x9000] =	vst v63  }
0x2c: {  	s18 =	rddreg [dreg:$0x5]  }
0x2d: {  	[tilespmem:s12], [sflag:$0x3] =	stream.strided.gather [hbm4b:s18+s10], $0x1000, s11, s10, $0x38;
	[tilespmem:$0x9000] =	vst v63  }
0x2e: {  	s19 =	rddreg [dreg:$0x6];
	s20 =	simm.s32 $0x3000  }
0x2f: {  	[tilespmem:s20], [sflag:$0x4] =	stream.strided.gather [hbm4b:s19+s10], $0x1000, s11, s10, $0x38;
	[tilespmem:$0x9000] =	vst v63  }
0x30: {  	s21 =	rddreg [dreg:$0x7]  }
0x31: {  	[tilespmem:s13], [sflag:$0x5] =	stream.strided.gather [hbm4b:s21+s10], $0x1000, s11, s10, $0x38;
	[tilespmem:$0x9000] =	vst v63  }
0x32: {  	s22 =	rddreg [dreg:$0x8];
	s23 =	simm.s32 $0x5000  }
0x33: {  	[tilespmem:s23], [sflag:$0x6] =	stream.strided.gather [hbm4b:s22+s10], $0x1000, s11, s10, $0x38;
	[tilespmem:$0x9000] =	vst v63  }
0x34: {  	s24 =	rddreg [dreg:$0x9]  }
0x35: {  	[tilespmem:s14], [sflag:$0x7] =	stream.strided.gather [hbm4b:s24+s10], $0x1000, s11, s10, $0x38;
	[tilespmem:$0x9000] =	vst v63  }
0x36: {  	s25 =	rddreg [dreg:$0xa];
	s26 =	simm.s32 $0x7000  }
0x37: {  	[tilespmem:s26], [sflag:$0x8] =	stream.strided.gather [hbm4b:s25+s10], $0x1000, s11, s10, $0x38;
	[tilespmem:$0x9000] =	vst v63  }
0x38: {  	s28 =	simm.s32 $0x1;
	_ =	strace $0x80000048  }
0x39: {  	_ =	swait.ge [sflag:s28], $0x1000  }
0x3a: {  	[sflag:s28] =	ssyncset.done $0x0  }
0x3b: {  	[sflag:s28] =	ssyncadd.s32 $0xFFFFF000  }
0x3c: {  	v2 =	vld [tilespmem:$0x0];
	_ =	sdelay $0x4  }
0x3d: {  	v3 =	vxor.u32 $0x80000000, v2  }
0x3e: {  	(xrf1) =	vsort.ascd.msk.u32 $0xffff, v3, v2;
	_ =	sdelay $0xd  }
0x3f: {  	v2, _, _ =	vpop (xrf1)  }
0x40: {  	(v2sf) =	vpush v2, $0x7;
	_ =	sdelay $0x6  }
0x41: {  	s29 =	simm.s32 $0x40  }
0x42: {  	v4 =	vld [tilespmem:s29+$0x30]  }
0x43: {  	v6 =	vld [tilespmem:s29+$0x20]  }
0x44: {  	v9 =	vld [tilespmem:s29+$0x10]  }
0x45: {  	v8 =	vld [tilespmem:s29+$0xFFFFFFC0]  }
0x46: {  	v7 =	vld [tilespmem:s29+$0x0]  }
0x47: {  	v5 =	vld [tilespmem:s29+$0xFFFFFFF0]  }
0x48: {  	v10 =	vld [tilespmem:s29+$0xFFFFFFD0]  }
0x49: {  	v13 =	vimm.s32 $0x7FFFFFFF;
	v3 =	vld [tilespmem:s29+$0xFFFFFFE0];
	s30 =	spop (v2sf)  }
0x4a: {  	v12 =	vimm.s32 $0x80000000;
	vm8 =	vlt.s32 v13, v8;
	s31 =	sxor.u32 $0x80000000, s30  }
0x4b: {  	vm9 =	vgt.s32 v12, v8;
	v14 =	vsel vm8, v13, v8;
	v2 =	vmov s31  }
0x4c: {  	vm2 =	vle.s32 v6, v2;
	vm3 =	vle.s32 v4, v2;
	vm4 =	vle.s32 v5, v2  }
0x4d: {  	vm5 =	vle.s32 v7, v2;
	vm6 =	vle.s32 v9, v2;
	vm1 =	vle.s32 v8, v2  }
0x4e: {  	vm0 =	vle.s32 v10, v2;
	vm7 =	vle.s32 v3, v2;
	v8 =	vsel vm9, v12, v8  }
0x4f: {  	v11 =	vsel vm3, $0x1, v0;
	v12 =	vsel vm2, $0x1, v0;
	vm2 =	vlt.s32 v14, v10  }
0x50: {  	vm3 =	vgt.s32 v8, v10;
	v13 =	vsel vm6, $0x1, v0;
	v16 =	vsel vm2, v14, v10  }
0x51: {  	v15 =	vsel vm4, $0x1, v0;
	v8 =	vsel vm3, v8, v10;
	vm2 =	vlt.s32 v16, v3  }
0x52: {  	[dreg:$0x11] =	wrdreg s30;
	v14 =	vsel vm5, $0x1, v0;
	vm3 =	vgt.s32 v8, v3;
	v10 =	vsel vm2, v16, v3  }
0x53: {  	s2 =	simm.s32 $0x0;
	s4 =	simm.s32 $0xC0;
	[dreg:$0x12] =	wrdreg s31;
	v17 =	vsel vm3, v8, v3;
	v16 =	vsel vm7, $0x1, v0;
	v8 =	vimm.s32 $0x0  }
.LBB2_2:
0x54: {  	v3 =	vld [tilespmem:s4+$0x30];
	v18 =	vsel vm0, $0x1, v0;
	vm0 =	vlt.s32 v10, v5;
	vm2 =	vgt.s32 v17, v5  }
0x55: {  	v20 =	vsel vm1, $0x1, v0;
	v19 =	vld [tilespmem:s4+$0x20];
	v10 =	vsel vm0, v10, v5;
	v5 =	vsel vm2, v17, v5  }
0x56: {  	v8 =	vadd.s32 v20, v8;
	v17 =	vld [tilespmem:s4+$0x10];
	vm0 =	vlt.s32 v10, v7;
	vm1 =	vgt.s32 v5, v7  }
0x57: {  	v8 =	vadd.s32 v18, v8;
	v10 =	vsel vm0, v10, v7;
	v18 =	vsel vm1, v5, v7;
	v7 =	vld [tilespmem:s4+$0x0]  }
0x58: {  	v8 =	vadd.s32 v16, v8;
	v5 =	vld [tilespmem:s4+$0xFFFFFFF0];
	vm0 =	vlt.s32 v10, v9;
	vm1 =	vgt.s32 v18, v9  }
0x59: {  	v8 =	vadd.s32 v15, v8;
	v16 =	vld [tilespmem:s4+$0xFFFFFFE0];
	v10 =	vsel vm0, v10, v9;
	v9 =	vsel vm1, v18, v9  }
0x5a: {  	v8 =	vadd.s32 v14, v8;
	v15 =	vld [tilespmem:s4+$0xFFFFFFD0];
	vm0 =	vlt.s32 v10, v6;
	vm1 =	vgt.s32 v9, v6  }
0x5b: {  	v8 =	vadd.s32 v13, v8;
	v14 =	vld [tilespmem:s4+$0xFFFFFFC0];
	v10 =	vsel vm0, v10, v6;
	v13 =	vsel vm1, v9, v6;
	v6 =	vmovc v19  }
0x5c: {  	s2 =	sadd.s32 $0x8, s2;
	v8 =	vadd.s32 v12, v8;
	vm0 =	vlt.s32 v10, v4;
	vm1 =	vgt.s32 v13, v4;
	v9 =	vmovc v17  }
0x5d: {  	p0 =	slt.u32 s2, $0xF8;
	v8 =	vadd.s32 v11, v8;
	v10 =	vsel vm0, v10, v4;
	v12 =	vsel vm1, v13, v4;
	v4 =	vmovc v3  }
0x5e: {  	vm2 =	vle.s32 v6, v2;
	vm3 =	vle.s32 v4, v2  }
0x5f: {  	vm5 =	vle.s32 v7, v2;
	vm4 =	vle.s32 v5, v2;
	vm6 =	vle.s32 v9, v2  }
0x60: {  	vm7 =	vle.s32 v16, v2;
	vm0 =	vle.s32 v15, v2;
	vm1 =	vle.s32 v14, v2  }
0x61: {  	v11 =	vsel vm3, $0x1, v0;
	vm8 =	vlt.s32 v10, v14;
	vm9 =	vgt.s32 v12, v14  }
.Ltmp2:
0x62: {  	v3 =	vsel vm8, v10, v14;
	v10 =	vsel vm9, v12, v14;
	v12 =	vsel vm2, $0x1, v0;
	(pc) =	sbr.rel @p0 .LBB2_2-.Ltmp2, $4  }
0x63: {  	v13 =	vsel vm6, $0x1, v0;
	vm2 =	vlt.s32 v3, v15;
	vm3 =	vgt.s32 v10, v15  }
0x64: {  	v14 =	vsel vm5, $0x1, v0;
	v3 =	vsel vm2, v3, v15;
	v17 =	vsel vm3, v10, v15  }
0x65: {  	v15 =	vsel vm4, $0x1, v0;
	vm2 =	vlt.s32 v3, v16;
	vm3 =	vgt.s32 v17, v16  }
0x66: {  	s4 =	sadd.s32 $0x80, s4;
	v10 =	vsel vm2, v3, v16;
	v17 =	vsel vm3, v17, v16;
	v16 =	vsel vm7, $0x1, v0  }
0x67: {  	s0 =	simm.s32 $0x2  }
0x68: {  	_ =	swait.ge [sflag:s0], $0x1000  }
0x69: {  	[sflag:s0] =	ssyncset.done $0x0  }
0x6a: {  	s31 =	simm.s32 $0x1070;
	vm2 =	vlt.s32 v10, v5;
	vm3 =	vgt.s32 v17, v5;
	[sflag:s0] =	ssyncadd.s32 $0xFFFFF000  }
0x6b: {  	v18 =	vsel vm1, $0x1, v0;
	v10 =	vsel vm2, v10, v5;
	v17 =	vsel vm3, v17, v5;
	v3 =	vld [tilespmem:s31+$0x0]  }
0x6c: {  	v19 =	vsel vm0, $0x1, v0;
	vm1 =	vlt.s32 v10, v7;
	vm2 =	vgt.s32 v17, v7;
	v5 =	vld [tilespmem:s31+$0xFFFFFFF0]  }
0x6d: {  	v18 =	vadd.s32 v18, v8;
	v20 =	vsel vm1, v10, v7;
	v17 =	vsel vm2, v17, v7;
	v8 =	vld [tilespmem:s31+$0xFFFFFFE0]  }
0x6e: {  	v18 =	vadd.s32 v19, v18;
	v7 =	vld [tilespmem:s31+$0xFFFFFFD0];
	vm0 =	vlt.s32 v20, v9;
	vm1 =	vgt.s32 v17, v9  }
0x6f: {  	v16 =	vadd.s32 v16, v18;
	v10 =	vld [tilespmem:s31+$0xFFFFFFC0];
	v18 =	vsel vm0, v20, v9;
	v9 =	vsel vm1, v17, v9  }
0x70: {  	v15 =	vadd.s32 v15, v16;
	v16 =	vld [tilespmem:s31+$0xFFFFFFA0];
	vm0 =	vlt.s32 v18, v6;
	vm1 =	vgt.s32 v9, v6  }
0x71: {  	v17 =	vld [tilespmem:s31+$0xFFFFFFB0];
	v14 =	vadd.s32 v14, v15;
	v15 =	vsel vm0, v18, v6;
	v6 =	vsel vm1, v9, v6  }
0x72: {  	v18 =	vld [tilespmem:s31+$0xFFFFFF90];
	v9 =	vadd.s32 v13, v14;
	vm0 =	vlt.s32 v15, v4;
	vm1 =	vgt.s32 v6, v4  }
0x73: {  	v9 =	vadd.s32 v12, v9;
	v12 =	vsel vm0, v15, v4;
	v4 =	vsel vm1, v6, v4  }
0x74: {  	v9 =	vadd.s32 v11, v9;
	vm2 =	vle.s32 v5, v2;
	vm3 =	vle.s32 v3, v2  }
0x75: {  	vm4 =	vle.s32 v10, v2;
	vm5 =	vle.s32 v7, v2;
	vm6 =	vle.s32 v8, v2  }
0x76: {  	vm0 =	vle.s32 v16, v2;
	vm7 =	vle.s32 v17, v2;
	v11 =	vsel vm3, $0x1, v0  }
0x77: {  	v13 =	vsel vm6, $0x1, v0;
	vm8 =	vlt.s32 v12, v18;
	vm9 =	vgt.s32 v4, v18  }
0x78: {  	v14 =	vsel vm5, $0x1, v0;
	v6 =	vsel vm8, v12, v18;
	v4 =	vsel vm9, v4, v18  }
0x79: {  	v12 =	vsel vm2, $0x1, v0;
	vm2 =	vlt.s32 v6, v16;
	vm3 =	vgt.s32 v4, v16  }
0x7a: {  	v15 =	vsel vm4, $0x1, v0;
	v6 =	vsel vm2, v6, v16;
	v4 =	vsel vm3, v4, v16  }
0x7b: {  	vm1 =	vle.s32 v18, v2;
	vm2 =	vlt.s32 v6, v17;
	vm3 =	vgt.s32 v4, v17  }
0x7c: {  	s2 =	simm.s32 $0x100;
	s4 =	simm.s32 $0x10F0;
	v16 =	vsel vm7, $0x1, v0;
	v6 =	vsel vm2, v6, v17;
	v17 =	vsel vm3, v4, v17  }
.LBB2_4:
0x7d: {  	v4 =	vld [tilespmem:s4+$0x0];
	v18 =	vsel vm0, $0x1, v0;
	vm0 =	vlt.s32 v6, v10;
	vm2 =	vgt.s32 v17, v10  }
0x7e: {  	v20 =	vsel vm1, $0x1, v0;
	v19 =	vld [tilespmem:s4+$0xFFFFFFF0];
	v6 =	vsel vm0, v6, v10;
	v10 =	vsel vm2, v17, v10  }
0x7f: {  	v9 =	vadd.s32 v20, v9;
	v17 =	vld [tilespmem:s4+$0xFFFFFFE0];
	vm0 =	vlt.s32 v6, v7;
	vm1 =	vgt.s32 v10, v7  }
0x80: {  	v9 =	vadd.s32 v18, v9;
	v6 =	vsel vm0, v6, v7;
	v18 =	vsel vm1, v10, v7;
	v7 =	vld [tilespmem:s4+$0xFFFFFFD0]  }
0x81: {  	v9 =	vadd.s32 v16, v9;
	v10 =	vld [tilespmem:s4+$0xFFFFFFC0];
	vm0 =	vlt.s32 v6, v8;
	vm1 =	vgt.s32 v18, v8  }
0x82: {  	v9 =	vadd.s32 v15, v9;
	v16 =	vld [tilespmem:s4+$0xFFFFFFB0];
	v6 =	vsel vm0, v6, v8;
	v8 =	vsel vm1, v18, v8  }
0x83: {  	v9 =	vadd.s32 v14, v9;
	v15 =	vld [tilespmem:s4+$0xFFFFFFA0];
	vm0 =	vlt.s32 v6, v5;
	vm1 =	vgt.s32 v8, v5  }
0x84: {  	v9 =	vadd.s32 v13, v9;
	v14 =	vld [tilespmem:s4+$0xFFFFFF90];
	v6 =	vsel vm0, v6, v5;
	v13 =	vsel vm1, v8, v5;
	v5 =	vmovc v19  }
0x85: {  	s2 =	sadd.s32 $0x8, s2;
	v9 =	vadd.s32 v12, v9;
	vm0 =	vlt.s32 v6, v3;
	vm1 =	vgt.s32 v13, v3;
	v8 =	vmovc v17  }
0x86: {  	p0 =	slt.u32 s2, $0x1F8;
	v9 =	vadd.s32 v11, v9;
	v6 =	vsel vm0, v6, v3;
	v12 =	vsel vm1, v13, v3;
	v3 =	vmovc v4  }
0x87: {  	vm2 =	vle.s32 v5, v2;
	vm3 =	vle.s32 v3, v2  }
0x88: {  	vm5 =	vle.s32 v7, v2;
	vm4 =	vle.s32 v10, v2;
	vm6 =	vle.s32 v8, v2  }
0x89: {  	vm7 =	vle.s32 v16, v2;
	vm0 =	vle.s32 v15, v2;
	vm1 =	vle.s32 v14, v2  }
0x8a: {  	v11 =	vsel vm3, $0x1, v0;
	vm8 =	vlt.s32 v6, v14;
	vm9 =	vgt.s32 v12, v14  }
.Ltmp3:
0x8b: {  	v4 =	vsel vm8, v6, v14;
	v6 =	vsel vm9, v12, v14;
	v12 =	vsel vm2, $0x1, v0;
	(pc) =	sbr.rel @p0 .LBB2_4-.Ltmp3, $4  }
0x8c: {  	v13 =	vsel vm6, $0x1, v0;
	vm2 =	vlt.s32 v4, v15;
	vm3 =	vgt.s32 v6, v15  }
0x8d: {  	v14 =	vsel vm5, $0x1, v0;
	v4 =	vsel vm2, v4, v15;
	v17 =	vsel vm3, v6, v15  }
0x8e: {  	v15 =	vsel vm4, $0x1, v0;
	vm2 =	vlt.s32 v4, v16;
	vm3 =	vgt.s32 v17, v16  }
0x8f: {  	s4 =	sadd.s32 $0x80, s4;
	v6 =	vsel vm2, v4, v16;
	v17 =	vsel vm3, v17, v16;
	v16 =	vsel vm7, $0x1, v0  }
0x90: {  	s0 =	simm.s32 $0x3  }
0x91: {  	_ =	swait.ge [sflag:s0], $0x1000  }
0x92: {  	[sflag:s0] =	ssyncset.done $0x0  }
0x93: {  	s31 =	simm.s32 $0x2070;
	vm2 =	vlt.s32 v6, v10;
	vm3 =	vgt.s32 v17, v10;
	[sflag:s0] =	ssyncadd.s32 $0xFFFFF000  }
0x94: {  	v18 =	vsel vm1, $0x1, v0;
	v19 =	vsel vm2, v6, v10;
	v10 =	vsel vm3, v17, v10;
	v4 =	vld [tilespmem:s31+$0x0]  }
0x95: {  	v17 =	vadd.s32 v18, v9;
	vm1 =	vlt.s32 v19, v7;
	vm2 =	vgt.s32 v10, v7;
	v6 =	vld [tilespmem:s31+$0xFFFFFFF0]  }
0x96: {  	v18 =	vsel vm0, $0x1, v0;
	v19 =	vsel vm1, v19, v7;
	v20 =	vsel vm2, v10, v7;
	v9 =	vld [tilespmem:s31+$0xFFFFFFE0]  }
0x97: {  	v17 =	vadd.s32 v18, v17;
	v7 =	vld [tilespmem:s31+$0xFFFFFFD0];
	vm0 =	vlt.s32 v19, v8;
	vm1 =	vgt.s32 v20, v8  }
0x98: {  	v16 =	vadd.s32 v16, v17;
	v10 =	vld [tilespmem:s31+$0xFFFFFFC0];
	v17 =	vsel vm0, v19, v8;
	v8 =	vsel vm1, v20, v8  }
0x99: {  	v18 =	vld [tilespmem:s31+$0xFFFFFFB0];
	v15 =	vadd.s32 v15, v16;
	vm0 =	vlt.s32 v17, v5;
	vm1 =	vgt.s32 v8, v5  }
0x9a: {  	v16 =	vld [tilespmem:s31+$0xFFFFFFA0];
	v14 =	vadd.s32 v14, v15;
	v15 =	vsel vm0, v17, v5;
	v5 =	vsel vm1, v8, v5  }
0x9b: {  	v17 =	vld [tilespmem:s31+$0xFFFFFF90];
	v8 =	vadd.s32 v13, v14;
	vm0 =	vlt.s32 v15, v3;
	vm1 =	vgt.s32 v5, v3  }
0x9c: {  	v8 =	vadd.s32 v12, v8;
	v12 =	vsel vm0, v15, v3;
	v3 =	vsel vm1, v5, v3  }
0x9d: {  	v8 =	vadd.s32 v11, v8;
	vm2 =	vle.s32 v6, v2;
	vm3 =	vle.s32 v4, v2  }
0x9e: {  	vm4 =	vle.s32 v10, v2;
	vm5 =	vle.s32 v7, v2;
	vm6 =	vle.s32 v9, v2  }
0x9f: {  	vm0 =	vle.s32 v16, v2;
	vm7 =	vle.s32 v18, v2;
	v11 =	vsel vm3, $0x1, v0  }
0xa0: {  	v13 =	vsel vm6, $0x1, v0;
	vm8 =	vlt.s32 v12, v17;
	vm9 =	vgt.s32 v3, v17  }
0xa1: {  	v14 =	vsel vm5, $0x1, v0;
	v5 =	vsel vm8, v12, v17;
	v3 =	vsel vm9, v3, v17  }
0xa2: {  	v12 =	vsel vm2, $0x1, v0;
	vm2 =	vlt.s32 v5, v16;
	vm3 =	vgt.s32 v3, v16  }
0xa3: {  	v15 =	vsel vm4, $0x1, v0;
	v5 =	vsel vm2, v5, v16;
	v3 =	vsel vm3, v3, v16  }
0xa4: {  	vm1 =	vle.s32 v17, v2;
	vm2 =	vlt.s32 v5, v18;
	vm3 =	vgt.s32 v3, v18  }
0xa5: {  	s2 =	simm.s32 $0x200;
	s4 =	simm.s32 $0x20F0;
	v16 =	vsel vm7, $0x1, v0;
	v5 =	vsel vm2, v5, v18;
	v17 =	vsel vm3, v3, v18  }
.LBB2_6:
0xa6: {  	v3 =	vld [tilespmem:s4+$0x0];
	v18 =	vsel vm0, $0x1, v0;
	vm0 =	vlt.s32 v5, v10;
	vm2 =	vgt.s32 v17, v10  }
0xa7: {  	v20 =	vsel vm1, $0x1, v0;
	v19 =	vld [tilespmem:s4+$0xFFFFFFF0];
	v5 =	vsel vm0, v5, v10;
	v10 =	vsel vm2, v17, v10  }
0xa8: {  	v8 =	vadd.s32 v20, v8;
	v17 =	vld [tilespmem:s4+$0xFFFFFFE0];
	vm0 =	vlt.s32 v5, v7;
	vm1 =	vgt.s32 v10, v7  }
0xa9: {  	v8 =	vadd.s32 v18, v8;
	v5 =	vsel vm0, v5, v7;
	v18 =	vsel vm1, v10, v7;
	v7 =	vld [tilespmem:s4+$0xFFFFFFD0]  }
0xaa: {  	v8 =	vadd.s32 v16, v8;
	v10 =	vld [tilespmem:s4+$0xFFFFFFC0];
	vm0 =	vlt.s32 v5, v9;
	vm1 =	vgt.s32 v18, v9  }
0xab: {  	v8 =	vadd.s32 v15, v8;
	v16 =	vld [tilespmem:s4+$0xFFFFFFB0];
	v5 =	vsel vm0, v5, v9;
	v9 =	vsel vm1, v18, v9  }
0xac: {  	v8 =	vadd.s32 v14, v8;
	v15 =	vld [tilespmem:s4+$0xFFFFFFA0];
	vm0 =	vlt.s32 v5, v6;
	vm1 =	vgt.s32 v9, v6  }
0xad: {  	v8 =	vadd.s32 v13, v8;
	v14 =	vld [tilespmem:s4+$0xFFFFFF90];
	v5 =	vsel vm0, v5, v6;
	v13 =	vsel vm1, v9, v6;
	v6 =	vmovc v19  }
0xae: {  	s2 =	sadd.s32 $0x8, s2;
	v8 =	vadd.s32 v12, v8;
	vm0 =	vlt.s32 v5, v4;
	vm1 =	vgt.s32 v13, v4;
	v9 =	vmovc v17  }
0xaf: {  	p0 =	slt.u32 s2, $0x2F8;
	v8 =	vadd.s32 v11, v8;
	v5 =	vsel vm0, v5, v4;
	v12 =	vsel vm1, v13, v4;
	v4 =	vmovc v3  }
0xb0: {  	vm2 =	vle.s32 v6, v2;
	vm3 =	vle.s32 v4, v2  }
0xb1: {  	vm5 =	vle.s32 v7, v2;
	vm4 =	vle.s32 v10, v2;
	vm6 =	vle.s32 v9, v2  }
0xb2: {  	vm7 =	vle.s32 v16, v2;
	vm0 =	vle.s32 v15, v2;
	vm1 =	vle.s32 v14, v2  }
0xb3: {  	v11 =	vsel vm3, $0x1, v0;
	vm8 =	vlt.s32 v5, v14;
	vm9 =	vgt.s32 v12, v14  }
.Ltmp4:
0xb4: {  	v3 =	vsel vm8, v5, v14;
	v5 =	vsel vm9, v12, v14;
	v12 =	vsel vm2, $0x1, v0;
	(pc) =	sbr.rel @p0 .LBB2_6-.Ltmp4, $4  }
0xb5: {  	v13 =	vsel vm6, $0x1, v0;
	vm2 =	vlt.s32 v3, v15;
	vm3 =	vgt.s32 v5, v15  }
0xb6: {  	v14 =	vsel vm5, $0x1, v0;
	v3 =	vsel vm2, v3, v15;
	v17 =	vsel vm3, v5, v15  }
0xb7: {  	v15 =	vsel vm4, $0x1, v0;
	vm2 =	vlt.s32 v3, v16;
	vm3 =	vgt.s32 v17, v16  }
0xb8: {  	s4 =	sadd.s32 $0x80, s4;
	v5 =	vsel vm2, v3, v16;
	v17 =	vsel vm3, v17, v16;
	v16 =	vsel vm7, $0x1, v0  }
0xb9: {  	s0 =	simm.s32 $0x4  }
0xba: {  	_ =	swait.ge [sflag:s0], $0x1000  }
0xbb: {  	[sflag:s0] =	ssyncset.done $0x0  }
0xbc: {  	s31 =	simm.s32 $0x3070;
	vm2 =	vlt.s32 v5, v10;
	vm3 =	vgt.s32 v17, v10;
	[sflag:s0] =	ssyncadd.s32 $0xFFFFF000  }
0xbd: {  	v18 =	vsel vm1, $0x1, v0;
	v19 =	vsel vm2, v5, v10;
	v10 =	vsel vm3, v17, v10;
	v3 =	vld [tilespmem:s31+$0x0]  }
0xbe: {  	v17 =	vadd.s32 v18, v8;
	vm1 =	vlt.s32 v19, v7;
	vm2 =	vgt.s32 v10, v7;
	v5 =	vld [tilespmem:s31+$0xFFFFFFF0]  }
0xbf: {  	v18 =	vsel vm0, $0x1, v0;
	v19 =	vsel vm1, v19, v7;
	v20 =	vsel vm2, v10, v7;
	v8 =	vld [tilespmem:s31+$0xFFFFFFE0]  }
0xc0: {  	v17 =	vadd.s32 v18, v17;
	v7 =	vld [tilespmem:s31+$0xFFFFFFD0];
	vm0 =	vlt.s32 v19, v9;
	vm1 =	vgt.s32 v20, v9  }
0xc1: {  	v16 =	vadd.s32 v16, v17;
	v10 =	vld [tilespmem:s31+$0xFFFFFFC0];
	v17 =	vsel vm0, v19, v9;
	v9 =	vsel vm1, v20, v9  }
0xc2: {  	v18 =	vld [tilespmem:s31+$0xFFFFFFB0];
	v15 =	vadd.s32 v15, v16;
	vm0 =	vlt.s32 v17, v6;
	vm1 =	vgt.s32 v9, v6  }
0xc3: {  	v16 =	vld [tilespmem:s31+$0xFFFFFFA0];
	v14 =	vadd.s32 v14, v15;
	v15 =	vsel vm0, v17, v6;
	v6 =	vsel vm1, v9, v6  }
0xc4: {  	v17 =	vld [tilespmem:s31+$0xFFFFFF90];
	v9 =	vadd.s32 v13, v14;
	vm0 =	vlt.s32 v15, v4;
	vm1 =	vgt.s32 v6, v4  }
0xc5: {  	v9 =	vadd.s32 v12, v9;
	v12 =	vsel vm0, v15, v4;
	v4 =	vsel vm1, v6, v4  }
0xc6: {  	v9 =	vadd.s32 v11, v9;
	vm2 =	vle.s32 v5, v2;
	vm3 =	vle.s32 v3, v2  }
0xc7: {  	vm4 =	vle.s32 v10, v2;
	vm5 =	vle.s32 v7, v2;
	vm6 =	vle.s32 v8, v2  }
0xc8: {  	vm0 =	vle.s32 v16, v2;
	vm7 =	vle.s32 v18, v2;
	v11 =	vsel vm3, $0x1, v0  }
0xc9: {  	v13 =	vsel vm6, $0x1, v0;
	vm8 =	vlt.s32 v12, v17;
	vm9 =	vgt.s32 v4, v17  }
0xca: {  	v14 =	vsel vm5, $0x1, v0;
	v6 =	vsel vm8, v12, v17;
	v4 =	vsel vm9, v4, v17  }
0xcb: {  	v12 =	vsel vm2, $0x1, v0;
	vm2 =	vlt.s32 v6, v16;
	vm3 =	vgt.s32 v4, v16  }
0xcc: {  	v15 =	vsel vm4, $0x1, v0;
	v6 =	vsel vm2, v6, v16;
	v4 =	vsel vm3, v4, v16  }
0xcd: {  	vm1 =	vle.s32 v17, v2;
	vm2 =	vlt.s32 v6, v18;
	vm3 =	vgt.s32 v4, v18  }
0xce: {  	s2 =	simm.s32 $0x300;
	s4 =	simm.s32 $0x30F0;
	v16 =	vsel vm7, $0x1, v0;
	v6 =	vsel vm2, v6, v18;
	v17 =	vsel vm3, v4, v18  }
.LBB2_8:
0xcf: {  	v4 =	vld [tilespmem:s4+$0x0];
	v18 =	vsel vm0, $0x1, v0;
	vm0 =	vlt.s32 v6, v10;
	vm2 =	vgt.s32 v17, v10  }
0xd0: {  	v20 =	vsel vm1, $0x1, v0;
	v19 =	vld [tilespmem:s4+$0xFFFFFFF0];
	v6 =	vsel vm0, v6, v10;
	v10 =	vsel vm2, v17, v10  }
0xd1: {  	v9 =	vadd.s32 v20, v9;
	v17 =	vld [tilespmem:s4+$0xFFFFFFE0];
	vm0 =	vlt.s32 v6, v7;
	vm1 =	vgt.s32 v10, v7  }
0xd2: {  	v9 =	vadd.s32 v18, v9;
	v6 =	vsel vm0, v6, v7;
	v18 =	vsel vm1, v10, v7;
	v7 =	vld [tilespmem:s4+$0xFFFFFFD0]  }
0xd3: {  	v9 =	vadd.s32 v16, v9;
	v10 =	vld [tilespmem:s4+$0xFFFFFFC0];
	vm0 =	vlt.s32 v6, v8;
	vm1 =	vgt.s32 v18, v8  }
0xd4: {  	v9 =	vadd.s32 v15, v9;
	v16 =	vld [tilespmem:s4+$0xFFFFFFB0];
	v6 =	vsel vm0, v6, v8;
	v8 =	vsel vm1, v18, v8  }
0xd5: {  	v9 =	vadd.s32 v14, v9;
	v15 =	vld [tilespmem:s4+$0xFFFFFFA0];
	vm0 =	vlt.s32 v6, v5;
	vm1 =	vgt.s32 v8, v5  }
0xd6: {  	v9 =	vadd.s32 v13, v9;
	v14 =	vld [tilespmem:s4+$0xFFFFFF90];
	v6 =	vsel vm0, v6, v5;
	v13 =	vsel vm1, v8, v5;
	v5 =	vmovc v19  }
0xd7: {  	s2 =	sadd.s32 $0x8, s2;
	v9 =	vadd.s32 v12, v9;
	vm0 =	vlt.s32 v6, v3;
	vm1 =	vgt.s32 v13, v3;
	v8 =	vmovc v17  }
0xd8: {  	p0 =	slt.u32 s2, $0x3F8;
	v9 =	vadd.s32 v11, v9;
	v6 =	vsel vm0, v6, v3;
	v12 =	vsel vm1, v13, v3;
	v3 =	vmovc v4  }
0xd9: {  	vm2 =	vle.s32 v5, v2;
	vm3 =	vle.s32 v3, v2  }
0xda: {  	vm5 =	vle.s32 v7, v2;
	vm4 =	vle.s32 v10, v2;
	vm6 =	vle.s32 v8, v2  }
0xdb: {  	vm7 =	vle.s32 v16, v2;
	vm0 =	vle.s32 v15, v2;
	vm1 =	vle.s32 v14, v2  }
0xdc: {  	v11 =	vsel vm3, $0x1, v0;
	vm8 =	vlt.s32 v6, v14;
	vm9 =	vgt.s32 v12, v14  }
.Ltmp5:
0xdd: {  	v4 =	vsel vm8, v6, v14;
	v6 =	vsel vm9, v12, v14;
	v12 =	vsel vm2, $0x1, v0;
	(pc) =	sbr.rel @p0 .LBB2_8-.Ltmp5, $4  }
0xde: {  	v13 =	vsel vm6, $0x1, v0;
	vm2 =	vlt.s32 v4, v15;
	vm3 =	vgt.s32 v6, v15  }
0xdf: {  	v14 =	vsel vm5, $0x1, v0;
	v4 =	vsel vm2, v4, v15;
	v17 =	vsel vm3, v6, v15  }
0xe0: {  	v15 =	vsel vm4, $0x1, v0;
	vm2 =	vlt.s32 v4, v16;
	vm3 =	vgt.s32 v17, v16  }
0xe1: {  	s4 =	sadd.s32 $0x80, s4;
	v6 =	vsel vm2, v4, v16;
	v17 =	vsel vm3, v17, v16;
	v16 =	vsel vm7, $0x1, v0  }
0xe2: {  	s0 =	simm.s32 $0x5  }
0xe3: {  	_ =	swait.ge [sflag:s0], $0x1000  }
0xe4: {  	[sflag:s0] =	ssyncset.done $0x0  }
0xe5: {  	s31 =	simm.s32 $0x4070;
	vm2 =	vlt.s32 v6, v10;
	vm3 =	vgt.s32 v17, v10;
	[sflag:s0] =	ssyncadd.s32 $0xFFFFF000  }
0xe6: {  	v18 =	vsel vm1, $0x1, v0;
	v19 =	vsel vm2, v6, v10;
	v17 =	vsel vm3, v17, v10;
	v4 =	vld [tilespmem:s31+$0x0]  }
0xe7: {  	v9 =	vadd.s32 v18, v9;
	vm1 =	vlt.s32 v19, v7;
	vm2 =	vgt.s32 v17, v7;
	v6 =	vld [tilespmem:s31+$0xFFFFFFF0]  }
0xe8: {  	v18 =	vsel vm0, $0x1, v0;
	v19 =	vsel vm1, v19, v7;
	v17 =	vsel vm2, v17, v7;
	v10 =	vld [tilespmem:s31+$0xFFFFFFE0]  }
0xe9: {  	v18 =	vadd.s32 v18, v9;
	v7 =	vld [tilespmem:s31+$0xFFFFFFD0];
	vm0 =	vlt.s32 v19, v8;
	vm1 =	vgt.s32 v17, v8  }
0xea: {  	v16 =	vadd.s32 v16, v18;
	v9 =	vld [tilespmem:s31+$0xFFFFFFC0];
	v18 =	vsel vm0, v19, v8;
	v8 =	vsel vm1, v17, v8  }
0xeb: {  	v15 =	vadd.s32 v15, v16;
	v16 =	vld [tilespmem:s31+$0xFFFFFFA0];
	vm0 =	vlt.s32 v18, v5;
	vm1 =	vgt.s32 v8, v5  }
0xec: {  	v17 =	vld [tilespmem:s31+$0xFFFFFFB0];
	v14 =	vadd.s32 v14, v15;
	v15 =	vsel vm0, v18, v5;
	v5 =	vsel vm1, v8, v5  }
0xed: {  	v18 =	vld [tilespmem:s31+$0xFFFFFF90];
	v8 =	vadd.s32 v13, v14;
	vm0 =	vlt.s32 v15, v3;
	vm1 =	vgt.s32 v5, v3  }
0xee: {  	v8 =	vadd.s32 v12, v8;
	v13 =	vsel vm0, v15, v3;
	v3 =	vsel vm1, v5, v3  }
0xef: {  	v8 =	vadd.s32 v11, v8;
	vm2 =	vle.s32 v6, v2;
	vm3 =	vle.s32 v4, v2  }
0xf0: {  	vm4 =	vle.s32 v9, v2;
	vm5 =	vle.s32 v7, v2;
	vm6 =	vle.s32 v10, v2  }
0xf1: {  	vm0 =	vle.s32 v16, v2;
	vm7 =	vle.s32 v17, v2;
	v12 =	vsel vm3, $0x1, v0  }
0xf2: {  	v14 =	vsel vm6, $0x1, v0;
	vm8 =	vlt.s32 v13, v18;
	vm9 =	vgt.s32 v3, v18  }
0xf3: {  	v15 =	vsel vm5, $0x1, v0;
	v5 =	vsel vm8, v13, v18;
	v3 =	vsel vm9, v3, v18  }
0xf4: {  	v13 =	vsel vm2, $0x1, v0;
	vm2 =	vlt.s32 v5, v16;
	vm3 =	vgt.s32 v3, v16  }
0xf5: {  	vm1 =	vle.s32 v18, v2;
	v5 =	vsel vm2, v5, v16;
	v3 =	vsel vm3, v3, v16  }
0xf6: {  	v16 =	vsel vm4, $0x1, v0;
	vm2 =	vlt.s32 v5, v17;
	vm3 =	vgt.s32 v3, v17  }
0xf7: {  	s2 =	simm.s32 $0x400;
	s4 =	simm.s32 $0x40F0;
	v5 =	vsel vm2, v5, v17;
	v11 =	vsel vm3, v3, v17;
	v17 =	vsel vm7, $0x1, v0  }
.LBB2_10:
0xf8: {  	v3 =	vld [tilespmem:s4+$0x0];
	v18 =	vsel vm0, $0x1, v0;
	vm0 =	vlt.s32 v5, v9;
	vm2 =	vgt.s32 v11, v9  }
0xf9: {  	v20 =	vsel vm1, $0x1, v0;
	v19 =	vld [tilespmem:s4+$0xFFFFFFF0];
	v5 =	vsel vm0, v5, v9;
	v9 =	vsel vm2, v11, v9  }
0xfa: {  	v8 =	vadd.s32 v20, v8;
	v11 =	vld [tilespmem:s4+$0xFFFFFFE0];
	vm0 =	vlt.s32 v5, v7;
	vm1 =	vgt.s32 v9, v7  }
0xfb: {  	v8 =	vadd.s32 v18, v8;
	v5 =	vsel vm0, v5, v7;
	v18 =	vsel vm1, v9, v7;
	v7 =	vld [tilespmem:s4+$0xFFFFFFD0]  }
0xfc: {  	v8 =	vadd.s32 v17, v8;
	v9 =	vld [tilespmem:s4+$0xFFFFFFC0];
	vm0 =	vlt.s32 v5, v10;
	vm1 =	vgt.s32 v18, v10  }
0xfd: {  	v8 =	vadd.s32 v16, v8;
	v17 =	vld [tilespmem:s4+$0xFFFFFFB0];
	v5 =	vsel vm0, v5, v10;
	v10 =	vsel vm1, v18, v10  }
0xfe: {  	v8 =	vadd.s32 v15, v8;
	v16 =	vld [tilespmem:s4+$0xFFFFFFA0];
	vm0 =	vlt.s32 v5, v6;
	vm1 =	vgt.s32 v10, v6  }
0xff: {  	v8 =	vadd.s32 v14, v8;
	v15 =	vld [tilespmem:s4+$0xFFFFFF90];
	v5 =	vsel vm0, v5, v6;
	v14 =	vsel vm1, v10, v6;
	v6 =	vmovc v19  }
0x100: {  	s2 =	sadd.s32 $0x8, s2;
	v8 =	vadd.s32 v13, v8;
	vm0 =	vlt.s32 v5, v4;
	vm1 =	vgt.s32 v14, v4;
	v10 =	vmovc v11  }
0x101: {  	p0 =	slt.u32 s2, $0x4F8;
	v8 =	vadd.s32 v12, v8;
	v5 =	vsel vm0, v5, v4;
	v11 =	vsel vm1, v14, v4;
	v4 =	vmovc v3  }
0x102: {  	vm2 =	vle.s32 v6, v2;
	vm3 =	vle.s32 v4, v2  }
0x103: {  	vm5 =	vle.s32 v7, v2;
	vm4 =	vle.s32 v9, v2;
	vm6 =	vle.s32 v10, v2  }
0x104: {  	vm7 =	vle.s32 v17, v2;
	vm0 =	vle.s32 v16, v2;
	vm1 =	vle.s32 v15, v2  }
0x105: {  	v12 =	vsel vm3, $0x1, v0;
	vm8 =	vlt.s32 v5, v15;
	vm9 =	vgt.s32 v11, v15  }
.Ltmp6:
0x106: {  	v13 =	vsel vm2, $0x1, v0;
	v3 =	vsel vm8, v5, v15;
	v5 =	vsel vm9, v11, v15;
	(pc) =	sbr.rel @p0 .LBB2_10-.Ltmp6, $4  }
0x107: {  	v14 =	vsel vm6, $0x1, v0;
	vm2 =	vlt.s32 v3, v16;
	vm3 =	vgt.s32 v5, v16  }
0x108: {  	v15 =	vsel vm5, $0x1, v0;
	v3 =	vsel vm2, v3, v16;
	v11 =	vsel vm3, v5, v16  }
0x109: {  	v16 =	vsel vm4, $0x1, v0;
	vm2 =	vlt.s32 v3, v17;
	vm3 =	vgt.s32 v11, v17  }
0x10a: {  	s4 =	sadd.s32 $0x80, s4;
	v5 =	vsel vm2, v3, v17;
	v11 =	vsel vm3, v11, v17;
	v17 =	vsel vm7, $0x1, v0  }
0x10b: {  	s0 =	simm.s32 $0x6  }
0x10c: {  	_ =	swait.ge [sflag:s0], $0x1000  }
0x10d: {  	[sflag:s0] =	ssyncset.done $0x0  }
0x10e: {  	s31 =	simm.s32 $0x5070;
	vm2 =	vlt.s32 v5, v9;
	vm3 =	vgt.s32 v11, v9;
	[sflag:s0] =	ssyncadd.s32 $0xFFFFF000  }
0x10f: {  	v18 =	vsel vm1, $0x1, v0;
	v19 =	vsel vm2, v5, v9;
	v9 =	vsel vm3, v11, v9;
	v3 =	vld [tilespmem:s31+$0x0]  }
0x110: {  	v8 =	vadd.s32 v18, v8;
	vm1 =	vlt.s32 v19, v7;
	vm2 =	vgt.s32 v9, v7;
	v5 =	vld [tilespmem:s31+$0xFFFFFFF0]  }
0x111: {  	v18 =	vsel vm0, $0x1, v0;
	v19 =	vsel vm1, v19, v7;
	v7 =	vsel vm2, v9, v7;
	v11 =	vld [tilespmem:s31+$0xFFFFFFE0]  }
0x112: {  	v18 =	vadd.s32 v18, v8;
	v9 =	vld [tilespmem:s31+$0xFFFFFFD0];
	vm0 =	vlt.s32 v19, v10;
	vm1 =	vgt.s32 v7, v10  }
0x113: {  	v17 =	vadd.s32 v17, v18;
	v8 =	vld [tilespmem:s31+$0xFFFFFFC0];
	v18 =	vsel vm0, v19, v10;
	v7 =	vsel vm1, v7, v10  }
0x114: {  	v19 =	vld [tilespmem:s31+$0xFFFFFFB0];
	v10 =	vadd.s32 v16, v17;
	vm0 =	vlt.s32 v18, v6;
	vm1 =	vgt.s32 v7, v6  }
0x115: {  	v16 =	vld [tilespmem:s31+$0xFFFFFFA0];
	v10 =	vadd.s32 v15, v10;
	v15 =	vsel vm0, v18, v6;
	v6 =	vsel vm1, v7, v6  }
0x116: {  	v7 =	vld [tilespmem:s31+$0xFFFFFF90];
	v10 =	vadd.s32 v14, v10;
	vm0 =	vlt.s32 v15, v4;
	vm1 =	vgt.s32 v6, v4  }
0x117: {  	v10 =	vadd.s32 v13, v10;
	v13 =	vsel vm0, v15, v4;
	v14 =	vsel vm1, v6, v4  }
0x118: {  	v4 =	vadd.s32 v12, v10;
	vm2 =	vle.s32 v5, v2;
	vm3 =	vle.s32 v3, v2  }
0x119: {  	vm4 =	vle.s32 v8, v2;
	vm5 =	vle.s32 v9, v2;
	vm6 =	vle.s32 v11, v2  }
0x11a: {  	vm0 =	vle.s32 v16, v2;
	vm7 =	vle.s32 v19, v2;
	v6 =	vsel vm3, $0x1, v0  }
0x11b: {  	v12 =	vsel vm2, $0x1, v0;
	vm8 =	vlt.s32 v13, v7;
	vm9 =	vgt.s32 v14, v7  }
0x11c: {  	vm1 =	vle.s32 v7, v2;
	v10 =	vsel vm8, v13, v7;
	v7 =	vsel vm9, v14, v7  }
0x11d: {  	v15 =	vsel vm4, $0x1, v0;
	vm2 =	vlt.s32 v10, v16;
	vm3 =	vgt.s32 v7, v16  }
0x11e: {  	v13 =	vsel vm6, $0x1, v0;
	v10 =	vsel vm2, v10, v16;
	v7 =	vsel vm3, v7, v16  }
0x11f: {  	v14 =	vsel vm5, $0x1, v0;
	vm2 =	vlt.s32 v10, v19;
	vm3 =	vgt.s32 v7, v19  }
0x120: {  	s2 =	simm.s32 $0x500;
	s4 =	simm.s32 $0x50F0;
	v16 =	vsel vm7, $0x1, v0;
	v10 =	vsel vm2, v10, v19;
	v17 =	vsel vm3, v7, v19  }
.LBB2_12:
0x121: {  	v7 =	vld [tilespmem:s4+$0x0];
	v18 =	vsel vm0, $0x1, v0;
	vm0 =	vlt.s32 v10, v8;
	vm2 =	vgt.s32 v17, v8  }
0x122: {  	v20 =	vsel vm1, $0x1, v0;
	v19 =	vld [tilespmem:s4+$0xFFFFFFF0];
	v10 =	vsel vm0, v10, v8;
	v8 =	vsel vm2, v17, v8  }
0x123: {  	v4 =	vadd.s32 v20, v4;
	v17 =	vld [tilespmem:s4+$0xFFFFFFE0];
	vm0 =	vlt.s32 v10, v9;
	vm1 =	vgt.s32 v8, v9  }
0x124: {  	v4 =	vadd.s32 v18, v4;
	v10 =	vsel vm0, v10, v9;
	v18 =	vsel vm1, v8, v9;
	v9 =	vld [tilespmem:s4+$0xFFFFFFD0]  }
0x125: {  	v4 =	vadd.s32 v16, v4;
	v8 =	vld [tilespmem:s4+$0xFFFFFFC0];
	vm0 =	vlt.s32 v10, v11;
	vm1 =	vgt.s32 v18, v11  }
0x126: {  	v4 =	vadd.s32 v15, v4;
	v16 =	vld [tilespmem:s4+$0xFFFFFFB0];
	v10 =	vsel vm0, v10, v11;
	v11 =	vsel vm1, v18, v11  }
0x127: {  	v4 =	vadd.s32 v14, v4;
	v15 =	vld [tilespmem:s4+$0xFFFFFFA0];
	vm0 =	vlt.s32 v10, v5;
	vm1 =	vgt.s32 v11, v5  }
0x128: {  	v4 =	vadd.s32 v13, v4;
	v14 =	vld [tilespmem:s4+$0xFFFFFF90];
	v10 =	vsel vm0, v10, v5;
	v13 =	vsel vm1, v11, v5;
	v5 =	vmovc v19  }
0x129: {  	s2 =	sadd.s32 $0x8, s2;
	v4 =	vadd.s32 v12, v4;
	vm0 =	vlt.s32 v10, v3;
	vm1 =	vgt.s32 v13, v3;
	v11 =	vmovc v17  }
0x12a: {  	p0 =	slt.u32 s2, $0x5F8;
	v4 =	vadd.s32 v6, v4;
	v10 =	vsel vm0, v10, v3;
	v12 =	vsel vm1, v13, v3;
	v3 =	vmovc v7  }
0x12b: {  	vm2 =	vle.s32 v5, v2;
	vm3 =	vle.s32 v3, v2  }
0x12c: {  	vm5 =	vle.s32 v9, v2;
	vm4 =	vle.s32 v8, v2;
	vm6 =	vle.s32 v11, v2  }
0x12d: {  	vm7 =	vle.s32 v16, v2;
	vm0 =	vle.s32 v15, v2;
	vm1 =	vle.s32 v14, v2  }
0x12e: {  	v6 =	vsel vm3, $0x1, v0;
	vm8 =	vlt.s32 v10, v14;
	vm9 =	vgt.s32 v12, v14  }
.Ltmp7:
0x12f: {  	v7 =	vsel vm8, v10, v14;
	v10 =	vsel vm9, v12, v14;
	v12 =	vsel vm2, $0x1, v0;
	(pc) =	sbr.rel @p0 .LBB2_12-.Ltmp7, $4  }
0x130: {  	v13 =	vsel vm6, $0x1, v0;
	vm2 =	vlt.s32 v7, v15;
	vm3 =	vgt.s32 v10, v15  }
0x131: {  	v14 =	vsel vm5, $0x1, v0;
	v7 =	vsel vm2, v7, v15;
	v17 =	vsel vm3, v10, v15  }
0x132: {  	v15 =	vsel vm4, $0x1, v0;
	vm2 =	vlt.s32 v7, v16;
	vm3 =	vgt.s32 v17, v16  }
0x133: {  	s4 =	sadd.s32 $0x80, s4;
	v10 =	vsel vm2, v7, v16;
	v17 =	vsel vm3, v17, v16;
	v16 =	vsel vm7, $0x1, v0  }
0x134: {  	s0 =	simm.s32 $0x7  }
0x135: {  	_ =	swait.ge [sflag:s0], $0x1000  }
0x136: {  	[sflag:s0] =	ssyncset.done $0x0  }
0x137: {  	s31 =	simm.s32 $0x6070;
	vm2 =	vlt.s32 v10, v8;
	vm3 =	vgt.s32 v17, v8;
	[sflag:s0] =	ssyncadd.s32 $0xFFFFF000  }
0x138: {  	v18 =	vsel vm1, $0x1, v0;
	v19 =	vsel vm2, v10, v8;
	v17 =	vsel vm3, v17, v8;
	v7 =	vld [tilespmem:s31+$0x0]  }
0x139: {  	v4 =	vadd.s32 v18, v4;
	vm1 =	vlt.s32 v19, v9;
	vm2 =	vgt.s32 v17, v9;
	v8 =	vld [tilespmem:s31+$0xFFFFFFF0]  }
0x13a: {  	v18 =	vsel vm0, $0x1, v0;
	v19 =	vsel vm1, v19, v9;
	v17 =	vsel vm2, v17, v9;
	v10 =	vld [tilespmem:s31+$0xFFFFFFE0]  }
0x13b: {  	v18 =	vadd.s32 v18, v4;
	v9 =	vld [tilespmem:s31+$0xFFFFFFD0];
	vm0 =	vlt.s32 v19, v11;
	vm1 =	vgt.s32 v17, v11  }
0x13c: {  	v16 =	vadd.s32 v16, v18;
	v4 =	vld [tilespmem:s31+$0xFFFFFFC0];
	v18 =	vsel vm0, v19, v11;
	v11 =	vsel vm1, v17, v11  }
0x13d: {  	v15 =	vadd.s32 v15, v16;
	v16 =	vld [tilespmem:s31+$0xFFFFFFA0];
	vm0 =	vlt.s32 v18, v5;
	vm1 =	vgt.s32 v11, v5  }
0x13e: {  	v17 =	vld [tilespmem:s31+$0xFFFFFFB0];
	v14 =	vadd.s32 v14, v15;
	v15 =	vsel vm0, v18, v5;
	v5 =	vsel vm1, v11, v5  }
0x13f: {  	v18 =	vld [tilespmem:s31+$0xFFFFFF90];
	v11 =	vadd.s32 v13, v14;
	vm0 =	vlt.s32 v15, v3;
	vm1 =	vgt.s32 v5, v3  }
0x140: {  	v11 =	vadd.s32 v12, v11;
	v12 =	vsel vm0, v15, v3;
	v3 =	vsel vm1, v5, v3  }
0x141: {  	v5 =	vadd.s32 v6, v11;
	vm2 =	vle.s32 v8, v2;
	vm3 =	vle.s32 v7, v2  }
0x142: {  	vm4 =	vle.s32 v4, v2;
	vm5 =	vle.s32 v9, v2;
	vm6 =	vle.s32 v10, v2  }
0x143: {  	vm0 =	vle.s32 v16, v2;
	vm7 =	vle.s32 v17, v2;
	v11 =	vsel vm3, $0x1, v0  }
0x144: {  	v13 =	vsel vm6, $0x1, v0;
	vm8 =	vlt.s32 v12, v18;
	vm9 =	vgt.s32 v3, v18  }
0x145: {  	v14 =	vsel vm5, $0x1, v0;
	v6 =	vsel vm8, v12, v18;
	v3 =	vsel vm9, v3, v18  }
0x146: {  	v12 =	vsel vm2, $0x1, v0;
	vm2 =	vlt.s32 v6, v16;
	vm3 =	vgt.s32 v3, v16  }
0x147: {  	v15 =	vsel vm4, $0x1, v0;
	v6 =	vsel vm2, v6, v16;
	v3 =	vsel vm3, v3, v16  }
0x148: {  	vm1 =	vle.s32 v18, v2;
	vm2 =	vlt.s32 v6, v17;
	vm3 =	vgt.s32 v3, v17  }
0x149: {  	s2 =	simm.s32 $0x600;
	s4 =	simm.s32 $0x60F0;
	v16 =	vsel vm7, $0x1, v0;
	v6 =	vsel vm2, v6, v17;
	v17 =	vsel vm3, v3, v17  }
.LBB2_14:
0x14a: {  	v3 =	vld [tilespmem:s4+$0x0];
	v18 =	vsel vm0, $0x1, v0;
	vm0 =	vlt.s32 v6, v4;
	vm2 =	vgt.s32 v17, v4  }
0x14b: {  	v20 =	vsel vm1, $0x1, v0;
	v19 =	vld [tilespmem:s4+$0xFFFFFFF0];
	v6 =	vsel vm0, v6, v4;
	v4 =	vsel vm2, v17, v4  }
0x14c: {  	v5 =	vadd.s32 v20, v5;
	v17 =	vld [tilespmem:s4+$0xFFFFFFE0];
	vm0 =	vlt.s32 v6, v9;
	vm1 =	vgt.s32 v4, v9  }
0x14d: {  	v5 =	vadd.s32 v18, v5;
	v6 =	vsel vm0, v6, v9;
	v18 =	vsel vm1, v4, v9;
	v9 =	vld [tilespmem:s4+$0xFFFFFFD0]  }
0x14e: {  	v5 =	vadd.s32 v16, v5;
	v4 =	vld [tilespmem:s4+$0xFFFFFFC0];
	vm0 =	vlt.s32 v6, v10;
	vm1 =	vgt.s32 v18, v10  }
0x14f: {  	v5 =	vadd.s32 v15, v5;
	v16 =	vld [tilespmem:s4+$0xFFFFFFB0];
	v6 =	vsel vm0, v6, v10;
	v10 =	vsel vm1, v18, v10  }
0x150: {  	v5 =	vadd.s32 v14, v5;
	v15 =	vld [tilespmem:s4+$0xFFFFFFA0];
	vm0 =	vlt.s32 v6, v8;
	vm1 =	vgt.s32 v10, v8  }
0x151: {  	v5 =	vadd.s32 v13, v5;
	v14 =	vld [tilespmem:s4+$0xFFFFFF90];
	v6 =	vsel vm0, v6, v8;
	v13 =	vsel vm1, v10, v8;
	v8 =	vmovc v19  }
0x152: {  	s2 =	sadd.s32 $0x8, s2;
	v5 =	vadd.s32 v12, v5;
	vm0 =	vlt.s32 v6, v7;
	vm1 =	vgt.s32 v13, v7;
	v10 =	vmovc v17  }
0x153: {  	p0 =	slt.u32 s2, $0x6F8;
	v5 =	vadd.s32 v11, v5;
	v6 =	vsel vm0, v6, v7;
	v12 =	vsel vm1, v13, v7;
	v7 =	vmovc v3  }
0x154: {  	vm2 =	vle.s32 v8, v2;
	vm3 =	vle.s32 v7, v2  }
0x155: {  	vm5 =	vle.s32 v9, v2;
	vm4 =	vle.s32 v4, v2;
	vm6 =	vle.s32 v10, v2  }
0x156: {  	vm7 =	vle.s32 v16, v2;
	vm0 =	vle.s32 v15, v2;
	vm1 =	vle.s32 v14, v2  }
0x157: {  	v11 =	vsel vm3, $0x1, v0;
	vm8 =	vlt.s32 v6, v14;
	vm9 =	vgt.s32 v12, v14  }
.Ltmp8:
0x158: {  	v3 =	vsel vm8, v6, v14;
	v6 =	vsel vm9, v12, v14;
	v12 =	vsel vm2, $0x1, v0;
	(pc) =	sbr.rel @p0 .LBB2_14-.Ltmp8, $4  }
0x159: {  	v13 =	vsel vm6, $0x1, v0;
	vm2 =	vlt.s32 v3, v15;
	vm3 =	vgt.s32 v6, v15  }
0x15a: {  	v14 =	vsel vm5, $0x1, v0;
	v3 =	vsel vm2, v3, v15;
	v17 =	vsel vm3, v6, v15  }
0x15b: {  	v15 =	vsel vm4, $0x1, v0;
	vm2 =	vlt.s32 v3, v16;
	vm3 =	vgt.s32 v17, v16  }
0x15c: {  	s4 =	sadd.s32 $0x80, s4;
	v6 =	vsel vm2, v3, v16;
	v17 =	vsel vm3, v17, v16;
	v16 =	vsel vm7, $0x1, v0  }
0x15d: {  	[dreg:$0x10] =	wrdreg s15;
	s0 =	simm.s32 $0x8  }
0x15e: {  	_ =	swait.ge [sflag:s0], $0x1000  }
0x15f: {  	[sflag:s0] =	ssyncset.done $0x0  }
0x160: {  	s31 =	simm.s32 $0x7070;
	vm2 =	vlt.s32 v6, v4;
	vm3 =	vgt.s32 v17, v4;
	[sflag:s0] =	ssyncadd.s32 $0xFFFFF000  }
0x161: {  	v18 =	vsel vm1, $0x1, v0;
	v19 =	vsel vm2, v6, v4;
	v17 =	vsel vm3, v17, v4;
	v3 =	vld [tilespmem:s31+$0x0]  }
0x162: {  	v20 =	vsel vm0, $0x1, v0;
	vm1 =	vlt.s32 v19, v9;
	vm2 =	vgt.s32 v17, v9;
	v4 =	vld [tilespmem:s31+$0xFFFFFFF0]  }
0x163: {  	v18 =	vadd.s32 v18, v5;
	v19 =	vsel vm1, v19, v9;
	v17 =	vsel vm2, v17, v9;
	v6 =	vld [tilespmem:s31+$0xFFFFFFE0]  }
0x164: {  	v18 =	vadd.s32 v20, v18;
	v5 =	vld [tilespmem:s31+$0xFFFFFFD0];
	vm0 =	vlt.s32 v19, v10;
	vm1 =	vgt.s32 v17, v10  }
0x165: {  	v16 =	vadd.s32 v16, v18;
	v9 =	vld [tilespmem:s31+$0xFFFFFFC0];
	v18 =	vsel vm0, v19, v10;
	v10 =	vsel vm1, v17, v10  }
0x166: {  	v15 =	vadd.s32 v15, v16;
	v16 =	vld [tilespmem:s31+$0xFFFFFFA0];
	vm0 =	vlt.s32 v18, v8;
	vm1 =	vgt.s32 v10, v8  }
0x167: {  	v17 =	vld [tilespmem:s31+$0xFFFFFFB0];
	v14 =	vadd.s32 v14, v15;
	v15 =	vsel vm0, v18, v8;
	v8 =	vsel vm1, v10, v8  }
0x168: {  	v18 =	vld [tilespmem:s31+$0xFFFFFF90];
	v10 =	vadd.s32 v13, v14;
	vm0 =	vlt.s32 v15, v7;
	vm1 =	vgt.s32 v8, v7  }
0x169: {  	v10 =	vadd.s32 v12, v10;
	v12 =	vsel vm0, v15, v7;
	v8 =	vsel vm1, v8, v7  }
0x16a: {  	v10 =	vadd.s32 v11, v10;
	vm2 =	vle.s32 v4, v2;
	vm3 =	vle.s32 v3, v2  }
0x16b: {  	vm4 =	vle.s32 v9, v2;
	vm5 =	vle.s32 v5, v2;
	vm6 =	vle.s32 v6, v2  }
0x16c: {  	vm1 =	vle.s32 v16, v2;
	vm7 =	vle.s32 v17, v2;
	v7 =	vsel vm3, $0x1, v0  }
0x16d: {  	v11 =	vsel vm6, $0x1, v0;
	vm8 =	vlt.s32 v12, v18;
	vm9 =	vgt.s32 v8, v18  }
0x16e: {  	v14 =	vsel vm4, $0x1, v0;
	v12 =	vsel vm8, v12, v18;
	v13 =	vsel vm9, v8, v18  }
0x16f: {  	v8 =	vsel vm2, $0x1, v0;
	vm2 =	vlt.s32 v12, v16;
	vm3 =	vgt.s32 v13, v16  }
0x170: {  	vm0 =	vle.s32 v18, v2;
	v12 =	vsel vm2, v12, v16;
	v16 =	vsel vm3, v13, v16  }
0x171: {  	v13 =	vsel vm5, $0x1, v0;
	vm2 =	vlt.s32 v12, v17;
	vm3 =	vgt.s32 v16, v17  }
0x172: {  	s2 =	simm.s32 $0x700;
	s4 =	simm.s32 $0x70F0;
	v15 =	vsel vm2, v12, v17;
	v12 =	vsel vm3, v16, v17;
	v16 =	vsel vm7, $0x1, v0  }
.LBB2_16:
0x173: {  	v17 =	vld [tilespmem:s4+$0x0];
	v18 =	vsel vm1, $0x1, v0;
	vm1 =	vlt.s32 v15, v9;
	vm2 =	vgt.s32 v12, v9  }
0x174: {  	v20 =	vsel vm0, $0x1, v0;
	v19 =	vld [tilespmem:s4+$0xFFFFFFF0];
	v15 =	vsel vm1, v15, v9;
	v9 =	vsel vm2, v12, v9  }
0x175: {  	v10 =	vadd.s32 v20, v10;
	v12 =	vld [tilespmem:s4+$0xFFFFFFE0];
	vm0 =	vlt.s32 v15, v5;
	vm1 =	vgt.s32 v9, v5  }
0x176: {  	v10 =	vadd.s32 v18, v10;
	v15 =	vsel vm0, v15, v5;
	v18 =	vsel vm1, v9, v5;
	v5 =	vld [tilespmem:s4+$0xFFFFFFD0]  }
0x177: {  	v10 =	vadd.s32 v16, v10;
	v9 =	vld [tilespmem:s4+$0xFFFFFFC0];
	vm0 =	vlt.s32 v15, v6;
	vm1 =	vgt.s32 v18, v6  }
0x178: {  	v10 =	vadd.s32 v14, v10;
	v16 =	vld [tilespmem:s4+$0xFFFFFFB0];
	v14 =	vsel vm0, v15, v6;
	v6 =	vsel vm1, v18, v6  }
0x179: {  	v10 =	vadd.s32 v13, v10;
	v15 =	vld [tilespmem:s4+$0xFFFFFFA0];
	vm0 =	vlt.s32 v14, v4;
	vm1 =	vgt.s32 v6, v4  }
0x17a: {  	v10 =	vadd.s32 v11, v10;
	v13 =	vld [tilespmem:s4+$0xFFFFFF90];
	v11 =	vsel vm0, v14, v4;
	v14 =	vsel vm1, v6, v4;
	v4 =	vmovc v19  }
0x17b: {  	s2 =	sadd.s32 $0x8, s2;
	v8 =	vadd.s32 v8, v10;
	vm0 =	vlt.s32 v11, v3;
	vm1 =	vgt.s32 v14, v3;
	v6 =	vmovc v12  }
0x17c: {  	p0 =	slt.u32 s2, $0x7F8;
	v10 =	vadd.s32 v7, v8;
	v11 =	vsel vm0, v11, v3;
	v12 =	vsel vm1, v14, v3;
	v3 =	vmovc v17  }
0x17d: {  	vm2 =	vle.s32 v4, v2;
	vm3 =	vle.s32 v3, v2  }
0x17e: {  	vm5 =	vle.s32 v5, v2;
	vm4 =	vle.s32 v9, v2;
	vm6 =	vle.s32 v6, v2  }
0x17f: {  	vm7 =	vle.s32 v16, v2;
	vm1 =	vle.s32 v15, v2;
	vm0 =	vle.s32 v13, v2  }
0x180: {  	v7 =	vsel vm3, $0x1, v0;
	vm8 =	vlt.s32 v11, v13;
	vm9 =	vgt.s32 v12, v13  }
.Ltmp9:
0x181: {  	v8 =	vsel vm2, $0x1, v0;
	v14 =	vsel vm8, v11, v13;
	v12 =	vsel vm9, v12, v13;
	(pc) =	sbr.rel @p0 .LBB2_16-.Ltmp9, $4  }
0x182: {  	v11 =	vsel vm6, $0x1, v0;
	vm2 =	vlt.s32 v14, v15;
	vm3 =	vgt.s32 v12, v15  }
0x183: {  	v13 =	vsel vm5, $0x1, v0;
	v17 =	vsel vm2, v14, v15;
	v12 =	vsel vm3, v12, v15  }
0x184: {  	v14 =	vsel vm4, $0x1, v0;
	vm2 =	vlt.s32 v17, v16;
	vm3 =	vgt.s32 v12, v16  }
0x185: {  	s4 =	sadd.s32 $0x80, s4;
	v15 =	vsel vm2, v17, v16;
	v12 =	vsel vm3, v12, v16;
	v16 =	vsel vm7, $0x1, v0  }
0x186: {  	v2 =	vsel vm0, $0x1, v0  }
0x187: {  	v17 =	vsel vm1, $0x1, v0;
	v2 =	vadd.s32 v2, v10  }
0x188: {  	v2 =	vadd.s32 v17, v2  }
0x189: {  	v2 =	vadd.s32 v16, v2  }
0x18a: {  	v2 =	vadd.s32 v14, v2  }
0x18b: {  	v2 =	vadd.s32 v13, v2  }
0x18c: {  	v2 =	vadd.s32 v11, v2  }
0x18d: {  	v2 =	vadd.s32 v8, v2  }
0x18e: {  	v2 =	vadd.s32 v7, v2  }
0x18f: {  	(v2sf) =	vpush v2, $0x0  }
0x190: {  	(v2sf) =	vpush v2, $0x1  }
0x191: {  	(v2sf) =	vpush v2, $0x2  }
0x192: {  	(v2sf) =	vpush v2, $0x3  }
0x193: {  	(v2sf) =	vpush v2, $0x4  }
0x194: {  	(v2sf) =	vpush v2, $0x5  }
0x195: {  	vm14 =	vlt.s32 v15, v9;
	(v2sf) =	vpush v2, $0x6  }
0x196: {  	v63 =	vsel vm14, v15, v9;
	(v2sf) =	vpush v2, $0x7  }
0x197: {  	vm0 =	vlt.s32 v63, v5;
	(v2sf) =	vpush v2, $0x8  }
0x198: {  	v7 =	vsel vm0, v63, v5;
	(v2sf) =	vpush v2, $0x9  }
0x199: {  	vm0 =	vlt.s32 v7, v6;
	(v2sf) =	vpush v2, $0xA  }
0x19a: {  	v7 =	vsel vm0, v7, v6;
	(v2sf) =	vpush v2, $0xB  }
0x19b: {  	vm0 =	vlt.s32 v7, v4;
	(v2sf) =	vpush v2, $0xC  }
0x19c: {  	v7 =	vsel vm0, v7, v4;
	(v2sf) =	vpush v2, $0xD  }
0x19d: {  	vm0 =	vlt.s32 v7, v3;
	(v2sf) =	vpush v2, $0xE  }
0x19e: {  	v7 =	vsel vm0, v7, v3;
	s30 =	spop (v2sf);
	(v2sf) =	vpush v2, $0xF  }
0x19f: {  	s4 =	spop (v2sf);
	(v2sf) =	vpush v7, $0x0  }
0x1a0: {  	s29 =	spop (v2sf);
	(v2sf) =	vpush v7, $0x1  }
0x1a1: {  	s26 =	spop (v2sf);
	(v2sf) =	vpush v7, $0x2  }
0x1a2: {  	s5 =	spop (v2sf);
	(v2sf) =	vpush v7, $0x3  }
0x1a3: {  	s13 =	spop (v2sf);
	(v2sf) =	vpush v7, $0x4  }
0x1a4: {  	s11 =	spop (v2sf);
	(v2sf) =	vpush v7, $0x5  }
0x1a5: {  	vm15 =	vgt.s32 v12, v9;
	s9 =	spop (v2sf);
	(v2sf) =	vpush v7, $0x6  }
0x1a6: {  	v2 =	vsel vm15, v12, v9;
	s7 =	spop (v2sf);
	(v2sf) =	vpush v7, $0x7  }
0x1a7: {  	vm0 =	vgt.s32 v2, v5;
	s6 =	spop (v2sf);
	(v2sf) =	vpush v7, $0x8  }
0x1a8: {  	v2 =	vsel vm0, v2, v5;
	s19 =	spop (v2sf);
	(v2sf) =	vpush v7, $0x9  }
0x1a9: {  	vm0 =	vgt.s32 v2, v6;
	s21 =	spop (v2sf);
	(v2sf) =	vpush v7, $0xA  }
0x1aa: {  	v2 =	vsel vm0, v2, v6;
	s23 =	spop (v2sf);
	(v2sf) =	vpush v7, $0xB  }
0x1ab: {  	vm0 =	vgt.s32 v2, v4;
	s0 =	spop (v2sf);
	(v2sf) =	vpush v7, $0xC  }
0x1ac: {  	v2 =	vsel vm0, v2, v4;
	s24 =	spop (v2sf);
	(v2sf) =	vpush v7, $0xD  }
0x1ad: {  	vm0 =	vgt.s32 v2, v3;
	s25 =	spop (v2sf);
	(v2sf) =	vpush v7, $0xE  }
0x1ae: {  	v2 =	vsel vm0, v2, v3;
	s16 =	spop (v2sf);
	(v2sf) =	vpush v7, $0xF  }
0x1af: {  	s17 =	spop (v2sf);
	(v2sf) =	vpush v2, $0x0  }
0x1b0: {  	s18 =	spop (v2sf);
	(v2sf) =	vpush v2, $0x1  }
0x1b1: {  	s20 =	spop (v2sf)  }
0x1b2: {  	(v2sf) =	vpush v2, $0x2;
	s22 =	spop (v2sf)  }
0x1b3: {  	[dreg:$0x14] =	wrdreg s24;
	s24 =	spop (v2sf)  }
0x1b4: {  	(v2sf) =	vpush v2, $0x3;
	s2 =	spop (v2sf)  }
0x1b5: {  	s3 =	spop (v2sf)  }
0x1b6: {  	(v2sf) =	vpush v2, $0x4;
	s31 =	spop (v2sf)  }
0x1b7: {  	s28 =	spop (v2sf)  }
0x1b8: {  	[dreg:$0x13] =	wrdreg s25;
	(v2sf) =	vpush v2, $0x5;
	s25 =	spop (v2sf)  }
0x1b9: {  	s15 =	spop (v2sf)  }
0x1ba: {  	(v2sf) =	vpush v2, $0x6;
	s14 =	spop (v2sf)  }
0x1bb: {  	s12 =	spop (v2sf)  }
0x1bc: {  	(v2sf) =	vpush v2, $0x7;
	s10 =	spop (v2sf)  }
0x1bd: {  	s4 =	sadd.s32 s4, s30;
	s8 =	spop (v2sf)  }
0x1be: {  	s4 =	sadd.s32 s29, s4;
	s1 =	spop (v2sf)  }
0x1bf: {  	[dreg:$0x15] =	wrdreg s0;
	p0 =	slt.s32 s16, s17;
	(v2sf) =	vpush v2, $0x8;
	s0 =	spop (v2sf)  }
0x1c0: {  	s4 =	sadd.s32 s26, s4;
	s17 =	smov.u32 @p0 s16;
	p0 =	sgt.s32 s1, s0  }
0x1c1: {  	(v2sf) =	vpush v2, $0x9;
	s0 =	smov.u32 @p0 s1;
	p0 =	slt.s32 s17, s18;
	s1 =	spop (v2sf)  }
0x1c2: {  	s4 =	sadd.s32 s5, s4;
	s18 =	smov.u32 @p0 s17;
	p0 =	sgt.s32 s0, s1  }
0x1c3: {  	(v2sf) =	vpush v2, $0xA;
	s1 =	smov.u32 @p0 s0;
	p0 =	slt.s32 s18, s20;
	s0 =	spop (v2sf)  }
0x1c4: {  	s4 =	sadd.s32 s13, s4;
	s20 =	smov.u32 @p0 s18;
	p0 =	sgt.s32 s1, s0  }
0x1c5: {  	(v2sf) =	vpush v2, $0xB;
	s0 =	smov.u32 @p0 s1;
	p0 =	slt.s32 s20, s22;
	s1 =	spop (v2sf)  }
0x1c6: {  	s4 =	sadd.s32 s11, s4;
	s22 =	smov.u32 @p0 s20;
	p0 =	sgt.s32 s0, s1  }
0x1c7: {  	(v2sf) =	vpush v2, $0xC;
	s1 =	smov.u32 @p0 s0;
	p0 =	slt.s32 s22, s24;
	s0 =	spop (v2sf)  }
0x1c8: {  	s4 =	sadd.s32 s9, s4;
	s24 =	smov.u32 @p0 s22;
	p0 =	sgt.s32 s1, s0  }
0x1c9: {  	s26 =	sadd.s32 s7, s4;
	(v2sf) =	vpush v2, $0xD;
	s0 =	smov.u32 @p0 s1;
	s1 =	spop (v2sf)  }
0x1ca: {  	s29 =	rddreg [dreg:$0x14];
	p1 =	slt.s32 s24, s2;
	p0 =	sgt.s32 s0, s1  }
0x1cb: {  	(v2sf) =	vpush v2, $0xE;
	s2 =	smov.u32 @p1 s24;
	s1 =	smov.u32 @p0 s0;
	s0 =	spop (v2sf)  }
0x1cc: {  	s30 =	rddreg [dreg:$0x13];
	p1 =	slt.s32 s2, s3;
	p0 =	sgt.s32 s1, s0  }
0x1cd: {  	(v2sf) =	vpush v2, $0xF;
	s3 =	smov.u32 @p1 s2;
	s2 =	sadd.s32 s6, s26;
	s0 =	smov.u32 @p0 s1  }
0x1ce: {  	s1 =	spop (v2sf);
	p0 =	slt.s32 s3, s31;
	s2 =	sadd.s32 s19, s2  }
0x1cf: {  	s31 =	smov.u32 @p0 s3;
	p0 =	sgt.s32 s0, s1;
	s2 =	sadd.s32 s21, s2  }
0x1d0: {  	s1 =	smov.u32 @p0 s0;
	s0 =	spop (v2sf);
	p0 =	slt.s32 s31, s28  }
0x1d1: {  	s2 =	sadd.s32 s23, s2;
	s28 =	smov.u32 @p0 s31;
	p0 =	sgt.s32 s1, s0  }
0x1d2: {  	s0 =	smov.u32 @p0 s1;
	s1 =	spop (v2sf);
	p0 =	slt.s32 s28, s25  }
0x1d3: {  	s31 =	rddreg [dreg:$0x11];
	s25 =	smov.u32 @p0 s28;
	p0 =	sgt.s32 s0, s1  }
0x1d4: {  	s1 =	smov.u32 @p0 s0;
	s0 =	spop (v2sf);
	p0 =	slt.s32 s25, s15  }
0x1d5: {  	s28 =	rddreg [dreg:$0x15];
	s15 =	smov.u32 @p0 s25;
	p0 =	sgt.s32 s1, s0  }
0x1d6: {  	s0 =	smov.u32 @p0 s1;
	s1 =	spop (v2sf);
	p0 =	slt.s32 s15, s14  }
0x1d7: {  	s2 =	sadd.s32 s28, s2;
	s14 =	smov.u32 @p0 s15;
	p0 =	sgt.s32 s0, s1  }
0x1d8: {  	s1 =	smov.u32 @p0 s0;
	s0 =	spop (v2sf);
	p0 =	slt.s32 s14, s12  }
0x1d9: {  	s2 =	sadd.s32 s29, s2;
	s12 =	smov.u32 @p0 s14;
	p0 =	sgt.s32 s1, s0  }
0x1da: {  	s0 =	smov.u32 @p0 s1;
	s1 =	spop (v2sf);
	p0 =	slt.s32 s12, s10  }
0x1db: {  	s23 =	sadd.s32 s30, s2;
	s10 =	smov.u32 @p0 s12;
	p0 =	sgt.s32 s0, s1  }
0x1dc: {  	s2 =	sadd.s32 $0x80000001, s31;
	s21 =	spop (v2sf);
	s1 =	smov.u32 @p0 s0  }
0x1dd: {  	p1 =	slt.s32 s10, s8;
	s0 =	rddreg [dreg:$0x12];
	p0 =	sgt.s32 s1, s21  }
0x1de: {  	s8 =	smov.u32 @p1 s10;
	s21 =	smov.u32 @p0 s1;
	p0 =	sgt.s32 s23, $0x3FFF  }
0x1df: {  	s2 =	smov.u32 @p0 s8;
	s21 =	smov.u32 @p0 s0  }
0x1e0: {  	p1 =	sge.s32 s2, s21  }
.Ltmp10:
0x1e1: {  	_ = 	snop;
	(pc) =	sbr.rel @p1 .LBB2_18-.Ltmp10, $3  }
0x1e2: {  	_ =	sdelay $0x1  }
0x1e3: {  	s22 =	smov.u32 s23;
	_ =	strace $0x90000048  }
0x1e4: {  	_ =	strace $0x80000049;
	s22 =	simm.s32 @p0 $0x0  }
0x1e5: {  	s23 =	simm.s32 @!p0 $0x8000;
	s24 =	simm.s32 $0x0;
	s9 =	simm.s32 $0x0  }
0x1e6: {  	s10 =	simm.s32 $0x80;
	s11 =	simm.s32 $0x400;
	s12 =	simm.s32 $0x2000  }
0x1e7: {  	s13 =	simm.s32 $0x4000;
	s14 =	simm.s32 $0x6000;
	s15 =	rddreg [dreg:$0x10]  }
.LBB2_20:
0x1e8: {  	s0 =	ssub.s32 s23, s22  }
0x1e9: {  	s0 =	scvt.s32.f32 s0;
	_ =	sdelay $0x1  }
0x1ea: {  	v2 =	vmov s0  }
0x1eb: {  	(erf) = vrcp.f32 v2;
	_ =	sdelay $0x8  }
0x1ec: {  	v2 =	vpop (erf)  }
0x1ed: {  	(v2sf) =	vpush v2, $0x0;
	_ =	sdelay $0xc  }
0x1ee: {  	s28 =	ssub.s32 s21, s2;
	s1 =	ssub.s32 $0x4000, s22  }
0x1ef: {  	s3 =	smulhi.u32 $0x2AAAAAAB, s24;
	s4 =	sshra.s32 s24, $0x1F;
	s1 =	scvt.s32.f32 s1  }
0x1f0: {  	s4 =	smul.u32 $0x2AAAAAAB, s4;
	s0 =	sadd.s32 $0x1, s28;
	s5 =	spop (v2sf)  }
0x1f1: {  	s0 =	scvt.s32.f32 s0;
	s1 =	smul.f32 s1, s5  }
0x1f2: {  	s3 =	sadd.s32 s4, s3  }
0x1f3: {  	s29 =	sshrl.u32 s3, $0x1F;
	s0 =	smul.f32 s0, s1  }
0x1f4: {  	s1 =	sadd.s32 s29, s3  }
0x1f5: {  	s1 =	smul.u32 $0x6, s1;
	s0 =	scvt.f32.s32 s0  }
0x1f6: {  	_ = 	snop  }
0x1f7: {  	s30 =	sadd.s32 s2, s21;
	s1 =	ssub.s32 s24, s1;
	s0 =	sadd.s32 s0, s2  }
0x1f8: {  	p0 =	seq.s32 s1, $0x5;
	s4 =	sadd.s32 $0xFFFFFFFF, s0;
	s0 =	sshra.s32 s30, $0x1  }
0x1f9: {  	s31 =	simm.s32 $0x40;
	s4 =	smov.u32 @p0 s0  }
0x1fa: {  	v4 =	vld [tilespmem:s31+$0xFFFFFFC0];
	p0 =	sgt.s32 s2, s4  }
0x1fb: {  	v5 =	vld [tilespmem:s31+$0xFFFFFFD0];
	s0 =	sadd.s32 $0xFFFFFFFF, s21;
	s4 =	smov.u32 @p0 s2  }
0x1fc: {  	v7 =	vld [tilespmem:s31+$0xFFFFFFE0];
	p0 =	slt.s32 s0, s4  }
0x1fd: {  	v6 =	vld [tilespmem:s31+$0xFFFFFFF0];
	s4 =	smov.u32 @p0 s0  }
0x1fe: {  	v3 =	vld [tilespmem:s31+$0x0];
	v2 =	vmov s4  }
0x1ff: {  	vm0 =	vle.s32 v4, v2;
	v4 =	vld [tilespmem:s31+$0x10]  }
0x200: {  	v8 =	vmpcnt.ones.xlane vm0;
	vm0 =	vle.s32 v5, v2;
	v5 =	vld [tilespmem:s31+$0x20]  }
0x201: {  	v10 =	vimm.s32 $0x0;
	s1 =	simm.s32 $0xC0;
	s0 =	simm.s32 $0x0;
	v9 =	vmpcnt.ones.xlane vm0;
	vm0 =	vle.s32 v7, v2;
	v7 =	vld [tilespmem:s31+$0x30]  }
.LBB2_21:
0x202: {  	v11 =	vld [tilespmem:s1+$0xFFFFFFC0];
	s0 =	sadd.s32 $0x8, s0;
	v8 =	vadd.s32 v10, v8;
	v10 =	vmpcnt.ones.xlane vm0;
	vm0 =	vle.s32 v6, v2  }
0x203: {  	v12 =	vld [tilespmem:s1+$0xFFFFFFD0];
	p0 =	slt.u32 s0, $0x7F8;
	v6 =	vadd.s32 v9, v8;
	v8 =	vmpcnt.ones.xlane vm0;
	vm0 =	vle.s32 v3, v2  }
0x204: {  	v13 =	vld [tilespmem:s1+$0xFFFFFFE0];
	v3 =	vadd.s32 v10, v6;
	v9 =	vmpcnt.ones.xlane vm0;
	vm0 =	vle.s32 v4, v2  }
.Ltmp11:
0x205: {  	v6 =	vld [tilespmem:s1+$0xFFFFFFF0];
	v4 =	vadd.s32 v8, v3;
	v8 =	vmpcnt.ones.xlane vm0;
	vm0 =	vle.s32 v5, v2;
	(pc) =	sbr.rel @p0 .LBB2_21-.Ltmp11, $4  }
0x206: {  	v3 =	vld [tilespmem:s1+$0x0];
	v5 =	vadd.s32 v9, v4;
	v9 =	vmpcnt.ones.xlane vm0;
	vm0 =	vle.s32 v7, v2  }
0x207: {  	vm1 =	vle.s32 v11, v2;
	v4 =	vld [tilespmem:s1+$0x10];
	v7 =	vadd.s32 v8, v5;
	v10 =	vmpcnt.ones.xlane vm0  }
0x208: {  	v8 =	vmpcnt.ones.xlane vm1;
	vm0 =	vle.s32 v12, v2;
	v5 =	vld [tilespmem:s1+$0x20];
	v11 =	vadd.s32 v9, v7  }
0x209: {  	v9 =	vmpcnt.ones.xlane vm0;
	vm0 =	vle.s32 v13, v2;
	v7 =	vld [tilespmem:s1+$0x30];
	s1 =	sadd.s32 $0x80, s1;
	v10 =	vadd.s32 v10, v11  }
0x20a: {  	v8 =	vadd.s32 v10, v8;
	v60 =	vmpcnt.ones.xlane vm0;
	vm11 =	vle.s32 v6, v2  }
0x20b: {  	v61 =	vadd.s32 v9, v8;
	v62 =	vmpcnt.ones.xlane vm11;
	vm12 =	vle.s32 v3, v2  }
0x20c: {  	v3 =	vadd.s32 v60, v61;
	v63 =	vmpcnt.ones.xlane vm12;
	vm13 =	vle.s32 v4, v2  }
0x20d: {  	v3 =	vadd.s32 v62, v3;
	v4 =	vmpcnt.ones.xlane vm13;
	vm14 =	vle.s32 v5, v2  }
0x20e: {  	v3 =	vadd.s32 v63, v3;
	v5 =	vmpcnt.ones.xlane vm14;
	vm15 =	vle.s32 v7, v2  }
0x20f: {  	v2 =	vadd.s32 v4, v3;
	v3 =	vmpcnt.ones.xlane vm15  }
0x210: {  	v2 =	vadd.s32 v5, v2  }
0x211: {  	v2 =	vadd.s32 v3, v2  }
0x212: {  	(v2sf) =	vpush v2, $0x0;
	_ =	sdelay $0xe  }
0x213: {  	s1 =	spop (v2sf)  }
0x214: {  	s0 =	sadd.s32 $0x1, s4;
	p0 =	sgt.s32 s1, $0x3FFF  }
0x215: {  	s0 =	smov.u32 @p0 s2;
	s21 =	smov.u32 @p0 s4  }
0x216: {  	p1 =	slt.s32 s0, s21  }
.Ltmp12:
0x217: {  	_ = 	snop;
	(pc) =	sbr.rel @p1 .LBB2_20-.Ltmp12, $4  }
.Ltmp13:
0x218: {  	_ = 	snop;
	(pc) =	sbr.rel @!p1 .LBB2_23-.Ltmp13, $4  }
0x219: {  	s19 =	smov.u32 s1  }
0x21a: {  	s24 =	sadd.s32 $0x1, s24;
	s19 =	smov.u32 @p0 s22  }
0x21b: {  	s23 =	smov.u32 @p0 s1;
	s22 =	smov.u32 s19;
	s2 =	smov.u32 s0  }
0x21c: {  	_ = 	snop  }
.LBB2_18:
0x21d: {  	s0 =	smov.u32 s2;
	s19 =	smov.u32 s22;
	s9 =	simm.s32 $0x0  }
0x21e: {  	s10 =	simm.s32 $0x80;
	s11 =	simm.s32 $0x400;
	s12 =	simm.s32 $0x2000  }
0x21f: {  	s13 =	simm.s32 $0x4000;
	s14 =	simm.s32 $0x6000;
	s15 =	rddreg [dreg:$0x10]  }
.LBB2_23:
0x220: {  	_ =	strace $0x90000049  }
0x221: {  	s1 =	simm.s32 $0x80;
	_ =	strace $0x8000004A  }
0x222: {  	v3 =	vld [tilespmem:s1+$0xFFFFFF80]  }
0x223: {  	v4 =	vld [tilespmem:s1+$0xFFFFFF90]  }
0x224: {  	v5 =	vld [tilespmem:s1+$0xFFFFFFA0]  }
0x225: {  	v6 =	vld [tilespmem:s1+$0xFFFFFFB0]  }
0x226: {  	v2 =	vmov s0;
	v7 =	vld [tilespmem:s1+$0xFFFFFFC0]  }
0x227: {  	vm0 =	veq.s32 v3, v2;
	v3 =	vld [tilespmem:s1+$0xFFFFFFD0]  }
0x228: {  	v8 =	vmpcnt.ones.xlane vm0;
	vm0 =	veq.s32 v4, v2;
	v4 =	vld [tilespmem:s1+$0xFFFFFFE0]  }
0x229: {  	v9 =	vimm.s32 $0x0;
	v10 =	vmpcnt.ones.xlane vm0;
	vm0 =	veq.s32 v5, v2;
	v5 =	vld [tilespmem:s1+$0xFFFFFFF0]  }
0x22a: {  	v11 =	vmpcnt.ones.xlane vm0;
	vm0 =	veq.s32 v6, v2;
	v6 =	vadd.s32 v9, v8;
	v8 =	vld [tilespmem:s1+$0x0]  }
0x22b: {  	v9 =	vmpcnt.ones.xlane vm0;
	vm0 =	veq.s32 v7, v2;
	v6 =	vadd.s32 v10, v6;
	v7 =	vld [tilespmem:s1+$0x10]  }
0x22c: {  	v10 =	vmpcnt.ones.xlane vm0;
	vm0 =	veq.s32 v3, v2;
	v3 =	vadd.s32 v11, v6;
	v11 =	vld [tilespmem:s1+$0x20]  }
0x22d: {  	v6 =	vmpcnt.ones.xlane vm0;
	vm0 =	veq.s32 v4, v2;
	v4 =	vadd.s32 v9, v3;
	v3 =	vld [tilespmem:s1+$0x30]  }
0x22e: {  	v9 =	vmpcnt.ones.xlane vm0;
	vm0 =	veq.s32 v5, v2;
	v5 =	vadd.s32 v10, v4;
	v4 =	vld [tilespmem:s1+$0x40]  }
0x22f: {  	v10 =	vmpcnt.ones.xlane vm0;
	v6 =	vadd.s32 v6, v5;
	vm0 =	veq.s32 v8, v2;
	v5 =	vld [tilespmem:s1+$0x50]  }
0x230: {  	v8 =	vadd.s32 v9, v6;
	v9 =	vmpcnt.ones.xlane vm0;
	vm0 =	veq.s32 v7, v2;
	v6 =	vld [tilespmem:s1+$0x60]  }
0x231: {  	s2 =	simm.s32 $0x8010;
	s4 =	simm.s32 $0x0;
	s5 =	simm.s32 $0x180;
	v7 =	vld [tilespmem:s1+$0x70];
	v8 =	vadd.s32 v10, v8;
	v10 =	vmpcnt.ones.xlane vm0;
	vm0 =	veq.s32 v11, v2  }
.LBB2_24:
0x232: {  	v11 =	vld [tilespmem:s5+$0xFFFFFF80];
	s4 =	sadd.s32 $0x2, s4;
	[tilespmem:s2+$0xFFFFFFF0] =	vst v8;
	v12 =	vmpcnt.ones.xlane vm0;
	vm0 =	veq.s32 v3, v2;
	v3 =	vadd.s32 v8, v9  }
0x233: {  	v8 =	vld [tilespmem:s5+$0xFFFFFF90];
	p0 =	slt.u32 s4, $0xFE;
	v9 =	vmpcnt.ones.xlane vm0;
	vm0 =	veq.s32 v4, v2;
	v3 =	vadd.s32 v10, v3  }
0x234: {  	v4 =	vld [tilespmem:s5+$0xFFFFFFA0];
	v10 =	vmpcnt.ones.xlane vm0;
	vm0 =	veq.s32 v5, v2;
	v3 =	vadd.s32 v12, v3  }
0x235: {  	v5 =	vld [tilespmem:s5+$0xFFFFFFB0];
	v12 =	vmpcnt.ones.xlane vm0;
	vm0 =	veq.s32 v6, v2;
	v3 =	vadd.s32 v9, v3  }
0x236: {  	v6 =	vld [tilespmem:s5+$0xFFFFFFC0];
	v9 =	vmpcnt.ones.xlane vm0;
	vm0 =	veq.s32 v7, v2;
	v3 =	vadd.s32 v10, v3  }
0x237: {  	vm1 =	veq.s32 v11, v2;
	v7 =	vld [tilespmem:s5+$0xFFFFFFD0];
	v10 =	vmpcnt.ones.xlane vm0;
	v3 =	vadd.s32 v12, v3  }
0x238: {  	v11 =	vmpcnt.ones.xlane vm1;
	vm0 =	veq.s32 v8, v2;
	v8 =	vld [tilespmem:s5+$0xFFFFFFE0];
	v3 =	vadd.s32 v9, v3  }
0x239: {  	v9 =	vmpcnt.ones.xlane vm0;
	vm0 =	veq.s32 v4, v2;
	v4 =	vld [tilespmem:s5+$0xFFFFFFF0];
	v3 =	vadd.s32 v10, v3  }
0x23a: {  	v10 =	vmpcnt.ones.xlane vm0;
	vm0 =	veq.s32 v5, v2;
	v5 =	vadd.s32 v3, v11;
	v11 =	vld [tilespmem:s5+$0x0];
	[tilespmem:s2+$0x0] =	vst v3  }
0x23b: {  	v3 =	vmpcnt.ones.xlane vm0;
	vm0 =	veq.s32 v6, v2;
	v5 =	vadd.s32 v9, v5;
	v6 =	vld [tilespmem:s5+$0x10]  }
0x23c: {  	v9 =	vmpcnt.ones.xlane vm0;
	vm0 =	veq.s32 v7, v2;
	v5 =	vadd.s32 v10, v5;
	v7 =	vld [tilespmem:s5+$0x20]  }
.Ltmp14:
0x23d: {  	v10 =	vmpcnt.ones.xlane vm0;
	vm0 =	veq.s32 v8, v2;
	v5 =	vadd.s32 v3, v5;
	v3 =	vld [tilespmem:s5+$0x30];
	(pc) =	sbr.rel @p0 .LBB2_24-.Ltmp14, $4  }
0x23e: {  	v8 =	vmpcnt.ones.xlane vm0;
	vm0 =	veq.s32 v4, v2;
	v5 =	vadd.s32 v9, v5;
	v4 =	vld [tilespmem:s5+$0x40]  }
0x23f: {  	v12 =	vmpcnt.ones.xlane vm0;
	v9 =	vadd.s32 v10, v5;
	vm0 =	veq.s32 v11, v2;
	v5 =	vld [tilespmem:s5+$0x50]  }
0x240: {  	v8 =	vadd.s32 v8, v9;
	v9 =	vmpcnt.ones.xlane vm0;
	vm0 =	veq.s32 v6, v2;
	v6 =	vld [tilespmem:s5+$0x60]  }
0x241: {  	s2 =	sadd.s32 $0x20, s2;
	v8 =	vadd.s32 v12, v8;
	v10 =	vmpcnt.ones.xlane vm0;
	vm0 =	veq.s32 v7, v2;
	v7 =	vld [tilespmem:s5+$0x70];
	s5 =	sadd.s32 $0x100, s5  }
0x242: {  	v11 =	vmpcnt.ones.xlane vm0;
	vm11 =	veq.s32 v3, v2;
	v3 =	vadd.s32 v8, v9  }
0x243: {  	v62 =	vmpcnt.ones.xlane vm11;
	vm12 =	veq.s32 v4, v2;
	v3 =	vadd.s32 v10, v3  }
0x244: {  	v4 =	vmpcnt.ones.xlane vm12;
	vm13 =	veq.s32 v5, v2;
	v3 =	vadd.s32 v11, v3  }
0x245: {  	v5 =	vmpcnt.ones.xlane vm13;
	vm14 =	veq.s32 v6, v2;
	v3 =	vadd.s32 v62, v3  }
0x246: {  	v6 =	vmpcnt.ones.xlane vm14;
	vm15 =	veq.s32 v7, v2;
	v3 =	vadd.s32 v4, v3  }
0x247: {  	v63 =	vmpcnt.ones.xlane vm15;
	v3 =	vadd.s32 v5, v3  }
0x248: {  	v3 =	vadd.s32 v6, v3  }
0x249: {  	[tilespmem:s2+$0xFFFFFFF0] =	vst v8;
	v3 =	vadd.s32 v63, v3  }
0x24a: {  	[tilespmem:s2+$0x0] =	vst v3  }
0x24b: {  	s0 =	ssub.s32 $0x4000, s19;
	_ =	strace $0x9000004A  }
0x24c: {  	s24 =	simm.s32 $0x0;
	s1 =	simm.s32 $0xFF;
	_ =	strace $0x8000004B  }
.LBB2_26:
0x24d: {  	s30 =	sadd.s32 s24, s1  }
0x24e: {  	s2 =	smov.u32 s1;
	s1 =	sshra.s32 s30, $0x1  }
0x24f: {  	s3 =	sshll.u32 s1, $0x6  }
0x250: {  	s3 =	sshra.s32 s3, $0x2  }
0x251: {  	v3 =	vld [tilespmem:s3+$0x8000];
	_ =	sdelay $0x4  }
0x252: {  	(v2sf) =	vpush v3, $0x0;
	_ =	sdelay $0xe  }
0x253: {  	s31 =	spop (v2sf)  }
0x254: {  	s3 =	sadd.s32 $0x1, s1;
	p0 =	slt.s32 s31, s0  }
0x255: {  	s24 =	smov.u32 @p0 s3;
	s1 =	smov.u32 @p0 s2  }
0x256: {  	p0 =	slt.s32 s24, s1  }
.Ltmp15:
0x257: {  	_ = 	snop;
	(pc) =	sbr.rel @p0 .LBB2_26-.Ltmp15, $1  }
0x258: {  	_ =	sdelay $0x3  }
0x259: {  	p0 =	sgt.s32 s24, $0x1;
	s1 =	smov.u32 s24  }
0x25a: {  	s1 =	simm.s32 @!p0 $0x1  }
0x25b: {  	s1 =	sshll.u32 s1, $0x6  }
0x25c: {  	s1 =	sshra.s32 s1, $0x2  }
0x25d: {  	v3 =	vld [tilespmem:s1+$0x7FF0];
	_ =	sdelay $0x4  }
0x25e: {  	(v2sf) =	vpush v3, $0x0;
	_ =	sdelay $0x8  }
0x25f: {  	s20 =	sshll.u32 s24, $0x9  }
0x260: {  	s19 =	sshra.s32 s20, $0x2  }
0x261: {  	v3 =	vld [tilespmem:s19+$0x0];
	_ =	sdelay $0x3  }
0x262: {  	p0 =	sgt.s32 s24, $0x0;
	s1 =	spop (v2sf)  }
0x263: {  	vm0 =	veq.s32 v3, v2;
	s1 =	simm.s32 @!p0 $0x0  }
0x264: {  	v4 =	vmctz.xlane vm0;
	s22 =	ssub.s32 s0, s1  }
0x265: {  	v3 =	vmov s22  }
0x266: {  	vm2 =	vne.s32 v4, v1;
	vm1 =	vlt.s32 v3, $0x2  }
0x267: {  	vm1 =	vmor vm2, vm1  }
0x268: {  	vm1 =	vmand vm0, vm1  }
0x269: {  	v4 =	vmctz.xlane vm1;
	_ =	sdelay $0x1  }
0x26a: {  	vm6 =	vlt.s32 v3, $0x3;
	vm3 =	vne.s32 v4, v1  }
0x26b: {  	vm2 =	vmor vm3, vm6  }
0x26c: {  	vm1 =	vmand vm2, vm1  }
0x26d: {  	v4 =	vmctz.xlane vm1;
	_ =	sdelay $0x1  }
0x26e: {  	vm7 =	vlt.s32 v3, $0x4;
	vm8 =	vne.s32 v4, v1  }
0x26f: {  	vm2 =	vmor vm7, vm8  }
0x270: {  	vm1 =	vmand vm2, vm1  }
0x271: {  	v4 =	vmctz.xlane vm1;
	_ =	sdelay $0x1  }
0x272: {  	vm9 =	vlt.s32 v3, $0x5;
	vm10 =	vne.s32 v4, v1  }
0x273: {  	vm2 =	vmor vm9, vm10  }
0x274: {  	vm1 =	vmand vm2, vm1  }
0x275: {  	v4 =	vmctz.xlane vm1;
	_ =	sdelay $0x1  }
0x276: {  	vm11 =	vlt.s32 v3, $0x6;
	vm12 =	vne.s32 v4, v1  }
0x277: {  	vm2 =	vmor vm11, vm12  }
0x278: {  	vm1 =	vmand vm2, vm1  }
0x279: {  	v4 =	vmctz.xlane vm1;
	_ =	sdelay $0x1  }
0x27a: {  	vm13 =	vlt.s32 v3, $0x7;
	vm14 =	vne.s32 v4, v1  }
0x27b: {  	vm2 =	vmor vm13, vm14  }
0x27c: {  	vm1 =	vmand vm2, vm1  }
0x27d: {  	v4 =	vmctz.xlane vm1;
	_ =	sdelay $0x1  }
0x27e: {  	vm15 =	vlt.s32 v3, $0x8;
	vm6 =	vne.s32 v4, v1  }
0x27f: {  	v4 =	vld [tilespmem:s19+$0x10];
	vm2 =	vmor vm15, vm6  }
0x280: {  	vm1 =	vmand vm2, vm1  }
0x281: {  	v5 =	vmctz.xlane vm1;
	_ =	sdelay $0x1  }
0x282: {  	vm7 =	vlt.s32 v3, $0x9;
	vm8 =	vne.s32 v5, v1  }
0x283: {  	v6 =	vmpcnt.ones.xlane vm0;
	vm0 =	veq.s32 v4, v2;
	vm2 =	vmor vm7, vm8  }
0x284: {  	v7 =	vmctz.xlane vm0;
	vm1 =	vmand vm2, vm1  }
0x285: {  	v5 =	vsub.s32 s22, v6;
	v4 =	vmctz.xlane vm1  }
0x286: {  	vm4 =	vlt.s32 v5, $0x2;
	vm5 =	vne.s32 v7, v1  }
0x287: {  	vm9 =	vlt.s32 v3, $0xA;
	vm11 =	vmor vm4, vm5;
	vm10 =	vne.s32 v4, v1  }
0x288: {  	vm12 =	vmand vm0, vm11;
	vm2 =	vmor vm9, vm10  }
0x289: {  	v53 =	vmctz.xlane vm12;
	vm1 =	vmand vm2, vm1  }
0x28a: {  	v4 =	vmctz.xlane vm1  }
0x28b: {  	vm15 =	vlt.s32 v5, $0x3;
	vm6 =	vne.s32 v53, v1  }
0x28c: {  	vm13 =	vlt.s32 v3, $0xB;
	vm8 =	vmor vm15, vm6;
	vm14 =	vne.s32 v4, v1  }
0x28d: {  	vm2 =	vmand vm12, vm8;
	vm3 =	vmor vm13, vm14  }
0x28e: {  	v54 =	vmctz.xlane vm2;
	vm1 =	vmand vm3, vm1  }
0x28f: {  	v4 =	vmctz.xlane vm1  }
0x290: {  	vm11 =	vlt.s32 v5, $0x4;
	vm12 =	vne.s32 v54, v1  }
0x291: {  	vm9 =	vlt.s32 v3, $0xC;
	vm13 =	vmor vm11, vm12;
	vm10 =	vne.s32 v4, v1  }
0x292: {  	v8 =	vld [tilespmem:s19+$0x20];
	vm2 =	vmand vm2, vm13;
	vm3 =	vmor vm9, vm10  }
0x293: {  	v55 =	vmctz.xlane vm2;
	vm1 =	vmand vm3, vm1  }
0x294: {  	vm14 =	vlt.s32 v3, $0xD;
	v4 =	vmctz.xlane vm1  }
0x295: {  	vm12 =	vlt.s32 v3, $0xE;
	vm9 =	vlt.s32 v5, $0x5;
	vm10 =	vne.s32 v55, v1  }
0x296: {  	vm11 =	vmor vm9, vm10;
	vm15 =	vne.s32 v4, v1;
	v4 =	vmpcnt.ones.xlane vm0  }
0x297: {  	vm2 =	vmand vm2, vm11;
	vm0 =	veq.s32 v8, v2;
	vm3 =	vmor vm14, vm15  }
0x298: {  	v9 =	vmctz.xlane vm2;
	v10 =	vmctz.xlane vm0;
	v57 =	vadd.s32 v6, v4  }
0x299: {  	vm13 =	vlt.s32 v5, $0x6;
	vm1 =	vmand vm3, vm1;
	v4 =	vsub.s32 s22, v57  }
0x29a: {  	vm14 =	vne.s32 v9, v1;
	vm9 =	vne.s32 v10, v1;
	vm15 =	vlt.s32 v4, $0x2  }
0x29b: {  	v56 =	vmctz.xlane vm1;
	vm4 =	vmor vm13, vm14;
	vm10 =	vmor vm15, vm9  }
0x29c: {  	vm11 =	vlt.s32 v5, $0x7;
	vm2 =	vmand vm2, vm4;
	vm4 =	vmand vm0, vm10  }
0x29d: {  	vm7 =	vne.s32 v56, v1;
	v58 =	vmctz.xlane vm2;
	v59 =	vmctz.xlane vm4  }
0x29e: {  	v19 =	vmpcnt.ones.xlane vm0;
	vm13 =	vlt.s32 v4, $0x3;
	vm3 =	vmor vm12, vm7  }
0x29f: {  	vm1 =	vmand vm3, vm1;
	vm12 =	vne.s32 v58, v1;
	vm14 =	vne.s32 v59, v1  }
0x2a0: {  	v60 =	vmctz.xlane vm1;
	vm5 =	vmor vm11, vm12;
	vm15 =	vmor vm13, vm14  }
0x2a1: {  	vm3 =	vlt.s32 v3, $0xF;
	vm2 =	vmand vm2, vm5;
	vm4 =	vmand vm4, vm15  }
0x2a2: {  	v16 =	vld [tilespmem:s19+$0x30];
	vm8 =	vne.s32 v60, v1;
	v61 =	vmctz.xlane vm2;
	v62 =	vmctz.xlane vm4  }
0x2a3: {  	v20 =	vadd.s32 v57, v19;
	vm10 =	vlt.s32 v4, $0x4;
	vm3 =	vmor vm3, vm8  }
0x2a4: {  	vm8 =	vlt.s32 v5, $0x8;
	vm9 =	vne.s32 v61, v1;
	vm11 =	vne.s32 v62, v1  }
0x2a5: {  	vm1 =	vmand vm3, vm1;
	vm3 =	vmor vm8, vm9;
	vm13 =	vmor vm10, vm11  }
0x2a6: {  	vm6 =	vle.s32 v3, v57;
	vm2 =	vmand vm2, vm3;
	vm3 =	vmand vm4, vm13  }
0x2a7: {  	vm0 =	veq.s32 v16, v2;
	v12 =	vmctz.xlane vm2;
	v13 =	vmctz.xlane vm3  }
0x2a8: {  	vm12 =	vlt.s32 v3, $0x10;
	v63 =	vmctz.xlane vm1;
	vm8 =	vlt.s32 v5, $0x9  }
0x2a9: {  	vm10 =	vlt.s32 v4, $0x5;
	vm9 =	vne.s32 v12, v1;
	vm11 =	vne.s32 v13, v1  }
0x2aa: {  	vm14 =	vne.s32 v63, v1;
	vm4 =	vmor vm8, vm9;
	vm13 =	vmor vm10, vm11  }
0x2ab: {  	vm15 =	vmor vm12, vm14;
	vm12 =	vmand vm2, vm4;
	vm2 =	vmand vm3, vm13  }
0x2ac: {  	v10 =	vmctz.xlane vm0;
	vm14 =	vgt.s32 v3, v6;
	v18 =	vmctz.xlane vm2  }
0x2ad: {  	v6 =	vsub.s32 s22, v20;
	vm1 =	vmand vm15, vm1;
	v15 =	vmctz.xlane vm12  }
0x2ae: {  	v14 =	vmctz.xlane vm1;
	vm9 =	vlt.s32 v4, $0x6;
	vm10 =	vne.s32 v18, v1  }
0x2af: {  	s21 =	sshll.u32 s24, $0x7;
	vm15 =	vlt.s32 v5, $0xA;
	vm8 =	vne.s32 v15, v1;
	vm11 =	vmor vm9, vm10  }
0x2b0: {  	v17 =	vadd.s32 s21, v14;
	vm3 =	vmor vm15, vm8;
	vm2 =	vmand vm2, vm11  }
0x2b1: {  	vm4 =	vlt.s32 v4, $0x7;
	vm1 =	vmand vm12, vm3;
	v21 =	vmctz.xlane vm2  }
0x2b2: {  	v11 =	vsel vm14, $0xFFFFFFFF, v17;
	vm13 =	vlt.s32 v6, $0x2;
	v12 =	vmctz.xlane vm1  }
0x2b3: {  	vm14 =	vne.s32 v10, v1;
	vm3 =	vlt.s32 v5, $0xB;
	vm12 =	vne.s32 v21, v1  }
0x2b4: {  	vm11 =	vmor vm13, vm14;
	vm15 =	vne.s32 v12, v1;
	vm4 =	vmor vm4, vm12  }
0x2b5: {  	vm3 =	vmor vm3, vm15;
	vm2 =	vmand vm2, vm4;
	vm4 =	vmand vm0, vm11  }
0x2b6: {  	vm1 =	vmand vm1, vm3;
	v22 =	vmctz.xlane vm2;
	v23 =	vmctz.xlane vm4  }
0x2b7: {  	vm14 =	vlt.s32 v6, $0x3;
	vm3 =	vlt.s32 v5, $0xC;
	v24 =	vmctz.xlane vm1  }
0x2b8: {  	vm12 =	vlt.s32 v4, $0x8;
	vm13 =	vne.s32 v22, v1;
	vm15 =	vne.s32 v23, v1  }
0x2b9: {  	vm9 =	vne.s32 v24, v1;
	vm5 =	vmor vm12, vm13;
	vm11 =	vmor vm14, vm15  }
0x2ba: {  	vm3 =	vmor vm3, vm9;
	vm2 =	vmand vm2, vm5;
	vm4 =	vmand vm4, vm11  }
0x2bb: {  	vm1 =	vmand vm1, vm3;
	v25 =	vmctz.xlane vm2;
	v26 =	vmctz.xlane vm4  }
0x2bc: {  	vm3 =	vlt.s32 v5, $0xD;
	vm13 =	vlt.s32 v6, $0x4;
	v27 =	vmctz.xlane vm1  }
0x2bd: {  	vm5 =	vlt.s32 v4, $0x9;
	vm12 =	vne.s32 v25, v1;
	vm14 =	vne.s32 v26, v1  }
0x2be: {  	vm15 =	vne.s32 v27, v1;
	vm5 =	vmor vm5, vm12;
	vm12 =	vmor vm13, vm14  }
0x2bf: {  	vm3 =	vmor vm3, vm15;
	vm2 =	vmand vm2, vm5;
	vm4 =	vmand vm4, vm12  }
0x2c0: {  	vm1 =	vmand vm1, vm3;
	v28 =	vmctz.xlane vm2;
	v29 =	vmctz.xlane vm4  }
0x2c1: {  	vm3 =	vlt.s32 v5, $0xE;
	vm14 =	vlt.s32 v6, $0x5;
	v30 =	vmctz.xlane vm1  }
0x2c2: {  	vm5 =	vlt.s32 v4, $0xA;
	vm13 =	vne.s32 v28, v1;
	vm15 =	vne.s32 v29, v1  }
0x2c3: {  	vm12 =	vne.s32 v30, v1;
	vm5 =	vmor vm5, vm13;
	vm13 =	vmor vm14, vm15  }
0x2c4: {  	vm3 =	vmor vm3, vm12;
	vm2 =	vmand vm2, vm5;
	vm4 =	vmand vm4, vm13  }
0x2c5: {  	vm1 =	vmand vm1, vm3;
	v31 =	vmctz.xlane vm2;
	v32 =	vmctz.xlane vm4  }
0x2c6: {  	vm3 =	vlt.s32 v5, $0xF;
	vm15 =	vlt.s32 v6, $0x6;
	v33 =	vmctz.xlane vm1  }
0x2c7: {  	vm5 =	vlt.s32 v4, $0xB;
	vm14 =	vne.s32 v31, v1;
	vm12 =	vne.s32 v32, v1  }
0x2c8: {  	vm13 =	vne.s32 v33, v1;
	vm5 =	vmor vm5, vm14;
	vm14 =	vmor vm15, vm12  }
0x2c9: {  	vm3 =	vmor vm3, vm13;
	vm2 =	vmand vm2, vm5;
	vm4 =	vmand vm4, vm14  }
0x2ca: {  	vm1 =	vmand vm1, vm3;
	v34 =	vmctz.xlane vm2;
	v35 =	vmctz.xlane vm4  }
0x2cb: {  	vm3 =	vlt.s32 v11, $0x0;
	vm12 =	vlt.s32 v6, $0x7;
	v36 =	vmctz.xlane vm1  }
0x2cc: {  	vm5 =	vlt.s32 v4, $0xC;
	vm15 =	vne.s32 v34, v1;
	vm13 =	vne.s32 v35, v1  }
0x2cd: {  	vm14 =	vlt.s32 v5, $0x10;
	vm5 =	vmor vm5, vm15;
	vm15 =	vmor vm12, vm13  }
0x2ce: {  	vm3 =	vmand vm3, vm6;
	vm2 =	vmand vm2, vm5;
	vm4 =	vmand vm4, vm15  }
0x2cf: {  	vm10 =	vne.s32 v36, v1;
	v5 =	vmctz.xlane vm2;
	v37 =	vmctz.xlane vm4  }
0x2d0: {  	vm6 =	vle.s32 v3, v20;
	vm11 =	vmor vm14, vm10;
	vm14 =	vlt.s32 v6, $0x8  }
0x2d1: {  	vm12 =	vlt.s32 v4, $0xD;
	vm13 =	vne.s32 v5, v1;
	vm15 =	vne.s32 v37, v1  }
0x2d2: {  	vm1 =	vmand vm1, vm11;
	vm11 =	vmor vm12, vm13;
	vm12 =	vmor vm14, vm15  }
0x2d3: {  	v40 =	vld [tilespmem:s19+$0x40];
	v5 =	vmctz.xlane vm1;
	vm2 =	vmand vm2, vm11;
	vm4 =	vmand vm4, vm12  }
0x2d4: {  	s23 =	sor.u32 $0x10, s21;
	vm13 =	vlt.s32 v4, $0xE;
	v38 =	vmctz.xlane vm2;
	v39 =	vmctz.xlane vm4  }
0x2d5: {  	vm15 =	vlt.s32 v6, $0x9;
	v5 =	vadd.s32 s23, v5;
	vm11 =	vlt.s32 v6, $0xA  }
0x2d6: {  	v11 =	vsel vm3, v5, v11;
	vm14 =	vne.s32 v38, v1;
	vm9 =	vne.s32 v39, v1  }
0x2d7: {  	v5 =	vmpcnt.ones.xlane vm0;
	vm3 =	vmor vm13, vm14;
	vm10 =	vmor vm15, vm9  }
0x2d8: {  	vm0 =	veq.s32 v40, v2;
	vm2 =	vmand vm2, vm3;
	vm3 =	vmand vm4, vm10  }
0x2d9: {  	v44 =	vmctz.xlane vm0;
	v43 =	vadd.s32 v20, v5;
	v41 =	vmctz.xlane vm3  }
0x2da: {  	vm1 =	vlt.s32 v11, $0x0;
	v5 =	vsub.s32 s22, v43;
	v42 =	vmctz.xlane vm2  }
0x2db: {  	vm14 =	vne.s32 v44, v1;
	vm4 =	vlt.s32 v4, $0xF;
	vm12 =	vne.s32 v41, v1  }
0x2dc: {  	vm13 =	vlt.s32 v5, $0x2;
	vm15 =	vne.s32 v42, v1;
	vm5 =	vmor vm11, vm12  }
0x2dd: {  	vm9 =	vmor vm13, vm14;
	vm4 =	vmor vm4, vm15;
	vm3 =	vmand vm3, vm5  }
0x2de: {  	vm5 =	vmand vm0, vm9;
	vm2 =	vmand vm2, vm4;
	v45 =	vmctz.xlane vm3  }
0x2df: {  	vm1 =	vmand vm1, vm6;
	v46 =	vmctz.xlane vm5;
	v47 =	vmctz.xlane vm2  }
0x2e0: {  	vm10 =	vlt.s32 v6, $0xB;
	vm14 =	vlt.s32 v4, $0x10;
	vm12 =	vlt.s32 v5, $0x3  }
0x2e1: {  	vm11 =	vne.s32 v45, v1;
	vm13 =	vne.s32 v46, v1;
	vm15 =	vne.s32 v47, v1  }
0x2e2: {  	v49 =	vld [tilespmem:s19+$0x50];
	vm4 =	vmor vm10, vm11;
	vm7 =	vmor vm12, vm13;
	vm8 =	vmor vm14, vm15  }
0x2e3: {  	vm13 =	vlt.s32 v6, $0xC;
	vm3 =	vmand vm3, vm4;
	vm12 =	vmand vm5, vm7  }
0x2e4: {  	vm2 =	vmand vm2, vm8;
	v4 =	vmctz.xlane vm3;
	v48 =	vmctz.xlane vm12  }
0x2e5: {  	vm15 =	vlt.s32 v5, $0x4;
	vm11 =	vlt.s32 v5, $0x5;
	v50 =	vmctz.xlane vm2  }
0x2e6: {  	s25 =	sor.u32 $0x20, s21;
	vm4 =	vlt.s32 v6, $0xD;
	vm14 =	vne.s32 v4, v1;
	vm9 =	vne.s32 v48, v1  }
0x2e7: {  	v51 =	vadd.s32 s25, v50;
	v4 =	vmpcnt.ones.xlane vm0;
	vm0 =	veq.s32 v49, v2  }
0x2e8: {  	vm2 =	vmor vm13, vm14;
	vm10 =	vmor vm15, vm9;
	v13 =	vmctz.xlane vm0  }
0x2e9: {  	v7 =	vsel vm1, v51, v11;
	vm2 =	vmand vm3, vm2;
	vm3 =	vmand vm12, vm10  }
0x2ea: {  	v22 =	vmpcnt.ones.xlane vm0;
	v54 =	vadd.s32 v43, v4;
	v52 =	vmctz.xlane vm3  }
0x2eb: {  	v53 =	vmctz.xlane vm2;
	v4 =	vsub.s32 s22, v54;
	vm14 =	vne.s32 v13, v1  }
0x2ec: {  	v23 =	vadd.s32 v54, v22;
	vm13 =	vlt.s32 v4, $0x2;
	vm12 =	vne.s32 v52, v1  }
0x2ed: {  	v8 =	vsub.s32 s22, v23;
	vm15 =	vne.s32 v53, v1;
	vm5 =	vmor vm11, vm12  }
0x2ee: {  	vm10 =	vmor vm13, vm14;
	vm4 =	vmor vm4, vm15;
	vm3 =	vmand vm3, vm5  }
0x2ef: {  	vm5 =	vmand vm0, vm10;
	vm2 =	vmand vm2, vm4;
	v55 =	vmctz.xlane vm3  }
0x2f0: {  	vm13 =	vlt.s32 v4, $0x3;
	v56 =	vmctz.xlane vm5;
	v57 =	vmctz.xlane vm2  }
0x2f1: {  	vm12 =	vlt.s32 v5, $0x6;
	vm4 =	vlt.s32 v6, $0xE;
	vm11 =	vne.s32 v55, v1  }
0x2f2: {  	vm14 =	vne.s32 v56, v1;
	vm15 =	vne.s32 v57, v1;
	vm6 =	vmor vm12, vm11  }
0x2f3: {  	vm10 =	vmor vm13, vm14;
	vm4 =	vmor vm4, vm15;
	vm3 =	vmand vm3, vm6  }
0x2f4: {  	vm5 =	vmand vm5, vm10;
	vm2 =	vmand vm2, vm4;
	v58 =	vmctz.xlane vm3  }
0x2f5: {  	vm12 =	vlt.s32 v5, $0x7;
	v59 =	vmctz.xlane vm5;
	v60 =	vmctz.xlane vm2  }
0x2f6: {  	vm13 =	vlt.s32 v4, $0x4;
	vm4 =	vlt.s32 v6, $0xF;
	vm11 =	vne.s32 v58, v1  }
0x2f7: {  	vm14 =	vne.s32 v59, v1;
	vm15 =	vne.s32 v60, v1;
	vm6 =	vmor vm12, vm11  }
0x2f8: {  	vm10 =	vmor vm13, vm14;
	vm4 =	vmor vm4, vm15;
	vm3 =	vmand vm3, vm6  }
0x2f9: {  	vm5 =	vmand vm5, vm10;
	vm1 =	vmand vm2, vm4;
	v61 =	vmctz.xlane vm3  }
0x2fa: {  	vm11 =	vlt.s32 v5, $0x8;
	v62 =	vmctz.xlane vm5;
	v63 =	vmctz.xlane vm1  }
0x2fb: {  	vm13 =	vlt.s32 v4, $0x5;
	vm15 =	vlt.s32 v6, $0x10;
	vm12 =	vne.s32 v61, v1  }
0x2fc: {  	vm14 =	vne.s32 v62, v1;
	vm10 =	vne.s32 v63, v1;
	vm2 =	vmor vm11, vm12  }
0x2fd: {  	vm9 =	vmor vm13, vm14;
	vm11 =	vlt.s32 v7, $0x0;
	vm4 =	vmor vm15, vm10  }
0x2fe: {  	vm12 =	vlt.s32 v5, $0x9;
	vm2 =	vmand vm3, vm2;
	vm3 =	vmand vm5, vm9  }
0x2ff: {  	vm1 =	vmand vm1, vm4;
	v13 =	vmctz.xlane vm2;
	v14 =	vmctz.xlane vm3  }
0x300: {  	vm14 =	vlt.s32 v4, $0x6;
	vm9 =	vle.s32 v3, v43;
	v15 =	vmctz.xlane vm1  }
0x301: {  	vm10 =	vmand vm11, vm9;
	vm13 =	vne.s32 v13, v1;
	vm15 =	vne.s32 v14, v1  }
0x302: {  	v18 =	vld [tilespmem:s19+$0x60];
	vm11 =	vlt.s32 v5, $0xA;
	vm4 =	vmor vm12, vm13;
	vm8 =	vmor vm14, vm15  }
0x303: {  	s26 =	sor.u32 $0x30, s21;
	vm9 =	vle.s32 v3, v54;
	vm1 =	vmand vm2, vm4;
	vm2 =	vmand vm3, vm8  }
0x304: {  	v6 =	vadd.s32 s26, v15;
	v16 =	vmctz.xlane vm1;
	v17 =	vmctz.xlane vm2  }
0x305: {  	v7 =	vsel vm10, v6, v7;
	vm13 =	vlt.s32 v4, $0x7;
	vm10 =	vlt.s32 v5, $0xB  }
0x306: {  	vm15 =	vlt.s32 v7, $0x0;
	vm12 =	vne.s32 v16, v1;
	vm14 =	vne.s32 v17, v1  }
0x307: {  	vm3 =	vmor vm11, vm12;
	vm8 =	vmor vm13, vm14;
	vm14 =	veq.s32 v18, v2  }
0x308: {  	vm12 =	vlt.s32 v4, $0x8;
	vm3 =	vmand vm1, vm3;
	v6 =	vmpcnt.ones.xlane vm14  }
0x309: {  	v21 =	vld [tilespmem:s19+$0x70];
	vm2 =	vmand vm2, vm8;
	v24 =	vmctz.xlane vm14;
	v19 =	vmctz.xlane vm3  }
0x30a: {  	vm1 =	vmand vm15, vm9;
	vm15 =	vlt.s32 v8, $0x2;
	v20 =	vmctz.xlane vm2  }
0x30b: {  	v6 =	vadd.s32 v23, v6;
	vm9 =	vne.s32 v24, v1;
	vm11 =	vne.s32 v19, v1  }
0x30c: {  	vm13 =	vne.s32 v20, v1;
	vm5 =	vmor vm15, vm9;
	v27 =	vsub.s32 s22, v6  }
0x30d: {  	vm15 =	vlt.s32 v8, $0x3;
	vm4 =	vmor vm10, vm11;
	vm0 =	vmor vm12, vm13  }
0x30e: {  	vm5 =	vmand vm14, vm5;
	vm2 =	vmand vm2, vm0;
	vm0 =	veq.s32 v21, v2  }
0x30f: {  	vm10 =	vlt.s32 v27, $0x2;
	v25 =	vmctz.xlane vm0;
	v26 =	vmctz.xlane vm2  }
0x310: {  	vm13 =	vlt.s32 v4, $0x9;
	vm3 =	vmand vm3, vm4;
	v28 =	vmctz.xlane vm5  }
0x311: {  	v30 =	vmctz.xlane vm3;
	vm11 =	vne.s32 v25, v1;
	vm14 =	vne.s32 v26, v1  }
0x312: {  	v63 =	vmpcnt.ones.xlane vm0;
	vm12 =	vmor vm10, vm11;
	vm6 =	vmor vm13, vm14  }
0x313: {  	vm14 =	vlt.s32 v27, $0x3;
	vm4 =	vmand vm0, vm12;
	vm12 =	vne.s32 v28, v1  }
0x314: {  	vm11 =	vlt.s32 v27, $0x8;
	v29 =	vmctz.xlane vm4;
	vm13 =	vmor vm15, vm12  }
0x315: {  	vm10 =	vlt.s32 v27, $0xE;
	vm2 =	vmand vm2, vm6;
	vm5 =	vmand vm5, vm13  }
0x316: {  	vm12 =	vlt.s32 v5, $0xC;
	vm15 =	vne.s32 v29, v1;
	v31 =	vmctz.xlane vm5  }
0x317: {  	v33 =	vmctz.xlane vm2;
	vm13 =	vne.s32 v30, v1;
	vm7 =	vmor vm14, vm15  }
0x318: {  	vm14 =	vlt.s32 v8, $0x4;
	vm4 =	vmand vm4, vm7;
	vm15 =	vne.s32 v31, v1  }
0x319: {  	vm8 =	vmor vm12, vm13;
	v32 =	vmctz.xlane vm4;
	vm6 =	vmor vm14, vm15  }
0x31a: {  	vm12 =	vlt.s32 v27, $0x4;
	vm3 =	vmand vm3, vm8;
	vm5 =	vmand vm5, vm6  }
0x31b: {  	v36 =	vmctz.xlane vm3;
	vm13 =	vne.s32 v32, v1;
	v34 =	vmctz.xlane vm5  }
0x31c: {  	vm14 =	vlt.s32 v4, $0xA;
	vm15 =	vne.s32 v33, v1;
	vm6 =	vmor vm12, vm13  }
0x31d: {  	vm12 =	vlt.s32 v8, $0x5;
	vm4 =	vmand vm4, vm6;
	vm13 =	vne.s32 v34, v1  }
0x31e: {  	vm7 =	vmor vm14, vm15;
	v35 =	vmctz.xlane vm4;
	vm6 =	vmor vm12, vm13  }
0x31f: {  	vm14 =	vlt.s32 v27, $0x5;
	vm2 =	vmand vm2, vm7;
	vm5 =	vmand vm5, vm6  }
0x320: {  	v39 =	vmctz.xlane vm2;
	vm15 =	vne.s32 v35, v1;
	v37 =	vmctz.xlane vm5  }
0x321: {  	vm12 =	vlt.s32 v5, $0xD;
	vm13 =	vne.s32 v36, v1;
	vm6 =	vmor vm14, vm15  }
0x322: {  	vm14 =	vlt.s32 v8, $0x6;
	vm4 =	vmand vm4, vm6;
	vm15 =	vne.s32 v37, v1  }
0x323: {  	vm8 =	vmor vm12, vm13;
	v38 =	vmctz.xlane vm4;
	vm6 =	vmor vm14, vm15  }
0x324: {  	vm12 =	vlt.s32 v27, $0x6;
	vm3 =	vmand vm3, vm8;
	vm5 =	vmand vm5, vm6  }
0x325: {  	v42 =	vmctz.xlane vm3;
	vm13 =	vne.s32 v38, v1;
	v40 =	vmctz.xlane vm5  }
0x326: {  	vm14 =	vlt.s32 v4, $0xB;
	vm15 =	vne.s32 v39, v1;
	vm6 =	vmor vm12, vm13  }
0x327: {  	vm12 =	vlt.s32 v8, $0x7;
	vm4 =	vmand vm4, vm6;
	vm13 =	vne.s32 v40, v1  }
0x328: {  	vm7 =	vmor vm14, vm15;
	v41 =	vmctz.xlane vm4;
	vm6 =	vmor vm12, vm13  }
0x329: {  	vm14 =	vlt.s32 v27, $0x7;
	vm2 =	vmand vm2, vm7;
	vm5 =	vmand vm5, vm6  }
0x32a: {  	v45 =	vmctz.xlane vm2;
	vm15 =	vne.s32 v41, v1;
	v43 =	vmctz.xlane vm5  }
0x32b: {  	vm12 =	vlt.s32 v5, $0xE;
	vm13 =	vne.s32 v42, v1;
	vm6 =	vmor vm14, vm15  }
0x32c: {  	vm14 =	vlt.s32 v8, $0x8;
	vm4 =	vmand vm4, vm6;
	vm15 =	vne.s32 v43, v1  }
0x32d: {  	vm8 =	vmor vm12, vm13;
	v44 =	vmctz.xlane vm4;
	vm6 =	vmor vm14, vm15  }
0x32e: {  	vm13 =	vlt.s32 v4, $0xC;
	vm3 =	vmand vm3, vm8;
	vm5 =	vmand vm5, vm6  }
0x32f: {  	v48 =	vmctz.xlane vm3;
	vm12 =	vne.s32 v44, v1;
	v46 =	vmctz.xlane vm5  }
0x330: {  	vm14 =	vne.s32 v45, v1;
	vm15 =	vlt.s32 v8, $0x9;
	vm6 =	vmor vm11, vm12  }
0x331: {  	vm7 =	vmor vm13, vm14;
	vm4 =	vmand vm4, vm6;
	vm12 =	vne.s32 v46, v1  }
0x332: {  	vm13 =	vlt.s32 v27, $0x9;
	v47 =	vmctz.xlane vm4;
	vm6 =	vmor vm15, vm12  }
0x333: {  	vm7 =	vmand vm2, vm7;
	vm15 =	vlt.s32 v5, $0xF;
	vm5 =	vmand vm5, vm6  }
0x334: {  	vm12 =	vne.s32 v48, v1;
	vm14 =	vne.s32 v47, v1;
	v49 =	vmctz.xlane vm5  }
0x335: {  	v51 =	vmctz.xlane vm7;
	vm8 =	vmor vm15, vm12;
	vm6 =	vmor vm13, vm14  }
0x336: {  	vm13 =	vlt.s32 v8, $0xA;
	vm4 =	vmand vm4, vm6;
	vm14 =	vne.s32 v49, v1  }
0x337: {  	vm15 =	vlt.s32 v27, $0xA;
	v50 =	vmctz.xlane vm4;
	vm2 =	vmor vm13, vm14  }
0x338: {  	vm14 =	vlt.s32 v4, $0xD;
	vm5 =	vmand vm5, vm2;
	vm2 =	vmand vm3, vm8  }
0x339: {  	vm12 =	vne.s32 v50, v1;
	v52 =	vmctz.xlane vm5;
	v54 =	vmctz.xlane vm2  }
0x33a: {  	vm13 =	vmor vm15, vm12;
	vm15 =	vne.s32 v51, v1;
	vm12 =	vlt.s32 v8, $0xB  }
0x33b: {  	vm3 =	vmand vm4, vm13;
	vm13 =	vne.s32 v52, v1;
	vm6 =	vmor vm14, vm15  }
0x33c: {  	vm14 =	vlt.s32 v27, $0xB;
	v53 =	vmctz.xlane vm3;
	vm4 =	vmor vm12, vm13  }
0x33d: {  	vm12 =	vlt.s32 v5, $0x10;
	vm13 =	vne.s32 v54, v1;
	vm4 =	vmand vm5, vm4  }
0x33e: {  	vm6 =	vmand vm7, vm6;
	vm15 =	vne.s32 v53, v1;
	v5 =	vmctz.xlane vm4  }
0x33f: {  	vm8 =	vmor vm12, vm13;
	v55 =	vmctz.xlane vm6;
	vm5 =	vmor vm14, vm15  }
0x340: {  	vm14 =	vlt.s32 v8, $0xC;
	vm3 =	vmand vm3, vm5;
	vm15 =	vne.s32 v5, v1  }
0x341: {  	vm12 =	vlt.s32 v27, $0xC;
	v5 =	vmctz.xlane vm3;
	vm5 =	vmor vm14, vm15  }
0x342: {  	vm2 =	vmand vm2, vm8;
	vm14 =	vlt.s32 v4, $0xE;
	vm4 =	vmand vm4, vm5  }
0x343: {  	vm15 =	vne.s32 v55, v1;
	vm13 =	vne.s32 v5, v1;
	v5 =	vmctz.xlane vm4  }
0x344: {  	vm7 =	vmor vm14, vm15;
	vm5 =	vmor vm12, vm13;
	vm12 =	vlt.s32 v8, $0xD  }
0x345: {  	vm3 =	vmand vm3, vm5;
	vm5 =	vmand vm6, vm7;
	vm13 =	vne.s32 v5, v1  }
0x346: {  	v56 =	vmctz.xlane vm3;
	v57 =	vmctz.xlane vm5;
	vm6 =	vmor vm12, vm13  }
0x347: {  	vm14 =	vlt.s32 v27, $0xD;
	vm12 =	vlt.s32 v4, $0xF;
	vm4 =	vmand vm4, vm6  }
0x348: {  	vm15 =	vne.s32 v56, v1;
	vm13 =	vne.s32 v57, v1;
	v5 =	vmctz.xlane vm4  }
0x349: {  	v58 =	vmctz.xlane vm2;
	vm11 =	vmor vm14, vm15;
	vm14 =	vmor vm12, vm13  }
0x34a: {  	vm15 =	vlt.s32 v8, $0xE;
	vm3 =	vmand vm3, vm11;
	vm9 =	vne.s32 v5, v1  }
0x34b: {  	vm2 =	vmand vm5, vm14;
	v59 =	vmctz.xlane vm3;
	vm5 =	vmor vm15, vm9  }
0x34c: {  	s28 =	sor.u32 $0x40, s21;
	vm8 =	vlt.s32 v8, $0x10;
	vm13 =	vlt.s32 v4, $0x10;
	vm4 =	vmand vm4, vm5  }
0x34d: {  	v5 =	vadd.s32 s28, v58;
	vm11 =	vne.s32 v59, v1;
	v61 =	vmctz.xlane vm4  }
0x34e: {  	v60 =	vmctz.xlane vm2;
	v5 =	vsel vm1, v5, v7;
	vm12 =	vmor vm10, vm11  }
0x34f: {  	vm9 =	vlt.s32 v8, $0xF;
	vm3 =	vmand vm3, vm12;
	vm15 =	vne.s32 v61, v1  }
0x350: {  	vm14 =	vne.s32 v60, v1;
	v4 =	vmctz.xlane vm3;
	vm10 =	vmor vm9, vm15  }
0x351: {  	vm1 =	vmor vm13, vm14;
	vm13 =	vlt.s32 v27, $0xF;
	vm12 =	vmand vm4, vm10  }
0x352: {  	vm14 =	vle.s32 v3, v23;
	vm11 =	vne.s32 v4, v1;
	v4 =	vmctz.xlane vm12  }
0x353: {  	vm1 =	vmand vm2, vm1;
	vm15 =	vlt.s32 v5, $0x0;
	vm4 =	vmor vm13, vm11  }
0x354: {  	v62 =	vmctz.xlane vm1;
	vm3 =	vmand vm3, vm4;
	vm9 =	vne.s32 v4, v1  }
0x355: {  	s29 =	sor.u32 $0x50, s21;
	vm5 =	vmand vm15, vm14;
	v4 =	vmctz.xlane vm3;
	vm1 =	vmor vm8, vm9  }
0x356: {  	vm10 =	vlt.s32 v27, $0x10;
	v7 =	vadd.s32 s29, v62;
	vm1 =	vmand vm12, vm1  }
0x357: {  	vm11 =	vne.s32 v4, v1;
	v4 =	vsel vm5, v7, v5;
	v5 =	vmctz.xlane vm1  }
0x358: {  	s30 =	sor.u32 $0x60, s21;
	vm14 =	vle.s32 v3, v6;
	vm12 =	vmor vm10, vm11;
	vm13 =	vlt.s32 v4, $0x0  }
0x359: {  	vm0 =	vmand vm13, vm14;
	v3 =	vadd.s32 s30, v5;
	vm1 =	vmand vm3, vm12  }
0x35a: {  	v3 =	vsel vm0, v3, v4;
	v4 =	vadd.s32 v6, v63;
	v5 =	vmctz.xlane vm1  }
0x35b: {  	s31 =	sor.u32 $0x70, s21;
	vm0 =	vlt.s32 v3, $0x0;
	vm15 =	vge.s32 v4, s22  }
0x35c: {  	_ =	strace $0x9000004B;
	vm0 =	vmand vm0, vm15;
	v4 =	vadd.s32 s31, v5  }
0x35d: {  	_ =	strace $0x8000004C;
	v3 =	vsel vm0, v4, v3  }
0x35e: {  	(v2sf) =	vpush v3, $0x0;
	_ =	sdelay $0xe  }
0x35f: {  	s22 =	spop (v2sf)  }
0x360: {  	p0 =	slt.u32 s22, $0x2000  }
.Ltmp16:
0x361: {  	_ = 	snop;
	(pc) =	sbr.rel @!p0 .LBB2_28-.Ltmp16, $2  }
0x362: {  	_ =	sdelay $0x2  }
0x363: {  	s24 =	simm.s32 $0x70;
	s19 =	simm.s32 $0x40  }
0x364: {  	v11 =	vld [tilespmem:s19+$0x30]  }
0x365: {  	v5 =	vld [tilespmem:s19+$0xFFFFFFD0]  }
0x366: {  	s0 =	simm.s32 $0x10;
	v6 =	vld [tilespmem:s19+$0xFFFFFFF0];
	v8 =	vor.u32 s24, v1;
	s1 =	simm.s32 $0x20  }
0x367: {  	v7 =	vld [tilespmem:s19+$0x0];
	s29 =	simm.s32 $0x30;
	s2 =	simm.s32 $0x0;
	s30 =	simm.s32 $0x40;
	v12 =	vor.u32 s0, v1;
	vm1 =	vle.s32 v8, v3;
	v13 =	vor.u32 s1, v1  }
0x368: {  	s3 =	simm.s32 $0x50;
	s31 =	simm.s32 $0x60;
	v9 =	vld [tilespmem:s19+$0x20];
	v14 =	vor.u32 s2, v1;
	v15 =	vor.u32 s29, v1;
	v16 =	vor.u32 s30, v1  }
0x369: {  	v8 =	vld [tilespmem:s19+$0x10];
	v17 =	vor.u32 s3, v1;
	v18 =	vor.u32 s31, v1;
	vm4 =	vle.s32 v14, v3  }
0x36a: {  	v10 =	vld [tilespmem:s19+$0xFFFFFFC0];
	vm5 =	vle.s32 v12, v3;
	vm8 =	vle.s32 v13, v3;
	vm9 =	vle.s32 v15, v3  }
0x36b: {  	v4 =	vld [tilespmem:s19+$0xFFFFFFE0];
	vm11 =	vle.s32 v17, v3;
	vm13 =	vle.s32 v18, v3;
	vm0 =	veq.s32 v2, v11  }
0x36c: {  	vm2 =	vgt.s32 v2, v11;
	vm3 =	veq.s32 v2, v6;
	vm6 =	veq.s32 v2, v7  }
0x36d: {  	vm10 =	veq.s32 v2, v9;
	vm0 =	vmand vm1, vm0;
	vm1 =	veq.s32 v2, v5  }
0x36e: {  	vm7 =	veq.s32 v2, v8;
	vm3 =	vmand vm9, vm3;
	vm0 =	vmor vm2, vm0  }
0x36f: {  	vm9 =	vgt.s32 v2, v5;
	v11 =	vsel vm0, $0x0, v11;
	vm0 =	veq.s32 v2, v10  }
0x370: {  	vm2 =	veq.s32 v2, v4;
	vm5 =	vmand vm5, vm1;
	vm12 =	vmand vm4, vm0  }
0x371: {  	vm0 =	vle.s32 v16, v3;
	vm4 =	vmand vm8, vm2;
	vm2 =	vmand vm13, vm10  }
0x372: {  	vm10 =	vgt.s32 v2, v6;
	vm8 =	vgt.s32 v2, v8;
	vm1 =	vmand vm0, vm6  }
0x373: {  	vm0 =	vmand vm11, vm7;
	vm7 =	vgt.s32 v2, v10;
	vm11 =	vgt.s32 v2, v4  }
0x374: {  	s4 =	simm.s32 $0xC0;
	s2 =	simm.s32 $0x0;
	[tilespmem:s19+$0x30] =	vst v11;
	vm6 =	vgt.s32 v2, v7;
	vm12 =	vmor vm7, vm12;
	vm7 =	vgt.s32 v2, v9  }
.LBB2_32:
0x375: {  	v11 =	vld [tilespmem:s4+$0x30];
	s2 =	sadd.s32 $0x8, s2;
	vm5 =	vmor vm9, vm5;
	vm4 =	vmor vm11, vm4;
	vm3 =	vmor vm10, vm3  }
0x376: {  	vm1 =	vmor vm6, vm1;
	vm0 =	vmor vm8, vm0;
	vm2 =	vmor vm7, vm2;
	v12 =	vld [tilespmem:s4+$0xFFFFFFC0];
	p0 =	slt.u32 s2, $0x1F8  }
0x377: {  	v10 =	vsel vm12, $0x0, v10;
	v13 =	vsel vm5, $0x0, v5;
	v14 =	vsel vm4, $0x0, v4;
	v5 =	vld [tilespmem:s4+$0xFFFFFFD0]  }
0x378: {  	s24 =	sadd.s32 $0x80, s24;
	v15 =	vsel vm1, $0x0, v7;
	v16 =	vsel vm0, $0x0, v8;
	v4 =	vld [tilespmem:s4+$0xFFFFFFE0];
	[tilespmem:s19+$0xFFFFFFC0] =	vst v10;
	v10 =	vsel vm3, $0x0, v6  }
0x379: {  	s0 =	sadd.s32 $0xFFFFFFA0, s24;
	s1 =	sadd.s32 $0xFFFFFFB0, s24;
	s3 =	sadd.s32 $0xFFFFFFC0, s24;
	v8 =	vor.u32 s24, v1;
	v6 =	vld [tilespmem:s4+$0xFFFFFFF0];
	[tilespmem:s19+$0xFFFFFFD0] =	vst v13;
	v13 =	vsel vm2, $0x0, v9  }
0x37a: {  	s5 =	sadd.s32 $0xFFFFFFE0, s24;
	s6 =	sadd.s32 $0xFFFFFFF0, s24;
	v17 =	vor.u32 s0, v1;
	s0 =	sadd.s32 $0xFFFFFFD0, s24;
	vm1 =	vle.s32 v8, v3;
	v7 =	vld [tilespmem:s4+$0x0];
	vm0 =	veq.s32 v2, v11;
	[tilespmem:s19+$0xFFFFFFE0] =	vst v14  }
0x37b: {  	s7 =	sadd.s32 $0xFFFFFF90, s24;
	v14 =	vor.u32 s1, v1;
	vm2 =	vgt.s32 v2, v11;
	v8 =	vld [tilespmem:s4+$0x10];
	vm0 =	vmand vm1, vm0;
	[tilespmem:s19+$0xFFFFFFF0] =	vst v10;
	v10 =	vmovc v12  }
0x37c: {  	v18 =	vor.u32 s3, v1;
	v12 =	vor.u32 s7, v1;
	v9 =	vld [tilespmem:s4+$0x20];
	vm0 =	vmor vm2, vm0;
	[tilespmem:s19+$0x0] =	vst v15  }
0x37d: {  	v19 =	vor.u32 s5, v1;
	v15 =	vor.u32 s0, v1;
	v11 =	vsel vm0, $0x0, v11;
	[tilespmem:s19+$0x10] =	vst v16  }
0x37e: {  	vm1 =	veq.s32 v2, v5;
	vm0 =	veq.s32 v2, v10;
	v16 =	vor.u32 s6, v1;
	[tilespmem:s4+$0x30] =	vst v11  }
0x37f: {  	vm2 =	veq.s32 v2, v4;
	vm3 =	veq.s32 v2, v6;
	vm6 =	veq.s32 v2, v7;
	[tilespmem:s19+$0x20] =	vst v13;
	s19 =	smov.u32 s4  }
0x380: {  	vm5 =	vle.s32 v17, v3;
	vm4 =	vle.s32 v12, v3;
	vm7 =	veq.s32 v2, v8  }
0x381: {  	vm9 =	vle.s32 v18, v3;
	vm8 =	vle.s32 v14, v3;
	vm10 =	veq.s32 v2, v9  }
0x382: {  	vm12 =	vle.s32 v19, v3;
	vm11 =	vle.s32 v15, v3;
	vm13 =	vle.s32 v16, v3  }
.Ltmp17:
0x383: {  	vm5 =	vmand vm5, vm1;
	vm14 =	vmand vm4, vm0;
	vm4 =	vmand vm8, vm2;
	(pc) =	sbr.rel @p0 .LBB2_32-.Ltmp17, $4  }
0x384: {  	vm3 =	vmand vm9, vm3;
	vm1 =	vmand vm11, vm6;
	vm0 =	vmand vm12, vm7  }
0x385: {  	vm9 =	vgt.s32 v2, v5;
	vm7 =	vgt.s32 v2, v10;
	vm2 =	vmand vm13, vm10  }
0x386: {  	vm11 =	vgt.s32 v2, v4;
	vm6 =	vgt.s32 v2, v7;
	vm10 =	vgt.s32 v2, v6  }
0x387: {  	s4 =	sadd.s32 $0x80, s4;
	vm8 =	vgt.s32 v2, v8;
	vm12 =	vmor vm7, vm14;
	vm7 =	vgt.s32 v2, v9  }
0x388: {  	vm5 =	vmor vm9, vm5;
	v10 =	vsel vm12, $0x0, v10  }
0x389: {  	vm4 =	vmor vm11, vm4;
	v5 =	vsel vm5, $0x0, v5;
	[tilespmem:s19+$0xFFFFFFC0] =	vst v10  }
0x38a: {  	vm3 =	vmor vm10, vm3;
	v4 =	vsel vm4, $0x0, v4;
	[tilespmem:s19+$0xFFFFFFD0] =	vst v5  }
.Ltmp18:
0x38b: {  	vm1 =	vmor vm6, vm1;
	v5 =	vsel vm3, $0x0, v6;
	[tilespmem:s19+$0xFFFFFFE0] =	vst v4;
	(pc) =	sbr.rel .LBB2_34-.Ltmp18, $4  }
0x38c: {  	vm0 =	vmor vm8, vm0;
	v4 =	vsel vm1, $0x0, v7;
	[tilespmem:s19+$0xFFFFFFF0] =	vst v5  }
0x38d: {  	vm15 =	vmor vm7, vm2;
	v5 =	vsel vm0, $0x0, v8;
	[tilespmem:s19+$0x0] =	vst v4  }
0x38e: {  	v4 =	vsel vm15, $0x0, v9;
	[tilespmem:s19+$0x10] =	vst v5  }
0x38f: {  	[tilespmem:s19+$0x20] =	vst v4  }
.LBB2_28:
0x390: {  	v7 =	vld [tilespmem:s19+$0x30]  }
0x391: {  	v10 =	vld [tilespmem:s19+$0xFFFFFFD0]  }
0x392: {  	v9 =	vld [tilespmem:s19+$0xFFFFFFE0]  }
0x393: {  	v8 =	vld [tilespmem:s19+$0xFFFFFFF0]  }
0x394: {  	v6 =	vld [tilespmem:s19+$0x0]  }
0x395: {  	v5 =	vld [tilespmem:s19+$0x10];
	vm0 =	vlt.s32 v2, v7  }
0x396: {  	v4 =	vld [tilespmem:s19+$0x20];
	vm1 =	vlt.s32 v2, v10;
	v11 =	vnsel vm0, $0x0, v7  }
0x397: {  	s0 =	simm.s32 $0x0;
	s1 =	simm.s32 $0xC0;
	v7 =	vld [tilespmem:s19+$0xFFFFFFC0];
	v10 =	vnsel vm1, $0x0, v10;
	vm0 =	vlt.s32 v2, v9;
	[tilespmem:s19+$0x30] =	vst v11  }
.LBB2_29:
0x398: {  	v11 =	vld [tilespmem:s1+$0x30];
	s0 =	sadd.s32 $0x8, s0;
	[tilespmem:s19+$0xFFFFFFD0] =	vst v10;
	v9 =	vnsel vm0, $0x0, v9;
	vm0 =	vlt.s32 v2, v8  }
0x399: {  	v10 =	vld [tilespmem:s1+$0xFFFFFFD0];
	p0 =	slt.u32 s0, $0x1F8;
	[tilespmem:s19+$0xFFFFFFE0] =	vst v9;
	v8 =	vnsel vm0, $0x0, v8;
	vm0 =	vlt.s32 v2, v6  }
0x39a: {  	v9 =	vld [tilespmem:s1+$0xFFFFFFE0];
	[tilespmem:s19+$0xFFFFFFF0] =	vst v8;
	v6 =	vnsel vm0, $0x0, v6;
	vm0 =	vlt.s32 v2, v5  }
.Ltmp19:
0x39b: {  	v8 =	vld [tilespmem:s1+$0xFFFFFFF0];
	[tilespmem:s19+$0x0] =	vst v6;
	v5 =	vnsel vm0, $0x0, v5;
	vm0 =	vlt.s32 v2, v4;
	(pc) =	sbr.rel @p0 .LBB2_29-.Ltmp19, $4  }
0x39c: {  	v6 =	vld [tilespmem:s1+$0x0];
	vm1 =	vlt.s32 v2, v7;
	[tilespmem:s19+$0x10] =	vst v5;
	v4 =	vnsel vm0, $0x0, v4  }
0x39d: {  	v5 =	vld [tilespmem:s1+$0x10];
	vm0 =	vlt.s32 v2, v11;
	v7 =	vnsel vm1, $0x0, v7;
	[tilespmem:s19+$0x20] =	vst v4  }
0x39e: {  	vm1 =	vlt.s32 v2, v10;
	v4 =	vld [tilespmem:s1+$0x20];
	v11 =	vnsel vm0, $0x0, v11;
	[tilespmem:s19+$0xFFFFFFC0] =	vst v7;
	s19 =	smov.u32 s1  }
0x39f: {  	s1 =	sadd.s32 $0x80, s1;
	v7 =	vld [tilespmem:s19+$0xFFFFFFC0];
	v10 =	vnsel vm1, $0x0, v10;
	vm0 =	vlt.s32 v2, v9;
	[tilespmem:s19+$0x30] =	vst v11  }
0x3a0: {  	[tilespmem:s19+$0xFFFFFFD0] =	vst v10;
	v9 =	vnsel vm0, $0x0, v9;
	vm12 =	vlt.s32 v2, v8  }
0x3a1: {  	[tilespmem:s19+$0xFFFFFFE0] =	vst v9;
	v8 =	vnsel vm12, $0x0, v8;
	vm13 =	vlt.s32 v2, v6  }
0x3a2: {  	[tilespmem:s19+$0xFFFFFFF0] =	vst v8;
	v6 =	vnsel vm13, $0x0, v6;
	vm14 =	vlt.s32 v2, v5  }
0x3a3: {  	[tilespmem:s19+$0x0] =	vst v6;
	v5 =	vnsel vm14, $0x0, v5;
	vm15 =	vlt.s32 v2, v4  }
0x3a4: {  	vm1 =	vlt.s32 v2, v7;
	[tilespmem:s19+$0x10] =	vst v5;
	v4 =	vnsel vm15, $0x0, v4  }
0x3a5: {  	v5 =	vnsel vm1, $0x0, v7;
	[tilespmem:s19+$0x20] =	vst v4  }
0x3a6: {  	[tilespmem:s19+$0xFFFFFFC0] =	vst v5  }
.LBB2_34:
0x3a7: {  	p0 =	slt.u32 s22, $0x4000  }
.Ltmp20:
0x3a8: {  	_ = 	snop;
	(pc) =	sbr.rel @p0 .LBB2_38-.Ltmp20, $3  }
0x3a9: {  	_ =	sdelay $0x1  }
0x3aa: {  	s0 =	rddreg [dreg:$0xb]  }
0x3ab: {  	[hbm4b:s0+s10] =	stream.strided.scatter [tilespmem:s9], [sflag:$0x9], $0x2000, s11, s10, $0x200038;
	[tilespmem:$0x9000] =	vst v63  }
0x3ac: {  	s2 =	simm.s32 $0x2070  }
0x3ad: {  	v7 =	vld [tilespmem:s2+$0x0]  }
0x3ae: {  	v10 =	vld [tilespmem:s2+$0xFFFFFFA0]  }
0x3af: {  	v9 =	vld [tilespmem:s2+$0xFFFFFFB0]  }
0x3b0: {  	v8 =	vld [tilespmem:s2+$0xFFFFFFC0]  }
0x3b1: {  	v6 =	vld [tilespmem:s2+$0xFFFFFFD0]  }
0x3b2: {  	v5 =	vld [tilespmem:s2+$0xFFFFFFE0];
	vm0 =	vlt.s32 v2, v7  }
0x3b3: {  	v4 =	vld [tilespmem:s2+$0xFFFFFFF0];
	vm1 =	vlt.s32 v2, v10;
	v11 =	vnsel vm0, $0x0, v7  }
0x3b4: {  	s0 =	simm.s32 $0x200;
	s1 =	simm.s32 $0x20F0;
	v7 =	vld [tilespmem:s2+$0xFFFFFF90];
	v10 =	vnsel vm1, $0x0, v10;
	vm0 =	vlt.s32 v2, v9;
	[tilespmem:s2+$0x0] =	vst v11  }
.LBB2_36:
0x3b5: {  	v11 =	vld [tilespmem:s1+$0x0];
	s0 =	sadd.s32 $0x8, s0;
	[tilespmem:s2+$0xFFFFFFA0] =	vst v10;
	v9 =	vnsel vm0, $0x0, v9;
	vm0 =	vlt.s32 v2, v8  }
0x3b6: {  	v10 =	vld [tilespmem:s1+$0xFFFFFFA0];
	p0 =	slt.u32 s0, $0x3F8;
	[tilespmem:s2+$0xFFFFFFB0] =	vst v9;
	v8 =	vnsel vm0, $0x0, v8;
	vm0 =	vlt.s32 v2, v6  }
0x3b7: {  	v9 =	vld [tilespmem:s1+$0xFFFFFFB0];
	[tilespmem:s2+$0xFFFFFFC0] =	vst v8;
	v6 =	vnsel vm0, $0x0, v6;
	vm0 =	vlt.s32 v2, v5  }
.Ltmp21:
0x3b8: {  	v8 =	vld [tilespmem:s1+$0xFFFFFFC0];
	[tilespmem:s2+$0xFFFFFFD0] =	vst v6;
	v5 =	vnsel vm0, $0x0, v5;
	vm0 =	vlt.s32 v2, v4;
	(pc) =	sbr.rel @p0 .LBB2_36-.Ltmp21, $4  }
0x3b9: {  	v6 =	vld [tilespmem:s1+$0xFFFFFFD0];
	vm1 =	vlt.s32 v2, v7;
	[tilespmem:s2+$0xFFFFFFE0] =	vst v5;
	v4 =	vnsel vm0, $0x0, v4  }
0x3ba: {  	v5 =	vld [tilespmem:s1+$0xFFFFFFE0];
	vm0 =	vlt.s32 v2, v11;
	v7 =	vnsel vm1, $0x0, v7;
	[tilespmem:s2+$0xFFFFFFF0] =	vst v4  }
0x3bb: {  	vm1 =	vlt.s32 v2, v10;
	v4 =	vld [tilespmem:s1+$0xFFFFFFF0];
	v11 =	vnsel vm0, $0x0, v11;
	[tilespmem:s2+$0xFFFFFF90] =	vst v7;
	s2 =	smov.u32 s1  }
0x3bc: {  	s1 =	sadd.s32 $0x80, s1;
	v7 =	vld [tilespmem:s2+$0xFFFFFF90];
	v10 =	vnsel vm1, $0x0, v10;
	vm0 =	vlt.s32 v2, v9;
	[tilespmem:s2+$0x0] =	vst v11  }
0x3bd: {  	[tilespmem:s2+$0xFFFFFFA0] =	vst v10;
	v9 =	vnsel vm0, $0x0, v9;
	vm12 =	vlt.s32 v2, v8  }
0x3be: {  	[tilespmem:s2+$0xFFFFFFB0] =	vst v9;
	v8 =	vnsel vm12, $0x0, v8;
	vm13 =	vlt.s32 v2, v6  }
.Ltmp22:
0x3bf: {  	[tilespmem:s2+$0xFFFFFFC0] =	vst v8;
	v6 =	vnsel vm13, $0x0, v6;
	vm14 =	vlt.s32 v2, v5;
	(pc) =	sbr.rel .LBB2_42-.Ltmp22, $4  }
0x3c0: {  	[tilespmem:s2+$0xFFFFFFD0] =	vst v6;
	v5 =	vnsel vm14, $0x0, v5;
	vm15 =	vlt.s32 v2, v4  }
0x3c1: {  	vm1 =	vlt.s32 v2, v7;
	[tilespmem:s2+$0xFFFFFFE0] =	vst v5;
	v4 =	vnsel vm15, $0x0, v4  }
0x3c2: {  	v5 =	vnsel vm1, $0x0, v7;
	[tilespmem:s2+$0xFFFFFFF0] =	vst v4  }
0x3c3: {  	[tilespmem:s2+$0xFFFFFF90] =	vst v5  }
.LBB2_38:
0x3c4: {  	p0 =	sgt.u32 s22, $0x1FFF  }
.Ltmp23:
0x3c5: {  	_ = 	snop;
	(pc) =	sbr.rel @p0 .LBB2_42-.Ltmp23, $1  }
0x3c6: {  	_ =	sdelay $0x3  }
0x3c7: {  	s2 =	simm.s32 $0x2070  }
0x3c8: {  	v7 =	vld [tilespmem:s2+$0x0]  }
0x3c9: {  	v10 =	vld [tilespmem:s2+$0xFFFFFFA0]  }
0x3ca: {  	v9 =	vld [tilespmem:s2+$0xFFFFFFB0]  }
0x3cb: {  	v8 =	vld [tilespmem:s2+$0xFFFFFFC0]  }
0x3cc: {  	v6 =	vld [tilespmem:s2+$0xFFFFFFD0]  }
0x3cd: {  	v5 =	vld [tilespmem:s2+$0xFFFFFFE0];
	vm0 =	vgt.s32 v2, v7  }
0x3ce: {  	v4 =	vld [tilespmem:s2+$0xFFFFFFF0];
	vm1 =	vgt.s32 v2, v10;
	v11 =	vsel vm0, $0x0, v7  }
0x3cf: {  	s0 =	simm.s32 $0x200;
	s1 =	simm.s32 $0x20F0;
	v7 =	vld [tilespmem:s2+$0xFFFFFF90];
	v10 =	vsel vm1, $0x0, v10;
	vm0 =	vgt.s32 v2, v9;
	[tilespmem:s2+$0x0] =	vst v11  }
.LBB2_40:
0x3d0: {  	v11 =	vld [tilespmem:s1+$0x0];
	s0 =	sadd.s32 $0x8, s0;
	[tilespmem:s2+$0xFFFFFFA0] =	vst v10;
	v9 =	vsel vm0, $0x0, v9;
	vm0 =	vgt.s32 v2, v8  }
0x3d1: {  	v10 =	vld [tilespmem:s1+$0xFFFFFFA0];
	p0 =	slt.u32 s0, $0x3F8;
	[tilespmem:s2+$0xFFFFFFB0] =	vst v9;
	v8 =	vsel vm0, $0x0, v8;
	vm0 =	vgt.s32 v2, v6  }
0x3d2: {  	v9 =	vld [tilespmem:s1+$0xFFFFFFB0];
	[tilespmem:s2+$0xFFFFFFC0] =	vst v8;
	v6 =	vsel vm0, $0x0, v6;
	vm0 =	vgt.s32 v2, v5  }
.Ltmp24:
0x3d3: {  	v8 =	vld [tilespmem:s1+$0xFFFFFFC0];
	[tilespmem:s2+$0xFFFFFFD0] =	vst v6;
	v5 =	vsel vm0, $0x0, v5;
	vm0 =	vgt.s32 v2, v4;
	(pc) =	sbr.rel @p0 .LBB2_40-.Ltmp24, $4  }
0x3d4: {  	v6 =	vld [tilespmem:s1+$0xFFFFFFD0];
	vm1 =	vgt.s32 v2, v7;
	[tilespmem:s2+$0xFFFFFFE0] =	vst v5;
	v4 =	vsel vm0, $0x0, v4  }
0x3d5: {  	v5 =	vld [tilespmem:s1+$0xFFFFFFE0];
	vm0 =	vgt.s32 v2, v11;
	v7 =	vsel vm1, $0x0, v7;
	[tilespmem:s2+$0xFFFFFFF0] =	vst v4  }
0x3d6: {  	vm1 =	vgt.s32 v2, v10;
	v4 =	vld [tilespmem:s1+$0xFFFFFFF0];
	v11 =	vsel vm0, $0x0, v11;
	[tilespmem:s2+$0xFFFFFF90] =	vst v7;
	s2 =	smov.u32 s1  }
0x3d7: {  	s1 =	sadd.s32 $0x80, s1;
	v7 =	vld [tilespmem:s2+$0xFFFFFF90];
	v10 =	vsel vm1, $0x0, v10;
	vm0 =	vgt.s32 v2, v9;
	[tilespmem:s2+$0x0] =	vst v11  }
0x3d8: {  	[tilespmem:s2+$0xFFFFFFA0] =	vst v10;
	v9 =	vsel vm0, $0x0, v9;
	vm12 =	vgt.s32 v2, v8  }
0x3d9: {  	[tilespmem:s2+$0xFFFFFFB0] =	vst v9;
	v8 =	vsel vm12, $0x0, v8;
	vm13 =	vgt.s32 v2, v6  }
0x3da: {  	[tilespmem:s2+$0xFFFFFFC0] =	vst v8;
	v6 =	vsel vm13, $0x0, v6;
	vm14 =	vgt.s32 v2, v5  }
0x3db: {  	[tilespmem:s2+$0xFFFFFFD0] =	vst v6;
	v5 =	vsel vm14, $0x0, v5;
	vm15 =	vgt.s32 v2, v4  }
0x3dc: {  	vm1 =	vgt.s32 v2, v7;
	[tilespmem:s2+$0xFFFFFFE0] =	vst v5;
	v4 =	vsel vm15, $0x0, v4  }
0x3dd: {  	v5 =	vsel vm1, $0x0, v7;
	[tilespmem:s2+$0xFFFFFFF0] =	vst v4  }
0x3de: {  	[tilespmem:s2+$0xFFFFFF90] =	vst v5  }
.LBB2_42:
0x3df: {  	s24 =	sand.u32 $0xFFFFE000, s22  }
0x3e0: {  	p0 =	sne.s32 s24, $0x2000  }
.Ltmp25:
0x3e1: {  	_ = 	snop;
	(pc) =	sbr.rel @p0 .LBB2_46-.Ltmp25, $1  }
0x3e2: {  	_ =	sdelay $0x3  }
0x3e3: {  	s19 =	simm.s32 $0x2070  }
0x3e4: {  	v11 =	vld [tilespmem:s19+$0x0]  }
0x3e5: {  	v5 =	vld [tilespmem:s19+$0xFFFFFFA0]  }
0x3e6: {  	s0 =	simm.s32 $0x2010;
	s1 =	simm.s32 $0x2020;
	s2 =	simm.s32 $0x2000;
	v6 =	vld [tilespmem:s19+$0xFFFFFFC0];
	v8 =	vor.u32 s19, v1  }
0x3e7: {  	s29 =	simm.s32 $0x2030;
	s30 =	simm.s32 $0x2040;
	s3 =	simm.s32 $0x2050;
	v12 =	vor.u32 s0, v1;
	v7 =	vld [tilespmem:s19+$0xFFFFFFD0];
	v13 =	vor.u32 s1, v1;
	v14 =	vor.u32 s2, v1  }
0x3e8: {  	s31 =	simm.s32 $0x2060;
	v15 =	vor.u32 s29, v1;
	v9 =	vld [tilespmem:s19+$0xFFFFFFF0];
	v16 =	vor.u32 s30, v1;
	v17 =	vor.u32 s3, v1  }
0x3e9: {  	v18 =	vor.u32 s31, v1;
	vm1 =	vle.s32 v8, v3;
	v8 =	vld [tilespmem:s19+$0xFFFFFFE0];
	vm4 =	vle.s32 v14, v3  }
0x3ea: {  	v10 =	vld [tilespmem:s19+$0xFFFFFF90];
	vm5 =	vle.s32 v12, v3;
	vm8 =	vle.s32 v13, v3;
	vm9 =	vle.s32 v15, v3  }
0x3eb: {  	v4 =	vld [tilespmem:s19+$0xFFFFFFB0];
	vm11 =	vle.s32 v17, v3;
	vm13 =	vle.s32 v18, v3;
	vm0 =	veq.s32 v2, v11  }
0x3ec: {  	vm2 =	vgt.s32 v2, v11;
	vm3 =	veq.s32 v2, v6;
	vm6 =	veq.s32 v2, v7  }
0x3ed: {  	vm10 =	veq.s32 v2, v9;
	vm0 =	vmand vm1, vm0;
	vm1 =	veq.s32 v2, v5  }
0x3ee: {  	vm7 =	veq.s32 v2, v8;
	vm3 =	vmand vm9, vm3;
	vm0 =	vmor vm2, vm0  }
0x3ef: {  	vm9 =	vgt.s32 v2, v5;
	v11 =	vsel vm0, $0x0, v11;
	vm0 =	veq.s32 v2, v10  }
0x3f0: {  	vm2 =	veq.s32 v2, v4;
	vm5 =	vmand vm5, vm1;
	vm12 =	vmand vm4, vm0  }
0x3f1: {  	vm0 =	vle.s32 v16, v3;
	vm4 =	vmand vm8, vm2;
	vm2 =	vmand vm13, vm10  }
0x3f2: {  	vm10 =	vgt.s32 v2, v6;
	vm8 =	vgt.s32 v2, v8;
	vm1 =	vmand vm0, vm6  }
0x3f3: {  	vm0 =	vmand vm11, vm7;
	vm7 =	vgt.s32 v2, v10;
	vm11 =	vgt.s32 v2, v4  }
0x3f4: {  	s4 =	simm.s32 $0x20F0;
	s5 =	simm.s32 $0x2070;
	s2 =	simm.s32 $0x200;
	[tilespmem:s19+$0x0] =	vst v11;
	vm6 =	vgt.s32 v2, v7;
	vm12 =	vmor vm7, vm12;
	vm7 =	vgt.s32 v2, v9  }
.LBB2_44:
0x3f5: {  	v11 =	vld [tilespmem:s4+$0x0];
	s2 =	sadd.s32 $0x8, s2;
	vm5 =	vmor vm9, vm5;
	vm4 =	vmor vm11, vm4;
	vm3 =	vmor vm10, vm3  }
0x3f6: {  	vm1 =	vmor vm6, vm1;
	vm0 =	vmor vm8, vm0;
	vm2 =	vmor vm7, vm2;
	v12 =	vld [tilespmem:s4+$0xFFFFFF90];
	p0 =	slt.u32 s2, $0x3F8  }
0x3f7: {  	v10 =	vsel vm12, $0x0, v10;
	v13 =	vsel vm5, $0x0, v5;
	v14 =	vsel vm4, $0x0, v4;
	v5 =	vld [tilespmem:s4+$0xFFFFFFA0]  }
0x3f8: {  	s5 =	sadd.s32 $0x80, s5;
	v15 =	vsel vm1, $0x0, v7;
	v16 =	vsel vm0, $0x0, v8;
	v4 =	vld [tilespmem:s4+$0xFFFFFFB0];
	[tilespmem:s19+$0xFFFFFF90] =	vst v10;
	v10 =	vsel vm3, $0x0, v6  }
0x3f9: {  	s0 =	sadd.s32 $0xFFFFFFA0, s5;
	s1 =	sadd.s32 $0xFFFFFFB0, s5;
	s3 =	sadd.s32 $0xFFFFFFC0, s5;
	v8 =	vor.u32 s5, v1;
	v6 =	vld [tilespmem:s4+$0xFFFFFFC0];
	[tilespmem:s19+$0xFFFFFFA0] =	vst v13;
	v13 =	vsel vm2, $0x0, v9  }
0x3fa: {  	s6 =	sadd.s32 $0xFFFFFFE0, s5;
	s7 =	sadd.s32 $0xFFFFFFF0, s5;
	v17 =	vor.u32 s0, v1;
	s0 =	sadd.s32 $0xFFFFFFD0, s5;
	vm1 =	vle.s32 v8, v3;
	v7 =	vld [tilespmem:s4+$0xFFFFFFD0];
	vm0 =	veq.s32 v2, v11;
	[tilespmem:s19+$0xFFFFFFB0] =	vst v14  }
0x3fb: {  	s8 =	sadd.s32 $0xFFFFFF90, s5;
	v14 =	vor.u32 s1, v1;
	vm2 =	vgt.s32 v2, v11;
	v8 =	vld [tilespmem:s4+$0xFFFFFFE0];
	vm0 =	vmand vm1, vm0;
	[tilespmem:s19+$0xFFFFFFC0] =	vst v10;
	v10 =	vmovc v12  }
0x3fc: {  	v18 =	vor.u32 s3, v1;
	v12 =	vor.u32 s8, v1;
	v9 =	vld [tilespmem:s4+$0xFFFFFFF0];
	vm0 =	vmor vm2, vm0;
	[tilespmem:s19+$0xFFFFFFD0] =	vst v15  }
0x3fd: {  	v19 =	vor.u32 s6, v1;
	v15 =	vor.u32 s0, v1;
	v11 =	vsel vm0, $0x0, v11;
	[tilespmem:s19+$0xFFFFFFE0] =	vst v16  }
0x3fe: {  	vm1 =	veq.s32 v2, v5;
	vm0 =	veq.s32 v2, v10;
	v16 =	vor.u32 s7, v1;
	[tilespmem:s4+$0x0] =	vst v11  }
0x3ff: {  	vm2 =	veq.s32 v2, v4;
	vm3 =	veq.s32 v2, v6;
	vm6 =	veq.s32 v2, v7;
	[tilespmem:s19+$0xFFFFFFF0] =	vst v13;
	s19 =	smov.u32 s4  }
0x400: {  	vm5 =	vle.s32 v17, v3;
	vm4 =	vle.s32 v12, v3;
	vm7 =	veq.s32 v2, v8  }
0x401: {  	vm9 =	vle.s32 v18, v3;
	vm8 =	vle.s32 v14, v3;
	vm10 =	veq.s32 v2, v9  }
0x402: {  	vm12 =	vle.s32 v19, v3;
	vm11 =	vle.s32 v15, v3;
	vm13 =	vle.s32 v16, v3  }
.Ltmp26:
0x403: {  	vm5 =	vmand vm5, vm1;
	vm14 =	vmand vm4, vm0;
	vm4 =	vmand vm8, vm2;
	(pc) =	sbr.rel @p0 .LBB2_44-.Ltmp26, $4  }
0x404: {  	vm3 =	vmand vm9, vm3;
	vm1 =	vmand vm11, vm6;
	vm0 =	vmand vm12, vm7  }
0x405: {  	vm9 =	vgt.s32 v2, v5;
	vm7 =	vgt.s32 v2, v10;
	vm2 =	vmand vm13, vm10  }
0x406: {  	vm11 =	vgt.s32 v2, v4;
	vm6 =	vgt.s32 v2, v7;
	vm10 =	vgt.s32 v2, v6  }
0x407: {  	s4 =	sadd.s32 $0x80, s4;
	vm8 =	vgt.s32 v2, v8;
	vm12 =	vmor vm7, vm14;
	vm7 =	vgt.s32 v2, v9  }
0x408: {  	vm5 =	vmor vm9, vm5;
	v10 =	vsel vm12, $0x0, v10  }
0x409: {  	vm4 =	vmor vm11, vm4;
	v5 =	vsel vm5, $0x0, v5;
	[tilespmem:s19+$0xFFFFFF90] =	vst v10  }
0x40a: {  	vm3 =	vmor vm10, vm3;
	v4 =	vsel vm4, $0x0, v4;
	[tilespmem:s19+$0xFFFFFFA0] =	vst v5  }
0x40b: {  	vm1 =	vmor vm6, vm1;
	v5 =	vsel vm3, $0x0, v6;
	[tilespmem:s19+$0xFFFFFFB0] =	vst v4  }
0x40c: {  	vm0 =	vmor vm8, vm0;
	v4 =	vsel vm1, $0x0, v7;
	[tilespmem:s19+$0xFFFFFFC0] =	vst v5  }
0x40d: {  	vm15 =	vmor vm7, vm2;
	v5 =	vsel vm0, $0x0, v8;
	[tilespmem:s19+$0xFFFFFFD0] =	vst v4  }
0x40e: {  	v4 =	vsel vm15, $0x0, v9;
	[tilespmem:s19+$0xFFFFFFE0] =	vst v5  }
0x40f: {  	[tilespmem:s19+$0xFFFFFFF0] =	vst v4  }
.LBB2_46:
0x410: {  	p0 =	slt.u32 s22, $0x6000  }
.Ltmp27:
0x411: {  	_ = 	snop;
	(pc) =	sbr.rel @p0 .LBB2_50-.Ltmp27, $3  }
0x412: {  	_ =	sdelay $0x1  }
0x413: {  	s0 =	rddreg [dreg:$0xc]  }
0x414: {  	[hbm4b:s0+s10] =	stream.strided.scatter [tilespmem:s12], [sflag:$0x9], $0x2000, s11, s10, $0x200038;
	[tilespmem:$0x9000] =	vst v63  }
0x415: {  	s2 =	simm.s32 $0x4070  }
0x416: {  	v7 =	vld [tilespmem:s2+$0x0]  }
0x417: {  	v10 =	vld [tilespmem:s2+$0xFFFFFFA0]  }
0x418: {  	v9 =	vld [tilespmem:s2+$0xFFFFFFB0]  }
0x419: {  	v8 =	vld [tilespmem:s2+$0xFFFFFFC0]  }
0x41a: {  	v6 =	vld [tilespmem:s2+$0xFFFFFFD0]  }
0x41b: {  	v5 =	vld [tilespmem:s2+$0xFFFFFFE0];
	vm0 =	vlt.s32 v2, v7  }
0x41c: {  	v4 =	vld [tilespmem:s2+$0xFFFFFFF0];
	vm1 =	vlt.s32 v2, v10;
	v11 =	vnsel vm0, $0x0, v7  }
0x41d: {  	s0 =	simm.s32 $0x400;
	s1 =	simm.s32 $0x40F0;
	v7 =	vld [tilespmem:s2+$0xFFFFFF90];
	v10 =	vnsel vm1, $0x0, v10;
	vm0 =	vlt.s32 v2, v9;
	[tilespmem:s2+$0x0] =	vst v11  }
.LBB2_48:
0x41e: {  	v11 =	vld [tilespmem:s1+$0x0];
	s0 =	sadd.s32 $0x8, s0;
	[tilespmem:s2+$0xFFFFFFA0] =	vst v10;
	v9 =	vnsel vm0, $0x0, v9;
	vm0 =	vlt.s32 v2, v8  }
0x41f: {  	v10 =	vld [tilespmem:s1+$0xFFFFFFA0];
	p0 =	slt.u32 s0, $0x5F8;
	[tilespmem:s2+$0xFFFFFFB0] =	vst v9;
	v8 =	vnsel vm0, $0x0, v8;
	vm0 =	vlt.s32 v2, v6  }
0x420: {  	v9 =	vld [tilespmem:s1+$0xFFFFFFB0];
	[tilespmem:s2+$0xFFFFFFC0] =	vst v8;
	v6 =	vnsel vm0, $0x0, v6;
	vm0 =	vlt.s32 v2, v5  }
.Ltmp28:
0x421: {  	v8 =	vld [tilespmem:s1+$0xFFFFFFC0];
	[tilespmem:s2+$0xFFFFFFD0] =	vst v6;
	v5 =	vnsel vm0, $0x0, v5;
	vm0 =	vlt.s32 v2, v4;
	(pc) =	sbr.rel @p0 .LBB2_48-.Ltmp28, $4  }
0x422: {  	v6 =	vld [tilespmem:s1+$0xFFFFFFD0];
	vm1 =	vlt.s32 v2, v7;
	[tilespmem:s2+$0xFFFFFFE0] =	vst v5;
	v4 =	vnsel vm0, $0x0, v4  }
0x423: {  	v5 =	vld [tilespmem:s1+$0xFFFFFFE0];
	vm0 =	vlt.s32 v2, v11;
	v7 =	vnsel vm1, $0x0, v7;
	[tilespmem:s2+$0xFFFFFFF0] =	vst v4  }
0x424: {  	vm1 =	vlt.s32 v2, v10;
	v4 =	vld [tilespmem:s1+$0xFFFFFFF0];
	v11 =	vnsel vm0, $0x0, v11;
	[tilespmem:s2+$0xFFFFFF90] =	vst v7;
	s2 =	smov.u32 s1  }
0x425: {  	s1 =	sadd.s32 $0x80, s1;
	v7 =	vld [tilespmem:s2+$0xFFFFFF90];
	v10 =	vnsel vm1, $0x0, v10;
	vm0 =	vlt.s32 v2, v9;
	[tilespmem:s2+$0x0] =	vst v11  }
0x426: {  	[tilespmem:s2+$0xFFFFFFA0] =	vst v10;
	v9 =	vnsel vm0, $0x0, v9;
	vm12 =	vlt.s32 v2, v8  }
0x427: {  	[tilespmem:s2+$0xFFFFFFB0] =	vst v9;
	v8 =	vnsel vm12, $0x0, v8;
	vm13 =	vlt.s32 v2, v6  }
.Ltmp29:
0x428: {  	[tilespmem:s2+$0xFFFFFFC0] =	vst v8;
	v6 =	vnsel vm13, $0x0, v6;
	vm14 =	vlt.s32 v2, v5;
	(pc) =	sbr.rel .LBB2_54-.Ltmp29, $4  }
0x429: {  	[tilespmem:s2+$0xFFFFFFD0] =	vst v6;
	v5 =	vnsel vm14, $0x0, v5;
	vm15 =	vlt.s32 v2, v4  }
0x42a: {  	vm1 =	vlt.s32 v2, v7;
	[tilespmem:s2+$0xFFFFFFE0] =	vst v5;
	v4 =	vnsel vm15, $0x0, v4  }
0x42b: {  	v5 =	vnsel vm1, $0x0, v7;
	[tilespmem:s2+$0xFFFFFFF0] =	vst v4  }
0x42c: {  	[tilespmem:s2+$0xFFFFFF90] =	vst v5  }
.LBB2_50:
0x42d: {  	p0 =	sgt.u32 s22, $0x3FFF  }
.Ltmp30:
0x42e: {  	_ = 	snop;
	(pc) =	sbr.rel @p0 .LBB2_54-.Ltmp30, $1  }
0x42f: {  	_ =	sdelay $0x3  }
0x430: {  	s2 =	simm.s32 $0x4070  }
0x431: {  	v7 =	vld [tilespmem:s2+$0x0]  }
0x432: {  	v10 =	vld [tilespmem:s2+$0xFFFFFFA0]  }
0x433: {  	v9 =	vld [tilespmem:s2+$0xFFFFFFB0]  }
0x434: {  	v8 =	vld [tilespmem:s2+$0xFFFFFFC0]  }
0x435: {  	v6 =	vld [tilespmem:s2+$0xFFFFFFD0]  }
0x436: {  	v5 =	vld [tilespmem:s2+$0xFFFFFFE0];
	vm0 =	vgt.s32 v2, v7  }
0x437: {  	v4 =	vld [tilespmem:s2+$0xFFFFFFF0];
	vm1 =	vgt.s32 v2, v10;
	v11 =	vsel vm0, $0x0, v7  }
0x438: {  	s0 =	simm.s32 $0x400;
	s1 =	simm.s32 $0x40F0;
	v7 =	vld [tilespmem:s2+$0xFFFFFF90];
	v10 =	vsel vm1, $0x0, v10;
	vm0 =	vgt.s32 v2, v9;
	[tilespmem:s2+$0x0] =	vst v11  }
.LBB2_52:
0x439: {  	v11 =	vld [tilespmem:s1+$0x0];
	s0 =	sadd.s32 $0x8, s0;
	[tilespmem:s2+$0xFFFFFFA0] =	vst v10;
	v9 =	vsel vm0, $0x0, v9;
	vm0 =	vgt.s32 v2, v8  }
0x43a: {  	v10 =	vld [tilespmem:s1+$0xFFFFFFA0];
	p0 =	slt.u32 s0, $0x5F8;
	[tilespmem:s2+$0xFFFFFFB0] =	vst v9;
	v8 =	vsel vm0, $0x0, v8;
	vm0 =	vgt.s32 v2, v6  }
0x43b: {  	v9 =	vld [tilespmem:s1+$0xFFFFFFB0];
	[tilespmem:s2+$0xFFFFFFC0] =	vst v8;
	v6 =	vsel vm0, $0x0, v6;
	vm0 =	vgt.s32 v2, v5  }
.Ltmp31:
0x43c: {  	v8 =	vld [tilespmem:s1+$0xFFFFFFC0];
	[tilespmem:s2+$0xFFFFFFD0] =	vst v6;
	v5 =	vsel vm0, $0x0, v5;
	vm0 =	vgt.s32 v2, v4;
	(pc) =	sbr.rel @p0 .LBB2_52-.Ltmp31, $4  }
0x43d: {  	v6 =	vld [tilespmem:s1+$0xFFFFFFD0];
	vm1 =	vgt.s32 v2, v7;
	[tilespmem:s2+$0xFFFFFFE0] =	vst v5;
	v4 =	vsel vm0, $0x0, v4  }
0x43e: {  	v5 =	vld [tilespmem:s1+$0xFFFFFFE0];
	vm0 =	vgt.s32 v2, v11;
	v7 =	vsel vm1, $0x0, v7;
	[tilespmem:s2+$0xFFFFFFF0] =	vst v4  }
0x43f: {  	vm1 =	vgt.s32 v2, v10;
	v4 =	vld [tilespmem:s1+$0xFFFFFFF0];
	v11 =	vsel vm0, $0x0, v11;
	[tilespmem:s2+$0xFFFFFF90] =	vst v7;
	s2 =	smov.u32 s1  }
0x440: {  	s1 =	sadd.s32 $0x80, s1;
	v7 =	vld [tilespmem:s2+$0xFFFFFF90];
	v10 =	vsel vm1, $0x0, v10;
	vm0 =	vgt.s32 v2, v9;
	[tilespmem:s2+$0x0] =	vst v11  }
0x441: {  	[tilespmem:s2+$0xFFFFFFA0] =	vst v10;
	v9 =	vsel vm0, $0x0, v9;
	vm12 =	vgt.s32 v2, v8  }
0x442: {  	[tilespmem:s2+$0xFFFFFFB0] =	vst v9;
	v8 =	vsel vm12, $0x0, v8;
	vm13 =	vgt.s32 v2, v6  }
0x443: {  	[tilespmem:s2+$0xFFFFFFC0] =	vst v8;
	v6 =	vsel vm13, $0x0, v6;
	vm14 =	vgt.s32 v2, v5  }
0x444: {  	[tilespmem:s2+$0xFFFFFFD0] =	vst v6;
	v5 =	vsel vm14, $0x0, v5;
	vm15 =	vgt.s32 v2, v4  }
0x445: {  	vm1 =	vgt.s32 v2, v7;
	[tilespmem:s2+$0xFFFFFFE0] =	vst v5;
	v4 =	vsel vm15, $0x0, v4  }
0x446: {  	v5 =	vsel vm1, $0x0, v7;
	[tilespmem:s2+$0xFFFFFFF0] =	vst v4  }
0x447: {  	[tilespmem:s2+$0xFFFFFF90] =	vst v5  }
.LBB2_54:
0x448: {  	p0 =	sne.s32 s24, $0x4000  }
.Ltmp32:
0x449: {  	_ = 	snop;
	(pc) =	sbr.rel @p0 .LBB2_58-.Ltmp32, $1  }
0x44a: {  	_ =	sdelay $0x3  }
0x44b: {  	s19 =	simm.s32 $0x4070  }
0x44c: {  	v11 =	vld [tilespmem:s19+$0x0]  }
0x44d: {  	v5 =	vld [tilespmem:s19+$0xFFFFFFA0]  }
0x44e: {  	s0 =	simm.s32 $0x4010;
	s1 =	simm.s32 $0x4020;
	s2 =	simm.s32 $0x4000;
	v6 =	vld [tilespmem:s19+$0xFFFFFFC0];
	v8 =	vor.u32 s19, v1  }
0x44f: {  	s29 =	simm.s32 $0x4030;
	s30 =	simm.s32 $0x4040;
	s3 =	simm.s32 $0x4050;
	v12 =	vor.u32 s0, v1;
	v7 =	vld [tilespmem:s19+$0xFFFFFFD0];
	v13 =	vor.u32 s1, v1;
	v14 =	vor.u32 s2, v1  }
0x450: {  	s31 =	simm.s32 $0x4060;
	v15 =	vor.u32 s29, v1;
	v9 =	vld [tilespmem:s19+$0xFFFFFFF0];
	v16 =	vor.u32 s30, v1;
	v17 =	vor.u32 s3, v1  }
0x451: {  	v18 =	vor.u32 s31, v1;
	vm1 =	vle.s32 v8, v3;
	v8 =	vld [tilespmem:s19+$0xFFFFFFE0];
	vm4 =	vle.s32 v14, v3  }
0x452: {  	v10 =	vld [tilespmem:s19+$0xFFFFFF90];
	vm5 =	vle.s32 v12, v3;
	vm8 =	vle.s32 v13, v3;
	vm9 =	vle.s32 v15, v3  }
0x453: {  	v4 =	vld [tilespmem:s19+$0xFFFFFFB0];
	vm11 =	vle.s32 v17, v3;
	vm13 =	vle.s32 v18, v3;
	vm0 =	veq.s32 v2, v11  }
0x454: {  	vm2 =	vgt.s32 v2, v11;
	vm3 =	veq.s32 v2, v6;
	vm6 =	veq.s32 v2, v7  }
0x455: {  	vm10 =	veq.s32 v2, v9;
	vm0 =	vmand vm1, vm0;
	vm1 =	veq.s32 v2, v5  }
0x456: {  	vm7 =	veq.s32 v2, v8;
	vm3 =	vmand vm9, vm3;
	vm0 =	vmor vm2, vm0  }
0x457: {  	vm9 =	vgt.s32 v2, v5;
	v11 =	vsel vm0, $0x0, v11;
	vm0 =	veq.s32 v2, v10  }
0x458: {  	vm2 =	veq.s32 v2, v4;
	vm5 =	vmand vm5, vm1;
	vm12 =	vmand vm4, vm0  }
0x459: {  	vm0 =	vle.s32 v16, v3;
	vm4 =	vmand vm8, vm2;
	vm2 =	vmand vm13, vm10  }
0x45a: {  	vm10 =	vgt.s32 v2, v6;
	vm8 =	vgt.s32 v2, v8;
	vm1 =	vmand vm0, vm6  }
0x45b: {  	vm0 =	vmand vm11, vm7;
	vm7 =	vgt.s32 v2, v10;
	vm11 =	vgt.s32 v2, v4  }
0x45c: {  	s4 =	simm.s32 $0x40F0;
	s5 =	simm.s32 $0x4070;
	s2 =	simm.s32 $0x400;
	[tilespmem:s19+$0x0] =	vst v11;
	vm6 =	vgt.s32 v2, v7;
	vm12 =	vmor vm7, vm12;
	vm7 =	vgt.s32 v2, v9  }
.LBB2_56:
0x45d: {  	v11 =	vld [tilespmem:s4+$0x0];
	s2 =	sadd.s32 $0x8, s2;
	vm5 =	vmor vm9, vm5;
	vm4 =	vmor vm11, vm4;
	vm3 =	vmor vm10, vm3  }
0x45e: {  	vm1 =	vmor vm6, vm1;
	vm0 =	vmor vm8, vm0;
	vm2 =	vmor vm7, vm2;
	v12 =	vld [tilespmem:s4+$0xFFFFFF90];
	p0 =	slt.u32 s2, $0x5F8  }
0x45f: {  	v10 =	vsel vm12, $0x0, v10;
	v13 =	vsel vm5, $0x0, v5;
	v14 =	vsel vm4, $0x0, v4;
	v5 =	vld [tilespmem:s4+$0xFFFFFFA0]  }
0x460: {  	s5 =	sadd.s32 $0x80, s5;
	v15 =	vsel vm1, $0x0, v7;
	v16 =	vsel vm0, $0x0, v8;
	v4 =	vld [tilespmem:s4+$0xFFFFFFB0];
	[tilespmem:s19+$0xFFFFFF90] =	vst v10;
	v10 =	vsel vm3, $0x0, v6  }
0x461: {  	s0 =	sadd.s32 $0xFFFFFFA0, s5;
	s1 =	sadd.s32 $0xFFFFFFB0, s5;
	s3 =	sadd.s32 $0xFFFFFFC0, s5;
	v8 =	vor.u32 s5, v1;
	v6 =	vld [tilespmem:s4+$0xFFFFFFC0];
	[tilespmem:s19+$0xFFFFFFA0] =	vst v13;
	v13 =	vsel vm2, $0x0, v9  }
0x462: {  	s6 =	sadd.s32 $0xFFFFFFE0, s5;
	s7 =	sadd.s32 $0xFFFFFFF0, s5;
	v17 =	vor.u32 s0, v1;
	s0 =	sadd.s32 $0xFFFFFFD0, s5;
	vm1 =	vle.s32 v8, v3;
	v7 =	vld [tilespmem:s4+$0xFFFFFFD0];
	vm0 =	veq.s32 v2, v11;
	[tilespmem:s19+$0xFFFFFFB0] =	vst v14  }
0x463: {  	s8 =	sadd.s32 $0xFFFFFF90, s5;
	v14 =	vor.u32 s1, v1;
	vm2 =	vgt.s32 v2, v11;
	v8 =	vld [tilespmem:s4+$0xFFFFFFE0];
	vm0 =	vmand vm1, vm0;
	[tilespmem:s19+$0xFFFFFFC0] =	vst v10;
	v10 =	vmovc v12  }
0x464: {  	v18 =	vor.u32 s3, v1;
	v12 =	vor.u32 s8, v1;
	v9 =	vld [tilespmem:s4+$0xFFFFFFF0];
	vm0 =	vmor vm2, vm0;
	[tilespmem:s19+$0xFFFFFFD0] =	vst v15  }
0x465: {  	v19 =	vor.u32 s6, v1;
	v15 =	vor.u32 s0, v1;
	v11 =	vsel vm0, $0x0, v11;
	[tilespmem:s19+$0xFFFFFFE0] =	vst v16  }
0x466: {  	vm1 =	veq.s32 v2, v5;
	vm0 =	veq.s32 v2, v10;
	v16 =	vor.u32 s7, v1;
	[tilespmem:s4+$0x0] =	vst v11  }
0x467: {  	vm2 =	veq.s32 v2, v4;
	vm3 =	veq.s32 v2, v6;
	vm6 =	veq.s32 v2, v7;
	[tilespmem:s19+$0xFFFFFFF0] =	vst v13;
	s19 =	smov.u32 s4  }
0x468: {  	vm5 =	vle.s32 v17, v3;
	vm4 =	vle.s32 v12, v3;
	vm7 =	veq.s32 v2, v8  }
0x469: {  	vm9 =	vle.s32 v18, v3;
	vm8 =	vle.s32 v14, v3;
	vm10 =	veq.s32 v2, v9  }
0x46a: {  	vm12 =	vle.s32 v19, v3;
	vm11 =	vle.s32 v15, v3;
	vm13 =	vle.s32 v16, v3  }
.Ltmp33:
0x46b: {  	vm5 =	vmand vm5, vm1;
	vm14 =	vmand vm4, vm0;
	vm4 =	vmand vm8, vm2;
	(pc) =	sbr.rel @p0 .LBB2_56-.Ltmp33, $4  }
0x46c: {  	vm3 =	vmand vm9, vm3;
	vm1 =	vmand vm11, vm6;
	vm0 =	vmand vm12, vm7  }
0x46d: {  	vm9 =	vgt.s32 v2, v5;
	vm7 =	vgt.s32 v2, v10;
	vm2 =	vmand vm13, vm10  }
0x46e: {  	vm11 =	vgt.s32 v2, v4;
	vm6 =	vgt.s32 v2, v7;
	vm10 =	vgt.s32 v2, v6  }
0x46f: {  	s4 =	sadd.s32 $0x80, s4;
	vm8 =	vgt.s32 v2, v8;
	vm12 =	vmor vm7, vm14;
	vm7 =	vgt.s32 v2, v9  }
0x470: {  	vm5 =	vmor vm9, vm5;
	v10 =	vsel vm12, $0x0, v10  }
0x471: {  	vm4 =	vmor vm11, vm4;
	v5 =	vsel vm5, $0x0, v5;
	[tilespmem:s19+$0xFFFFFF90] =	vst v10  }
0x472: {  	vm3 =	vmor vm10, vm3;
	v4 =	vsel vm4, $0x0, v4;
	[tilespmem:s19+$0xFFFFFFA0] =	vst v5  }
0x473: {  	vm1 =	vmor vm6, vm1;
	v5 =	vsel vm3, $0x0, v6;
	[tilespmem:s19+$0xFFFFFFB0] =	vst v4  }
0x474: {  	vm0 =	vmor vm8, vm0;
	v4 =	vsel vm1, $0x0, v7;
	[tilespmem:s19+$0xFFFFFFC0] =	vst v5  }
0x475: {  	vm15 =	vmor vm7, vm2;
	v5 =	vsel vm0, $0x0, v8;
	[tilespmem:s19+$0xFFFFFFD0] =	vst v4  }
0x476: {  	v4 =	vsel vm15, $0x0, v9;
	[tilespmem:s19+$0xFFFFFFE0] =	vst v5  }
0x477: {  	[tilespmem:s19+$0xFFFFFFF0] =	vst v4  }
.LBB2_58:
0x478: {  	p0 =	slt.u32 s22, $0x8000  }
.Ltmp34:
0x479: {  	_ = 	snop;
	(pc) =	sbr.rel @p0 .LBB2_62-.Ltmp34, $3  }
0x47a: {  	_ =	sdelay $0x1  }
0x47b: {  	s0 =	rddreg [dreg:$0xd]  }
0x47c: {  	[hbm4b:s0+s10] =	stream.strided.scatter [tilespmem:s13], [sflag:$0x9], $0x2000, s11, s10, $0x200038;
	[tilespmem:$0x9000] =	vst v63  }
0x47d: {  	s2 =	simm.s32 $0x6070  }
0x47e: {  	v7 =	vld [tilespmem:s2+$0x0]  }
0x47f: {  	v10 =	vld [tilespmem:s2+$0xFFFFFFA0]  }
0x480: {  	v9 =	vld [tilespmem:s2+$0xFFFFFFB0]  }
0x481: {  	v8 =	vld [tilespmem:s2+$0xFFFFFFC0]  }
0x482: {  	v6 =	vld [tilespmem:s2+$0xFFFFFFD0]  }
0x483: {  	v5 =	vld [tilespmem:s2+$0xFFFFFFE0];
	vm0 =	vlt.s32 v2, v7  }
0x484: {  	v4 =	vld [tilespmem:s2+$0xFFFFFFF0];
	vm1 =	vlt.s32 v2, v10;
	v11 =	vnsel vm0, $0x0, v7  }
0x485: {  	s0 =	simm.s32 $0x600;
	s1 =	simm.s32 $0x60F0;
	v7 =	vld [tilespmem:s2+$0xFFFFFF90];
	v10 =	vnsel vm1, $0x0, v10;
	vm0 =	vlt.s32 v2, v9;
	[tilespmem:s2+$0x0] =	vst v11  }
.LBB2_60:
0x486: {  	v11 =	vld [tilespmem:s1+$0x0];
	s0 =	sadd.s32 $0x8, s0;
	[tilespmem:s2+$0xFFFFFFA0] =	vst v10;
	v9 =	vnsel vm0, $0x0, v9;
	vm0 =	vlt.s32 v2, v8  }
0x487: {  	v10 =	vld [tilespmem:s1+$0xFFFFFFA0];
	p0 =	slt.u32 s0, $0x7F8;
	[tilespmem:s2+$0xFFFFFFB0] =	vst v9;
	v8 =	vnsel vm0, $0x0, v8;
	vm0 =	vlt.s32 v2, v6  }
0x488: {  	v9 =	vld [tilespmem:s1+$0xFFFFFFB0];
	[tilespmem:s2+$0xFFFFFFC0] =	vst v8;
	v6 =	vnsel vm0, $0x0, v6;
	vm0 =	vlt.s32 v2, v5  }
.Ltmp35:
0x489: {  	v8 =	vld [tilespmem:s1+$0xFFFFFFC0];
	[tilespmem:s2+$0xFFFFFFD0] =	vst v6;
	v5 =	vnsel vm0, $0x0, v5;
	vm0 =	vlt.s32 v2, v4;
	(pc) =	sbr.rel @p0 .LBB2_60-.Ltmp35, $4  }
0x48a: {  	v6 =	vld [tilespmem:s1+$0xFFFFFFD0];
	vm1 =	vlt.s32 v2, v7;
	[tilespmem:s2+$0xFFFFFFE0] =	vst v5;
	v4 =	vnsel vm0, $0x0, v4  }
0x48b: {  	v5 =	vld [tilespmem:s1+$0xFFFFFFE0];
	vm0 =	vlt.s32 v2, v11;
	v7 =	vnsel vm1, $0x0, v7;
	[tilespmem:s2+$0xFFFFFFF0] =	vst v4  }
0x48c: {  	vm1 =	vlt.s32 v2, v10;
	v4 =	vld [tilespmem:s1+$0xFFFFFFF0];
	v11 =	vnsel vm0, $0x0, v11;
	[tilespmem:s2+$0xFFFFFF90] =	vst v7;
	s2 =	smov.u32 s1  }
0x48d: {  	s1 =	sadd.s32 $0x80, s1;
	v7 =	vld [tilespmem:s2+$0xFFFFFF90];
	v10 =	vnsel vm1, $0x0, v10;
	vm0 =	vlt.s32 v2, v9;
	[tilespmem:s2+$0x0] =	vst v11  }
0x48e: {  	[tilespmem:s2+$0xFFFFFFA0] =	vst v10;
	v9 =	vnsel vm0, $0x0, v9;
	vm12 =	vlt.s32 v2, v8  }
0x48f: {  	[tilespmem:s2+$0xFFFFFFB0] =	vst v9;
	v8 =	vnsel vm12, $0x0, v8;
	vm13 =	vlt.s32 v2, v6  }
.Ltmp36:
0x490: {  	[tilespmem:s2+$0xFFFFFFC0] =	vst v8;
	v6 =	vnsel vm13, $0x0, v6;
	vm14 =	vlt.s32 v2, v5;
	(pc) =	sbr.rel .LBB2_66-.Ltmp36, $4  }
0x491: {  	[tilespmem:s2+$0xFFFFFFD0] =	vst v6;
	v5 =	vnsel vm14, $0x0, v5;
	vm15 =	vlt.s32 v2, v4  }
0x492: {  	vm1 =	vlt.s32 v2, v7;
	[tilespmem:s2+$0xFFFFFFE0] =	vst v5;
	v4 =	vnsel vm15, $0x0, v4  }
0x493: {  	v5 =	vnsel vm1, $0x0, v7;
	[tilespmem:s2+$0xFFFFFFF0] =	vst v4  }
0x494: {  	[tilespmem:s2+$0xFFFFFF90] =	vst v5  }
.LBB2_62:
0x495: {  	p0 =	sgt.u32 s22, $0x5FFF  }
.Ltmp37:
0x496: {  	_ = 	snop;
	(pc) =	sbr.rel @p0 .LBB2_66-.Ltmp37, $1  }
0x497: {  	_ =	sdelay $0x3  }
0x498: {  	s2 =	simm.s32 $0x6070  }
0x499: {  	v7 =	vld [tilespmem:s2+$0x0]  }
0x49a: {  	v10 =	vld [tilespmem:s2+$0xFFFFFFA0]  }
0x49b: {  	v9 =	vld [tilespmem:s2+$0xFFFFFFB0]  }
0x49c: {  	v8 =	vld [tilespmem:s2+$0xFFFFFFC0]  }
0x49d: {  	v6 =	vld [tilespmem:s2+$0xFFFFFFD0]  }
0x49e: {  	v5 =	vld [tilespmem:s2+$0xFFFFFFE0];
	vm0 =	vgt.s32 v2, v7  }
0x49f: {  	v4 =	vld [tilespmem:s2+$0xFFFFFFF0];
	vm1 =	vgt.s32 v2, v10;
	v11 =	vsel vm0, $0x0, v7  }
0x4a0: {  	s0 =	simm.s32 $0x600;
	s1 =	simm.s32 $0x60F0;
	v7 =	vld [tilespmem:s2+$0xFFFFFF90];
	v10 =	vsel vm1, $0x0, v10;
	vm0 =	vgt.s32 v2, v9;
	[tilespmem:s2+$0x0] =	vst v11  }
.LBB2_64:
0x4a1: {  	v11 =	vld [tilespmem:s1+$0x0];
	s0 =	sadd.s32 $0x8, s0;
	[tilespmem:s2+$0xFFFFFFA0] =	vst v10;
	v9 =	vsel vm0, $0x0, v9;
	vm0 =	vgt.s32 v2, v8  }
0x4a2: {  	v10 =	vld [tilespmem:s1+$0xFFFFFFA0];
	p0 =	slt.u32 s0, $0x7F8;
	[tilespmem:s2+$0xFFFFFFB0] =	vst v9;
	v8 =	vsel vm0, $0x0, v8;
	vm0 =	vgt.s32 v2, v6  }
0x4a3: {  	v9 =	vld [tilespmem:s1+$0xFFFFFFB0];
	[tilespmem:s2+$0xFFFFFFC0] =	vst v8;
	v6 =	vsel vm0, $0x0, v6;
	vm0 =	vgt.s32 v2, v5  }
.Ltmp38:
0x4a4: {  	v8 =	vld [tilespmem:s1+$0xFFFFFFC0];
	[tilespmem:s2+$0xFFFFFFD0] =	vst v6;
	v5 =	vsel vm0, $0x0, v5;
	vm0 =	vgt.s32 v2, v4;
	(pc) =	sbr.rel @p0 .LBB2_64-.Ltmp38, $4  }
0x4a5: {  	v6 =	vld [tilespmem:s1+$0xFFFFFFD0];
	vm1 =	vgt.s32 v2, v7;
	[tilespmem:s2+$0xFFFFFFE0] =	vst v5;
	v4 =	vsel vm0, $0x0, v4  }
0x4a6: {  	v5 =	vld [tilespmem:s1+$0xFFFFFFE0];
	vm0 =	vgt.s32 v2, v11;
	v7 =	vsel vm1, $0x0, v7;
	[tilespmem:s2+$0xFFFFFFF0] =	vst v4  }
0x4a7: {  	vm1 =	vgt.s32 v2, v10;
	v4 =	vld [tilespmem:s1+$0xFFFFFFF0];
	v11 =	vsel vm0, $0x0, v11;
	[tilespmem:s2+$0xFFFFFF90] =	vst v7;
	s2 =	smov.u32 s1  }
0x4a8: {  	s1 =	sadd.s32 $0x80, s1;
	v7 =	vld [tilespmem:s2+$0xFFFFFF90];
	v10 =	vsel vm1, $0x0, v10;
	vm0 =	vgt.s32 v2, v9;
	[tilespmem:s2+$0x0] =	vst v11  }
0x4a9: {  	[tilespmem:s2+$0xFFFFFFA0] =	vst v10;
	v9 =	vsel vm0, $0x0, v9;
	vm12 =	vgt.s32 v2, v8  }
0x4aa: {  	[tilespmem:s2+$0xFFFFFFB0] =	vst v9;
	v8 =	vsel vm12, $0x0, v8;
	vm13 =	vgt.s32 v2, v6  }
0x4ab: {  	[tilespmem:s2+$0xFFFFFFC0] =	vst v8;
	v6 =	vsel vm13, $0x0, v6;
	vm14 =	vgt.s32 v2, v5  }
0x4ac: {  	[tilespmem:s2+$0xFFFFFFD0] =	vst v6;
	v5 =	vsel vm14, $0x0, v5;
	vm15 =	vgt.s32 v2, v4  }
0x4ad: {  	vm1 =	vgt.s32 v2, v7;
	[tilespmem:s2+$0xFFFFFFE0] =	vst v5;
	v4 =	vsel vm15, $0x0, v4  }
0x4ae: {  	v5 =	vsel vm1, $0x0, v7;
	[tilespmem:s2+$0xFFFFFFF0] =	vst v4  }
0x4af: {  	[tilespmem:s2+$0xFFFFFF90] =	vst v5  }
.LBB2_66:
0x4b0: {  	p0 =	sne.s32 s24, $0x6000  }
.Ltmp39:
0x4b1: {  	_ = 	snop;
	(pc) =	sbr.rel @p0 .LBB2_70-.Ltmp39, $1  }
0x4b2: {  	_ =	sdelay $0x3  }
0x4b3: {  	s19 =	simm.s32 $0x6070  }
0x4b4: {  	v11 =	vld [tilespmem:s19+$0x0]  }
0x4b5: {  	v5 =	vld [tilespmem:s19+$0xFFFFFFA0]  }
0x4b6: {  	s0 =	simm.s32 $0x6010;
	s1 =	simm.s32 $0x6020;
	s2 =	simm.s32 $0x6000;
	v6 =	vld [tilespmem:s19+$0xFFFFFFC0];
	v8 =	vor.u32 s19, v1  }
0x4b7: {  	s29 =	simm.s32 $0x6030;
	s30 =	simm.s32 $0x6040;
	s3 =	simm.s32 $0x6050;
	v12 =	vor.u32 s0, v1;
	v7 =	vld [tilespmem:s19+$0xFFFFFFD0];
	v13 =	vor.u32 s1, v1;
	v14 =	vor.u32 s2, v1  }
0x4b8: {  	s31 =	simm.s32 $0x6060;
	v15 =	vor.u32 s29, v1;
	v9 =	vld [tilespmem:s19+$0xFFFFFFF0];
	v16 =	vor.u32 s30, v1;
	v17 =	vor.u32 s3, v1  }
0x4b9: {  	v18 =	vor.u32 s31, v1;
	vm1 =	vle.s32 v8, v3;
	v8 =	vld [tilespmem:s19+$0xFFFFFFE0];
	vm4 =	vle.s32 v14, v3  }
0x4ba: {  	v10 =	vld [tilespmem:s19+$0xFFFFFF90];
	vm5 =	vle.s32 v12, v3;
	vm8 =	vle.s32 v13, v3;
	vm9 =	vle.s32 v15, v3  }
0x4bb: {  	v4 =	vld [tilespmem:s19+$0xFFFFFFB0];
	vm11 =	vle.s32 v17, v3;
	vm13 =	vle.s32 v18, v3;
	vm0 =	veq.s32 v2, v11  }
0x4bc: {  	vm2 =	vgt.s32 v2, v11;
	vm3 =	veq.s32 v2, v6;
	vm6 =	veq.s32 v2, v7  }
0x4bd: {  	vm10 =	veq.s32 v2, v9;
	vm0 =	vmand vm1, vm0;
	vm1 =	veq.s32 v2, v5  }
0x4be: {  	vm7 =	veq.s32 v2, v8;
	vm3 =	vmand vm9, vm3;
	vm0 =	vmor vm2, vm0  }
0x4bf: {  	vm9 =	vgt.s32 v2, v5;
	v11 =	vsel vm0, $0x0, v11;
	vm0 =	veq.s32 v2, v10  }
0x4c0: {  	vm2 =	veq.s32 v2, v4;
	vm5 =	vmand vm5, vm1;
	vm12 =	vmand vm4, vm0  }
0x4c1: {  	vm0 =	vle.s32 v16, v3;
	vm4 =	vmand vm8, vm2;
	vm2 =	vmand vm13, vm10  }
0x4c2: {  	vm10 =	vgt.s32 v2, v6;
	vm8 =	vgt.s32 v2, v8;
	vm1 =	vmand vm0, vm6  }
0x4c3: {  	vm0 =	vmand vm11, vm7;
	vm7 =	vgt.s32 v2, v10;
	vm11 =	vgt.s32 v2, v4  }
0x4c4: {  	s4 =	simm.s32 $0x60F0;
	s5 =	simm.s32 $0x6070;
	s2 =	simm.s32 $0x600;
	[tilespmem:s19+$0x0] =	vst v11;
	vm6 =	vgt.s32 v2, v7;
	vm12 =	vmor vm7, vm12;
	vm7 =	vgt.s32 v2, v9  }
.LBB2_68:
0x4c5: {  	v11 =	vld [tilespmem:s4+$0x0];
	s2 =	sadd.s32 $0x8, s2;
	vm5 =	vmor vm9, vm5;
	vm4 =	vmor vm11, vm4;
	vm3 =	vmor vm10, vm3  }
0x4c6: {  	vm1 =	vmor vm6, vm1;
	vm0 =	vmor vm8, vm0;
	vm2 =	vmor vm7, vm2;
	v12 =	vld [tilespmem:s4+$0xFFFFFF90];
	p0 =	slt.u32 s2, $0x7F8  }
0x4c7: {  	v10 =	vsel vm12, $0x0, v10;
	v13 =	vsel vm5, $0x0, v5;
	v14 =	vsel vm4, $0x0, v4;
	v5 =	vld [tilespmem:s4+$0xFFFFFFA0]  }
0x4c8: {  	s5 =	sadd.s32 $0x80, s5;
	v15 =	vsel vm1, $0x0, v7;
	v16 =	vsel vm0, $0x0, v8;
	v4 =	vld [tilespmem:s4+$0xFFFFFFB0];
	[tilespmem:s19+$0xFFFFFF90] =	vst v10;
	v10 =	vsel vm3, $0x0, v6  }
0x4c9: {  	s0 =	sadd.s32 $0xFFFFFFA0, s5;
	s1 =	sadd.s32 $0xFFFFFFB0, s5;
	s3 =	sadd.s32 $0xFFFFFFC0, s5;
	v8 =	vor.u32 s5, v1;
	v6 =	vld [tilespmem:s4+$0xFFFFFFC0];
	[tilespmem:s19+$0xFFFFFFA0] =	vst v13;
	v13 =	vsel vm2, $0x0, v9  }
0x4ca: {  	s6 =	sadd.s32 $0xFFFFFFE0, s5;
	s7 =	sadd.s32 $0xFFFFFFF0, s5;
	v17 =	vor.u32 s0, v1;
	s0 =	sadd.s32 $0xFFFFFFD0, s5;
	vm1 =	vle.s32 v8, v3;
	v7 =	vld [tilespmem:s4+$0xFFFFFFD0];
	vm0 =	veq.s32 v2, v11;
	[tilespmem:s19+$0xFFFFFFB0] =	vst v14  }
0x4cb: {  	s8 =	sadd.s32 $0xFFFFFF90, s5;
	v14 =	vor.u32 s1, v1;
	vm2 =	vgt.s32 v2, v11;
	v8 =	vld [tilespmem:s4+$0xFFFFFFE0];
	vm0 =	vmand vm1, vm0;
	[tilespmem:s19+$0xFFFFFFC0] =	vst v10;
	v10 =	vmovc v12  }
0x4cc: {  	v18 =	vor.u32 s3, v1;
	v12 =	vor.u32 s8, v1;
	v9 =	vld [tilespmem:s4+$0xFFFFFFF0];
	vm0 =	vmor vm2, vm0;
	[tilespmem:s19+$0xFFFFFFD0] =	vst v15  }
0x4cd: {  	v19 =	vor.u32 s6, v1;
	v15 =	vor.u32 s0, v1;
	v11 =	vsel vm0, $0x0, v11;
	[tilespmem:s19+$0xFFFFFFE0] =	vst v16  }
0x4ce: {  	vm1 =	veq.s32 v2, v5;
	vm0 =	veq.s32 v2, v10;
	v16 =	vor.u32 s7, v1;
	[tilespmem:s4+$0x0] =	vst v11  }
0x4cf: {  	vm2 =	veq.s32 v2, v4;
	vm3 =	veq.s32 v2, v6;
	vm6 =	veq.s32 v2, v7;
	[tilespmem:s19+$0xFFFFFFF0] =	vst v13;
	s19 =	smov.u32 s4  }
0x4d0: {  	vm5 =	vle.s32 v17, v3;
	vm4 =	vle.s32 v12, v3;
	vm7 =	veq.s32 v2, v8  }
0x4d1: {  	vm9 =	vle.s32 v18, v3;
	vm8 =	vle.s32 v14, v3;
	vm10 =	veq.s32 v2, v9  }
0x4d2: {  	vm12 =	vle.s32 v19, v3;
	vm11 =	vle.s32 v15, v3;
	vm13 =	vle.s32 v16, v3  }
.Ltmp40:
0x4d3: {  	vm5 =	vmand vm5, vm1;
	vm14 =	vmand vm4, vm0;
	vm4 =	vmand vm8, vm2;
	(pc) =	sbr.rel @p0 .LBB2_68-.Ltmp40, $4  }
0x4d4: {  	vm3 =	vmand vm9, vm3;
	vm1 =	vmand vm11, vm6;
	vm0 =	vmand vm12, vm7  }
0x4d5: {  	vm9 =	vgt.s32 v2, v5;
	vm7 =	vgt.s32 v2, v10;
	vm2 =	vmand vm13, vm10  }
0x4d6: {  	vm11 =	vgt.s32 v2, v4;
	vm6 =	vgt.s32 v2, v7;
	vm10 =	vgt.s32 v2, v6  }
0x4d7: {  	s4 =	sadd.s32 $0x80, s4;
	vm8 =	vgt.s32 v2, v8;
	vm12 =	vmor vm7, vm14;
	vm7 =	vgt.s32 v2, v9  }
0x4d8: {  	vm5 =	vmor vm9, vm5;
	v2 =	vsel vm12, $0x0, v10  }
0x4d9: {  	vm4 =	vmor vm11, vm4;
	v3 =	vsel vm5, $0x0, v5;
	[tilespmem:s19+$0xFFFFFF90] =	vst v2  }
0x4da: {  	vm3 =	vmor vm10, vm3;
	v2 =	vsel vm4, $0x0, v4;
	[tilespmem:s19+$0xFFFFFFA0] =	vst v3  }
.Ltmp41:
0x4db: {  	vm1 =	vmor vm6, vm1;
	v3 =	vsel vm3, $0x0, v6;
	[tilespmem:s19+$0xFFFFFFB0] =	vst v2;
	(pc) =	sbr.rel .LBB2_70-.Ltmp41, $4  }
0x4dc: {  	vm0 =	vmor vm8, vm0;
	v2 =	vsel vm1, $0x0, v7;
	[tilespmem:s19+$0xFFFFFFC0] =	vst v3  }
0x4dd: {  	vm15 =	vmor vm7, vm2;
	v3 =	vsel vm0, $0x0, v8;
	[tilespmem:s19+$0xFFFFFFD0] =	vst v2  }
0x4de: {  	v2 =	vsel vm15, $0x0, v9;
	[tilespmem:s19+$0xFFFFFFE0] =	vst v3  }
0x4df: {  	[tilespmem:s19+$0xFFFFFFF0] =	vst v2  }
.LBB2_71:
0x4e0: {  	_ =	sfence.sel $0x180000  }
0x4e1: {  	[bflag:$0x0] =	sbarrier.arrive $0xFFFF  }
0x4e2: {  	_ =	strace $0x90000047  }
0x4e3: {  	s0 =	stileid.u32;
	[bflag:$0x2] =	sbarrier.arrive $0xFFFF  }
0x4e4: {  	p0 =	sne.s32 s0, $0x0;
	s0 =	rddreg [dreg:$0x2]  }
0x4e5: {  	s0 =	sadd.s32 @!p0 $0x100000, s0  }
0x4e6: {  	[sflag:s0] =	ssyncadd.tile.s32 @!p0 $0x1;
	_ =	shalt  }
.Lfunc_end2:
_tile_overlayer_lowered:
.L_overlay_start_2:
0x4e7: {  	(tag) =	ssettag $0x2  }
0x4e8: {  	s0 =	rddreg [dreg:$0x0];
	s2 =	stileid.u32  }
0x4e9: {  	s1 =	rddreg [dreg:$0x1];
	p0 =	sne.s32 s2, $0x0  }
0x4ea: {  	s3 =	rddreg [dreg:$0x2];
	[bflag:$0x3] =	sbarrier.arrive $0xFFFF;
	s2 =	simm.s32 @!p0 $0x1C0A  }
0x4eb: {  	[timem:s3], [sflag:s2] =	dma.local @!p0 [hbm:s0], s1  }
0x4ec: {  	s0 =	simm.s32 @!p0 $0xA  }
0x4ed: {  	_ =	swait.ge @!p0 [sflag:s0], s1  }
0x4ee: {  	s1 =	ssub.s32 @!p0 $0x0, s1;
	[sflag:s0] =	ssyncset.done @!p0 $0x0  }
0x4ef: {  	[sflag:s0] =	ssyncadd.s32 @!p0 s1  }
0x4f0: {  	[bflag:$0x3] =	sbarrier.arrive $0xFFFF  }
0x4f1: {  	_ =	shalt  }

</sc_bundles>
